<compile_context>
chip_gen: v7x
topology: tpu7x:2x2x1
jax: 0.10.2.dev20260603
libtpu: 0.0.44.dev20260713+nightly
codegen_flags: <defaults>
</compile_context>

<pallas_src>
import functools
import math

import ml_dtypes
import numpy as np
import jax
import jax.numpy as jnp
from jax import lax
from jax.experimental import pallas as pl
from jax.experimental.pallas import tpu as pltpu
from jax.experimental.pallas import tpu_sc as plsc

_BORDER = 16
_NUMF = 500
_MRSIZE = 3.0
_NLEVELS = 3
_INIT_SIGMA = 1.6
_NOCT = 3
_SIZES = (512, 256, 128)

_SEG_BASES = (0, 786432, 983040)
_TOTAL = 1032192
_NW = 32
_CAP = 128
_CCAP = 768
_NSYN = 512
_NCAND = 2 * _CCAP + _NSYN


def _sig_list():
    sig = [_INIT_SIGMA]
    sd = []
    for i in range(1, _NLEVELS + 2):
        s_tot = _INIT_SIGMA * (2.0 ** (float(i) / _NLEVELS))
        sd.append(math.sqrt(max(s_tot * s_tot - sig[-1] * sig[-1], 1e-8)))
        sig.append(s_tot)
    return sig, sd

_SIG, _SD = _sig_list()


def _gauss1d_np(sigma):
    r = max(int(math.ceil(3.0 * sigma)), 1)
    x = np.arange(-r, r + 1, dtype=np.float32)
    k = np.exp(-0.5 * (x / sigma) ** 2)
    return (k / k.sum()).astype(np.float32)


def _band_np(S, w):
    r = len(w) // 2
    M = np.zeros((S, S), np.float32)
    for k in range(len(w)):
        off = k - r
        i0 = max(0, -off)
        i1 = min(S, S - off)
        idx = np.arange(i0, i1)
        M[idx, idx + off] = w[k]
    return M


def _down_np(S):
    D = np.zeros((S // 2, S), np.float32)
    D[np.arange(S // 2), 2 * np.arange(S // 2)] = 1.0
    return D


def _build_mats():
    bf = ml_dtypes.bfloat16
    mats = []
    mats.append(_band_np(512, _gauss1d_np(_INIT_SIGMA)).astype(bf))
    for S in _SIZES:
        for i in range(4):
            mats.append(_band_np(S, _gauss1d_np(_SD[i])).astype(bf))
    mats.append(_down_np(512).astype(bf))
    mats.append(_down_np(512).T.copy().astype(bf))
    mats.append(_down_np(256).astype(bf))
    mats.append(_down_np(256).T.copy().astype(bf))
    return mats

_MATS = _build_mats()

_NEG = float("-inf")



def _shift_x(a, d, fill):
    H, W = a.shape
    col = jnp.full((H, 1), fill, a.dtype)
    if d == 1:
        return jnp.concatenate([a[:, 1:], col], axis=1)
    return jnp.concatenate([col, a[:, :-1]], axis=1)


def _shift_y(a, d, fill):
    H, W = a.shape
    row = jnp.full((1, W), fill, a.dtype)
    if d == 1:
        return jnp.concatenate([a[1:, :], row], axis=0)
    return jnp.concatenate([row, a[:-1, :]], axis=0)


def _hessian_resp(l, sigma):
    z = jnp.float32(0.0)
    rn = _shift_x(l, 1, z)
    ln = _shift_x(l, -1, z)
    dn = _shift_y(l, 1, z)
    up = _shift_y(l, -1, z)
    gxx = ln + rn - 2.0 * l
    gyy = up + dn - 2.0 * l
    h = _shift_x(l, -1, z) - _shift_x(l, 1, z)
    gxy = 0.25 * (_shift_y(h, -1, z) - _shift_y(h, 1, z))
    r = jnp.float32(sigma ** 4) * (gxx * gyy - gxy * gxy)
    return jnp.maximum(r, 0.0)


def _smax3(a):
    m = jnp.maximum(a, jnp.maximum(_shift_x(a, 1, _NEG), _shift_x(a, -1, _NEG)))
    return jnp.maximum(m, jnp.maximum(_shift_y(m, 1, _NEG), _shift_y(m, -1, _NEG)))


def _fold_chunks(v):
    H, W = v.shape
    m = v[:, :128]
    for k in range(1, W // 128):
        m = jnp.maximum(m, v[:, k * 128:(k + 1) * 128])
    m = jnp.maximum(m[:H // 2, :], m[H // 2:, :])
    m = jnp.maximum(m[:H // 4, :], m[H // 4:, :])
    return m


def _mm(a, b):
    return jnp.dot(a, b, preferred_element_type=jnp.float32)


def _blur_bf(lv, B):
    y = _mm(B, lv).astype(jnp.bfloat16)
    return _mm(y, B).astype(jnp.bfloat16)


def _k1_body(*refs):
    x = refs[0][...].astype(jnp.bfloat16)
    g_init = refs[1][...]
    gs = {S: [refs[2 + 4 * si + i][...] for i in range(4)]
          for si, S in enumerate(_SIZES)}
    d0, d0t, d1, d1t = (refs[14][...], refs[15][...], refs[16][...],
                        refs[17][...])
    out = {512: refs[18], 256: refs[19], 128: refs[20]}
    tout = refs[21]
    fout = refs[22]

    folds = []
    rowmaxes = []
    cur = _blur_bf(x, g_init)
    for o, S in enumerate(_SIZES):
        levels = [cur]
        for i in range(4):
            levels.append(_blur_bf(levels[-1], gs[S][i]))
        resps = [_hessian_resp(levels[i].astype(jnp.float32), _SIG[i])
                 for i in range(5)]
        smax = [_smax3(r) for r in resps]
        yy = lax.broadcasted_iota(jnp.int32, (S, S), 0)
        xx = lax.broadcasted_iota(jnp.int32, (S, S), 1)
        bm = ((yy >= _BORDER) & (yy < S - _BORDER) &
              (xx >= _BORDER) & (xx < S - _BORDER))
        for li in range(1, 4):
            mx = jnp.maximum(smax[li - 1], jnp.maximum(smax[li], smax[li + 1]))
            ism = (resps[li] >= mx) & (resps[li] > 0.0) & bm
            vals = jnp.where(ism, resps[li], 0.0)
            out[S][li - 1, :, :] = vals
            folds.append(_fold_chunks(vals))
            rowmaxes.append(jnp.max(vals, axis=1, keepdims=True))
        if o == 0:
            cur = _mm(d0, _mm(levels[_NLEVELS], d0t)).astype(jnp.bfloat16)
        elif o == 1:
            cur = _mm(d1, _mm(levels[_NLEVELS], d1t)).astype(jnp.bfloat16)

    cm = jnp.concatenate(folds, axis=0)
    cmi = lax.bitcast_convert_type(cm, jnp.int32)

    def bs(_, lohi):
        lo, hi = lohi
        mid = lo + (hi - lo + 1) // 2
        cnt = jnp.sum((cmi >= mid).astype(jnp.int32))
        ge = cnt >= _NUMF
        return (jnp.where(ge, mid, lo), jnp.where(ge, hi, mid - 1))

    lo, _hi = lax.fori_loop(0, 31, bs, (jnp.int32(0), jnp.int32(2**31 - 2)))
    t0 = lax.bitcast_convert_type(lo, jnp.float32)
    tout[:, :] = jnp.full((8, 128), 1.0, jnp.float32) * t0
    rm = jnp.concatenate(rowmaxes, axis=0)
    fout[:, :] = ((rm >= t0) & (rm > 0.0)).astype(jnp.int32)


def _stage1(x2d, interpret=False):
    out_shape = [
        jax.ShapeDtypeStruct((3, 512, 512), jnp.float32),
        jax.ShapeDtypeStruct((3, 256, 256), jnp.float32),
        jax.ShapeDtypeStruct((3, 128, 128), jnp.float32),
        jax.ShapeDtypeStruct((8, 128), jnp.float32),
        jax.ShapeDtypeStruct((2688, 1), jnp.int32),
    ]
    return pl.pallas_call(_k1_body, out_shape=out_shape,
                          interpret=interpret)(x2d, *_MATS)



_SEGS = ((0, 24576), (786432, 6144), (983040, 1536))


_ROWSEG = ((0, 48, 512, 32, 0), (1536, 24, 256, 16, 786432),
           (2304, 12, 128, 8, 983040))


def _sc_body(r0, r1, r2, thr, flg, ov, oi, buf, cv, ci, tv, fb,
             sh_v, sh_i, lv, li, ob, ib):
    sid = lax.axis_index("s")
    cid = lax.axis_index("c")
    wid = sid * 2 + cid
    pltpu.sync_copy(thr.at[pl.ds(0, 16)], tv)
    pltpu.sync_copy(flg, fb.at[pl.ds(0, 2688)])
    tsplat = tv[...]
    for j in range(_CAP // 16):
        cv[pl.ds(j * 16, 16)] = jnp.full((16,), -1.0, jnp.float32)
        ci[pl.ds(j * 16, 16)] = jnp.full((16,), 1 << 29, jnp.int32)

    refs = (r0, r1, r2)
    cnt = jnp.int32(0)
    for si in range(3):
        fbase, nrows, W, vpr, base = _ROWSEG[si]
        per = nrows * W
        start = wid * per
        pltpu.sync_copy(refs[si].at[pl.ds(start, per)], buf.at[pl.ds(0, per)])

        def rowbody(r, c, fbase=fbase, nrows=nrows, vpr=vpr,
                    base=base, start=start):
            flag = fb[pl.ds(fbase + wid * nrows + r, 16)][0]

            def scan_row(c2):
                def body(j, c3):
                    v = buf[pl.ds((r * vpr + j) * 16, 16)]
                    m = (v >= tsplat) & (v > 0.0)
                    n = plsc.all_reduce_population_count(m)[0]

                    def found(c4):
                        cc = jnp.minimum(c4, _CAP - 16)
                        plsc.store_compressed(cv.at[pl.ds(cc, 16)], v, mask=m)
                        iv = (lax.iota(jnp.int32, 16)
                              + (base + start + (r * vpr + j) * 16))
                        plsc.store_compressed(ci.at[pl.ds(cc, 16)], iv,
                                              mask=m)
                        return c4 + n

                    return lax.cond(n > 0, found, lambda c4: c4, c3)

                return lax.fori_loop(0, vpr, body, c2)

            return lax.cond(flag > 0, scan_row, lambda c2: c2, c)

        cnt = lax.fori_loop(0, nrows, rowbody, cnt)

    pltpu.sync_copy(cv, sh_v.at[sid])
    pltpu.sync_copy(ci, sh_i.at[sid])
    plsc.subcore_barrier()

    @pl.when(sid == 0)
    def _compact():
        pltpu.sync_copy(sh_v, lv)
        pltpu.sync_copy(sh_i, li)
        for j in range(_CCAP // 16):
            ob[pl.ds(j * 16, 16)] = jnp.full((16,), -1.0, jnp.float32)
            ib[pl.ds(j * 16, 16)] = jnp.full((16,), 1 << 29, jnp.int32)

        def cbody(k, c):
            w = k // (_CAP // 16)
            j = k % (_CAP // 16)
            v = lv[w, pl.ds(j * 16, 16)]
            m = v > 0.0
            n = plsc.all_reduce_population_count(m)[0]

            def found(c2):
                cc = jnp.minimum(c2, _CCAP - 16)
                plsc.store_compressed(ob.at[pl.ds(cc, 16)], v, mask=m)
                iv = li[w, pl.ds(j * 16, 16)]
                plsc.store_compressed(ib.at[pl.ds(cc, 16)], iv, mask=m)
                return c2 + n

            return lax.cond(n > 0, found, lambda c2: c2, c)

        lax.fori_loop(0, 16 * (_CAP // 16), cbody, jnp.int32(0))
        pltpu.sync_copy(ob, ov.at[cid])
        pltpu.sync_copy(ib, oi.at[cid])


def _stage2(r0f, r1f, r2f, thrf, flgf, interpret=False):
    mesh = plsc.VectorSubcoreMesh(core_axis_name="c", subcore_axis_name="s")
    f = pl.kernel(
        _sc_body,
        out_type=[
            jax.ShapeDtypeStruct((2, _CCAP), jnp.float32),
            jax.ShapeDtypeStruct((2, _CCAP), jnp.int32),
        ],
        mesh=mesh,
        scratch_types=[
            pltpu.VMEM((24576,), jnp.float32),
            pltpu.VMEM((_CAP,), jnp.float32),
            pltpu.VMEM((_CAP,), jnp.int32),
            pltpu.VMEM((16,), jnp.float32),
            pltpu.VMEM((2704,), jnp.int32),
            pltpu.VMEM_SHARED((16, _CAP), jnp.float32),
            pltpu.VMEM_SHARED((16, _CAP), jnp.int32),
            pltpu.VMEM((16, _CAP), jnp.float32),
            pltpu.VMEM((16, _CAP), jnp.int32),
            pltpu.VMEM((_CCAP,), jnp.float32),
            pltpu.VMEM((_CCAP,), jnp.int32),
        ],
        compiler_params=pltpu.CompilerParams(needs_layout_passes=False),
        interpret=interpret,
    )
    return f(r0f, r1f, r2f, thrf, flgf)



_SIGLI = tuple(float(s) for s in _SIG[1:4])
_STAB = tuple(tuple(float(np.float32(_SIG[li] * (2.0 ** o) * _MRSIZE))
                    for li in (1, 2, 3)) for o in range(3))


def _k3_body(vcol_ref, icol_ref, vrow_ref, irow_ref,
             oval_ref, os_ref, ocx_ref, ocy_ref):
    vcol = vcol_ref[...]
    icol = icol_ref[...]
    rank_chunks = []
    for jb in range(_NCAND // 128):
        vj = vrow_ref[:, pl.ds(jb * 128, 128)]
        ij = irow_ref[:, pl.ds(jb * 128, 128)]
        beats = (vcol > vj) | ((vcol == vj) & (icol < ij))
        rank_chunks.append(jnp.sum(beats.astype(jnp.int32), axis=0,
                                   keepdims=True))
    ranks = jnp.concatenate(rank_chunks, axis=1)

    vrow = vrow_ref[...]
    irow = irow_ref[...]
    piota = lax.broadcasted_iota(jnp.int32, (512, _NCAND), 0)
    sel = ranks == piota
    val = jnp.sum(jnp.where(sel, vrow, 0.0), axis=1)
    idx = jnp.sum(jnp.where(sel, irow, 0), axis=1)

    is2 = idx >= _SEG_BASES[2]
    is1 = (idx >= _SEG_BASES[1]) & (~is2)
    q = idx - jnp.where(is2, _SEG_BASES[2],
                        jnp.where(is1, _SEG_BASES[1], 0))
    sh_li = jnp.where(is2, 14, jnp.where(is1, 16, 18))
    lix = lax.shift_right_logical(q, sh_li)
    rem = q & (lax.shift_left(jnp.ones_like(q), sh_li) - 1)
    sh_w = jnp.where(is2, 7, jnp.where(is1, 8, 9))
    y = lax.shift_right_logical(rem, sh_w)
    xq = rem & (lax.shift_left(jnp.ones_like(rem), sh_w) - 1)
    scale = jnp.where(is2, 4.0, jnp.where(is1, 2.0, 1.0)).astype(jnp.float32)

    def stab_sel(o):
        return jnp.where(lix == 0, _STAB[o][0],
                         jnp.where(lix == 1, _STAB[o][1], _STAB[o][2]))

    sv = jnp.where(is2, stab_sel(2), jnp.where(is1, stab_sel(1), stab_sel(0)))
    oval_ref[...] = val
    os_ref[...] = sv.astype(jnp.float32)
    ocx_ref[...] = xq.astype(jnp.float32) * scale
    ocy_ref[...] = y.astype(jnp.float32) * scale


def _stage3(vcol, icol, vrow, irow, interpret=False):
    out_shape = [jax.ShapeDtypeStruct((512,), jnp.float32)] * 4
    return pl.pallas_call(_k3_body, out_shape=out_shape,
                          interpret=interpret)(vcol, icol, vrow, irow)



def _run(x, interpret=False):
    x2d = x.reshape(512, 512)
    r0, r1, r2, t, flg = _stage1(x2d, interpret=interpret)
    cv, ci = _stage2(r0.reshape(-1), r1.reshape(-1), r2.reshape(-1),
                     t.reshape(-1), flg.reshape(-1), interpret=interpret)
    vflat = jnp.concatenate([cv.reshape(-1), jnp.zeros((_NSYN,), jnp.float32)])
    iflat = jnp.concatenate([ci.reshape(-1),
                             jnp.arange(_NSYN, dtype=jnp.int32)])
    val, s, cx, cy = _stage3(vflat.reshape(_NCAND, 1),
                             iflat.reshape(_NCAND, 1),
                             vflat.reshape(1, _NCAND),
                             iflat.reshape(1, _NCAND),
                             interpret=interpret)
    top = val[:_NUMF]
    z = jnp.zeros((_NUMF,), jnp.float32)
    row0 = jnp.stack([s[:_NUMF], z, cx[:_NUMF]], axis=1)
    row1 = jnp.stack([z, s[:_NUMF], cy[:_NUMF]], axis=1)
    lafs = jnp.stack([row0, row1], axis=1)
    return top, lafs


def kernel(x):
    return _run(x)

# --- scband reference (transcript-rebuilt; emitter-appended) ---
"""Pipeline reference for scband-scale-space-affine-patch-extractor-76536317215047 (READ-ONLY COPY).

The authoritative reference and input builder live on the scoring server;
editing this copy changes nothing except your own understanding.
"""

import jax, jax.numpy as jnp
import numpy as np
import math

BORDER = 16
NUM_FEATURES = 500
MRSIZE = 3.0
NLEVELS = 3
INIT_SIGMA = 1.6
TH = 0.0
N_OCTAVES = 3
H0 = 512
W0 = 512


def _gauss1d(sigma):
    r = max(int(math.ceil(3.0 * sigma)), 1)
    x = np.arange(-r, r + 1, dtype=np.float32)
    k = np.exp(-0.5 * (x / sigma) ** 2)
    k = k / k.sum()
    return jnp.asarray(k)


def _blur(img, sigma):
    k = _gauss1d(sigma)
    n = k.shape[0]
    kh = k.reshape(1, 1, n, 1)
    kw = k.reshape(1, 1, 1, n)
    img = jax.lax.conv_general_dilated(img, kh, (1, 1), 'SAME')
    img = jax.lax.conv_general_dilated(img, kw, (1, 1), 'SAME')
    return img


_DXX = jnp.asarray(np.array([[0, 0, 0], [1, -2, 1], [0, 0, 0]], np.float32).reshape(1, 1, 3, 3))
_DYY = jnp.asarray(np.array([[0, 1, 0], [0, -2, 0], [0, 1, 0]], np.float32).reshape(1, 1, 3, 3))
_DXY = jnp.asarray((0.25 * np.array([[1, 0, -1], [0, 0, 0], [-1, 0, 1]], np.float32)).reshape(1, 1, 3, 3))


def _hessian_response(img, sigma):
    gxx = jax.lax.conv_general_dilated(img, _DXX, (1, 1), 'SAME')
    gyy = jax.lax.conv_general_dilated(img, _DYY, (1, 1), 'SAME')
    gxy = jax.lax.conv_general_dilated(img, _DXY, (1, 1), 'SAME')
    return (sigma ** 4) * (gxx * gyy - gxy * gxy)


def _build_pyramid(x):
    cur = _blur(x, INIT_SIGMA)
    octaves, sigmas = [], []
    for o in range(N_OCTAVES):
        levels = [cur]
        sig = [INIT_SIGMA]
        for i in range(1, NLEVELS + 2):
            s_tot = INIT_SIGMA * (2.0 ** (float(i) / NLEVELS))
            s_d = math.sqrt(max(s_tot * s_tot - sig[-1] * sig[-1], 1e-8))
            levels.append(_blur(levels[-1], s_d))
            sig.append(s_tot)
        octaves.append(levels)
        sigmas.append(sig)
        cur = levels[NLEVELS][:, :, ::2, ::2]
    return octaves, sigmas


def _detect(x):
    octaves, sigmas = _build_pyramid(x)
    all_resp, all_lafs = [], []
    for o in range(N_OCTAVES):
        levels, sig = octaves[o], sigmas[o]
        resps = [jnp.maximum(_hessian_response(l, s) - TH, 0.0)[0, 0] for l, s in zip(levels, sig)]
        H, W = resps[0].shape
        bm_np = np.zeros((H, W), np.bool_)
        if H > 2 * BORDER and W > 2 * BORDER:
            bm_np[BORDER:H - BORDER, BORDER:W - BORDER] = True
        bm = jnp.asarray(bm_np)
        yy, xx = jnp.meshgrid(jnp.arange(H, dtype=jnp.float32), jnp.arange(W, dtype=jnp.float32), indexing='ij')
        scale_f = float(2 ** o)
        cx = (xx * scale_f).reshape(-1)
        cy = (yy * scale_f).reshape(-1)
        for li in range(1, len(resps) - 1):
            stack = jnp.stack([resps[li - 1], resps[li], resps[li + 1]], axis=0)
            mx = jax.lax.reduce_window(stack, -jnp.inf, jax.lax.max, (3, 3, 3), (1, 1, 1), 'SAME')[1]
            cur_r = resps[li]
            is_max = (cur_r >= mx) & (cur_r > 0.0) & bm
            vals = jnp.where(is_max, cur_r, 0.0).reshape(-1)
            n = vals.shape[0]
            s_img = float(sig[li]) * scale_f * MRSIZE
            zeros = jnp.zeros((n,), jnp.float32)
            sa = jnp.full((n,), s_img, jnp.float32)
            row0 = jnp.stack([sa, zeros, cx], axis=1)
            row1 = jnp.stack([zeros, sa, cy], axis=1)
            all_lafs.append(jnp.stack([row0, row1], axis=1))
            all_resp.append(vals)
    resp = jnp.concatenate(all_resp, axis=0)
    lafs = jnp.concatenate(all_lafs, axis=0)
    _, idx = jax.lax.top_k(resp, NUM_FEATURES)
    top = jnp.take(resp, idx)
    top_lafs = jnp.take(lafs, idx, axis=0)
    return top, top_lafs


def setup_inputs(seed: int = 0):
    key = jax.random.key(seed)
    x = jax.random.uniform(key, (1, 1, H0, W0), dtype=jnp.float32)
    return {"x": x}


def reference(x):
    return _detect(x)

if __name__ == "__main__":
    import jax
    _d = setup_inputs()
    print(jax.jit(kernel)(*tuple(_d.values())))

</pallas_src>

<mosaic_0001>
#map = affine_map<(d0, d1) -> (0)>
#map1 = affine_map<(d0, d1) -> (0, 0)>
module attributes {stable_mosaic.version = 14 : i64} {
  func.func @_sc_body(%arg0: i32, %arg1: i32, %arg2: memref<786432xf32, #tpu.memory_space<hbm>>, %arg3: memref<196608xf32, #tpu.memory_space<hbm>>, %arg4: memref<49152xf32, #tpu.memory_space<hbm>>, %arg5: memref<1024xf32, #tpu.memory_space<hbm>>, %arg6: memref<2688xi32, #tpu.memory_space<hbm>>, %arg7: memref<2x768xf32, #tpu.memory_space<hbm>>, %arg8: memref<2x768xi32, #tpu.memory_space<hbm>>, %arg9: memref<24576xf32, #tpu.memory_space<vmem>>, %arg10: memref<128xf32, #tpu.memory_space<vmem>>, %arg11: memref<128xi32, #tpu.memory_space<vmem>>, %arg12: memref<16xf32, #tpu.memory_space<vmem>>, %arg13: memref<2704xi32, #tpu.memory_space<vmem>>, %arg14: memref<16x128xf32, #tpu.memory_space<vmem_shared>>, %arg15: memref<16x128xi32, #tpu.memory_space<vmem_shared>>, %arg16: memref<16x128xf32, #tpu.memory_space<vmem>>, %arg17: memref<16x128xi32, #tpu.memory_space<vmem>>, %arg18: memref<768xf32, #tpu.memory_space<vmem>>, %arg19: memref<768xi32, #tpu.memory_space<vmem>>) attributes {dimension_semantics = [#tpu.dimension_semantics<core_parallel>, #tpu.dimension_semantics<subcore_parallel>], iteration_bounds = array<i64: 2, 16>, scalar_prefetch = 0 : i64, scratch_operands = 11 : i64, tpu.core_type = #tpu.core_type<sc_vector_subcore>, window_params = [{transform_indices = #map}, {transform_indices = #map}, {transform_indices = #map}, {transform_indices = #map}, {transform_indices = #map}, {transform_indices = #map1}, {transform_indices = #map1}]} {
    %mul3A = arith.constant 2 : i32
    %mul3A_0 = arith.muli %arg1, %mul3A : i32
    %add3A = arith.addi %mul3A_0, %arg0 : i32
    "tpu.region"() ({
      %run_scoped3A = tpu.sem_alloc : memref<!tpu.dma_semaphore, #tpu.memory_space<semaphore_mem>>
      %dma_start3A = arith.constant 0 : i32
      %dma_start3A_90 = tpu.memref_slice %arg5[%dma_start3A] : memref<1024xf32, #tpu.memory_space<hbm>> -> memref<16xf32, #tpu.memory_space<hbm>>
      %dma_start3A_91 = arith.constant 0 : i32
      %dma_start3A_92 = tpu.memref_slice %arg5[%dma_start3A_91] : memref<1024xf32, #tpu.memory_space<hbm>> -> memref<16xf32, #tpu.memory_space<hbm>>
      tpu.enqueue_dma source(%dma_start3A_92 : memref<16xf32, #tpu.memory_space<hbm>>) target(%arg12 : memref<16xf32, #tpu.memory_space<vmem>>) target_semaphore(%run_scoped3A : memref<!tpu.dma_semaphore, #tpu.memory_space<semaphore_mem>>)
      %dma_wait3A = arith.constant 0 : i32
      %dma_wait3A_93 = tpu.memref_slice %arg5[%dma_wait3A] : memref<1024xf32, #tpu.memory_space<hbm>> -> memref<16xf32, #tpu.memory_space<hbm>>
      %dma_wait3A_94 = arith.constant 0 : i32
      %dma_wait3A_95 = tpu.memref_slice %arg5[%dma_wait3A_94] : memref<1024xf32, #tpu.memory_space<hbm>> -> memref<16xf32, #tpu.memory_space<hbm>>
      tpu.wait_dma2 semaphore(%run_scoped3A : memref<!tpu.dma_semaphore, #tpu.memory_space<semaphore_mem>>) src(%dma_wait3A_95 : memref<16xf32, #tpu.memory_space<hbm>>) dst(%arg12 : memref<16xf32, #tpu.memory_space<vmem>>)
      tpu.yield
    }) : () -> ()
    "tpu.region"() ({
      %run_scoped3A = tpu.sem_alloc : memref<!tpu.dma_semaphore, #tpu.memory_space<semaphore_mem>>
      %dma_start3A = arith.constant 0 : i32
      %dma_start3A_90 = tpu.memref_slice %arg13[%dma_start3A] : memref<2704xi32, #tpu.memory_space<vmem>> -> memref<2688xi32, #tpu.memory_space<vmem>>
      %dma_start3A_91 = arith.constant 0 : i32
      %dma_start3A_92 = tpu.memref_slice %arg13[%dma_start3A_91] : memref<2704xi32, #tpu.memory_space<vmem>> -> memref<2688xi32, #tpu.memory_space<vmem>>
      tpu.enqueue_dma source(%arg6 : memref<2688xi32, #tpu.memory_space<hbm>>) target(%dma_start3A_92 : memref<2688xi32, #tpu.memory_space<vmem>>) target_semaphore(%run_scoped3A : memref<!tpu.dma_semaphore, #tpu.memory_space<semaphore_mem>>)
      %dma_wait3A = arith.constant 0 : i32
      %dma_wait3A_93 = tpu.memref_slice %arg13[%dma_wait3A] : memref<2704xi32, #tpu.memory_space<vmem>> -> memref<2688xi32, #tpu.memory_space<vmem>>
      %dma_wait3A_94 = arith.constant 0 : i32
      %dma_wait3A_95 = tpu.memref_slice %arg13[%dma_wait3A_94] : memref<2704xi32, #tpu.memory_space<vmem>> -> memref<2688xi32, #tpu.memory_space<vmem>>
      tpu.wait_dma2 semaphore(%run_scoped3A : memref<!tpu.dma_semaphore, #tpu.memory_space<semaphore_mem>>) src(%arg6 : memref<2688xi32, #tpu.memory_space<hbm>>) dst(%dma_wait3A_95 : memref<2688xi32, #tpu.memory_space<vmem>>)
      tpu.yield
    }) : () -> ()
    %get3A = arith.constant 0 : index
    %get3A_1 = tpu.vector_load %arg12[%get3A] {strides = array<i32>} : memref<16xf32, #tpu.memory_space<vmem>>, vector<16xf32>,
    %broadcast_in_dim3A = arith.constant -1.000000e+00 : f32
    %broadcast_in_dim3A_2 = vector.broadcast %broadcast_in_dim3A : f32 to vector<16xf32>
    %swap3A = arith.constant 0 : index
    %swap3A_3 = tpu.vector_load %arg10[%swap3A] {strides = array<i32>} : memref<128xf32, #tpu.memory_space<vmem>>, vector<16xf32>,
    tpu.vector_store %arg10[%swap3A], %broadcast_in_dim3A_2 {strides = array<i32>} : memref<128xf32, #tpu.memory_space<vmem>>, vector<16xf32>,
    %broadcast_in_dim3A_4 = arith.constant 536870912 : i32
    %broadcast_in_dim3A_5 = vector.broadcast %broadcast_in_dim3A_4 : i32 to vector<16xi32>
    %swap3A_6 = arith.constant 0 : index
    %swap3A_7 = tpu.vector_load %arg11[%swap3A_6] {strides = array<i32>} : memref<128xi32, #tpu.memory_space<vmem>>, vector<16xi32>,
    tpu.vector_store %arg11[%swap3A_6], %broadcast_in_dim3A_5 {strides = array<i32>} : memref<128xi32, #tpu.memory_space<vmem>>, vector<16xi32>,
    %broadcast_in_dim3A_8 = arith.constant -1.000000e+00 : f32
    %broadcast_in_dim3A_9 = vector.broadcast %broadcast_in_dim3A_8 : f32 to vector<16xf32>
    %swap3A_10 = arith.constant 16 : index
    %swap3A_11 = tpu.vector_load %arg10[%swap3A_10] {strides = array<i32>} : memref<128xf32, #tpu.memory_space<vmem>>, vector<16xf32>,
    tpu.vector_store %arg10[%swap3A_10], %broadcast_in_dim3A_9 {strides = array<i32>} : memref<128xf32, #tpu.memory_space<vmem>>, vector<16xf32>,
    %broadcast_in_dim3A_12 = arith.constant 536870912 : i32
    %broadcast_in_dim3A_13 = vector.broadcast %broadcast_in_dim3A_12 : i32 to vector<16xi32>
    %swap3A_14 = arith.constant 16 : index
    %swap3A_15 = tpu.vector_load %arg11[%swap3A_14] {strides = array<i32>} : memref<128xi32, #tpu.memory_space<vmem>>, vector<16xi32>,
    tpu.vector_store %arg11[%swap3A_14], %broadcast_in_dim3A_13 {strides = array<i32>} : memref<128xi32, #tpu.memory_space<vmem>>, vector<16xi32>,
    %broadcast_in_dim3A_16 = arith.constant -1.000000e+00 : f32
    %broadcast_in_dim3A_17 = vector.broadcast %broadcast_in_dim3A_16 : f32 to vector<16xf32>
    %swap3A_18 = arith.constant 32 : index
    %swap3A_19 = tpu.vector_load %arg10[%swap3A_18] {strides = array<i32>} : memref<128xf32, #tpu.memory_space<vmem>>, vector<16xf32>,
    tpu.vector_store %arg10[%swap3A_18], %broadcast_in_dim3A_17 {strides = array<i32>} : memref<128xf32, #tpu.memory_space<vmem>>, vector<16xf32>,
    %broadcast_in_dim3A_20 = arith.constant 536870912 : i32
    %broadcast_in_dim3A_21 = vector.broadcast %broadcast_in_dim3A_20 : i32 to vector<16xi32>
    %swap3A_22 = arith.constant 32 : index
    %swap3A_23 = tpu.vector_load %arg11[%swap3A_22] {strides = array<i32>} : memref<128xi32, #tpu.memory_space<vmem>>, vector<16xi32>,
    tpu.vector_store %arg11[%swap3A_22], %broadcast_in_dim3A_21 {strides = array<i32>} : memref<128xi32, #tpu.memory_space<vmem>>, vector<16xi32>,
    %broadcast_in_dim3A_24 = arith.constant -1.000000e+00 : f32
    %broadcast_in_dim3A_25 = vector.broadcast %broadcast_in_dim3A_24 : f32 to vector<16xf32>
    %swap3A_26 = arith.constant 48 : index
    %swap3A_27 = tpu.vector_load %arg10[%swap3A_26] {strides = array<i32>} : memref<128xf32, #tpu.memory_space<vmem>>, vector<16xf32>,
    tpu.vector_store %arg10[%swap3A_26], %broadcast_in_dim3A_25 {strides = array<i32>} : memref<128xf32, #tpu.memory_space<vmem>>, vector<16xf32>,
    %broadcast_in_dim3A_28 = arith.constant 536870912 : i32
    %broadcast_in_dim3A_29 = vector.broadcast %broadcast_in_dim3A_28 : i32 to vector<16xi32>
    %swap3A_30 = arith.constant 48 : index
    %swap3A_31 = tpu.vector_load %arg11[%swap3A_30] {strides = array<i32>} : memref<128xi32, #tpu.memory_space<vmem>>, vector<16xi32>,
    tpu.vector_store %arg11[%swap3A_30], %broadcast_in_dim3A_29 {strides = array<i32>} : memref<128xi32, #tpu.memory_space<vmem>>, vector<16xi32>,
    %broadcast_in_dim3A_32 = arith.constant -1.000000e+00 : f32
    %broadcast_in_dim3A_33 = vector.broadcast %broadcast_in_dim3A_32 : f32 to vector<16xf32>
    %swap3A_34 = arith.constant 64 : index
    %swap3A_35 = tpu.vector_load %arg10[%swap3A_34] {strides = array<i32>} : memref<128xf32, #tpu.memory_space<vmem>>, vector<16xf32>,
    tpu.vector_store %arg10[%swap3A_34], %broadcast_in_dim3A_33 {strides = array<i32>} : memref<128xf32, #tpu.memory_space<vmem>>, vector<16xf32>,
    %broadcast_in_dim3A_36 = arith.constant 536870912 : i32
    %broadcast_in_dim3A_37 = vector.broadcast %broadcast_in_dim3A_36 : i32 to vector<16xi32>
    %swap3A_38 = arith.constant 64 : index
    %swap3A_39 = tpu.vector_load %arg11[%swap3A_38] {strides = array<i32>} : memref<128xi32, #tpu.memory_space<vmem>>, vector<16xi32>,
    tpu.vector_store %arg11[%swap3A_38], %broadcast_in_dim3A_37 {strides = array<i32>} : memref<128xi32, #tpu.memory_space<vmem>>, vector<16xi32>,
    %broadcast_in_dim3A_40 = arith.constant -1.000000e+00 : f32
    %broadcast_in_dim3A_41 = vector.broadcast %broadcast_in_dim3A_40 : f32 to vector<16xf32>
    %swap3A_42 = arith.constant 80 : index
    %swap3A_43 = tpu.vector_load %arg10[%swap3A_42] {strides = array<i32>} : memref<128xf32, #tpu.memory_space<vmem>>, vector<16xf32>,
    tpu.vector_store %arg10[%swap3A_42], %broadcast_in_dim3A_41 {strides = array<i32>} : memref<128xf32, #tpu.memory_space<vmem>>, vector<16xf32>,
    %broadcast_in_dim3A_44 = arith.constant 536870912 : i32
    %broadcast_in_dim3A_45 = vector.broadcast %broadcast_in_dim3A_44 : i32 to vector<16xi32>
    %swap3A_46 = arith.constant 80 : index
    %swap3A_47 = tpu.vector_load %arg11[%swap3A_46] {strides = array<i32>} : memref<128xi32, #tpu.memory_space<vmem>>, vector<16xi32>,
    tpu.vector_store %arg11[%swap3A_46], %broadcast_in_dim3A_45 {strides = array<i32>} : memref<128xi32, #tpu.memory_space<vmem>>, vector<16xi32>,
    %broadcast_in_dim3A_48 = arith.constant -1.000000e+00 : f32
    %broadcast_in_dim3A_49 = vector.broadcast %broadcast_in_dim3A_48 : f32 to vector<16xf32>
    %swap3A_50 = arith.constant 96 : index
    %swap3A_51 = tpu.vector_load %arg10[%swap3A_50] {strides = array<i32>} : memref<128xf32, #tpu.memory_space<vmem>>, vector<16xf32>,
    tpu.vector_store %arg10[%swap3A_50], %broadcast_in_dim3A_49 {strides = array<i32>} : memref<128xf32, #tpu.memory_space<vmem>>, vector<16xf32>,
    %broadcast_in_dim3A_52 = arith.constant 536870912 : i32
    %broadcast_in_dim3A_53 = vector.broadcast %broadcast_in_dim3A_52 : i32 to vector<16xi32>
    %swap3A_54 = arith.constant 96 : index
    %swap3A_55 = tpu.vector_load %arg11[%swap3A_54] {strides = array<i32>} : memref<128xi32, #tpu.memory_space<vmem>>, vector<16xi32>,
    tpu.vector_store %arg11[%swap3A_54], %broadcast_in_dim3A_53 {strides = array<i32>} : memref<128xi32, #tpu.memory_space<vmem>>, vector<16xi32>,
    %broadcast_in_dim3A_56 = arith.constant -1.000000e+00 : f32
    %broadcast_in_dim3A_57 = vector.broadcast %broadcast_in_dim3A_56 : f32 to vector<16xf32>
    %swap3A_58 = arith.constant 112 : index
    %swap3A_59 = tpu.vector_load %arg10[%swap3A_58] {strides = array<i32>} : memref<128xf32, #tpu.memory_space<vmem>>, vector<16xf32>,
    tpu.vector_store %arg10[%swap3A_58], %broadcast_in_dim3A_57 {strides = array<i32>} : memref<128xf32, #tpu.memory_space<vmem>>, vector<16xf32>,
    %broadcast_in_dim3A_60 = arith.constant 536870912 : i32
    %broadcast_in_dim3A_61 = vector.broadcast %broadcast_in_dim3A_60 : i32 to vector<16xi32>
    %swap3A_62 = arith.constant 112 : index
    %swap3A_63 = tpu.vector_load %arg11[%swap3A_62] {strides = array<i32>} : memref<128xi32, #tpu.memory_space<vmem>>, vector<16xi32>,
    tpu.vector_store %arg11[%swap3A_62], %broadcast_in_dim3A_61 {strides = array<i32>} : memref<128xi32, #tpu.memory_space<vmem>>, vector<16xi32>,
    %mul3A_64 = arith.constant 24576 : i32
    %mul3A_65 = arith.muli %add3A, %mul3A_64 : i32
    "tpu.region"() ({
      %run_scoped3A = tpu.sem_alloc : memref<!tpu.dma_semaphore, #tpu.memory_space<semaphore_mem>>
      %dma_start3A = arith.constant 0 : i32
      %dma_start3A_90 = tpu.memref_slice %arg9[%dma_start3A] : memref<24576xf32, #tpu.memory_space<vmem>> -> memref<24576xf32, #tpu.memory_space<vmem>>
      %dma_start3A_91 = tpu.memref_slice %arg2[%mul3A_65] : memref<786432xf32, #tpu.memory_space<hbm>> -> memref<24576xf32, #tpu.memory_space<hbm>>
      %dma_start3A_92 = arith.constant 0 : i32
      %dma_start3A_93 = tpu.memref_slice %arg9[%dma_start3A_92] : memref<24576xf32, #tpu.memory_space<vmem>> -> memref<24576xf32, #tpu.memory_space<vmem>>
      %dma_start3A_94 = tpu.memref_slice %arg2[%mul3A_65] : memref<786432xf32, #tpu.memory_space<hbm>> -> memref<24576xf32, #tpu.memory_space<hbm>>
      tpu.enqueue_dma source(%dma_start3A_94 : memref<24576xf32, #tpu.memory_space<hbm>>) target(%dma_start3A_93 : memref<24576xf32, #tpu.memory_space<vmem>>) target_semaphore(%run_scoped3A : memref<!tpu.dma_semaphore, #tpu.memory_space<semaphore_mem>>)
      %dma_wait3A = arith.constant 0 : i32
      %dma_wait3A_95 = tpu.memref_slice %arg9[%dma_wait3A] : memref<24576xf32, #tpu.memory_space<vmem>> -> memref<24576xf32, #tpu.memory_space<vmem>>
      %dma_wait3A_96 = tpu.memref_slice %arg2[%mul3A_65] : memref<786432xf32, #tpu.memory_space<hbm>> -> memref<24576xf32, #tpu.memory_space<hbm>>
      %dma_wait3A_97 = arith.constant 0 : i32
      %dma_wait3A_98 = tpu.memref_slice %arg9[%dma_wait3A_97] : memref<24576xf32, #tpu.memory_space<vmem>> -> memref<24576xf32, #tpu.memory_space<vmem>>
      %dma_wait3A_99 = tpu.memref_slice %arg2[%mul3A_65] : memref<786432xf32, #tpu.memory_space<hbm>> -> memref<24576xf32, #tpu.memory_space<hbm>>
      tpu.wait_dma2 semaphore(%run_scoped3A : memref<!tpu.dma_semaphore, #tpu.memory_space<semaphore_mem>>) src(%dma_wait3A_99 : memref<24576xf32, #tpu.memory_space<hbm>>) dst(%dma_wait3A_98 : memref<24576xf32, #tpu.memory_space<vmem>>)
      tpu.yield
    }) : () -> ()
    %scan3A = arith.constant 0 : i32
    %scan3A_66 = arith.constant 0 : i32
    %scan3A_67 = arith.constant 48 : i32
    %scan3A_68 = arith.addi %scan3A_66, %scan3A_67 : i32
    %scan3A_69 = arith.constant 1 : i32
    %scan3A_70 = scf.for %scan3A_90 = %scan3A_66 to %scan3A_68 step %scan3A_69 iter_args(%scan3A_91 = %scan3A) -> (i32)  : i32 {
      %mul3A_92 = arith.constant 48 : i32
      %mul3A_93 = arith.muli %add3A, %mul3A_92 : i32
      %add3A_94 = arith.constant 0 : i32
      %add3A_95 = arith.addi %add3A_94, %mul3A_93 : i32
      %add3A_96 = arith.addi %add3A_95, %scan3A_90 : i32
      %get3A_97 = arith.index_cast %add3A_96 : i32 to index
      %get3A_98 = tpu.vector_load %arg13[%get3A_97] {strides = array<i32>} : memref<2704xi32, #tpu.memory_space<vmem>>, vector<16xi32>,
      %slice3A = vector.extract_strided_slice %get3A_98 {offsets = [0], sizes = [1], strides = [1]} : vector<16xi32> to vector<1xi32>
      %squeeze3A = vector.extract %slice3A[0] : i32 from vector<1xi32>
      %gt3A = arith.constant 0 : i32
      %gt3A_99 = arith.cmpi sgt, %squeeze3A, %gt3A : i32
      %convert_element_type3A_100 = arith.extui %gt3A_99 : i1 to i32
      %cond3A_101 = arith.constant 0 : i32
      %cond3A_102 = arith.cmpi ne, %convert_element_type3A_100, %cond3A_101 : i32
      %cond3A_103 = scf.if %cond3A_102 -> (i32) {
        %scan3A_104 = arith.constant 0 : i32
        %scan3A_105 = arith.constant 32 : i32
        %scan3A_106 = arith.addi %scan3A_104, %scan3A_105 : i32
        %scan3A_107 = arith.constant 1 : i32
        %scan3A_108 = scf.for %scan3A_110 = %scan3A_104 to %scan3A_106 step %scan3A_107 iter_args(%scan3A_111 = %scan3A_91) -> (i32)  : i32 {
          %mul3A_112 = arith.constant 32 : i32
          %mul3A_113 = arith.muli %scan3A_90, %mul3A_112 : i32
          %add3A_114 = arith.addi %mul3A_113, %scan3A_110 : i32
          %mul3A_115 = arith.constant 16 : i32
          %mul3A_116 = arith.muli %add3A_114, %mul3A_115 : i32
          %get3A_117 = arith.index_cast %mul3A_116 : i32 to index
          %get3A_118 = tpu.vector_load %arg9[%get3A_117] {strides = array<i32>} : memref<24576xf32, #tpu.memory_space<vmem>>, vector<16xf32>,
          %ge3A = arith.cmpf oge, %get3A_118, %get3A_1 : vector<16xf32>
          %gt3A_119 = arith.constant 0.000000e+00 : f32
          %gt3A_120 = vector.broadcast %gt3A_119 : f32 to vector<16xf32>
          %gt3A_121 = arith.cmpf ogt, %get3A_118, %gt3A_120 : vector<16xf32>
          %and3A = arith.andi %ge3A, %gt3A_121 : vector<16xi1>
          %all_reduce_population_count3A = tpu.all_reduce %and3A {dim = 0 : i64, kind = #tpu.reduction_kind<sum>} : vector<16xi1> -> vector<16xi32>
          %slice3A_122 = vector.extract_strided_slice %all_reduce_population_count3A {offsets = [0], sizes = [1], strides = [1]} : vector<16xi32> to vector<1xi32>
          %squeeze3A_123 = vector.extract %slice3A_122[0] : i32 from vector<1xi32>
          %gt3A_124 = arith.constant 0 : i32
          %gt3A_125 = arith.cmpi sgt, %squeeze3A_123, %gt3A_124 : i32
          %convert_element_type3A_126 = arith.extui %gt3A_125 : i1 to i32
          %cond3A_127 = arith.constant 0 : i32
          %cond3A_128 = arith.cmpi ne, %convert_element_type3A_126, %cond3A_127 : i32
          %cond3A_129 = scf.if %cond3A_128 -> (i32) {
            %min3A = arith.constant 112 : i32
            %min3A_130 = arith.minsi %scan3A_111, %min3A : i32
            %swap3A_131 = arith.index_cast %min3A_130 : i32 to index
            %swap3A_132 = tpu.vector_load %arg10[%swap3A_131] masked %and3A {strides = array<i32>} : memref<128xf32, #tpu.memory_space<vmem>>, vector<16xf32>, vector<16xi1>
            tpu.vector_store %arg10[%swap3A_131], %get3A_118 masked %and3A {strides = array<i32>} : memref<128xf32, #tpu.memory_space<vmem>>, vector<16xf32>, vector<16xi1>
            %iota3A = tpu.iota {dimensions = array<i32: 0>} : vector<16xi32>
            %add3A_133 = arith.constant 0 : i32
            %add3A_134 = arith.addi %add3A_133, %mul3A_65 : i32
            %mul3A_135 = arith.constant 32 : i32
            %mul3A_136 = arith.muli %scan3A_90, %mul3A_135 : i32
            %add3A_137 = arith.addi %mul3A_136, %scan3A_110 : i32
            %mul3A_138 = arith.constant 16 : i32
            %mul3A_139 = arith.muli %add3A_137, %mul3A_138 : i32
            %add3A_140 = arith.addi %add3A_134, %mul3A_139 : i32
            %add3A_141 = vector.broadcast %add3A_140 : i32 to vector<16xi32>
            %add3A_142 = arith.addi %iota3A, %add3A_141 : vector<16xi32>
            %swap3A_143 = arith.index_cast %min3A_130 : i32 to index
            %swap3A_144 = tpu.vector_load %arg11[%swap3A_143] masked %and3A {strides = array<i32>} : memref<128xi32, #tpu.memory_space<vmem>>, vector<16xi32>, vector<16xi1>
            tpu.vector_store %arg11[%swap3A_143], %add3A_142 masked %and3A {strides = array<i32>} : memref<128xi32, #tpu.memory_space<vmem>>, vector<16xi32>, vector<16xi1>
            %add3A_145 = arith.addi %scan3A_111, %squeeze3A_123 : i32
            scf.yield %add3A_145 : i32
          } else {
            scf.yield %scan3A_111 : i32
          }
          scf.yield %cond3A_129 : i32
        }
        %scan3A_109 = arith.constant 32 : i32
        scf.yield %scan3A_108 : i32
      } else {
        scf.yield %scan3A_91 : i32
      }
      scf.yield %cond3A_103 : i32
    }
    %scan3A_71 = arith.constant 48 : i32
    %mul3A_72 = arith.constant 6144 : i32
    %mul3A_73 = arith.muli %add3A, %mul3A_72 : i32
    "tpu.region"() ({
      %run_scoped3A = tpu.sem_alloc : memref<!tpu.dma_semaphore, #tpu.memory_space<semaphore_mem>>
      %dma_start3A = arith.constant 0 : i32
      %dma_start3A_90 = tpu.memref_slice %arg9[%dma_start3A] : memref<24576xf32, #tpu.memory_space<vmem>> -> memref<6144xf32, #tpu.memory_space<vmem>>
      %dma_start3A_91 = tpu.memref_slice %arg3[%mul3A_73] : memref<196608xf32, #tpu.memory_space<hbm>> -> memref<6144xf32, #tpu.memory_space<hbm>>
      %dma_start3A_92 = arith.constant 0 : i32
      %dma_start3A_93 = tpu.memref_slice %arg9[%dma_start3A_92] : memref<24576xf32, #tpu.memory_space<vmem>> -> memref<6144xf32, #tpu.memory_space<vmem>>
      %dma_start3A_94 = tpu.memref_slice %arg3[%mul3A_73] : memref<196608xf32, #tpu.memory_space<hbm>> -> memref<6144xf32, #tpu.memory_space<hbm>>
      tpu.enqueue_dma source(%dma_start3A_94 : memref<6144xf32, #tpu.memory_space<hbm>>) target(%dma_start3A_93 : memref<6144xf32, #tpu.memory_space<vmem>>) target_semaphore(%run_scoped3A : memref<!tpu.dma_semaphore, #tpu.memory_space<semaphore_mem>>)
      %dma_wait3A = arith.constant 0 : i32
      %dma_wait3A_95 = tpu.memref_slice %arg9[%dma_wait3A] : memref<24576xf32, #tpu.memory_space<vmem>> -> memref<6144xf32, #tpu.memory_space<vmem>>
      %dma_wait3A_96 = tpu.memref_slice %arg3[%mul3A_73] : memref<196608xf32, #tpu.memory_space<hbm>> -> memref<6144xf32, #tpu.memory_space<hbm>>
      %dma_wait3A_97 = arith.constant 0 : i32
      %dma_wait3A_98 = tpu.memref_slice %arg9[%dma_wait3A_97] : memref<24576xf32, #tpu.memory_space<vmem>> -> memref<6144xf32, #tpu.memory_space<vmem>>
      %dma_wait3A_99 = tpu.memref_slice %arg3[%mul3A_73] : memref<196608xf32, #tpu.memory_space<hbm>> -> memref<6144xf32, #tpu.memory_space<hbm>>
      tpu.wait_dma2 semaphore(%run_scoped3A : memref<!tpu.dma_semaphore, #tpu.memory_space<semaphore_mem>>) src(%dma_wait3A_99 : memref<6144xf32, #tpu.memory_space<hbm>>) dst(%dma_wait3A_98 : memref<6144xf32, #tpu.memory_space<vmem>>)
      tpu.yield
    }) : () -> ()
    %scan3A_74 = arith.constant 0 : i32
    %scan3A_75 = arith.constant 24 : i32
    %scan3A_76 = arith.addi %scan3A_74, %scan3A_75 : i32
    %scan3A_77 = arith.constant 1 : i32
    %scan3A_78 = scf.for %scan3A_90 = %scan3A_74 to %scan3A_76 step %scan3A_77 iter_args(%scan3A_91 = %scan3A_70) -> (i32)  : i32 {
      %mul3A_92 = arith.constant 24 : i32
      %mul3A_93 = arith.muli %add3A, %mul3A_92 : i32
      %add3A_94 = arith.constant 1536 : i32
      %add3A_95 = arith.addi %add3A_94, %mul3A_93 : i32
      %add3A_96 = arith.addi %add3A_95, %scan3A_90 : i32
      %get3A_97 = arith.index_cast %add3A_96 : i32 to index
      %get3A_98 = tpu.vector_load %arg13[%get3A_97] {strides = array<i32>} : memref<2704xi32, #tpu.memory_space<vmem>>, vector<16xi32>,
      %slice3A = vector.extract_strided_slice %get3A_98 {offsets = [0], sizes = [1], strides = [1]} : vector<16xi32> to vector<1xi32>
      %squeeze3A = vector.extract %slice3A[0] : i32 from vector<1xi32>
      %gt3A = arith.constant 0 : i32
      %gt3A_99 = arith.cmpi sgt, %squeeze3A, %gt3A : i32
      %convert_element_type3A_100 = arith.extui %gt3A_99 : i1 to i32
      %cond3A_101 = arith.constant 0 : i32
      %cond3A_102 = arith.cmpi ne, %convert_element_type3A_100, %cond3A_101 : i32
      %cond3A_103 = scf.if %cond3A_102 -> (i32) {
        %scan3A_104 = arith.constant 0 : i32
        %scan3A_105 = arith.constant 16 : i32
        %scan3A_106 = arith.addi %scan3A_104, %scan3A_105 : i32
        %scan3A_107 = arith.constant 1 : i32
        %scan3A_108 = scf.for %scan3A_110 = %scan3A_104 to %scan3A_106 step %scan3A_107 iter_args(%scan3A_111 = %scan3A_91) -> (i32)  : i32 {
          %mul3A_112 = arith.constant 16 : i32
          %mul3A_113 = arith.muli %scan3A_90, %mul3A_112 : i32
          %add3A_114 = arith.addi %mul3A_113, %scan3A_110 : i32
          %mul3A_115 = arith.constant 16 : i32
          %mul3A_116 = arith.muli %add3A_114, %mul3A_115 : i32
          %get3A_117 = arith.index_cast %mul3A_116 : i32 to index
          %get3A_118 = tpu.vector_load %arg9[%get3A_117] {strides = array<i32>} : memref<24576xf32, #tpu.memory_space<vmem>>, vector<16xf32>,
          %ge3A = arith.cmpf oge, %get3A_118, %get3A_1 : vector<16xf32>
          %gt3A_119 = arith.constant 0.000000e+00 : f32
          %gt3A_120 = vector.broadcast %gt3A_119 : f32 to vector<16xf32>
          %gt3A_121 = arith.cmpf ogt, %get3A_118, %gt3A_120 : vector<16xf32>
          %and3A = arith.andi %ge3A, %gt3A_121 : vector<16xi1>
          %all_reduce_population_count3A = tpu.all_reduce %and3A {dim = 0 : i64, kind = #tpu.reduction_kind<sum>} : vector<16xi1> -> vector<16xi32>
          %slice3A_122 = vector.extract_strided_slice %all_reduce_population_count3A {offsets = [0], sizes = [1], strides = [1]} : vector<16xi32> to vector<1xi32>
          %squeeze3A_123 = vector.extract %slice3A_122[0] : i32 from vector<1xi32>
          %gt3A_124 = arith.constant 0 : i32
          %gt3A_125 = arith.cmpi sgt, %squeeze3A_123, %gt3A_124 : i32
          %convert_element_type3A_126 = arith.extui %gt3A_125 : i1 to i32
          %cond3A_127 = arith.constant 0 : i32
          %cond3A_128 = arith.cmpi ne, %convert_element_type3A_126, %cond3A_127 : i32
          %cond3A_129 = scf.if %cond3A_128 -> (i32) {
            %min3A = arith.constant 112 : i32
            %min3A_130 = arith.minsi %scan3A_111, %min3A : i32
            %swap3A_131 = arith.index_cast %min3A_130 : i32 to index
            %swap3A_132 = tpu.vector_load %arg10[%swap3A_131] masked %and3A {strides = array<i32>} : memref<128xf32, #tpu.memory_space<vmem>>, vector<16xf32>, vector<16xi1>
            tpu.vector_store %arg10[%swap3A_131], %get3A_118 masked %and3A {strides = array<i32>} : memref<128xf32, #tpu.memory_space<vmem>>, vector<16xf32>, vector<16xi1>
            %iota3A = tpu.iota {dimensions = array<i32: 0>} : vector<16xi32>
            %add3A_133 = arith.constant 786432 : i32
            %add3A_134 = arith.addi %add3A_133, %mul3A_73 : i32
            %mul3A_135 = arith.constant 16 : i32
            %mul3A_136 = arith.muli %scan3A_90, %mul3A_135 : i32
            %add3A_137 = arith.addi %mul3A_136, %scan3A_110 : i32
            %mul3A_138 = arith.constant 16 : i32
            %mul3A_139 = arith.muli %add3A_137, %mul3A_138 : i32
            %add3A_140 = arith.addi %add3A_134, %mul3A_139 : i32
            %add3A_141 = vector.broadcast %add3A_140 : i32 to vector<16xi32>
            %add3A_142 = arith.addi %iota3A, %add3A_141 : vector<16xi32>
            %swap3A_143 = arith.index_cast %min3A_130 : i32 to index
            %swap3A_144 = tpu.vector_load %arg11[%swap3A_143] masked %and3A {strides = array<i32>} : memref<128xi32, #tpu.memory_space<vmem>>, vector<16xi32>, vector<16xi1>
            tpu.vector_store %arg11[%swap3A_143], %add3A_142 masked %and3A {strides = array<i32>} : memref<128xi32, #tpu.memory_space<vmem>>, vector<16xi32>, vector<16xi1>
            %add3A_145 = arith.addi %scan3A_111, %squeeze3A_123 : i32
            scf.yield %add3A_145 : i32
          } else {
            scf.yield %scan3A_111 : i32
          }
          scf.yield %cond3A_129 : i32
        }
        %scan3A_109 = arith.constant 16 : i32
        scf.yield %scan3A_108 : i32
      } else {
        scf.yield %scan3A_91 : i32
      }
      scf.yield %cond3A_103 : i32
    }
    %scan3A_79 = arith.constant 24 : i32
    %mul3A_80 = arith.constant 1536 : i32
    %mul3A_81 = arith.muli %add3A, %mul3A_80 : i32
    "tpu.region"() ({
      %run_scoped3A = tpu.sem_alloc : memref<!tpu.dma_semaphore, #tpu.memory_space<semaphore_mem>>
      %dma_start3A = arith.constant 0 : i32
      %dma_start3A_90 = tpu.memref_slice %arg9[%dma_start3A] : memref<24576xf32, #tpu.memory_space<vmem>> -> memref<1536xf32, #tpu.memory_space<vmem>>
      %dma_start3A_91 = tpu.memref_slice %arg4[%mul3A_81] : memref<49152xf32, #tpu.memory_space<hbm>> -> memref<1536xf32, #tpu.memory_space<hbm>>
      %dma_start3A_92 = arith.constant 0 : i32
      %dma_start3A_93 = tpu.memref_slice %arg9[%dma_start3A_92] : memref<24576xf32, #tpu.memory_space<vmem>> -> memref<1536xf32, #tpu.memory_space<vmem>>
      %dma_start3A_94 = tpu.memref_slice %arg4[%mul3A_81] : memref<49152xf32, #tpu.memory_space<hbm>> -> memref<1536xf32, #tpu.memory_space<hbm>>
      tpu.enqueue_dma source(%dma_start3A_94 : memref<1536xf32, #tpu.memory_space<hbm>>) target(%dma_start3A_93 : memref<1536xf32, #tpu.memory_space<vmem>>) target_semaphore(%run_scoped3A : memref<!tpu.dma_semaphore, #tpu.memory_space<semaphore_mem>>)
      %dma_wait3A = arith.constant 0 : i32
      %dma_wait3A_95 = tpu.memref_slice %arg9[%dma_wait3A] : memref<24576xf32, #tpu.memory_space<vmem>> -> memref<1536xf32, #tpu.memory_space<vmem>>
      %dma_wait3A_96 = tpu.memref_slice %arg4[%mul3A_81] : memref<49152xf32, #tpu.memory_space<hbm>> -> memref<1536xf32, #tpu.memory_space<hbm>>
      %dma_wait3A_97 = arith.constant 0 : i32
      %dma_wait3A_98 = tpu.memref_slice %arg9[%dma_wait3A_97] : memref<24576xf32, #tpu.memory_space<vmem>> -> memref<1536xf32, #tpu.memory_space<vmem>>
      %dma_wait3A_99 = tpu.memref_slice %arg4[%mul3A_81] : memref<49152xf32, #tpu.memory_space<hbm>> -> memref<1536xf32, #tpu.memory_space<hbm>>
      tpu.wait_dma2 semaphore(%run_scoped3A : memref<!tpu.dma_semaphore, #tpu.memory_space<semaphore_mem>>) src(%dma_wait3A_99 : memref<1536xf32, #tpu.memory_space<hbm>>) dst(%dma_wait3A_98 : memref<1536xf32, #tpu.memory_space<vmem>>)
      tpu.yield
    }) : () -> ()
    %scan3A_82 = arith.constant 0 : i32
    %scan3A_83 = arith.constant 12 : i32
    %scan3A_84 = arith.addi %scan3A_82, %scan3A_83 : i32
    %scan3A_85 = arith.constant 1 : i32
    %scan3A_86 = scf.for %scan3A_90 = %scan3A_82 to %scan3A_84 step %scan3A_85 iter_args(%scan3A_91 = %scan3A_78) -> (i32)  : i32 {
      %mul3A_92 = arith.constant 12 : i32
      %mul3A_93 = arith.muli %add3A, %mul3A_92 : i32
      %add3A_94 = arith.constant 2304 : i32
      %add3A_95 = arith.addi %add3A_94, %mul3A_93 : i32
      %add3A_96 = arith.addi %add3A_95, %scan3A_90 : i32
      %get3A_97 = arith.index_cast %add3A_96 : i32 to index
      %get3A_98 = tpu.vector_load %arg13[%get3A_97] {strides = array<i32>} : memref<2704xi32, #tpu.memory_space<vmem>>, vector<16xi32>,
      %slice3A = vector.extract_strided_slice %get3A_98 {offsets = [0], sizes = [1], strides = [1]} : vector<16xi32> to vector<1xi32>
      %squeeze3A = vector.extract %slice3A[0] : i32 from vector<1xi32>
      %gt3A = arith.constant 0 : i32
      %gt3A_99 = arith.cmpi sgt, %squeeze3A, %gt3A : i32
      %convert_element_type3A_100 = arith.extui %gt3A_99 : i1 to i32
      %cond3A_101 = arith.constant 0 : i32
      %cond3A_102 = arith.cmpi ne, %convert_element_type3A_100, %cond3A_101 : i32
      %cond3A_103 = scf.if %cond3A_102 -> (i32) {
        %scan3A_104 = arith.constant 0 : i32
        %scan3A_105 = arith.constant 8 : i32
        %scan3A_106 = arith.addi %scan3A_104, %scan3A_105 : i32
        %scan3A_107 = arith.constant 1 : i32
        %scan3A_108 = scf.for %scan3A_110 = %scan3A_104 to %scan3A_106 step %scan3A_107 iter_args(%scan3A_111 = %scan3A_91) -> (i32)  : i32 {
          %mul3A_112 = arith.constant 8 : i32
          %mul3A_113 = arith.muli %scan3A_90, %mul3A_112 : i32
          %add3A_114 = arith.addi %mul3A_113, %scan3A_110 : i32
          %mul3A_115 = arith.constant 16 : i32
          %mul3A_116 = arith.muli %add3A_114, %mul3A_115 : i32
          %get3A_117 = arith.index_cast %mul3A_116 : i32 to index
          %get3A_118 = tpu.vector_load %arg9[%get3A_117] {strides = array<i32>} : memref<24576xf32, #tpu.memory_space<vmem>>, vector<16xf32>,
          %ge3A = arith.cmpf oge, %get3A_118, %get3A_1 : vector<16xf32>
          %gt3A_119 = arith.constant 0.000000e+00 : f32
          %gt3A_120 = vector.broadcast %gt3A_119 : f32 to vector<16xf32>
          %gt3A_121 = arith.cmpf ogt, %get3A_118, %gt3A_120 : vector<16xf32>
          %and3A = arith.andi %ge3A, %gt3A_121 : vector<16xi1>
          %all_reduce_population_count3A = tpu.all_reduce %and3A {dim = 0 : i64, kind = #tpu.reduction_kind<sum>} : vector<16xi1> -> vector<16xi32>
          %slice3A_122 = vector.extract_strided_slice %all_reduce_population_count3A {offsets = [0], sizes = [1], strides = [1]} : vector<16xi32> to vector<1xi32>
          %squeeze3A_123 = vector.extract %slice3A_122[0] : i32 from vector<1xi32>
          %gt3A_124 = arith.constant 0 : i32
          %gt3A_125 = arith.cmpi sgt, %squeeze3A_123, %gt3A_124 : i32
          %convert_element_type3A_126 = arith.extui %gt3A_125 : i1 to i32
          %cond3A_127 = arith.constant 0 : i32
          %cond3A_128 = arith.cmpi ne, %convert_element_type3A_126, %cond3A_127 : i32
          %cond3A_129 = scf.if %cond3A_128 -> (i32) {
            %min3A = arith.constant 112 : i32
            %min3A_130 = arith.minsi %scan3A_111, %min3A : i32
            %swap3A_131 = arith.index_cast %min3A_130 : i32 to index
            %swap3A_132 = tpu.vector_load %arg10[%swap3A_131] masked %and3A {strides = array<i32>} : memref<128xf32, #tpu.memory_space<vmem>>, vector<16xf32>, vector<16xi1>
            tpu.vector_store %arg10[%swap3A_131], %get3A_118 masked %and3A {strides = array<i32>} : memref<128xf32, #tpu.memory_space<vmem>>, vector<16xf32>, vector<16xi1>
            %iota3A = tpu.iota {dimensions = array<i32: 0>} : vector<16xi32>
            %add3A_133 = arith.constant 983040 : i32
            %add3A_134 = arith.addi %add3A_133, %mul3A_81 : i32
            %mul3A_135 = arith.constant 8 : i32
            %mul3A_136 = arith.muli %scan3A_90, %mul3A_135 : i32
            %add3A_137 = arith.addi %mul3A_136, %scan3A_110 : i32
            %mul3A_138 = arith.constant 16 : i32
            %mul3A_139 = arith.muli %add3A_137, %mul3A_138 : i32
            %add3A_140 = arith.addi %add3A_134, %mul3A_139 : i32
            %add3A_141 = vector.broadcast %add3A_140 : i32 to vector<16xi32>
            %add3A_142 = arith.addi %iota3A, %add3A_141 : vector<16xi32>
            %swap3A_143 = arith.index_cast %min3A_130 : i32 to index
            %swap3A_144 = tpu.vector_load %arg11[%swap3A_143] masked %and3A {strides = array<i32>} : memref<128xi32, #tpu.memory_space<vmem>>, vector<16xi32>, vector<16xi1>
            tpu.vector_store %arg11[%swap3A_143], %add3A_142 masked %and3A {strides = array<i32>} : memref<128xi32, #tpu.memory_space<vmem>>, vector<16xi32>, vector<16xi1>
            %add3A_145 = arith.addi %scan3A_111, %squeeze3A_123 : i32
            scf.yield %add3A_145 : i32
          } else {
            scf.yield %scan3A_111 : i32
          }
          scf.yield %cond3A_129 : i32
        }
        %scan3A_109 = arith.constant 8 : i32
        scf.yield %scan3A_108 : i32
      } else {
        scf.yield %scan3A_91 : i32
      }
      scf.yield %cond3A_103 : i32
    }
    %scan3A_87 = arith.constant 12 : i32
    "tpu.region"() ({
      %run_scoped3A = tpu.sem_alloc : memref<!tpu.dma_semaphore, #tpu.memory_space<semaphore_mem>>
      %dma_start3A = arith.constant 0 : i32
      %dma_start3A_90 = tpu.memref_slice %arg14[%arg1, %dma_start3A] : memref<16x128xf32, #tpu.memory_space<vmem_shared>> -> memref<1x128xf32, #tpu.memory_space<vmem_shared>>
      %dma_start3A_91 = tpu.memref_squeeze %dma_start3A_90 : memref<1x128xf32, #tpu.memory_space<vmem_shared>> -> memref<128xf32, #tpu.memory_space<vmem_shared>>
      %dma_start3A_92 = arith.constant 0 : i32
      %dma_start3A_93 = tpu.memref_slice %arg14[%arg1, %dma_start3A_92] : memref<16x128xf32, #tpu.memory_space<vmem_shared>> -> memref<1x128xf32, #tpu.memory_space<vmem_shared>>
      %dma_start3A_94 = tpu.memref_squeeze %dma_start3A_93 : memref<1x128xf32, #tpu.memory_space<vmem_shared>> -> memref<128xf32, #tpu.memory_space<vmem_shared>>
      tpu.enqueue_dma source(%arg10 : memref<128xf32, #tpu.memory_space<vmem>>) target(%dma_start3A_94 : memref<128xf32, #tpu.memory_space<vmem_shared>>) target_semaphore(%run_scoped3A : memref<!tpu.dma_semaphore, #tpu.memory_space<semaphore_mem>>)
      %dma_wait3A = arith.constant 0 : i32
      %dma_wait3A_95 = tpu.memref_slice %arg14[%arg1, %dma_wait3A] : memref<16x128xf32, #tpu.memory_space<vmem_shared>> -> memref<1x128xf32, #tpu.memory_space<vmem_shared>>
      %dma_wait3A_96 = tpu.memref_squeeze %dma_wait3A_95 : memref<1x128xf32, #tpu.memory_space<vmem_shared>> -> memref<128xf32, #tpu.memory_space<vmem_shared>>
      %dma_wait3A_97 = arith.constant 0 : i32
      %dma_wait3A_98 = tpu.memref_slice %arg14[%arg1, %dma_wait3A_97] : memref<16x128xf32, #tpu.memory_space<vmem_shared>> -> memref<1x128xf32, #tpu.memory_space<vmem_shared>>
      %dma_wait3A_99 = tpu.memref_squeeze %dma_wait3A_98 : memref<1x128xf32, #tpu.memory_space<vmem_shared>> -> memref<128xf32, #tpu.memory_space<vmem_shared>>
      tpu.wait_dma2 semaphore(%run_scoped3A : memref<!tpu.dma_semaphore, #tpu.memory_space<semaphore_mem>>) src(%arg10 : memref<128xf32, #tpu.memory_space<vmem>>) dst(%dma_wait3A_99 : memref<128xf32, #tpu.memory_space<vmem_shared>>)
      tpu.yield
    }) : () -> ()
    "tpu.region"() ({
      %run_scoped3A = tpu.sem_alloc : memref<!tpu.dma_semaphore, #tpu.memory_space<semaphore_mem>>
      %dma_start3A = arith.constant 0 : i32
      %dma_start3A_90 = tpu.memref_slice %arg15[%arg1, %dma_start3A] : memref<16x128xi32, #tpu.memory_space<vmem_shared>> -> memref<1x128xi32, #tpu.memory_space<vmem_shared>>
      %dma_start3A_91 = tpu.memref_squeeze %dma_start3A_90 : memref<1x128xi32, #tpu.memory_space<vmem_shared>> -> memref<128xi32, #tpu.memory_space<vmem_shared>>
      %dma_start3A_92 = arith.constant 0 : i32
      %dma_start3A_93 = tpu.memref_slice %arg15[%arg1, %dma_start3A_92] : memref<16x128xi32, #tpu.memory_space<vmem_shared>> -> memref<1x128xi32, #tpu.memory_space<vmem_shared>>
      %dma_start3A_94 = tpu.memref_squeeze %dma_start3A_93 : memref<1x128xi32, #tpu.memory_space<vmem_shared>> -> memref<128xi32, #tpu.memory_space<vmem_shared>>
      tpu.enqueue_dma source(%arg11 : memref<128xi32, #tpu.memory_space<vmem>>) target(%dma_start3A_94 : memref<128xi32, #tpu.memory_space<vmem_shared>>) target_semaphore(%run_scoped3A : memref<!tpu.dma_semaphore, #tpu.memory_space<semaphore_mem>>)
      %dma_wait3A = arith.constant 0 : i32
      %dma_wait3A_95 = tpu.memref_slice %arg15[%arg1, %dma_wait3A] : memref<16x128xi32, #tpu.memory_space<vmem_shared>> -> memref<1x128xi32, #tpu.memory_space<vmem_shared>>
      %dma_wait3A_96 = tpu.memref_squeeze %dma_wait3A_95 : memref<1x128xi32, #tpu.memory_space<vmem_shared>> -> memref<128xi32, #tpu.memory_space<vmem_shared>>
      %dma_wait3A_97 = arith.constant 0 : i32
      %dma_wait3A_98 = tpu.memref_slice %arg15[%arg1, %dma_wait3A_97] : memref<16x128xi32, #tpu.memory_space<vmem_shared>> -> memref<1x128xi32, #tpu.memory_space<vmem_shared>>
      %dma_wait3A_99 = tpu.memref_squeeze %dma_wait3A_98 : memref<1x128xi32, #tpu.memory_space<vmem_shared>> -> memref<128xi32, #tpu.memory_space<vmem_shared>>
      tpu.wait_dma2 semaphore(%run_scoped3A : memref<!tpu.dma_semaphore, #tpu.memory_space<semaphore_mem>>) src(%arg11 : memref<128xi32, #tpu.memory_space<vmem>>) dst(%dma_wait3A_99 : memref<128xi32, #tpu.memory_space<vmem_shared>>)
      tpu.yield
    }) : () -> ()
    %barrier3A = arith.constant 0 : index
    tpu.barrier barrier_id(%barrier3A)
    %eq3A = arith.constant 0 : i32
    %eq3A_88 = arith.cmpi eq, %arg1, %eq3A : i32
    %convert_element_type3A = arith.extui %eq3A_88 : i1 to i32
    %cond3A = arith.constant 0 : i32
    %cond3A_89 = arith.cmpi ne, %convert_element_type3A, %cond3A : i32
    scf.if %cond3A_89 {
      "tpu.region"() ({
        %run_scoped3A = tpu.sem_alloc : memref<!tpu.dma_semaphore, #tpu.memory_space<semaphore_mem>>
        tpu.enqueue_dma source(%arg14 : memref<16x128xf32, #tpu.memory_space<vmem_shared>>) target(%arg16 : memref<16x128xf32, #tpu.memory_space<vmem>>) target_semaphore(%run_scoped3A : memref<!tpu.dma_semaphore, #tpu.memory_space<semaphore_mem>>)
        tpu.wait_dma2 semaphore(%run_scoped3A : memref<!tpu.dma_semaphore, #tpu.memory_space<semaphore_mem>>) src(%arg14 : memref<16x128xf32, #tpu.memory_space<vmem_shared>>) dst(%arg16 : memref<16x128xf32, #tpu.memory_space<vmem>>)
        tpu.yield
      }) : () -> ()
      "tpu.region"() ({
        %run_scoped3A = tpu.sem_alloc : memref<!tpu.dma_semaphore, #tpu.memory_space<semaphore_mem>>
        tpu.enqueue_dma source(%arg15 : memref<16x128xi32, #tpu.memory_space<vmem_shared>>) target(%arg17 : memref<16x128xi32, #tpu.memory_space<vmem>>) target_semaphore(%run_scoped3A : memref<!tpu.dma_semaphore, #tpu.memory_space<semaphore_mem>>)
        tpu.wait_dma2 semaphore(%run_scoped3A : memref<!tpu.dma_semaphore, #tpu.memory_space<semaphore_mem>>) src(%arg15 : memref<16x128xi32, #tpu.memory_space<vmem_shared>>) dst(%arg17 : memref<16x128xi32, #tpu.memory_space<vmem>>)
        tpu.yield
      }) : () -> ()
      %broadcast_in_dim3A_90 = arith.constant -1.000000e+00 : f32
      %broadcast_in_dim3A_91 = vector.broadcast %broadcast_in_dim3A_90 : f32 to vector<16xf32>
      %swap3A_92 = arith.constant 0 : index
      %swap3A_93 = tpu.vector_load %arg18[%swap3A_92] {strides = array<i32>} : memref<768xf32, #tpu.memory_space<vmem>>, vector<16xf32>,
      tpu.vector_store %arg18[%swap3A_92], %broadcast_in_dim3A_91 {strides = array<i32>} : memref<768xf32, #tpu.memory_space<vmem>>, vector<16xf32>,
      %broadcast_in_dim3A_94 = arith.constant 536870912 : i32
      %broadcast_in_dim3A_95 = vector.broadcast %broadcast_in_dim3A_94 : i32 to vector<16xi32>
      %swap3A_96 = arith.constant 0 : index
      %swap3A_97 = tpu.vector_load %arg19[%swap3A_96] {strides = array<i32>} : memref<768xi32, #tpu.memory_space<vmem>>, vector<16xi32>,
      tpu.vector_store %arg19[%swap3A_96], %broadcast_in_dim3A_95 {strides = array<i32>} : memref<768xi32, #tpu.memory_space<vmem>>, vector<16xi32>,
      %broadcast_in_dim3A_98 = arith.constant -1.000000e+00 : f32
      %broadcast_in_dim3A_99 = vector.broadcast %broadcast_in_dim3A_98 : f32 to vector<16xf32>
      %swap3A_100 = arith.constant 16 : index
      %swap3A_101 = tpu.vector_load %arg18[%swap3A_100] {strides = array<i32>} : memref<768xf32, #tpu.memory_space<vmem>>, vector<16xf32>,
      tpu.vector_store %arg18[%swap3A_100], %broadcast_in_dim3A_99 {strides = array<i32>} : memref<768xf32, #tpu.memory_space<vmem>>, vector<16xf32>,
      %broadcast_in_dim3A_102 = arith.constant 536870912 : i32
      %broadcast_in_dim3A_103 = vector.broadcast %broadcast_in_dim3A_102 : i32 to vector<16xi32>
      %swap3A_104 = arith.constant 16 : index
      %swap3A_105 = tpu.vector_load %arg19[%swap3A_104] {strides = array<i32>} : memref<768xi32, #tpu.memory_space<vmem>>, vector<16xi32>,
      tpu.vector_store %arg19[%swap3A_104], %broadcast_in_dim3A_103 {strides = array<i32>} : memref<768xi32, #tpu.memory_space<vmem>>, vector<16xi32>,
      %broadcast_in_dim3A_106 = arith.constant -1.000000e+00 : f32
      %broadcast_in_dim3A_107 = vector.broadcast %broadcast_in_dim3A_106 : f32 to vector<16xf32>
      %swap3A_108 = arith.constant 32 : index
      %swap3A_109 = tpu.vector_load %arg18[%swap3A_108] {strides = array<i32>} : memref<768xf32, #tpu.memory_space<vmem>>, vector<16xf32>,
      tpu.vector_store %arg18[%swap3A_108], %broadcast_in_dim3A_107 {strides = array<i32>} : memref<768xf32, #tpu.memory_space<vmem>>, vector<16xf32>,
      %broadcast_in_dim3A_110 = arith.constant 536870912 : i32
      %broadcast_in_dim3A_111 = vector.broadcast %broadcast_in_dim3A_110 : i32 to vector<16xi32>
      %swap3A_112 = arith.constant 32 : index
      %swap3A_113 = tpu.vector_load %arg19[%swap3A_112] {strides = array<i32>} : memref<768xi32, #tpu.memory_space<vmem>>, vector<16xi32>,
      tpu.vector_store %arg19[%swap3A_112], %broadcast_in_dim3A_111 {strides = array<i32>} : memref<768xi32, #tpu.memory_space<vmem>>, vector<16xi32>,
      %broadcast_in_dim3A_114 = arith.constant -1.000000e+00 : f32
      %broadcast_in_dim3A_115 = vector.broadcast %broadcast_in_dim3A_114 : f32 to vector<16xf32>
      %swap3A_116 = arith.constant 48 : index
      %swap3A_117 = tpu.vector_load %arg18[%swap3A_116] {strides = array<i32>} : memref<768xf32, #tpu.memory_space<vmem>>, vector<16xf32>,
      tpu.vector_store %arg18[%swap3A_116], %broadcast_in_dim3A_115 {strides = array<i32>} : memref<768xf32, #tpu.memory_space<vmem>>, vector<16xf32>,
      %broadcast_in_dim3A_118 = arith.constant 536870912 : i32
      %broadcast_in_dim3A_119 = vector.broadcast %broadcast_in_dim3A_118 : i32 to vector<16xi32>
      %swap3A_120 = arith.constant 48 : index
      %swap3A_121 = tpu.vector_load %arg19[%swap3A_120] {strides = array<i32>} : memref<768xi32, #tpu.memory_space<vmem>>, vector<16xi32>,
      tpu.vector_store %arg19[%swap3A_120], %broadcast_in_dim3A_119 {strides = array<i32>} : memref<768xi32, #tpu.memory_space<vmem>>, vector<16xi32>,
      %broadcast_in_dim3A_122 = arith.constant -1.000000e+00 : f32
      %broadcast_in_dim3A_123 = vector.broadcast %broadcast_in_dim3A_122 : f32 to vector<16xf32>
      %swap3A_124 = arith.constant 64 : index
      %swap3A_125 = tpu.vector_load %arg18[%swap3A_124] {strides = array<i32>} : memref<768xf32, #tpu.memory_space<vmem>>, vector<16xf32>,
      tpu.vector_store %arg18[%swap3A_124], %broadcast_in_dim3A_123 {strides = array<i32>} : memref<768xf32, #tpu.memory_space<vmem>>, vector<16xf32>,
      %broadcast_in_dim3A_126 = arith.constant 536870912 : i32
      %broadcast_in_dim3A_127 = vector.broadcast %broadcast_in_dim3A_126 : i32 to vector<16xi32>
      %swap3A_128 = arith.constant 64 : index
      %swap3A_129 = tpu.vector_load %arg19[%swap3A_128] {strides = array<i32>} : memref<768xi32, #tpu.memory_space<vmem>>, vector<16xi32>,
      tpu.vector_store %arg19[%swap3A_128], %broadcast_in_dim3A_127 {strides = array<i32>} : memref<768xi32, #tpu.memory_space<vmem>>, vector<16xi32>,
      %broadcast_in_dim3A_130 = arith.constant -1.000000e+00 : f32
      %broadcast_in_dim3A_131 = vector.broadcast %broadcast_in_dim3A_130 : f32 to vector<16xf32>
      %swap3A_132 = arith.constant 80 : index
      %swap3A_133 = tpu.vector_load %arg18[%swap3A_132] {strides = array<i32>} : memref<768xf32, #tpu.memory_space<vmem>>, vector<16xf32>,
      tpu.vector_store %arg18[%swap3A_132], %broadcast_in_dim3A_131 {strides = array<i32>} : memref<768xf32, #tpu.memory_space<vmem>>, vector<16xf32>,
      %broadcast_in_dim3A_134 = arith.constant 536870912 : i32
      %broadcast_in_dim3A_135 = vector.broadcast %broadcast_in_dim3A_134 : i32 to vector<16xi32>
      %swap3A_136 = arith.constant 80 : index
      %swap3A_137 = tpu.vector_load %arg19[%swap3A_136] {strides = array<i32>} : memref<768xi32, #tpu.memory_space<vmem>>, vector<16xi32>,
      tpu.vector_store %arg19[%swap3A_136], %broadcast_in_dim3A_135 {strides = array<i32>} : memref<768xi32, #tpu.memory_space<vmem>>, vector<16xi32>,
      %broadcast_in_dim3A_138 = arith.constant -1.000000e+00 : f32
      %broadcast_in_dim3A_139 = vector.broadcast %broadcast_in_dim3A_138 : f32 to vector<16xf32>
      %swap3A_140 = arith.constant 96 : index
      %swap3A_141 = tpu.vector_load %arg18[%swap3A_140] {strides = array<i32>} : memref<768xf32, #tpu.memory_space<vmem>>, vector<16xf32>,
      tpu.vector_store %arg18[%swap3A_140], %broadcast_in_dim3A_139 {strides = array<i32>} : memref<768xf32, #tpu.memory_space<vmem>>, vector<16xf32>,
      %broadcast_in_dim3A_142 = arith.constant 536870912 : i32
      %broadcast_in_dim3A_143 = vector.broadcast %broadcast_in_dim3A_142 : i32 to vector<16xi32>
      %swap3A_144 = arith.constant 96 : index
      %swap3A_145 = tpu.vector_load %arg19[%swap3A_144] {strides = array<i32>} : memref<768xi32, #tpu.memory_space<vmem>>, vector<16xi32>,
      tpu.vector_store %arg19[%swap3A_144], %broadcast_in_dim3A_143 {strides = array<i32>} : memref<768xi32, #tpu.memory_space<vmem>>, vector<16xi32>,
      %broadcast_in_dim3A_146 = arith.constant -1.000000e+00 : f32
      %broadcast_in_dim3A_147 = vector.broadcast %broadcast_in_dim3A_146 : f32 to vector<16xf32>
      %swap3A_148 = arith.constant 112 : index
      %swap3A_149 = tpu.vector_load %arg18[%swap3A_148] {strides = array<i32>} : memref<768xf32, #tpu.memory_space<vmem>>, vector<16xf32>,
      tpu.vector_store %arg18[%swap3A_148], %broadcast_in_dim3A_147 {strides = array<i32>} : memref<768xf32, #tpu.memory_space<vmem>>, vector<16xf32>,
      %broadcast_in_dim3A_150 = arith.constant 536870912 : i32
      %broadcast_in_dim3A_151 = vector.broadcast %broadcast_in_dim3A_150 : i32 to vector<16xi32>
      %swap3A_152 = arith.constant 112 : index
      %swap3A_153 = tpu.vector_load %arg19[%swap3A_152] {strides = array<i32>} : memref<768xi32, #tpu.memory_space<vmem>>, vector<16xi32>,
      tpu.vector_store %arg19[%swap3A_152], %broadcast_in_dim3A_151 {strides = array<i32>} : memref<768xi32, #tpu.memory_space<vmem>>, vector<16xi32>,
      %broadcast_in_dim3A_154 = arith.constant -1.000000e+00 : f32
      %broadcast_in_dim3A_155 = vector.broadcast %broadcast_in_dim3A_154 : f32 to vector<16xf32>
      %swap3A_156 = arith.constant 128 : index
      %swap3A_157 = tpu.vector_load %arg18[%swap3A_156] {strides = array<i32>} : memref<768xf32, #tpu.memory_space<vmem>>, vector<16xf32>,
      tpu.vector_store %arg18[%swap3A_156], %broadcast_in_dim3A_155 {strides = array<i32>} : memref<768xf32, #tpu.memory_space<vmem>>, vector<16xf32>,
      %broadcast_in_dim3A_158 = arith.constant 536870912 : i32
      %broadcast_in_dim3A_159 = vector.broadcast %broadcast_in_dim3A_158 : i32 to vector<16xi32>
      %swap3A_160 = arith.constant 128 : index
      %swap3A_161 = tpu.vector_load %arg19[%swap3A_160] {strides = array<i32>} : memref<768xi32, #tpu.memory_space<vmem>>, vector<16xi32>,
      tpu.vector_store %arg19[%swap3A_160], %broadcast_in_dim3A_159 {strides = array<i32>} : memref<768xi32, #tpu.memory_space<vmem>>, vector<16xi32>,
      %broadcast_in_dim3A_162 = arith.constant -1.000000e+00 : f32
      %broadcast_in_dim3A_163 = vector.broadcast %broadcast_in_dim3A_162 : f32 to vector<16xf32>
      %swap3A_164 = arith.constant 144 : index
      %swap3A_165 = tpu.vector_load %arg18[%swap3A_164] {strides = array<i32>} : memref<768xf32, #tpu.memory_space<vmem>>, vector<16xf32>,
      tpu.vector_store %arg18[%swap3A_164], %broadcast_in_dim3A_163 {strides = array<i32>} : memref<768xf32, #tpu.memory_space<vmem>>, vector<16xf32>,
      %broadcast_in_dim3A_166 = arith.constant 536870912 : i32
      %broadcast_in_dim3A_167 = vector.broadcast %broadcast_in_dim3A_166 : i32 to vector<16xi32>
      %swap3A_168 = arith.constant 144 : index
      %swap3A_169 = tpu.vector_load %arg19[%swap3A_168] {strides = array<i32>} : memref<768xi32, #tpu.memory_space<vmem>>, vector<16xi32>,
      tpu.vector_store %arg19[%swap3A_168], %broadcast_in_dim3A_167 {strides = array<i32>} : memref<768xi32, #tpu.memory_space<vmem>>, vector<16xi32>,
      %broadcast_in_dim3A_170 = arith.constant -1.000000e+00 : f32
      %broadcast_in_dim3A_171 = vector.broadcast %broadcast_in_dim3A_170 : f32 to vector<16xf32>
      %swap3A_172 = arith.constant 160 : index
      %swap3A_173 = tpu.vector_load %arg18[%swap3A_172] {strides = array<i32>} : memref<768xf32, #tpu.memory_space<vmem>>, vector<16xf32>,
      tpu.vector_store %arg18[%swap3A_172], %broadcast_in_dim3A_171 {strides = array<i32>} : memref<768xf32, #tpu.memory_space<vmem>>, vector<16xf32>,
      %broadcast_in_dim3A_174 = arith.constant 536870912 : i32
      %broadcast_in_dim3A_175 = vector.broadcast %broadcast_in_dim3A_174 : i32 to vector<16xi32>
      %swap3A_176 = arith.constant 160 : index
      %swap3A_177 = tpu.vector_load %arg19[%swap3A_176] {strides = array<i32>} : memref<768xi32, #tpu.memory_space<vmem>>, vector<16xi32>,
      tpu.vector_store %arg19[%swap3A_176], %broadcast_in_dim3A_175 {strides = array<i32>} : memref<768xi32, #tpu.memory_space<vmem>>, vector<16xi32>,
      %broadcast_in_dim3A_178 = arith.constant -1.000000e+00 : f32
      %broadcast_in_dim3A_179 = vector.broadcast %broadcast_in_dim3A_178 : f32 to vector<16xf32>
      %swap3A_180 = arith.constant 176 : index
      %swap3A_181 = tpu.vector_load %arg18[%swap3A_180] {strides = array<i32>} : memref<768xf32, #tpu.memory_space<vmem>>, vector<16xf32>,
      tpu.vector_store %arg18[%swap3A_180], %broadcast_in_dim3A_179 {strides = array<i32>} : memref<768xf32, #tpu.memory_space<vmem>>, vector<16xf32>,
      %broadcast_in_dim3A_182 = arith.constant 536870912 : i32
      %broadcast_in_dim3A_183 = vector.broadcast %broadcast_in_dim3A_182 : i32 to vector<16xi32>
      %swap3A_184 = arith.constant 176 : index
      %swap3A_185 = tpu.vector_load %arg19[%swap3A_184] {strides = array<i32>} : memref<768xi32, #tpu.memory_space<vmem>>, vector<16xi32>,
      tpu.vector_store %arg19[%swap3A_184], %broadcast_in_dim3A_183 {strides = array<i32>} : memref<768xi32, #tpu.memory_space<vmem>>, vector<16xi32>,
      %broadcast_in_dim3A_186 = arith.constant -1.000000e+00 : f32
      %broadcast_in_dim3A_187 = vector.broadcast %broadcast_in_dim3A_186 : f32 to vector<16xf32>
      %swap3A_188 = arith.constant 192 : index
      %swap3A_189 = tpu.vector_load %arg18[%swap3A_188] {strides = array<i32>} : memref<768xf32, #tpu.memory_space<vmem>>, vector<16xf32>,
      tpu.vector_store %arg18[%swap3A_188], %broadcast_in_dim3A_187 {strides = array<i32>} : memref<768xf32, #tpu.memory_space<vmem>>, vector<16xf32>,
      %broadcast_in_dim3A_190 = arith.constant 536870912 : i32
      %broadcast_in_dim3A_191 = vector.broadcast %broadcast_in_dim3A_190 : i32 to vector<16xi32>
      %swap3A_192 = arith.constant 192 : index
      %swap3A_193 = tpu.vector_load %arg19[%swap3A_192] {strides = array<i32>} : memref<768xi32, #tpu.memory_space<vmem>>, vector<16xi32>,
      tpu.vector_store %arg19[%swap3A_192], %broadcast_in_dim3A_191 {strides = array<i32>} : memref<768xi32, #tpu.memory_space<vmem>>, vector<16xi32>,
      %broadcast_in_dim3A_194 = arith.constant -1.000000e+00 : f32
      %broadcast_in_dim3A_195 = vector.broadcast %broadcast_in_dim3A_194 : f32 to vector<16xf32>
      %swap3A_196 = arith.constant 208 : index
      %swap3A_197 = tpu.vector_load %arg18[%swap3A_196] {strides = array<i32>} : memref<768xf32, #tpu.memory_space<vmem>>, vector<16xf32>,
      tpu.vector_store %arg18[%swap3A_196], %broadcast_in_dim3A_195 {strides = array<i32>} : memref<768xf32, #tpu.memory_space<vmem>>, vector<16xf32>,
      %broadcast_in_dim3A_198 = arith.constant 536870912 : i32
      %broadcast_in_dim3A_199 = vector.broadcast %broadcast_in_dim3A_198 : i32 to vector<16xi32>
      %swap3A_200 = arith.constant 208 : index
      %swap3A_201 = tpu.vector_load %arg19[%swap3A_200] {strides = array<i32>} : memref<768xi32, #tpu.memory_space<vmem>>, vector<16xi32>,
      tpu.vector_store %arg19[%swap3A_200], %broadcast_in_dim3A_199 {strides = array<i32>} : memref<768xi32, #tpu.memory_space<vmem>>, vector<16xi32>,
      %broadcast_in_dim3A_202 = arith.constant -1.000000e+00 : f32
      %broadcast_in_dim3A_203 = vector.broadcast %broadcast_in_dim3A_202 : f32 to vector<16xf32>
      %swap3A_204 = arith.constant 224 : index
      %swap3A_205 = tpu.vector_load %arg18[%swap3A_204] {strides = array<i32>} : memref<768xf32, #tpu.memory_space<vmem>>, vector<16xf32>,
      tpu.vector_store %arg18[%swap3A_204], %broadcast_in_dim3A_203 {strides = array<i32>} : memref<768xf32, #tpu.memory_space<vmem>>, vector<16xf32>,
      %broadcast_in_dim3A_206 = arith.constant 536870912 : i32
      %broadcast_in_dim3A_207 = vector.broadcast %broadcast_in_dim3A_206 : i32 to vector<16xi32>
      %swap3A_208 = arith.constant 224 : index
      %swap3A_209 = tpu.vector_load %arg19[%swap3A_208] {strides = array<i32>} : memref<768xi32, #tpu.memory_space<vmem>>, vector<16xi32>,
      tpu.vector_store %arg19[%swap3A_208], %broadcast_in_dim3A_207 {strides = array<i32>} : memref<768xi32, #tpu.memory_space<vmem>>, vector<16xi32>,
      %broadcast_in_dim3A_210 = arith.constant -1.000000e+00 : f32
      %broadcast_in_dim3A_211 = vector.broadcast %broadcast_in_dim3A_210 : f32 to vector<16xf32>
      %swap3A_212 = arith.constant 240 : index
      %swap3A_213 = tpu.vector_load %arg18[%swap3A_212] {strides = array<i32>} : memref<768xf32, #tpu.memory_space<vmem>>, vector<16xf32>,
      tpu.vector_store %arg18[%swap3A_212], %broadcast_in_dim3A_211 {strides = array<i32>} : memref<768xf32, #tpu.memory_space<vmem>>, vector<16xf32>,
      %broadcast_in_dim3A_214 = arith.constant 536870912 : i32
      %broadcast_in_dim3A_215 = vector.broadcast %broadcast_in_dim3A_214 : i32 to vector<16xi32>
      %swap3A_216 = arith.constant 240 : index
      %swap3A_217 = tpu.vector_load %arg19[%swap3A_216] {strides = array<i32>} : memref<768xi32, #tpu.memory_space<vmem>>, vector<16xi32>,
      tpu.vector_store %arg19[%swap3A_216], %broadcast_in_dim3A_215 {strides = array<i32>} : memref<768xi32, #tpu.memory_space<vmem>>, vector<16xi32>,
      %broadcast_in_dim3A_218 = arith.constant -1.000000e+00 : f32
      %broadcast_in_dim3A_219 = vector.broadcast %broadcast_in_dim3A_218 : f32 to vector<16xf32>
      %swap3A_220 = arith.constant 256 : index
      %swap3A_221 = tpu.vector_load %arg18[%swap3A_220] {strides = array<i32>} : memref<768xf32, #tpu.memory_space<vmem>>, vector<16xf32>,
      tpu.vector_store %arg18[%swap3A_220], %broadcast_in_dim3A_219 {strides = array<i32>} : memref<768xf32, #tpu.memory_space<vmem>>, vector<16xf32>,
      %broadcast_in_dim3A_222 = arith.constant 536870912 : i32
      %broadcast_in_dim3A_223 = vector.broadcast %broadcast_in_dim3A_222 : i32 to vector<16xi32>
      %swap3A_224 = arith.constant 256 : index
      %swap3A_225 = tpu.vector_load %arg19[%swap3A_224] {strides = array<i32>} : memref<768xi32, #tpu.memory_space<vmem>>, vector<16xi32>,
      tpu.vector_store %arg19[%swap3A_224], %broadcast_in_dim3A_223 {strides = array<i32>} : memref<768xi32, #tpu.memory_space<vmem>>, vector<16xi32>,
      %broadcast_in_dim3A_226 = arith.constant -1.000000e+00 : f32
      %broadcast_in_dim3A_227 = vector.broadcast %broadcast_in_dim3A_226 : f32 to vector<16xf32>
      %swap3A_228 = arith.constant 272 : index
      %swap3A_229 = tpu.vector_load %arg18[%swap3A_228] {strides = array<i32>} : memref<768xf32, #tpu.memory_space<vmem>>, vector<16xf32>,
      tpu.vector_store %arg18[%swap3A_228], %broadcast_in_dim3A_227 {strides = array<i32>} : memref<768xf32, #tpu.memory_space<vmem>>, vector<16xf32>,
      %broadcast_in_dim3A_230 = arith.constant 536870912 : i32
      %broadcast_in_dim3A_231 = vector.broadcast %broadcast_in_dim3A_230 : i32 to vector<16xi32>
      %swap3A_232 = arith.constant 272 : index
      %swap3A_233 = tpu.vector_load %arg19[%swap3A_232] {strides = array<i32>} : memref<768xi32, #tpu.memory_space<vmem>>, vector<16xi32>,
      tpu.vector_store %arg19[%swap3A_232], %broadcast_in_dim3A_231 {strides = array<i32>} : memref<768xi32, #tpu.memory_space<vmem>>, vector<16xi32>,
      %broadcast_in_dim3A_234 = arith.constant -1.000000e+00 : f32
      %broadcast_in_dim3A_235 = vector.broadcast %broadcast_in_dim3A_234 : f32 to vector<16xf32>
      %swap3A_236 = arith.constant 288 : index
      %swap3A_237 = tpu.vector_load %arg18[%swap3A_236] {strides = array<i32>} : memref<768xf32, #tpu.memory_space<vmem>>, vector<16xf32>,
      tpu.vector_store %arg18[%swap3A_236], %broadcast_in_dim3A_235 {strides = array<i32>} : memref<768xf32, #tpu.memory_space<vmem>>, vector<16xf32>,
      %broadcast_in_dim3A_238 = arith.constant 536870912 : i32
      %broadcast_in_dim3A_239 = vector.broadcast %broadcast_in_dim3A_238 : i32 to vector<16xi32>
      %swap3A_240 = arith.constant 288 : index
      %swap3A_241 = tpu.vector_load %arg19[%swap3A_240] {strides = array<i32>} : memref<768xi32, #tpu.memory_space<vmem>>, vector<16xi32>,
      tpu.vector_store %arg19[%swap3A_240], %broadcast_in_dim3A_239 {strides = array<i32>} : memref<768xi32, #tpu.memory_space<vmem>>, vector<16xi32>,
      %broadcast_in_dim3A_242 = arith.constant -1.000000e+00 : f32
      %broadcast_in_dim3A_243 = vector.broadcast %broadcast_in_dim3A_242 : f32 to vector<16xf32>
      %swap3A_244 = arith.constant 304 : index
      %swap3A_245 = tpu.vector_load %arg18[%swap3A_244] {strides = array<i32>} : memref<768xf32, #tpu.memory_space<vmem>>, vector<16xf32>,
      tpu.vector_store %arg18[%swap3A_244], %broadcast_in_dim3A_243 {strides = array<i32>} : memref<768xf32, #tpu.memory_space<vmem>>, vector<16xf32>,
      %broadcast_in_dim3A_246 = arith.constant 536870912 : i32
      %broadcast_in_dim3A_247 = vector.broadcast %broadcast_in_dim3A_246 : i32 to vector<16xi32>
      %swap3A_248 = arith.constant 304 : index
      %swap3A_249 = tpu.vector_load %arg19[%swap3A_248] {strides = array<i32>} : memref<768xi32, #tpu.memory_space<vmem>>, vector<16xi32>,
      tpu.vector_store %arg19[%swap3A_248], %broadcast_in_dim3A_247 {strides = array<i32>} : memref<768xi32, #tpu.memory_space<vmem>>, vector<16xi32>,
      %broadcast_in_dim3A_250 = arith.constant -1.000000e+00 : f32
      %broadcast_in_dim3A_251 = vector.broadcast %broadcast_in_dim3A_250 : f32 to vector<16xf32>
      %swap3A_252 = arith.constant 320 : index
      %swap3A_253 = tpu.vector_load %arg18[%swap3A_252] {strides = array<i32>} : memref<768xf32, #tpu.memory_space<vmem>>, vector<16xf32>,
      tpu.vector_store %arg18[%swap3A_252], %broadcast_in_dim3A_251 {strides = array<i32>} : memref<768xf32, #tpu.memory_space<vmem>>, vector<16xf32>,
      %broadcast_in_dim3A_254 = arith.constant 536870912 : i32
      %broadcast_in_dim3A_255 = vector.broadcast %broadcast_in_dim3A_254 : i32 to vector<16xi32>
      %swap3A_256 = arith.constant 320 : index
      %swap3A_257 = tpu.vector_load %arg19[%swap3A_256] {strides = array<i32>} : memref<768xi32, #tpu.memory_space<vmem>>, vector<16xi32>,
      tpu.vector_store %arg19[%swap3A_256], %broadcast_in_dim3A_255 {strides = array<i32>} : memref<768xi32, #tpu.memory_space<vmem>>, vector<16xi32>,
      %broadcast_in_dim3A_258 = arith.constant -1.000000e+00 : f32
      %broadcast_in_dim3A_259 = vector.broadcast %broadcast_in_dim3A_258 : f32 to vector<16xf32>
      %swap3A_260 = arith.constant 336 : index
      %swap3A_261 = tpu.vector_load %arg18[%swap3A_260] {strides = array<i32>} : memref<768xf32, #tpu.memory_space<vmem>>, vector<16xf32>,
      tpu.vector_store %arg18[%swap3A_260], %broadcast_in_dim3A_259 {strides = array<i32>} : memref<768xf32, #tpu.memory_space<vmem>>, vector<16xf32>,
      %broadcast_in_dim3A_262 = arith.constant 536870912 : i32
      %broadcast_in_dim3A_263 = vector.broadcast %broadcast_in_dim3A_262 : i32 to vector<16xi32>
      %swap3A_264 = arith.constant 336 : index
      %swap3A_265 = tpu.vector_load %arg19[%swap3A_264] {strides = array<i32>} : memref<768xi32, #tpu.memory_space<vmem>>, vector<16xi32>,
      tpu.vector_store %arg19[%swap3A_264], %broadcast_in_dim3A_263 {strides = array<i32>} : memref<768xi32, #tpu.memory_space<vmem>>, vector<16xi32>,
      %broadcast_in_dim3A_266 = arith.constant -1.000000e+00 : f32
      %broadcast_in_dim3A_267 = vector.broadcast %broadcast_in_dim3A_266 : f32 to vector<16xf32>
      %swap3A_268 = arith.constant 352 : index
      %swap3A_269 = tpu.vector_load %arg18[%swap3A_268] {strides = array<i32>} : memref<768xf32, #tpu.memory_space<vmem>>, vector<16xf32>,
      tpu.vector_store %arg18[%swap3A_268], %broadcast_in_dim3A_267 {strides = array<i32>} : memref<768xf32, #tpu.memory_space<vmem>>, vector<16xf32>,
      %broadcast_in_dim3A_270 = arith.constant 536870912 : i32
      %broadcast_in_dim3A_271 = vector.broadcast %broadcast_in_dim3A_270 : i32 to vector<16xi32>
      %swap3A_272 = arith.constant 352 : index
      %swap3A_273 = tpu.vector_load %arg19[%swap3A_272] {strides = array<i32>} : memref<768xi32, #tpu.memory_space<vmem>>, vector<16xi32>,
      tpu.vector_store %arg19[%swap3A_272], %broadcast_in_dim3A_271 {strides = array<i32>} : memref<768xi32, #tpu.memory_space<vmem>>, vector<16xi32>,
      %broadcast_in_dim3A_274 = arith.constant -1.000000e+00 : f32
      %broadcast_in_dim3A_275 = vector.broadcast %broadcast_in_dim3A_274 : f32 to vector<16xf32>
      %swap3A_276 = arith.constant 368 : index
      %swap3A_277 = tpu.vector_load %arg18[%swap3A_276] {strides = array<i32>} : memref<768xf32, #tpu.memory_space<vmem>>, vector<16xf32>,
      tpu.vector_store %arg18[%swap3A_276], %broadcast_in_dim3A_275 {strides = array<i32>} : memref<768xf32, #tpu.memory_space<vmem>>, vector<16xf32>,
      %broadcast_in_dim3A_278 = arith.constant 536870912 : i32
      %broadcast_in_dim3A_279 = vector.broadcast %broadcast_in_dim3A_278 : i32 to vector<16xi32>
      %swap3A_280 = arith.constant 368 : index
      %swap3A_281 = tpu.vector_load %arg19[%swap3A_280] {strides = array<i32>} : memref<768xi32, #tpu.memory_space<vmem>>, vector<16xi32>,
      tpu.vector_store %arg19[%swap3A_280], %broadcast_in_dim3A_279 {strides = array<i32>} : memref<768xi32, #tpu.memory_space<vmem>>, vector<16xi32>,
      %broadcast_in_dim3A_282 = arith.constant -1.000000e+00 : f32
      %broadcast_in_dim3A_283 = vector.broadcast %broadcast_in_dim3A_282 : f32 to vector<16xf32>
      %swap3A_284 = arith.constant 384 : index
      %swap3A_285 = tpu.vector_load %arg18[%swap3A_284] {strides = array<i32>} : memref<768xf32, #tpu.memory_space<vmem>>, vector<16xf32>,
      tpu.vector_store %arg18[%swap3A_284], %broadcast_in_dim3A_283 {strides = array<i32>} : memref<768xf32, #tpu.memory_space<vmem>>, vector<16xf32>,
      %broadcast_in_dim3A_286 = arith.constant 536870912 : i32
      %broadcast_in_dim3A_287 = vector.broadcast %broadcast_in_dim3A_286 : i32 to vector<16xi32>
      %swap3A_288 = arith.constant 384 : index
      %swap3A_289 = tpu.vector_load %arg19[%swap3A_288] {strides = array<i32>} : memref<768xi32, #tpu.memory_space<vmem>>, vector<16xi32>,
      tpu.vector_store %arg19[%swap3A_288], %broadcast_in_dim3A_287 {strides = array<i32>} : memref<768xi32, #tpu.memory_space<vmem>>, vector<16xi32>,
      %broadcast_in_dim3A_290 = arith.constant -1.000000e+00 : f32
      %broadcast_in_dim3A_291 = vector.broadcast %broadcast_in_dim3A_290 : f32 to vector<16xf32>
      %swap3A_292 = arith.constant 400 : index
      %swap3A_293 = tpu.vector_load %arg18[%swap3A_292] {strides = array<i32>} : memref<768xf32, #tpu.memory_space<vmem>>, vector<16xf32>,
      tpu.vector_store %arg18[%swap3A_292], %broadcast_in_dim3A_291 {strides = array<i32>} : memref<768xf32, #tpu.memory_space<vmem>>, vector<16xf32>,
      %broadcast_in_dim3A_294 = arith.constant 536870912 : i32
      %broadcast_in_dim3A_295 = vector.broadcast %broadcast_in_dim3A_294 : i32 to vector<16xi32>
      %swap3A_296 = arith.constant 400 : index
      %swap3A_297 = tpu.vector_load %arg19[%swap3A_296] {strides = array<i32>} : memref<768xi32, #tpu.memory_space<vmem>>, vector<16xi32>,
      tpu.vector_store %arg19[%swap3A_296], %broadcast_in_dim3A_295 {strides = array<i32>} : memref<768xi32, #tpu.memory_space<vmem>>, vector<16xi32>,
      %broadcast_in_dim3A_298 = arith.constant -1.000000e+00 : f32
      %broadcast_in_dim3A_299 = vector.broadcast %broadcast_in_dim3A_298 : f32 to vector<16xf32>
      %swap3A_300 = arith.constant 416 : index
      %swap3A_301 = tpu.vector_load %arg18[%swap3A_300] {strides = array<i32>} : memref<768xf32, #tpu.memory_space<vmem>>, vector<16xf32>,
      tpu.vector_store %arg18[%swap3A_300], %broadcast_in_dim3A_299 {strides = array<i32>} : memref<768xf32, #tpu.memory_space<vmem>>, vector<16xf32>,
      %broadcast_in_dim3A_302 = arith.constant 536870912 : i32
      %broadcast_in_dim3A_303 = vector.broadcast %broadcast_in_dim3A_302 : i32 to vector<16xi32>
      %swap3A_304 = arith.constant 416 : index
      %swap3A_305 = tpu.vector_load %arg19[%swap3A_304] {strides = array<i32>} : memref<768xi32, #tpu.memory_space<vmem>>, vector<16xi32>,
      tpu.vector_store %arg19[%swap3A_304], %broadcast_in_dim3A_303 {strides = array<i32>} : memref<768xi32, #tpu.memory_space<vmem>>, vector<16xi32>,
      %broadcast_in_dim3A_306 = arith.constant -1.000000e+00 : f32
      %broadcast_in_dim3A_307 = vector.broadcast %broadcast_in_dim3A_306 : f32 to vector<16xf32>
      %swap3A_308 = arith.constant 432 : index
      %swap3A_309 = tpu.vector_load %arg18[%swap3A_308] {strides = array<i32>} : memref<768xf32, #tpu.memory_space<vmem>>, vector<16xf32>,
      tpu.vector_store %arg18[%swap3A_308], %broadcast_in_dim3A_307 {strides = array<i32>} : memref<768xf32, #tpu.memory_space<vmem>>, vector<16xf32>,
      %broadcast_in_dim3A_310 = arith.constant 536870912 : i32
      %broadcast_in_dim3A_311 = vector.broadcast %broadcast_in_dim3A_310 : i32 to vector<16xi32>
      %swap3A_312 = arith.constant 432 : index
      %swap3A_313 = tpu.vector_load %arg19[%swap3A_312] {strides = array<i32>} : memref<768xi32, #tpu.memory_space<vmem>>, vector<16xi32>,
      tpu.vector_store %arg19[%swap3A_312], %broadcast_in_dim3A_311 {strides = array<i32>} : memref<768xi32, #tpu.memory_space<vmem>>, vector<16xi32>,
      %broadcast_in_dim3A_314 = arith.constant -1.000000e+00 : f32
      %broadcast_in_dim3A_315 = vector.broadcast %broadcast_in_dim3A_314 : f32 to vector<16xf32>
      %swap3A_316 = arith.constant 448 : index
      %swap3A_317 = tpu.vector_load %arg18[%swap3A_316] {strides = array<i32>} : memref<768xf32, #tpu.memory_space<vmem>>, vector<16xf32>,
      tpu.vector_store %arg18[%swap3A_316], %broadcast_in_dim3A_315 {strides = array<i32>} : memref<768xf32, #tpu.memory_space<vmem>>, vector<16xf32>,
      %broadcast_in_dim3A_318 = arith.constant 536870912 : i32
      %broadcast_in_dim3A_319 = vector.broadcast %broadcast_in_dim3A_318 : i32 to vector<16xi32>
      %swap3A_320 = arith.constant 448 : index
      %swap3A_321 = tpu.vector_load %arg19[%swap3A_320] {strides = array<i32>} : memref<768xi32, #tpu.memory_space<vmem>>, vector<16xi32>,
      tpu.vector_store %arg19[%swap3A_320], %broadcast_in_dim3A_319 {strides = array<i32>} : memref<768xi32, #tpu.memory_space<vmem>>, vector<16xi32>,
      %broadcast_in_dim3A_322 = arith.constant -1.000000e+00 : f32
      %broadcast_in_dim3A_323 = vector.broadcast %broadcast_in_dim3A_322 : f32 to vector<16xf32>
      %swap3A_324 = arith.constant 464 : index
      %swap3A_325 = tpu.vector_load %arg18[%swap3A_324] {strides = array<i32>} : memref<768xf32, #tpu.memory_space<vmem>>, vector<16xf32>,
      tpu.vector_store %arg18[%swap3A_324], %broadcast_in_dim3A_323 {strides = array<i32>} : memref<768xf32, #tpu.memory_space<vmem>>, vector<16xf32>,
      %broadcast_in_dim3A_326 = arith.constant 536870912 : i32
      %broadcast_in_dim3A_327 = vector.broadcast %broadcast_in_dim3A_326 : i32 to vector<16xi32>
      %swap3A_328 = arith.constant 464 : index
      %swap3A_329 = tpu.vector_load %arg19[%swap3A_328] {strides = array<i32>} : memref<768xi32, #tpu.memory_space<vmem>>, vector<16xi32>,
      tpu.vector_store %arg19[%swap3A_328], %broadcast_in_dim3A_327 {strides = array<i32>} : memref<768xi32, #tpu.memory_space<vmem>>, vector<16xi32>,
      %broadcast_in_dim3A_330 = arith.constant -1.000000e+00 : f32
      %broadcast_in_dim3A_331 = vector.broadcast %broadcast_in_dim3A_330 : f32 to vector<16xf32>
      %swap3A_332 = arith.constant 480 : index
      %swap3A_333 = tpu.vector_load %arg18[%swap3A_332] {strides = array<i32>} : memref<768xf32, #tpu.memory_space<vmem>>, vector<16xf32>,
      tpu.vector_store %arg18[%swap3A_332], %broadcast_in_dim3A_331 {strides = array<i32>} : memref<768xf32, #tpu.memory_space<vmem>>, vector<16xf32>,
      %broadcast_in_dim3A_334 = arith.constant 536870912 : i32
      %broadcast_in_dim3A_335 = vector.broadcast %broadcast_in_dim3A_334 : i32 to vector<16xi32>
      %swap3A_336 = arith.constant 480 : index
      %swap3A_337 = tpu.vector_load %arg19[%swap3A_336] {strides = array<i32>} : memref<768xi32, #tpu.memory_space<vmem>>, vector<16xi32>,
      tpu.vector_store %arg19[%swap3A_336], %broadcast_in_dim3A_335 {strides = array<i32>} : memref<768xi32, #tpu.memory_space<vmem>>, vector<16xi32>,
      %broadcast_in_dim3A_338 = arith.constant -1.000000e+00 : f32
      %broadcast_in_dim3A_339 = vector.broadcast %broadcast_in_dim3A_338 : f32 to vector<16xf32>
      %swap3A_340 = arith.constant 496 : index
      %swap3A_341 = tpu.vector_load %arg18[%swap3A_340] {strides = array<i32>} : memref<768xf32, #tpu.memory_space<vmem>>, vector<16xf32>,
      tpu.vector_store %arg18[%swap3A_340], %broadcast_in_dim3A_339 {strides = array<i32>} : memref<768xf32, #tpu.memory_space<vmem>>, vector<16xf32>,
      %broadcast_in_dim3A_342 = arith.constant 536870912 : i32
      %broadcast_in_dim3A_343 = vector.broadcast %broadcast_in_dim3A_342 : i32 to vector<16xi32>
      %swap3A_344 = arith.constant 496 : index
      %swap3A_345 = tpu.vector_load %arg19[%swap3A_344] {strides = array<i32>} : memref<768xi32, #tpu.memory_space<vmem>>, vector<16xi32>,
      tpu.vector_store %arg19[%swap3A_344], %broadcast_in_dim3A_343 {strides = array<i32>} : memref<768xi32, #tpu.memory_space<vmem>>, vector<16xi32>,
      %broadcast_in_dim3A_346 = arith.constant -1.000000e+00 : f32
      %broadcast_in_dim3A_347 = vector.broadcast %broadcast_in_dim3A_346 : f32 to vector<16xf32>
      %swap3A_348 = arith.constant 512 : index
      %swap3A_349 = tpu.vector_load %arg18[%swap3A_348] {strides = array<i32>} : memref<768xf32, #tpu.memory_space<vmem>>, vector<16xf32>,
      tpu.vector_store %arg18[%swap3A_348], %broadcast_in_dim3A_347 {strides = array<i32>} : memref<768xf32, #tpu.memory_space<vmem>>, vector<16xf32>,
      %broadcast_in_dim3A_350 = arith.constant 536870912 : i32
      %broadcast_in_dim3A_351 = vector.broadcast %broadcast_in_dim3A_350 : i32 to vector<16xi32>
      %swap3A_352 = arith.constant 512 : index
      %swap3A_353 = tpu.vector_load %arg19[%swap3A_352] {strides = array<i32>} : memref<768xi32, #tpu.memory_space<vmem>>, vector<16xi32>,
      tpu.vector_store %arg19[%swap3A_352], %broadcast_in_dim3A_351 {strides = array<i32>} : memref<768xi32, #tpu.memory_space<vmem>>, vector<16xi32>,
      %broadcast_in_dim3A_354 = arith.constant -1.000000e+00 : f32
      %broadcast_in_dim3A_355 = vector.broadcast %broadcast_in_dim3A_354 : f32 to vector<16xf32>
      %swap3A_356 = arith.constant 528 : index
      %swap3A_357 = tpu.vector_load %arg18[%swap3A_356] {strides = array<i32>} : memref<768xf32, #tpu.memory_space<vmem>>, vector<16xf32>,
      tpu.vector_store %arg18[%swap3A_356], %broadcast_in_dim3A_355 {strides = array<i32>} : memref<768xf32, #tpu.memory_space<vmem>>, vector<16xf32>,
      %broadcast_in_dim3A_358 = arith.constant 536870912 : i32
      %broadcast_in_dim3A_359 = vector.broadcast %broadcast_in_dim3A_358 : i32 to vector<16xi32>
      %swap3A_360 = arith.constant 528 : index
      %swap3A_361 = tpu.vector_load %arg19[%swap3A_360] {strides = array<i32>} : memref<768xi32, #tpu.memory_space<vmem>>, vector<16xi32>,
      tpu.vector_store %arg19[%swap3A_360], %broadcast_in_dim3A_359 {strides = array<i32>} : memref<768xi32, #tpu.memory_space<vmem>>, vector<16xi32>,
      %broadcast_in_dim3A_362 = arith.constant -1.000000e+00 : f32
      %broadcast_in_dim3A_363 = vector.broadcast %broadcast_in_dim3A_362 : f32 to vector<16xf32>
      %swap3A_364 = arith.constant 544 : index
      %swap3A_365 = tpu.vector_load %arg18[%swap3A_364] {strides = array<i32>} : memref<768xf32, #tpu.memory_space<vmem>>, vector<16xf32>,
      tpu.vector_store %arg18[%swap3A_364], %broadcast_in_dim3A_363 {strides = array<i32>} : memref<768xf32, #tpu.memory_space<vmem>>, vector<16xf32>,
      %broadcast_in_dim3A_366 = arith.constant 536870912 : i32
      %broadcast_in_dim3A_367 = vector.broadcast %broadcast_in_dim3A_366 : i32 to vector<16xi32>
      %swap3A_368 = arith.constant 544 : index
      %swap3A_369 = tpu.vector_load %arg19[%swap3A_368] {strides = array<i32>} : memref<768xi32, #tpu.memory_space<vmem>>, vector<16xi32>,
      tpu.vector_store %arg19[%swap3A_368], %broadcast_in_dim3A_367 {strides = array<i32>} : memref<768xi32, #tpu.memory_space<vmem>>, vector<16xi32>,
      %broadcast_in_dim3A_370 = arith.constant -1.000000e+00 : f32
      %broadcast_in_dim3A_371 = vector.broadcast %broadcast_in_dim3A_370 : f32 to vector<16xf32>
      %swap3A_372 = arith.constant 560 : index
      %swap3A_373 = tpu.vector_load %arg18[%swap3A_372] {strides = array<i32>} : memref<768xf32, #tpu.memory_space<vmem>>, vector<16xf32>,
      tpu.vector_store %arg18[%swap3A_372], %broadcast_in_dim3A_371 {strides = array<i32>} : memref<768xf32, #tpu.memory_space<vmem>>, vector<16xf32>,
      %broadcast_in_dim3A_374 = arith.constant 536870912 : i32
      %broadcast_in_dim3A_375 = vector.broadcast %broadcast_in_dim3A_374 : i32 to vector<16xi32>
      %swap3A_376 = arith.constant 560 : index
      %swap3A_377 = tpu.vector_load %arg19[%swap3A_376] {strides = array<i32>} : memref<768xi32, #tpu.memory_space<vmem>>, vector<16xi32>,
      tpu.vector_store %arg19[%swap3A_376], %broadcast_in_dim3A_375 {strides = array<i32>} : memref<768xi32, #tpu.memory_space<vmem>>, vector<16xi32>,
      %broadcast_in_dim3A_378 = arith.constant -1.000000e+00 : f32
      %broadcast_in_dim3A_379 = vector.broadcast %broadcast_in_dim3A_378 : f32 to vector<16xf32>
      %swap3A_380 = arith.constant 576 : index
      %swap3A_381 = tpu.vector_load %arg18[%swap3A_380] {strides = array<i32>} : memref<768xf32, #tpu.memory_space<vmem>>, vector<16xf32>,
      tpu.vector_store %arg18[%swap3A_380], %broadcast_in_dim3A_379 {strides = array<i32>} : memref<768xf32, #tpu.memory_space<vmem>>, vector<16xf32>,
      %broadcast_in_dim3A_382 = arith.constant 536870912 : i32
      %broadcast_in_dim3A_383 = vector.broadcast %broadcast_in_dim3A_382 : i32 to vector<16xi32>
      %swap3A_384 = arith.constant 576 : index
      %swap3A_385 = tpu.vector_load %arg19[%swap3A_384] {strides = array<i32>} : memref<768xi32, #tpu.memory_space<vmem>>, vector<16xi32>,
      tpu.vector_store %arg19[%swap3A_384], %broadcast_in_dim3A_383 {strides = array<i32>} : memref<768xi32, #tpu.memory_space<vmem>>, vector<16xi32>,
      %broadcast_in_dim3A_386 = arith.constant -1.000000e+00 : f32
      %broadcast_in_dim3A_387 = vector.broadcast %broadcast_in_dim3A_386 : f32 to vector<16xf32>
      %swap3A_388 = arith.constant 592 : index
      %swap3A_389 = tpu.vector_load %arg18[%swap3A_388] {strides = array<i32>} : memref<768xf32, #tpu.memory_space<vmem>>, vector<16xf32>,
      tpu.vector_store %arg18[%swap3A_388], %broadcast_in_dim3A_387 {strides = array<i32>} : memref<768xf32, #tpu.memory_space<vmem>>, vector<16xf32>,
      %broadcast_in_dim3A_390 = arith.constant 536870912 : i32
      %broadcast_in_dim3A_391 = vector.broadcast %broadcast_in_dim3A_390 : i32 to vector<16xi32>
      %swap3A_392 = arith.constant 592 : index
      %swap3A_393 = tpu.vector_load %arg19[%swap3A_392] {strides = array<i32>} : memref<768xi32, #tpu.memory_space<vmem>>, vector<16xi32>,
      tpu.vector_store %arg19[%swap3A_392], %broadcast_in_dim3A_391 {strides = array<i32>} : memref<768xi32, #tpu.memory_space<vmem>>, vector<16xi32>,
      %broadcast_in_dim3A_394 = arith.constant -1.000000e+00 : f32
      %broadcast_in_dim3A_395 = vector.broadcast %broadcast_in_dim3A_394 : f32 to vector<16xf32>
      %swap3A_396 = arith.constant 608 : index
      %swap3A_397 = tpu.vector_load %arg18[%swap3A_396] {strides = array<i32>} : memref<768xf32, #tpu.memory_space<vmem>>, vector<16xf32>,
      tpu.vector_store %arg18[%swap3A_396], %broadcast_in_dim3A_395 {strides = array<i32>} : memref<768xf32, #tpu.memory_space<vmem>>, vector<16xf32>,
      %broadcast_in_dim3A_398 = arith.constant 536870912 : i32
      %broadcast_in_dim3A_399 = vector.broadcast %broadcast_in_dim3A_398 : i32 to vector<16xi32>
      %swap3A_400 = arith.constant 608 : index
      %swap3A_401 = tpu.vector_load %arg19[%swap3A_400] {strides = array<i32>} : memref<768xi32, #tpu.memory_space<vmem>>, vector<16xi32>,
      tpu.vector_store %arg19[%swap3A_400], %broadcast_in_dim3A_399 {strides = array<i32>} : memref<768xi32, #tpu.memory_space<vmem>>, vector<16xi32>,
      %broadcast_in_dim3A_402 = arith.constant -1.000000e+00 : f32
      %broadcast_in_dim3A_403 = vector.broadcast %broadcast_in_dim3A_402 : f32 to vector<16xf32>
      %swap3A_404 = arith.constant 624 : index
      %swap3A_405 = tpu.vector_load %arg18[%swap3A_404] {strides = array<i32>} : memref<768xf32, #tpu.memory_space<vmem>>, vector<16xf32>,
      tpu.vector_store %arg18[%swap3A_404], %broadcast_in_dim3A_403 {strides = array<i32>} : memref<768xf32, #tpu.memory_space<vmem>>, vector<16xf32>,
      %broadcast_in_dim3A_406 = arith.constant 536870912 : i32
      %broadcast_in_dim3A_407 = vector.broadcast %broadcast_in_dim3A_406 : i32 to vector<16xi32>
      %swap3A_408 = arith.constant 624 : index
      %swap3A_409 = tpu.vector_load %arg19[%swap3A_408] {strides = array<i32>} : memref<768xi32, #tpu.memory_space<vmem>>, vector<16xi32>,
      tpu.vector_store %arg19[%swap3A_408], %broadcast_in_dim3A_407 {strides = array<i32>} : memref<768xi32, #tpu.memory_space<vmem>>, vector<16xi32>,
      %broadcast_in_dim3A_410 = arith.constant -1.000000e+00 : f32
      %broadcast_in_dim3A_411 = vector.broadcast %broadcast_in_dim3A_410 : f32 to vector<16xf32>
      %swap3A_412 = arith.constant 640 : index
      %swap3A_413 = tpu.vector_load %arg18[%swap3A_412] {strides = array<i32>} : memref<768xf32, #tpu.memory_space<vmem>>, vector<16xf32>,
      tpu.vector_store %arg18[%swap3A_412], %broadcast_in_dim3A_411 {strides = array<i32>} : memref<768xf32, #tpu.memory_space<vmem>>, vector<16xf32>,
      %broadcast_in_dim3A_414 = arith.constant 536870912 : i32
      %broadcast_in_dim3A_415 = vector.broadcast %broadcast_in_dim3A_414 : i32 to vector<16xi32>
      %swap3A_416 = arith.constant 640 : index
      %swap3A_417 = tpu.vector_load %arg19[%swap3A_416] {strides = array<i32>} : memref<768xi32, #tpu.memory_space<vmem>>, vector<16xi32>,
      tpu.vector_store %arg19[%swap3A_416], %broadcast_in_dim3A_415 {strides = array<i32>} : memref<768xi32, #tpu.memory_space<vmem>>, vector<16xi32>,
      %broadcast_in_dim3A_418 = arith.constant -1.000000e+00 : f32
      %broadcast_in_dim3A_419 = vector.broadcast %broadcast_in_dim3A_418 : f32 to vector<16xf32>
      %swap3A_420 = arith.constant 656 : index
      %swap3A_421 = tpu.vector_load %arg18[%swap3A_420] {strides = array<i32>} : memref<768xf32, #tpu.memory_space<vmem>>, vector<16xf32>,
      tpu.vector_store %arg18[%swap3A_420], %broadcast_in_dim3A_419 {strides = array<i32>} : memref<768xf32, #tpu.memory_space<vmem>>, vector<16xf32>,
      %broadcast_in_dim3A_422 = arith.constant 536870912 : i32
      %broadcast_in_dim3A_423 = vector.broadcast %broadcast_in_dim3A_422 : i32 to vector<16xi32>
      %swap3A_424 = arith.constant 656 : index
      %swap3A_425 = tpu.vector_load %arg19[%swap3A_424] {strides = array<i32>} : memref<768xi32, #tpu.memory_space<vmem>>, vector<16xi32>,
      tpu.vector_store %arg19[%swap3A_424], %broadcast_in_dim3A_423 {strides = array<i32>} : memref<768xi32, #tpu.memory_space<vmem>>, vector<16xi32>,
      %broadcast_in_dim3A_426 = arith.constant -1.000000e+00 : f32
      %broadcast_in_dim3A_427 = vector.broadcast %broadcast_in_dim3A_426 : f32 to vector<16xf32>
      %swap3A_428 = arith.constant 672 : index
      %swap3A_429 = tpu.vector_load %arg18[%swap3A_428] {strides = array<i32>} : memref<768xf32, #tpu.memory_space<vmem>>, vector<16xf32>,
      tpu.vector_store %arg18[%swap3A_428], %broadcast_in_dim3A_427 {strides = array<i32>} : memref<768xf32, #tpu.memory_space<vmem>>, vector<16xf32>,
      %broadcast_in_dim3A_430 = arith.constant 536870912 : i32
      %broadcast_in_dim3A_431 = vector.broadcast %broadcast_in_dim3A_430 : i32 to vector<16xi32>
      %swap3A_432 = arith.constant 672 : index
      %swap3A_433 = tpu.vector_load %arg19[%swap3A_432] {strides = array<i32>} : memref<768xi32, #tpu.memory_space<vmem>>, vector<16xi32>,
      tpu.vector_store %arg19[%swap3A_432], %broadcast_in_dim3A_431 {strides = array<i32>} : memref<768xi32, #tpu.memory_space<vmem>>, vector<16xi32>,
      %broadcast_in_dim3A_434 = arith.constant -1.000000e+00 : f32
      %broadcast_in_dim3A_435 = vector.broadcast %broadcast_in_dim3A_434 : f32 to vector<16xf32>
      %swap3A_436 = arith.constant 688 : index
      %swap3A_437 = tpu.vector_load %arg18[%swap3A_436] {strides = array<i32>} : memref<768xf32, #tpu.memory_space<vmem>>, vector<16xf32>,
      tpu.vector_store %arg18[%swap3A_436], %broadcast_in_dim3A_435 {strides = array<i32>} : memref<768xf32, #tpu.memory_space<vmem>>, vector<16xf32>,
      %broadcast_in_dim3A_438 = arith.constant 536870912 : i32
      %broadcast_in_dim3A_439 = vector.broadcast %broadcast_in_dim3A_438 : i32 to vector<16xi32>
      %swap3A_440 = arith.constant 688 : index
      %swap3A_441 = tpu.vector_load %arg19[%swap3A_440] {strides = array<i32>} : memref<768xi32, #tpu.memory_space<vmem>>, vector<16xi32>,
      tpu.vector_store %arg19[%swap3A_440], %broadcast_in_dim3A_439 {strides = array<i32>} : memref<768xi32, #tpu.memory_space<vmem>>, vector<16xi32>,
      %broadcast_in_dim3A_442 = arith.constant -1.000000e+00 : f32
      %broadcast_in_dim3A_443 = vector.broadcast %broadcast_in_dim3A_442 : f32 to vector<16xf32>
      %swap3A_444 = arith.constant 704 : index
      %swap3A_445 = tpu.vector_load %arg18[%swap3A_444] {strides = array<i32>} : memref<768xf32, #tpu.memory_space<vmem>>, vector<16xf32>,
      tpu.vector_store %arg18[%swap3A_444], %broadcast_in_dim3A_443 {strides = array<i32>} : memref<768xf32, #tpu.memory_space<vmem>>, vector<16xf32>,
      %broadcast_in_dim3A_446 = arith.constant 536870912 : i32
      %broadcast_in_dim3A_447 = vector.broadcast %broadcast_in_dim3A_446 : i32 to vector<16xi32>
      %swap3A_448 = arith.constant 704 : index
      %swap3A_449 = tpu.vector_load %arg19[%swap3A_448] {strides = array<i32>} : memref<768xi32, #tpu.memory_space<vmem>>, vector<16xi32>,
      tpu.vector_store %arg19[%swap3A_448], %broadcast_in_dim3A_447 {strides = array<i32>} : memref<768xi32, #tpu.memory_space<vmem>>, vector<16xi32>,
      %broadcast_in_dim3A_450 = arith.constant -1.000000e+00 : f32
      %broadcast_in_dim3A_451 = vector.broadcast %broadcast_in_dim3A_450 : f32 to vector<16xf32>
      %swap3A_452 = arith.constant 720 : index
      %swap3A_453 = tpu.vector_load %arg18[%swap3A_452] {strides = array<i32>} : memref<768xf32, #tpu.memory_space<vmem>>, vector<16xf32>,
      tpu.vector_store %arg18[%swap3A_452], %broadcast_in_dim3A_451 {strides = array<i32>} : memref<768xf32, #tpu.memory_space<vmem>>, vector<16xf32>,
      %broadcast_in_dim3A_454 = arith.constant 536870912 : i32
      %broadcast_in_dim3A_455 = vector.broadcast %broadcast_in_dim3A_454 : i32 to vector<16xi32>
      %swap3A_456 = arith.constant 720 : index
      %swap3A_457 = tpu.vector_load %arg19[%swap3A_456] {strides = array<i32>} : memref<768xi32, #tpu.memory_space<vmem>>, vector<16xi32>,
      tpu.vector_store %arg19[%swap3A_456], %broadcast_in_dim3A_455 {strides = array<i32>} : memref<768xi32, #tpu.memory_space<vmem>>, vector<16xi32>,
      %broadcast_in_dim3A_458 = arith.constant -1.000000e+00 : f32
      %broadcast_in_dim3A_459 = vector.broadcast %broadcast_in_dim3A_458 : f32 to vector<16xf32>
      %swap3A_460 = arith.constant 736 : index
      %swap3A_461 = tpu.vector_load %arg18[%swap3A_460] {strides = array<i32>} : memref<768xf32, #tpu.memory_space<vmem>>, vector<16xf32>,
      tpu.vector_store %arg18[%swap3A_460], %broadcast_in_dim3A_459 {strides = array<i32>} : memref<768xf32, #tpu.memory_space<vmem>>, vector<16xf32>,
      %broadcast_in_dim3A_462 = arith.constant 536870912 : i32
      %broadcast_in_dim3A_463 = vector.broadcast %broadcast_in_dim3A_462 : i32 to vector<16xi32>
      %swap3A_464 = arith.constant 736 : index
      %swap3A_465 = tpu.vector_load %arg19[%swap3A_464] {strides = array<i32>} : memref<768xi32, #tpu.memory_space<vmem>>, vector<16xi32>,
      tpu.vector_store %arg19[%swap3A_464], %broadcast_in_dim3A_463 {strides = array<i32>} : memref<768xi32, #tpu.memory_space<vmem>>, vector<16xi32>,
      %broadcast_in_dim3A_466 = arith.constant -1.000000e+00 : f32
      %broadcast_in_dim3A_467 = vector.broadcast %broadcast_in_dim3A_466 : f32 to vector<16xf32>
      %swap3A_468 = arith.constant 752 : index
      %swap3A_469 = tpu.vector_load %arg18[%swap3A_468] {strides = array<i32>} : memref<768xf32, #tpu.memory_space<vmem>>, vector<16xf32>,
      tpu.vector_store %arg18[%swap3A_468], %broadcast_in_dim3A_467 {strides = array<i32>} : memref<768xf32, #tpu.memory_space<vmem>>, vector<16xf32>,
      %broadcast_in_dim3A_470 = arith.constant 536870912 : i32
      %broadcast_in_dim3A_471 = vector.broadcast %broadcast_in_dim3A_470 : i32 to vector<16xi32>
      %swap3A_472 = arith.constant 752 : index
      %swap3A_473 = tpu.vector_load %arg19[%swap3A_472] {strides = array<i32>} : memref<768xi32, #tpu.memory_space<vmem>>, vector<16xi32>,
      tpu.vector_store %arg19[%swap3A_472], %broadcast_in_dim3A_471 {strides = array<i32>} : memref<768xi32, #tpu.memory_space<vmem>>, vector<16xi32>,
      %scan3A_474 = arith.constant 0 : i32
      %scan3A_475 = arith.constant 0 : i32
      %scan3A_476 = arith.constant 128 : i32
      %scan3A_477 = arith.addi %scan3A_475, %scan3A_476 : i32
      %scan3A_478 = arith.constant 1 : i32
      %scan3A_479 = scf.for %scan3A_481 = %scan3A_475 to %scan3A_477 step %scan3A_478 iter_args(%scan3A_482 = %scan3A_474) -> (i32)  : i32 {
        %jit3A = arith.constant 8 : i32
        %div3A = arith.divsi %scan3A_481, %jit3A : i32
        %sign3A = arith.constant 0 : i32
        %sign3A_483 = arith.cmpi sgt, %scan3A_481, %sign3A : i32
        %sign3A_484 = arith.extui %sign3A_483 : i1 to i32
        %sign3A_485 = arith.constant 0 : i32
        %sign3A_486 = arith.cmpi slt, %scan3A_481, %sign3A_485 : i32
        %sign3A_487 = arith.extui %sign3A_486 : i1 to i32
        %sign3A_488 = arith.subi %sign3A_484, %sign3A_487 : i32
        %sign3A_489 = arith.constant 0 : i32
        %sign3A_490 = arith.cmpi sgt, %jit3A, %sign3A_489 : i32
        %sign3A_491 = arith.extui %sign3A_490 : i1 to i32
        %sign3A_492 = arith.constant 0 : i32
        %sign3A_493 = arith.cmpi slt, %jit3A, %sign3A_492 : i32
        %sign3A_494 = arith.extui %sign3A_493 : i1 to i32
        %sign3A_495 = arith.subi %sign3A_491, %sign3A_494 : i32
        %ne3A = arith.cmpi ne, %sign3A_488, %sign3A_495 : i32
        %rem3A = arith.remsi %scan3A_481, %jit3A : i32
        %ne3A_496 = arith.constant 0 : i32
        %ne3A_497 = arith.cmpi ne, %rem3A, %ne3A_496 : i32
        %and3A = arith.andi %ne3A, %ne3A_497 : i1
        %sub3A = arith.constant 1 : i32
        %sub3A_498 = arith.subi %div3A, %sub3A : i32
        %select_n3A = arith.select %and3A, %sub3A_498, %div3A : i32
        %jit3A_499 = arith.constant 8 : i32
        %eq3A_500 = arith.constant 0 : i32
        %eq3A_501 = arith.cmpi eq, %jit3A_499, %eq3A_500 : i32
        %jit3A_502 = arith.constant 1 : i32
        %select_n3A_503 = arith.select %eq3A_501, %jit3A_502, %jit3A_499 : i32
        %rem3A_504 = arith.remsi %scan3A_481, %select_n3A_503 : i32
        %ne3A_505 = arith.constant 0 : i32
        %ne3A_506 = arith.cmpi ne, %rem3A_504, %ne3A_505 : i32
        %lt3A = arith.constant 0 : i32
        %lt3A_507 = arith.cmpi slt, %rem3A_504, %lt3A : i32
        %lt3A_508 = arith.constant 0 : i32
        %lt3A_509 = arith.cmpi slt, %select_n3A_503, %lt3A_508 : i32
        %ne3A_510 = arith.xori %lt3A_507, %lt3A_509 : i1
        %and3A_511 = arith.andi %ne3A_510, %ne3A_506 : i1
        %add3A_512 = arith.addi %rem3A_504, %select_n3A_503 : i32
        %select_n3A_513 = arith.select %and3A_511, %add3A_512, %rem3A_504 : i32
        %mul3A_514 = arith.constant 16 : i32
        %mul3A_515 = arith.muli %select_n3A_513, %mul3A_514 : i32
        %get3A_516 = arith.index_cast %select_n3A : i32 to index
        %get3A_517 = arith.index_cast %mul3A_515 : i32 to index
        %get3A_518 = tpu.vector_load %arg16[%get3A_516, %get3A_517] {strides = array<i32>} : memref<16x128xf32, #tpu.memory_space<vmem>>, vector<16xf32>,
        %gt3A = arith.constant 0.000000e+00 : f32
        %gt3A_519 = vector.broadcast %gt3A : f32 to vector<16xf32>
        %gt3A_520 = arith.cmpf ogt, %get3A_518, %gt3A_519 : vector<16xf32>
        %all_reduce_population_count3A = tpu.all_reduce %gt3A_520 {dim = 0 : i64, kind = #tpu.reduction_kind<sum>} : vector<16xi1> -> vector<16xi32>
        %slice3A = vector.extract_strided_slice %all_reduce_population_count3A {offsets = [0], sizes = [1], strides = [1]} : vector<16xi32> to vector<1xi32>
        %squeeze3A = vector.extract %slice3A[0] : i32 from vector<1xi32>
        %gt3A_521 = arith.constant 0 : i32
        %gt3A_522 = arith.cmpi sgt, %squeeze3A, %gt3A_521 : i32
        %convert_element_type3A_523 = arith.extui %gt3A_522 : i1 to i32
        %cond3A_524 = arith.constant 0 : i32
        %cond3A_525 = arith.cmpi ne, %convert_element_type3A_523, %cond3A_524 : i32
        %cond3A_526 = scf.if %cond3A_525 -> (i32) {
          %min3A = arith.constant 752 : i32
          %min3A_527 = arith.minsi %scan3A_482, %min3A : i32
          %swap3A_528 = arith.index_cast %min3A_527 : i32 to index
          %swap3A_529 = tpu.vector_load %arg18[%swap3A_528] masked %gt3A_520 {strides = array<i32>} : memref<768xf32, #tpu.memory_space<vmem>>, vector<16xf32>, vector<16xi1>
          tpu.vector_store %arg18[%swap3A_528], %get3A_518 masked %gt3A_520 {strides = array<i32>} : memref<768xf32, #tpu.memory_space<vmem>>, vector<16xf32>, vector<16xi1>
          %mul3A_530 = arith.constant 16 : i32
          %mul3A_531 = arith.muli %select_n3A_513, %mul3A_530 : i32
          %get3A_532 = arith.index_cast %select_n3A : i32 to index
          %get3A_533 = arith.index_cast %mul3A_531 : i32 to index
          %get3A_534 = tpu.vector_load %arg17[%get3A_532, %get3A_533] {strides = array<i32>} : memref<16x128xi32, #tpu.memory_space<vmem>>, vector<16xi32>,
          %swap3A_535 = arith.index_cast %min3A_527 : i32 to index
          %swap3A_536 = tpu.vector_load %arg19[%swap3A_535] masked %gt3A_520 {strides = array<i32>} : memref<768xi32, #tpu.memory_space<vmem>>, vector<16xi32>, vector<16xi1>
          tpu.vector_store %arg19[%swap3A_535], %get3A_534 masked %gt3A_520 {strides = array<i32>} : memref<768xi32, #tpu.memory_space<vmem>>, vector<16xi32>, vector<16xi1>
          %add3A_537 = arith.addi %scan3A_482, %squeeze3A : i32
          scf.yield %add3A_537 : i32
        } else {
          scf.yield %scan3A_482 : i32
        }
        scf.yield %cond3A_526 : i32
      }
      %scan3A_480 = arith.constant 128 : i32
      "tpu.region"() ({
        %run_scoped3A = tpu.sem_alloc : memref<!tpu.dma_semaphore, #tpu.memory_space<semaphore_mem>>
        %dma_start3A = arith.constant 0 : i32
        %dma_start3A_481 = tpu.memref_slice %arg7[%arg0, %dma_start3A] : memref<2x768xf32, #tpu.memory_space<hbm>> -> memref<1x768xf32, #tpu.memory_space<hbm>>
        %dma_start3A_482 = tpu.memref_squeeze %dma_start3A_481 : memref<1x768xf32, #tpu.memory_space<hbm>> -> memref<768xf32, #tpu.memory_space<hbm>>
        %dma_start3A_483 = arith.constant 0 : i32
        %dma_start3A_484 = tpu.memref_slice %arg7[%arg0, %dma_start3A_483] : memref<2x768xf32, #tpu.memory_space<hbm>> -> memref<1x768xf32, #tpu.memory_space<hbm>>
        %dma_start3A_485 = tpu.memref_squeeze %dma_start3A_484 : memref<1x768xf32, #tpu.memory_space<hbm>> -> memref<768xf32, #tpu.memory_space<hbm>>
        tpu.enqueue_dma source(%arg18 : memref<768xf32, #tpu.memory_space<vmem>>) target(%dma_start3A_485 : memref<768xf32, #tpu.memory_space<hbm>>) target_semaphore(%run_scoped3A : memref<!tpu.dma_semaphore, #tpu.memory_space<semaphore_mem>>)
        %dma_wait3A = arith.constant 0 : i32
        %dma_wait3A_486 = tpu.memref_slice %arg7[%arg0, %dma_wait3A] : memref<2x768xf32, #tpu.memory_space<hbm>> -> memref<1x768xf32, #tpu.memory_space<hbm>>
        %dma_wait3A_487 = tpu.memref_squeeze %dma_wait3A_486 : memref<1x768xf32, #tpu.memory_space<hbm>> -> memref<768xf32, #tpu.memory_space<hbm>>
        %dma_wait3A_488 = arith.constant 0 : i32
        %dma_wait3A_489 = tpu.memref_slice %arg7[%arg0, %dma_wait3A_488] : memref<2x768xf32, #tpu.memory_space<hbm>> -> memref<1x768xf32, #tpu.memory_space<hbm>>
        %dma_wait3A_490 = tpu.memref_squeeze %dma_wait3A_489 : memref<1x768xf32, #tpu.memory_space<hbm>> -> memref<768xf32, #tpu.memory_space<hbm>>
        tpu.wait_dma2 semaphore(%run_scoped3A : memref<!tpu.dma_semaphore, #tpu.memory_space<semaphore_mem>>) src(%arg18 : memref<768xf32, #tpu.memory_space<vmem>>) dst(%dma_wait3A_490 : memref<768xf32, #tpu.memory_space<hbm>>)
        tpu.yield
      }) : () -> ()
      "tpu.region"() ({
        %run_scoped3A = tpu.sem_alloc : memref<!tpu.dma_semaphore, #tpu.memory_space<semaphore_mem>>
        %dma_start3A = arith.constant 0 : i32
        %dma_start3A_481 = tpu.memref_slice %arg8[%arg0, %dma_start3A] : memref<2x768xi32, #tpu.memory_space<hbm>> -> memref<1x768xi32, #tpu.memory_space<hbm>>
        %dma_start3A_482 = tpu.memref_squeeze %dma_start3A_481 : memref<1x768xi32, #tpu.memory_space<hbm>> -> memref<768xi32, #tpu.memory_space<hbm>>
        %dma_start3A_483 = arith.constant 0 : i32
        %dma_start3A_484 = tpu.memref_slice %arg8[%arg0, %dma_start3A_483] : memref<2x768xi32, #tpu.memory_space<hbm>> -> memref<1x768xi32, #tpu.memory_space<hbm>>
        %dma_start3A_485 = tpu.memref_squeeze %dma_start3A_484 : memref<1x768xi32, #tpu.memory_space<hbm>> -> memref<768xi32, #tpu.memory_space<hbm>>
        tpu.enqueue_dma source(%arg19 : memref<768xi32, #tpu.memory_space<vmem>>) target(%dma_start3A_485 : memref<768xi32, #tpu.memory_space<hbm>>) target_semaphore(%run_scoped3A : memref<!tpu.dma_semaphore, #tpu.memory_space<semaphore_mem>>)
        %dma_wait3A = arith.constant 0 : i32
        %dma_wait3A_486 = tpu.memref_slice %arg8[%arg0, %dma_wait3A] : memref<2x768xi32, #tpu.memory_space<hbm>> -> memref<1x768xi32, #tpu.memory_space<hbm>>
        %dma_wait3A_487 = tpu.memref_squeeze %dma_wait3A_486 : memref<1x768xi32, #tpu.memory_space<hbm>> -> memref<768xi32, #tpu.memory_space<hbm>>
        %dma_wait3A_488 = arith.constant 0 : i32
        %dma_wait3A_489 = tpu.memref_slice %arg8[%arg0, %dma_wait3A_488] : memref<2x768xi32, #tpu.memory_space<hbm>> -> memref<1x768xi32, #tpu.memory_space<hbm>>
        %dma_wait3A_490 = tpu.memref_squeeze %dma_wait3A_489 : memref<1x768xi32, #tpu.memory_space<hbm>> -> memref<768xi32, #tpu.memory_space<hbm>>
        tpu.wait_dma2 semaphore(%run_scoped3A : memref<!tpu.dma_semaphore, #tpu.memory_space<semaphore_mem>>) src(%arg19 : memref<768xi32, #tpu.memory_space<vmem>>) dst(%dma_wait3A_490 : memref<768xi32, #tpu.memory_space<hbm>>)
        tpu.yield
      }) : () -> ()
    } else {
    }
    return
  }
}

module attributes {stable_mosaic.version = 14 : i64} {
  func.func @_k1_body(%arg0: memref<512x512xf32, #tpu.memory_space<vmem>>, %arg1: memref<512x512xbf16, #tpu.memory_space<vmem>>, %arg2: memref<512x512xbf16, #tpu.memory_space<vmem>>, %arg3: memref<512x512xbf16, #tpu.memory_space<vmem>>, %arg4: memref<512x512xbf16, #tpu.memory_space<vmem>>, %arg5: memref<512x512xbf16, #tpu.memory_space<vmem>>, %arg6: memref<256x256xbf16, #tpu.memory_space<vmem>>, %arg7: memref<256x256xbf16, #tpu.memory_space<vmem>>, %arg8: memref<256x256xbf16, #tpu.memory_space<vmem>>, %arg9: memref<256x256xbf16, #tpu.memory_space<vmem>>, %arg10: memref<128x128xbf16, #tpu.memory_space<vmem>>, %arg11: memref<128x128xbf16, #tpu.memory_space<vmem>>, %arg12: memref<128x128xbf16, #tpu.memory_space<vmem>>, %arg13: memref<128x128xbf16, #tpu.memory_space<vmem>>, %arg14: memref<256x512xbf16, #tpu.memory_space<vmem>>, %arg15: memref<512x256xbf16, #tpu.memory_space<vmem>>, %arg16: memref<128x256xbf16, #tpu.memory_space<vmem>>, %arg17: memref<256x128xbf16, #tpu.memory_space<vmem>>, %arg18: memref<3x512x512xf32, #tpu.memory_space<vmem>>, %arg19: memref<3x256x256xf32, #tpu.memory_space<vmem>>, %arg20: memref<3x128x128xf32, #tpu.memory_space<vmem>>, %arg21: memref<8x128xf32, #tpu.memory_space<vmem>>, %arg22: memref<2688x1xi32, #tpu.memory_space<vmem>>) attributes {dimension_semantics = [], scalar_prefetch = 0 : i64, scratch_operands = 0 : i64, tpu.core_type = #tpu.core_type<tc>} {
    %get3A = arith.constant 0 : index
    %get3A_0 = arith.constant 0 : index
    %get3A_1 = vector.load %arg0[%get3A, %get3A_0] : memref<512x512xf32, #tpu.memory_space<vmem>>, vector<512x512xf32>
    %convert_element_type3A = arith.truncf %get3A_1 : vector<512x512xf32> to vector<512x512xbf16>
    %get3A_2 = arith.constant 0 : index
    %get3A_3 = arith.constant 0 : index
    %get3A_4 = vector.load %arg1[%get3A_2, %get3A_3] : memref<512x512xbf16, #tpu.memory_space<vmem>>, vector<512x512xbf16>
    %get3A_5 = arith.constant 0 : index
    %get3A_6 = arith.constant 0 : index
    %get3A_7 = vector.load %arg2[%get3A_5, %get3A_6] : memref<512x512xbf16, #tpu.memory_space<vmem>>, vector<512x512xbf16>
    %get3A_8 = arith.constant 0 : index
    %get3A_9 = arith.constant 0 : index
    %get3A_10 = vector.load %arg3[%get3A_8, %get3A_9] : memref<512x512xbf16, #tpu.memory_space<vmem>>, vector<512x512xbf16>
    %get3A_11 = arith.constant 0 : index
    %get3A_12 = arith.constant 0 : index
    %get3A_13 = vector.load %arg4[%get3A_11, %get3A_12] : memref<512x512xbf16, #tpu.memory_space<vmem>>, vector<512x512xbf16>
    %get3A_14 = arith.constant 0 : index
    %get3A_15 = arith.constant 0 : index
    %get3A_16 = vector.load %arg5[%get3A_14, %get3A_15] : memref<512x512xbf16, #tpu.memory_space<vmem>>, vector<512x512xbf16>
    %get3A_17 = arith.constant 0 : index
    %get3A_18 = arith.constant 0 : index
    %get3A_19 = vector.load %arg6[%get3A_17, %get3A_18] : memref<256x256xbf16, #tpu.memory_space<vmem>>, vector<256x256xbf16>
    %get3A_20 = arith.constant 0 : index
    %get3A_21 = arith.constant 0 : index
    %get3A_22 = vector.load %arg7[%get3A_20, %get3A_21] : memref<256x256xbf16, #tpu.memory_space<vmem>>, vector<256x256xbf16>
    %get3A_23 = arith.constant 0 : index
    %get3A_24 = arith.constant 0 : index
    %get3A_25 = vector.load %arg8[%get3A_23, %get3A_24] : memref<256x256xbf16, #tpu.memory_space<vmem>>, vector<256x256xbf16>
    %get3A_26 = arith.constant 0 : index
    %get3A_27 = arith.constant 0 : index
    %get3A_28 = vector.load %arg9[%get3A_26, %get3A_27] : memref<256x256xbf16, #tpu.memory_space<vmem>>, vector<256x256xbf16>
    %get3A_29 = arith.constant 0 : index
    %get3A_30 = arith.constant 0 : index
    %get3A_31 = vector.load %arg10[%get3A_29, %get3A_30] : memref<128x128xbf16, #tpu.memory_space<vmem>>, vector<128x128xbf16>
    %get3A_32 = arith.constant 0 : index
    %get3A_33 = arith.constant 0 : index
    %get3A_34 = vector.load %arg11[%get3A_32, %get3A_33] : memref<128x128xbf16, #tpu.memory_space<vmem>>, vector<128x128xbf16>
    %get3A_35 = arith.constant 0 : index
    %get3A_36 = arith.constant 0 : index
    %get3A_37 = vector.load %arg12[%get3A_35, %get3A_36] : memref<128x128xbf16, #tpu.memory_space<vmem>>, vector<128x128xbf16>
    %get3A_38 = arith.constant 0 : index
    %get3A_39 = arith.constant 0 : index
    %get3A_40 = vector.load %arg13[%get3A_38, %get3A_39] : memref<128x128xbf16, #tpu.memory_space<vmem>>, vector<128x128xbf16>
    %get3A_41 = arith.constant 0 : index
    %get3A_42 = arith.constant 0 : index
    %get3A_43 = vector.load %arg14[%get3A_41, %get3A_42] : memref<256x512xbf16, #tpu.memory_space<vmem>>, vector<256x512xbf16>
    %get3A_44 = arith.constant 0 : index
    %get3A_45 = arith.constant 0 : index
    %get3A_46 = vector.load %arg15[%get3A_44, %get3A_45] : memref<512x256xbf16, #tpu.memory_space<vmem>>, vector<512x256xbf16>
    %get3A_47 = arith.constant 0 : index
    %get3A_48 = arith.constant 0 : index
    %get3A_49 = vector.load %arg16[%get3A_47, %get3A_48] : memref<128x256xbf16, #tpu.memory_space<vmem>>, vector<128x256xbf16>
    %get3A_50 = arith.constant 0 : index
    %get3A_51 = arith.constant 0 : index
    %get3A_52 = vector.load %arg17[%get3A_50, %get3A_51] : memref<256x128xbf16, #tpu.memory_space<vmem>>, vector<256x128xbf16>
    %dot_general3A = arith.constant dense<0.000000e+00> : vector<512x512xf32>
    %dot_general3A_53 = tpu.matmul %get3A_4, %convert_element_type3A, %dot_general3A {dimension_numbers = #tpu.dot_dimension_numbers<[1], [0], [0], [1], [0, 0, 1, 1], [], []>, transpose_lhs_hint = false} : vector<512x512xbf16>, vector<512x512xbf16>, vector<512x512xf32> -> vector<512x512xf32>
    %convert_element_type3A_54 = arith.truncf %dot_general3A_53 : vector<512x512xf32> to vector<512x512xbf16>
    %dot_general3A_55 = arith.constant dense<0.000000e+00> : vector<512x512xf32>
    %dot_general3A_56 = tpu.matmul %convert_element_type3A_54, %get3A_4, %dot_general3A_55 {dimension_numbers = #tpu.dot_dimension_numbers<[1], [0], [0], [1], [0, 0, 1, 1], [], []>, transpose_lhs_hint = false} : vector<512x512xbf16>, vector<512x512xbf16>, vector<512x512xf32> -> vector<512x512xf32>
    %convert_element_type3A_57 = arith.truncf %dot_general3A_56 : vector<512x512xf32> to vector<512x512xbf16>
    %dot_general3A_58 = arith.constant dense<0.000000e+00> : vector<512x512xf32>
    %dot_general3A_59 = tpu.matmul %get3A_7, %convert_element_type3A_57, %dot_general3A_58 {dimension_numbers = #tpu.dot_dimension_numbers<[1], [0], [0], [1], [0, 0, 1, 1], [], []>, transpose_lhs_hint = false} : vector<512x512xbf16>, vector<512x512xbf16>, vector<512x512xf32> -> vector<512x512xf32>
    %convert_element_type3A_60 = arith.truncf %dot_general3A_59 : vector<512x512xf32> to vector<512x512xbf16>
    %dot_general3A_61 = arith.constant dense<0.000000e+00> : vector<512x512xf32>
    %dot_general3A_62 = tpu.matmul %convert_element_type3A_60, %get3A_7, %dot_general3A_61 {dimension_numbers = #tpu.dot_dimension_numbers<[1], [0], [0], [1], [0, 0, 1, 1], [], []>, transpose_lhs_hint = false} : vector<512x512xbf16>, vector<512x512xbf16>, vector<512x512xf32> -> vector<512x512xf32>
    %convert_element_type3A_63 = arith.truncf %dot_general3A_62 : vector<512x512xf32> to vector<512x512xbf16>
    %dot_general3A_64 = arith.constant dense<0.000000e+00> : vector<512x512xf32>
    %dot_general3A_65 = tpu.matmul %get3A_10, %convert_element_type3A_63, %dot_general3A_64 {dimension_numbers = #tpu.dot_dimension_numbers<[1], [0], [0], [1], [0, 0, 1, 1], [], []>, transpose_lhs_hint = false} : vector<512x512xbf16>, vector<512x512xbf16>, vector<512x512xf32> -> vector<512x512xf32>
    %convert_element_type3A_66 = arith.truncf %dot_general3A_65 : vector<512x512xf32> to vector<512x512xbf16>
    %dot_general3A_67 = arith.constant dense<0.000000e+00> : vector<512x512xf32>
    %dot_general3A_68 = tpu.matmul %convert_element_type3A_66, %get3A_10, %dot_general3A_67 {dimension_numbers = #tpu.dot_dimension_numbers<[1], [0], [0], [1], [0, 0, 1, 1], [], []>, transpose_lhs_hint = false} : vector<512x512xbf16>, vector<512x512xbf16>, vector<512x512xf32> -> vector<512x512xf32>
    %convert_element_type3A_69 = arith.truncf %dot_general3A_68 : vector<512x512xf32> to vector<512x512xbf16>
    %dot_general3A_70 = arith.constant dense<0.000000e+00> : vector<512x512xf32>
    %dot_general3A_71 = tpu.matmul %get3A_13, %convert_element_type3A_69, %dot_general3A_70 {dimension_numbers = #tpu.dot_dimension_numbers<[1], [0], [0], [1], [0, 0, 1, 1], [], []>, transpose_lhs_hint = false} : vector<512x512xbf16>, vector<512x512xbf16>, vector<512x512xf32> -> vector<512x512xf32>
    %convert_element_type3A_72 = arith.truncf %dot_general3A_71 : vector<512x512xf32> to vector<512x512xbf16>
    %dot_general3A_73 = arith.constant dense<0.000000e+00> : vector<512x512xf32>
    %dot_general3A_74 = tpu.matmul %convert_element_type3A_72, %get3A_13, %dot_general3A_73 {dimension_numbers = #tpu.dot_dimension_numbers<[1], [0], [0], [1], [0, 0, 1, 1], [], []>, transpose_lhs_hint = false} : vector<512x512xbf16>, vector<512x512xbf16>, vector<512x512xf32> -> vector<512x512xf32>
    %convert_element_type3A_75 = arith.truncf %dot_general3A_74 : vector<512x512xf32> to vector<512x512xbf16>
    %dot_general3A_76 = arith.constant dense<0.000000e+00> : vector<512x512xf32>
    %dot_general3A_77 = tpu.matmul %get3A_16, %convert_element_type3A_75, %dot_general3A_76 {dimension_numbers = #tpu.dot_dimension_numbers<[1], [0], [0], [1], [0, 0, 1, 1], [], []>, transpose_lhs_hint = false} : vector<512x512xbf16>, vector<512x512xbf16>, vector<512x512xf32> -> vector<512x512xf32>
    %convert_element_type3A_78 = arith.truncf %dot_general3A_77 : vector<512x512xf32> to vector<512x512xbf16>
    %dot_general3A_79 = arith.constant dense<0.000000e+00> : vector<512x512xf32>
    %dot_general3A_80 = tpu.matmul %convert_element_type3A_78, %get3A_16, %dot_general3A_79 {dimension_numbers = #tpu.dot_dimension_numbers<[1], [0], [0], [1], [0, 0, 1, 1], [], []>, transpose_lhs_hint = false} : vector<512x512xbf16>, vector<512x512xbf16>, vector<512x512xf32> -> vector<512x512xf32>
    %convert_element_type3A_81 = arith.truncf %dot_general3A_80 : vector<512x512xf32> to vector<512x512xbf16>
    %convert_element_type3A_82 = arith.extf %convert_element_type3A_57 : vector<512x512xbf16> to vector<512x512xf32>
    %broadcast_in_dim3A = arith.constant 0.000000e+00 : f32
    %broadcast_in_dim3A_83 = vector.broadcast %broadcast_in_dim3A : f32 to vector<512x1xf32>
    %slice3A = vector.extract_strided_slice %convert_element_type3A_82 {offsets = [0, 1], sizes = [512, 511], strides = [1, 1]} : vector<512x512xf32> to vector<512x511xf32>
    %concatenate3A = tpu.concatenate %slice3A, %broadcast_in_dim3A_83 in 1 : vector<512x511xf32>, vector<512x1xf32> -> vector<512x512xf32>
    %broadcast_in_dim3A_84 = arith.constant 0.000000e+00 : f32
    %broadcast_in_dim3A_85 = vector.broadcast %broadcast_in_dim3A_84 : f32 to vector<512x1xf32>
    %slice3A_86 = vector.extract_strided_slice %convert_element_type3A_82 {offsets = [0, 0], sizes = [512, 511], strides = [1, 1]} : vector<512x512xf32> to vector<512x511xf32>
    %concatenate3A_87 = tpu.concatenate %broadcast_in_dim3A_85, %slice3A_86 in 1 : vector<512x1xf32>, vector<512x511xf32> -> vector<512x512xf32>
    %broadcast_in_dim3A_88 = arith.constant 0.000000e+00 : f32
    %broadcast_in_dim3A_89 = vector.broadcast %broadcast_in_dim3A_88 : f32 to vector<1x512xf32>
    %slice3A_90 = vector.extract_strided_slice %convert_element_type3A_82 {offsets = [1, 0], sizes = [511, 512], strides = [1, 1]} : vector<512x512xf32> to vector<511x512xf32>
    %concatenate3A_91 = tpu.concatenate %slice3A_90, %broadcast_in_dim3A_89 in 0 : vector<511x512xf32>, vector<1x512xf32> -> vector<512x512xf32>
    %broadcast_in_dim3A_92 = arith.constant 0.000000e+00 : f32
    %broadcast_in_dim3A_93 = vector.broadcast %broadcast_in_dim3A_92 : f32 to vector<1x512xf32>
    %slice3A_94 = vector.extract_strided_slice %convert_element_type3A_82 {offsets = [0, 0], sizes = [511, 512], strides = [1, 1]} : vector<512x512xf32> to vector<511x512xf32>
    %concatenate3A_95 = tpu.concatenate %broadcast_in_dim3A_93, %slice3A_94 in 0 : vector<1x512xf32>, vector<511x512xf32> -> vector<512x512xf32>
    %add3A = arith.addf %concatenate3A_87, %concatenate3A : vector<512x512xf32>
    %mul3A = arith.constant 2.000000e+00 : f32
    %mul3A_96 = vector.broadcast %mul3A : f32 to vector<512x512xf32>
    %mul3A_97 = arith.mulf %mul3A_96, %convert_element_type3A_82 : vector<512x512xf32>
    %sub3A = arith.subf %add3A, %mul3A_97 : vector<512x512xf32>
    %add3A_98 = arith.addf %concatenate3A_95, %concatenate3A_91 : vector<512x512xf32>
    %mul3A_99 = arith.constant 2.000000e+00 : f32
    %mul3A_100 = vector.broadcast %mul3A_99 : f32 to vector<512x512xf32>
    %mul3A_101 = arith.mulf %mul3A_100, %convert_element_type3A_82 : vector<512x512xf32>
    %sub3A_102 = arith.subf %add3A_98, %mul3A_101 : vector<512x512xf32>
    %broadcast_in_dim3A_103 = arith.constant 0.000000e+00 : f32
    %broadcast_in_dim3A_104 = vector.broadcast %broadcast_in_dim3A_103 : f32 to vector<512x1xf32>
    %slice3A_105 = vector.extract_strided_slice %convert_element_type3A_82 {offsets = [0, 0], sizes = [512, 511], strides = [1, 1]} : vector<512x512xf32> to vector<512x511xf32>
    %concatenate3A_106 = tpu.concatenate %broadcast_in_dim3A_104, %slice3A_105 in 1 : vector<512x1xf32>, vector<512x511xf32> -> vector<512x512xf32>
    %broadcast_in_dim3A_107 = arith.constant 0.000000e+00 : f32
    %broadcast_in_dim3A_108 = vector.broadcast %broadcast_in_dim3A_107 : f32 to vector<512x1xf32>
    %slice3A_109 = vector.extract_strided_slice %convert_element_type3A_82 {offsets = [0, 1], sizes = [512, 511], strides = [1, 1]} : vector<512x512xf32> to vector<512x511xf32>
    %concatenate3A_110 = tpu.concatenate %slice3A_109, %broadcast_in_dim3A_108 in 1 : vector<512x511xf32>, vector<512x1xf32> -> vector<512x512xf32>
    %sub3A_111 = arith.subf %concatenate3A_106, %concatenate3A_110 : vector<512x512xf32>
    %broadcast_in_dim3A_112 = arith.constant 0.000000e+00 : f32
    %broadcast_in_dim3A_113 = vector.broadcast %broadcast_in_dim3A_112 : f32 to vector<1x512xf32>
    %slice3A_114 = vector.extract_strided_slice %sub3A_111 {offsets = [0, 0], sizes = [511, 512], strides = [1, 1]} : vector<512x512xf32> to vector<511x512xf32>
    %concatenate3A_115 = tpu.concatenate %broadcast_in_dim3A_113, %slice3A_114 in 0 : vector<1x512xf32>, vector<511x512xf32> -> vector<512x512xf32>
    %broadcast_in_dim3A_116 = arith.constant 0.000000e+00 : f32
    %broadcast_in_dim3A_117 = vector.broadcast %broadcast_in_dim3A_116 : f32 to vector<1x512xf32>
    %slice3A_118 = vector.extract_strided_slice %sub3A_111 {offsets = [1, 0], sizes = [511, 512], strides = [1, 1]} : vector<512x512xf32> to vector<511x512xf32>
    %concatenate3A_119 = tpu.concatenate %slice3A_118, %broadcast_in_dim3A_117 in 0 : vector<511x512xf32>, vector<1x512xf32> -> vector<512x512xf32>
    %sub3A_120 = arith.subf %concatenate3A_115, %concatenate3A_119 : vector<512x512xf32>
    %mul3A_121 = arith.constant 2.500000e-01 : f32
    %mul3A_122 = vector.broadcast %mul3A_121 : f32 to vector<512x512xf32>
    %mul3A_123 = arith.mulf %mul3A_122, %sub3A_120 : vector<512x512xf32>
    %mul3A_124 = arith.mulf %sub3A, %sub3A_102 : vector<512x512xf32>
    %mul3A_125 = arith.mulf %mul3A_123, %mul3A_123 : vector<512x512xf32>
    %sub3A_126 = arith.subf %mul3A_124, %mul3A_125 : vector<512x512xf32>
    %mul3A_127 = arith.constant 6.553600e+00 : f32
    %mul3A_128 = vector.broadcast %mul3A_127 : f32 to vector<512x512xf32>
    %mul3A_129 = arith.mulf %mul3A_128, %sub3A_126 : vector<512x512xf32>
    %max3A = arith.constant 0.000000e+00 : f32
    %max3A_130 = vector.broadcast %max3A : f32 to vector<512x512xf32>
    %max3A_131 = arith.maximumf %mul3A_129, %max3A_130 : vector<512x512xf32>
    %convert_element_type3A_132 = arith.extf %convert_element_type3A_63 : vector<512x512xbf16> to vector<512x512xf32>
    %broadcast_in_dim3A_133 = arith.constant 0.000000e+00 : f32
    %broadcast_in_dim3A_134 = vector.broadcast %broadcast_in_dim3A_133 : f32 to vector<512x1xf32>
    %slice3A_135 = vector.extract_strided_slice %convert_element_type3A_132 {offsets = [0, 1], sizes = [512, 511], strides = [1, 1]} : vector<512x512xf32> to vector<512x511xf32>
    %concatenate3A_136 = tpu.concatenate %slice3A_135, %broadcast_in_dim3A_134 in 1 : vector<512x511xf32>, vector<512x1xf32> -> vector<512x512xf32>
    %broadcast_in_dim3A_137 = arith.constant 0.000000e+00 : f32
    %broadcast_in_dim3A_138 = vector.broadcast %broadcast_in_dim3A_137 : f32 to vector<512x1xf32>
    %slice3A_139 = vector.extract_strided_slice %convert_element_type3A_132 {offsets = [0, 0], sizes = [512, 511], strides = [1, 1]} : vector<512x512xf32> to vector<512x511xf32>
    %concatenate3A_140 = tpu.concatenate %broadcast_in_dim3A_138, %slice3A_139 in 1 : vector<512x1xf32>, vector<512x511xf32> -> vector<512x512xf32>
    %broadcast_in_dim3A_141 = arith.constant 0.000000e+00 : f32
    %broadcast_in_dim3A_142 = vector.broadcast %broadcast_in_dim3A_141 : f32 to vector<1x512xf32>
    %slice3A_143 = vector.extract_strided_slice %convert_element_type3A_132 {offsets = [1, 0], sizes = [511, 512], strides = [1, 1]} : vector<512x512xf32> to vector<511x512xf32>
    %concatenate3A_144 = tpu.concatenate %slice3A_143, %broadcast_in_dim3A_142 in 0 : vector<511x512xf32>, vector<1x512xf32> -> vector<512x512xf32>
    %broadcast_in_dim3A_145 = arith.constant 0.000000e+00 : f32
    %broadcast_in_dim3A_146 = vector.broadcast %broadcast_in_dim3A_145 : f32 to vector<1x512xf32>
    %slice3A_147 = vector.extract_strided_slice %convert_element_type3A_132 {offsets = [0, 0], sizes = [511, 512], strides = [1, 1]} : vector<512x512xf32> to vector<511x512xf32>
    %concatenate3A_148 = tpu.concatenate %broadcast_in_dim3A_146, %slice3A_147 in 0 : vector<1x512xf32>, vector<511x512xf32> -> vector<512x512xf32>
    %add3A_149 = arith.addf %concatenate3A_140, %concatenate3A_136 : vector<512x512xf32>
    %mul3A_150 = arith.constant 2.000000e+00 : f32
    %mul3A_151 = vector.broadcast %mul3A_150 : f32 to vector<512x512xf32>
    %mul3A_152 = arith.mulf %mul3A_151, %convert_element_type3A_132 : vector<512x512xf32>
    %sub3A_153 = arith.subf %add3A_149, %mul3A_152 : vector<512x512xf32>
    %add3A_154 = arith.addf %concatenate3A_148, %concatenate3A_144 : vector<512x512xf32>
    %mul3A_155 = arith.constant 2.000000e+00 : f32
    %mul3A_156 = vector.broadcast %mul3A_155 : f32 to vector<512x512xf32>
    %mul3A_157 = arith.mulf %mul3A_156, %convert_element_type3A_132 : vector<512x512xf32>
    %sub3A_158 = arith.subf %add3A_154, %mul3A_157 : vector<512x512xf32>
    %broadcast_in_dim3A_159 = arith.constant 0.000000e+00 : f32
    %broadcast_in_dim3A_160 = vector.broadcast %broadcast_in_dim3A_159 : f32 to vector<512x1xf32>
    %slice3A_161 = vector.extract_strided_slice %convert_element_type3A_132 {offsets = [0, 0], sizes = [512, 511], strides = [1, 1]} : vector<512x512xf32> to vector<512x511xf32>
    %concatenate3A_162 = tpu.concatenate %broadcast_in_dim3A_160, %slice3A_161 in 1 : vector<512x1xf32>, vector<512x511xf32> -> vector<512x512xf32>
    %broadcast_in_dim3A_163 = arith.constant 0.000000e+00 : f32
    %broadcast_in_dim3A_164 = vector.broadcast %broadcast_in_dim3A_163 : f32 to vector<512x1xf32>
    %slice3A_165 = vector.extract_strided_slice %convert_element_type3A_132 {offsets = [0, 1], sizes = [512, 511], strides = [1, 1]} : vector<512x512xf32> to vector<512x511xf32>
    %concatenate3A_166 = tpu.concatenate %slice3A_165, %broadcast_in_dim3A_164 in 1 : vector<512x511xf32>, vector<512x1xf32> -> vector<512x512xf32>
    %sub3A_167 = arith.subf %concatenate3A_162, %concatenate3A_166 : vector<512x512xf32>
    %broadcast_in_dim3A_168 = arith.constant 0.000000e+00 : f32
    %broadcast_in_dim3A_169 = vector.broadcast %broadcast_in_dim3A_168 : f32 to vector<1x512xf32>
    %slice3A_170 = vector.extract_strided_slice %sub3A_167 {offsets = [0, 0], sizes = [511, 512], strides = [1, 1]} : vector<512x512xf32> to vector<511x512xf32>
    %concatenate3A_171 = tpu.concatenate %broadcast_in_dim3A_169, %slice3A_170 in 0 : vector<1x512xf32>, vector<511x512xf32> -> vector<512x512xf32>
    %broadcast_in_dim3A_172 = arith.constant 0.000000e+00 : f32
    %broadcast_in_dim3A_173 = vector.broadcast %broadcast_in_dim3A_172 : f32 to vector<1x512xf32>
    %slice3A_174 = vector.extract_strided_slice %sub3A_167 {offsets = [1, 0], sizes = [511, 512], strides = [1, 1]} : vector<512x512xf32> to vector<511x512xf32>
    %concatenate3A_175 = tpu.concatenate %slice3A_174, %broadcast_in_dim3A_173 in 0 : vector<511x512xf32>, vector<1x512xf32> -> vector<512x512xf32>
    %sub3A_176 = arith.subf %concatenate3A_171, %concatenate3A_175 : vector<512x512xf32>
    %mul3A_177 = arith.constant 2.500000e-01 : f32
    %mul3A_178 = vector.broadcast %mul3A_177 : f32 to vector<512x512xf32>
    %mul3A_179 = arith.mulf %mul3A_178, %sub3A_176 : vector<512x512xf32>
    %mul3A_180 = arith.mulf %sub3A_153, %sub3A_158 : vector<512x512xf32>
    %mul3A_181 = arith.mulf %mul3A_179, %mul3A_179 : vector<512x512xf32>
    %sub3A_182 = arith.subf %mul3A_180, %mul3A_181 : vector<512x512xf32>
    %mul3A_183 = arith.constant 16.5140381 : f32
    %mul3A_184 = vector.broadcast %mul3A_183 : f32 to vector<512x512xf32>
    %mul3A_185 = arith.mulf %mul3A_184, %sub3A_182 : vector<512x512xf32>
    %max3A_186 = arith.constant 0.000000e+00 : f32
    %max3A_187 = vector.broadcast %max3A_186 : f32 to vector<512x512xf32>
    %max3A_188 = arith.maximumf %mul3A_185, %max3A_187 : vector<512x512xf32>
    %convert_element_type3A_189 = arith.extf %convert_element_type3A_69 : vector<512x512xbf16> to vector<512x512xf32>
    %broadcast_in_dim3A_190 = arith.constant 0.000000e+00 : f32
    %broadcast_in_dim3A_191 = vector.broadcast %broadcast_in_dim3A_190 : f32 to vector<512x1xf32>
    %slice3A_192 = vector.extract_strided_slice %convert_element_type3A_189 {offsets = [0, 1], sizes = [512, 511], strides = [1, 1]} : vector<512x512xf32> to vector<512x511xf32>
    %concatenate3A_193 = tpu.concatenate %slice3A_192, %broadcast_in_dim3A_191 in 1 : vector<512x511xf32>, vector<512x1xf32> -> vector<512x512xf32>
    %broadcast_in_dim3A_194 = arith.constant 0.000000e+00 : f32
    %broadcast_in_dim3A_195 = vector.broadcast %broadcast_in_dim3A_194 : f32 to vector<512x1xf32>
    %slice3A_196 = vector.extract_strided_slice %convert_element_type3A_189 {offsets = [0, 0], sizes = [512, 511], strides = [1, 1]} : vector<512x512xf32> to vector<512x511xf32>
    %concatenate3A_197 = tpu.concatenate %broadcast_in_dim3A_195, %slice3A_196 in 1 : vector<512x1xf32>, vector<512x511xf32> -> vector<512x512xf32>
    %broadcast_in_dim3A_198 = arith.constant 0.000000e+00 : f32
    %broadcast_in_dim3A_199 = vector.broadcast %broadcast_in_dim3A_198 : f32 to vector<1x512xf32>
    %slice3A_200 = vector.extract_strided_slice %convert_element_type3A_189 {offsets = [1, 0], sizes = [511, 512], strides = [1, 1]} : vector<512x512xf32> to vector<511x512xf32>
    %concatenate3A_201 = tpu.concatenate %slice3A_200, %broadcast_in_dim3A_199 in 0 : vector<511x512xf32>, vector<1x512xf32> -> vector<512x512xf32>
    %broadcast_in_dim3A_202 = arith.constant 0.000000e+00 : f32
    %broadcast_in_dim3A_203 = vector.broadcast %broadcast_in_dim3A_202 : f32 to vector<1x512xf32>
    %slice3A_204 = vector.extract_strided_slice %convert_element_type3A_189 {offsets = [0, 0], sizes = [511, 512], strides = [1, 1]} : vector<512x512xf32> to vector<511x512xf32>
    %concatenate3A_205 = tpu.concatenate %broadcast_in_dim3A_203, %slice3A_204 in 0 : vector<1x512xf32>, vector<511x512xf32> -> vector<512x512xf32>
    %add3A_206 = arith.addf %concatenate3A_197, %concatenate3A_193 : vector<512x512xf32>
    %mul3A_207 = arith.constant 2.000000e+00 : f32
    %mul3A_208 = vector.broadcast %mul3A_207 : f32 to vector<512x512xf32>
    %mul3A_209 = arith.mulf %mul3A_208, %convert_element_type3A_189 : vector<512x512xf32>
    %sub3A_210 = arith.subf %add3A_206, %mul3A_209 : vector<512x512xf32>
    %add3A_211 = arith.addf %concatenate3A_205, %concatenate3A_201 : vector<512x512xf32>
    %mul3A_212 = arith.constant 2.000000e+00 : f32
    %mul3A_213 = vector.broadcast %mul3A_212 : f32 to vector<512x512xf32>
    %mul3A_214 = arith.mulf %mul3A_213, %convert_element_type3A_189 : vector<512x512xf32>
    %sub3A_215 = arith.subf %add3A_211, %mul3A_214 : vector<512x512xf32>
    %broadcast_in_dim3A_216 = arith.constant 0.000000e+00 : f32
    %broadcast_in_dim3A_217 = vector.broadcast %broadcast_in_dim3A_216 : f32 to vector<512x1xf32>
    %slice3A_218 = vector.extract_strided_slice %convert_element_type3A_189 {offsets = [0, 0], sizes = [512, 511], strides = [1, 1]} : vector<512x512xf32> to vector<512x511xf32>
    %concatenate3A_219 = tpu.concatenate %broadcast_in_dim3A_217, %slice3A_218 in 1 : vector<512x1xf32>, vector<512x511xf32> -> vector<512x512xf32>
    %broadcast_in_dim3A_220 = arith.constant 0.000000e+00 : f32
    %broadcast_in_dim3A_221 = vector.broadcast %broadcast_in_dim3A_220 : f32 to vector<512x1xf32>
    %slice3A_222 = vector.extract_strided_slice %convert_element_type3A_189 {offsets = [0, 1], sizes = [512, 511], strides = [1, 1]} : vector<512x512xf32> to vector<512x511xf32>
    %concatenate3A_223 = tpu.concatenate %slice3A_222, %broadcast_in_dim3A_221 in 1 : vector<512x511xf32>, vector<512x1xf32> -> vector<512x512xf32>
    %sub3A_224 = arith.subf %concatenate3A_219, %concatenate3A_223 : vector<512x512xf32>
    %broadcast_in_dim3A_225 = arith.constant 0.000000e+00 : f32
    %broadcast_in_dim3A_226 = vector.broadcast %broadcast_in_dim3A_225 : f32 to vector<1x512xf32>
    %slice3A_227 = vector.extract_strided_slice %sub3A_224 {offsets = [0, 0], sizes = [511, 512], strides = [1, 1]} : vector<512x512xf32> to vector<511x512xf32>
    %concatenate3A_228 = tpu.concatenate %broadcast_in_dim3A_226, %slice3A_227 in 0 : vector<1x512xf32>, vector<511x512xf32> -> vector<512x512xf32>
    %broadcast_in_dim3A_229 = arith.constant 0.000000e+00 : f32
    %broadcast_in_dim3A_230 = vector.broadcast %broadcast_in_dim3A_229 : f32 to vector<1x512xf32>
    %slice3A_231 = vector.extract_strided_slice %sub3A_224 {offsets = [1, 0], sizes = [511, 512], strides = [1, 1]} : vector<512x512xf32> to vector<511x512xf32>
    %concatenate3A_232 = tpu.concatenate %slice3A_231, %broadcast_in_dim3A_230 in 0 : vector<511x512xf32>, vector<1x512xf32> -> vector<512x512xf32>
    %sub3A_233 = arith.subf %concatenate3A_228, %concatenate3A_232 : vector<512x512xf32>
    %mul3A_234 = arith.constant 2.500000e-01 : f32
    %mul3A_235 = vector.broadcast %mul3A_234 : f32 to vector<512x512xf32>
    %mul3A_236 = arith.mulf %mul3A_235, %sub3A_233 : vector<512x512xf32>
    %mul3A_237 = arith.mulf %sub3A_210, %sub3A_215 : vector<512x512xf32>
    %mul3A_238 = arith.mulf %mul3A_236, %mul3A_236 : vector<512x512xf32>
    %sub3A_239 = arith.subf %mul3A_237, %mul3A_238 : vector<512x512xf32>
    %mul3A_240 = arith.constant 41.6127663 : f32
    %mul3A_241 = vector.broadcast %mul3A_240 : f32 to vector<512x512xf32>
    %mul3A_242 = arith.mulf %mul3A_241, %sub3A_239 : vector<512x512xf32>
    %max3A_243 = arith.constant 0.000000e+00 : f32
    %max3A_244 = vector.broadcast %max3A_243 : f32 to vector<512x512xf32>
    %max3A_245 = arith.maximumf %mul3A_242, %max3A_244 : vector<512x512xf32>
    %convert_element_type3A_246 = arith.extf %convert_element_type3A_75 : vector<512x512xbf16> to vector<512x512xf32>
    %broadcast_in_dim3A_247 = arith.constant 0.000000e+00 : f32
    %broadcast_in_dim3A_248 = vector.broadcast %broadcast_in_dim3A_247 : f32 to vector<512x1xf32>
    %slice3A_249 = vector.extract_strided_slice %convert_element_type3A_246 {offsets = [0, 1], sizes = [512, 511], strides = [1, 1]} : vector<512x512xf32> to vector<512x511xf32>
    %concatenate3A_250 = tpu.concatenate %slice3A_249, %broadcast_in_dim3A_248 in 1 : vector<512x511xf32>, vector<512x1xf32> -> vector<512x512xf32>
    %broadcast_in_dim3A_251 = arith.constant 0.000000e+00 : f32
    %broadcast_in_dim3A_252 = vector.broadcast %broadcast_in_dim3A_251 : f32 to vector<512x1xf32>
    %slice3A_253 = vector.extract_strided_slice %convert_element_type3A_246 {offsets = [0, 0], sizes = [512, 511], strides = [1, 1]} : vector<512x512xf32> to vector<512x511xf32>
    %concatenate3A_254 = tpu.concatenate %broadcast_in_dim3A_252, %slice3A_253 in 1 : vector<512x1xf32>, vector<512x511xf32> -> vector<512x512xf32>
    %broadcast_in_dim3A_255 = arith.constant 0.000000e+00 : f32
    %broadcast_in_dim3A_256 = vector.broadcast %broadcast_in_dim3A_255 : f32 to vector<1x512xf32>
    %slice3A_257 = vector.extract_strided_slice %convert_element_type3A_246 {offsets = [1, 0], sizes = [511, 512], strides = [1, 1]} : vector<512x512xf32> to vector<511x512xf32>
    %concatenate3A_258 = tpu.concatenate %slice3A_257, %broadcast_in_dim3A_256 in 0 : vector<511x512xf32>, vector<1x512xf32> -> vector<512x512xf32>
    %broadcast_in_dim3A_259 = arith.constant 0.000000e+00 : f32
    %broadcast_in_dim3A_260 = vector.broadcast %broadcast_in_dim3A_259 : f32 to vector<1x512xf32>
    %slice3A_261 = vector.extract_strided_slice %convert_element_type3A_246 {offsets = [0, 0], sizes = [511, 512], strides = [1, 1]} : vector<512x512xf32> to vector<511x512xf32>
    %concatenate3A_262 = tpu.concatenate %broadcast_in_dim3A_260, %slice3A_261 in 0 : vector<1x512xf32>, vector<511x512xf32> -> vector<512x512xf32>
    %add3A_263 = arith.addf %concatenate3A_254, %concatenate3A_250 : vector<512x512xf32>
    %mul3A_264 = arith.constant 2.000000e+00 : f32
    %mul3A_265 = vector.broadcast %mul3A_264 : f32 to vector<512x512xf32>
    %mul3A_266 = arith.mulf %mul3A_265, %convert_element_type3A_246 : vector<512x512xf32>
    %sub3A_267 = arith.subf %add3A_263, %mul3A_266 : vector<512x512xf32>
    %add3A_268 = arith.addf %concatenate3A_262, %concatenate3A_258 : vector<512x512xf32>
    %mul3A_269 = arith.constant 2.000000e+00 : f32
    %mul3A_270 = vector.broadcast %mul3A_269 : f32 to vector<512x512xf32>
    %mul3A_271 = arith.mulf %mul3A_270, %convert_element_type3A_246 : vector<512x512xf32>
    %sub3A_272 = arith.subf %add3A_268, %mul3A_271 : vector<512x512xf32>
    %broadcast_in_dim3A_273 = arith.constant 0.000000e+00 : f32
    %broadcast_in_dim3A_274 = vector.broadcast %broadcast_in_dim3A_273 : f32 to vector<512x1xf32>
    %slice3A_275 = vector.extract_strided_slice %convert_element_type3A_246 {offsets = [0, 0], sizes = [512, 511], strides = [1, 1]} : vector<512x512xf32> to vector<512x511xf32>
    %concatenate3A_276 = tpu.concatenate %broadcast_in_dim3A_274, %slice3A_275 in 1 : vector<512x1xf32>, vector<512x511xf32> -> vector<512x512xf32>
    %broadcast_in_dim3A_277 = arith.constant 0.000000e+00 : f32
    %broadcast_in_dim3A_278 = vector.broadcast %broadcast_in_dim3A_277 : f32 to vector<512x1xf32>
    %slice3A_279 = vector.extract_strided_slice %convert_element_type3A_246 {offsets = [0, 1], sizes = [512, 511], strides = [1, 1]} : vector<512x512xf32> to vector<512x511xf32>
    %concatenate3A_280 = tpu.concatenate %slice3A_279, %broadcast_in_dim3A_278 in 1 : vector<512x511xf32>, vector<512x1xf32> -> vector<512x512xf32>
    %sub3A_281 = arith.subf %concatenate3A_276, %concatenate3A_280 : vector<512x512xf32>
    %broadcast_in_dim3A_282 = arith.constant 0.000000e+00 : f32
    %broadcast_in_dim3A_283 = vector.broadcast %broadcast_in_dim3A_282 : f32 to vector<1x512xf32>
    %slice3A_284 = vector.extract_strided_slice %sub3A_281 {offsets = [0, 0], sizes = [511, 512], strides = [1, 1]} : vector<512x512xf32> to vector<511x512xf32>
    %concatenate3A_285 = tpu.concatenate %broadcast_in_dim3A_283, %slice3A_284 in 0 : vector<1x512xf32>, vector<511x512xf32> -> vector<512x512xf32>
    %broadcast_in_dim3A_286 = arith.constant 0.000000e+00 : f32
    %broadcast_in_dim3A_287 = vector.broadcast %broadcast_in_dim3A_286 : f32 to vector<1x512xf32>
    %slice3A_288 = vector.extract_strided_slice %sub3A_281 {offsets = [1, 0], sizes = [511, 512], strides = [1, 1]} : vector<512x512xf32> to vector<511x512xf32>
    %concatenate3A_289 = tpu.concatenate %slice3A_288, %broadcast_in_dim3A_287 in 0 : vector<511x512xf32>, vector<1x512xf32> -> vector<512x512xf32>
    %sub3A_290 = arith.subf %concatenate3A_285, %concatenate3A_289 : vector<512x512xf32>
    %mul3A_291 = arith.constant 2.500000e-01 : f32
    %mul3A_292 = vector.broadcast %mul3A_291 : f32 to vector<512x512xf32>
    %mul3A_293 = arith.mulf %mul3A_292, %sub3A_290 : vector<512x512xf32>
    %mul3A_294 = arith.mulf %sub3A_267, %sub3A_272 : vector<512x512xf32>
    %mul3A_295 = arith.mulf %mul3A_293, %mul3A_293 : vector<512x512xf32>
    %sub3A_296 = arith.subf %mul3A_294, %mul3A_295 : vector<512x512xf32>
    %mul3A_297 = arith.constant 104.857597 : f32
    %mul3A_298 = vector.broadcast %mul3A_297 : f32 to vector<512x512xf32>
    %mul3A_299 = arith.mulf %mul3A_298, %sub3A_296 : vector<512x512xf32>
    %max3A_300 = arith.constant 0.000000e+00 : f32
    %max3A_301 = vector.broadcast %max3A_300 : f32 to vector<512x512xf32>
    %max3A_302 = arith.maximumf %mul3A_299, %max3A_301 : vector<512x512xf32>
    %convert_element_type3A_303 = arith.extf %convert_element_type3A_81 : vector<512x512xbf16> to vector<512x512xf32>
    %broadcast_in_dim3A_304 = arith.constant 0.000000e+00 : f32
    %broadcast_in_dim3A_305 = vector.broadcast %broadcast_in_dim3A_304 : f32 to vector<512x1xf32>
    %slice3A_306 = vector.extract_strided_slice %convert_element_type3A_303 {offsets = [0, 1], sizes = [512, 511], strides = [1, 1]} : vector<512x512xf32> to vector<512x511xf32>
    %concatenate3A_307 = tpu.concatenate %slice3A_306, %broadcast_in_dim3A_305 in 1 : vector<512x511xf32>, vector<512x1xf32> -> vector<512x512xf32>
    %broadcast_in_dim3A_308 = arith.constant 0.000000e+00 : f32
    %broadcast_in_dim3A_309 = vector.broadcast %broadcast_in_dim3A_308 : f32 to vector<512x1xf32>
    %slice3A_310 = vector.extract_strided_slice %convert_element_type3A_303 {offsets = [0, 0], sizes = [512, 511], strides = [1, 1]} : vector<512x512xf32> to vector<512x511xf32>
    %concatenate3A_311 = tpu.concatenate %broadcast_in_dim3A_309, %slice3A_310 in 1 : vector<512x1xf32>, vector<512x511xf32> -> vector<512x512xf32>
    %broadcast_in_dim3A_312 = arith.constant 0.000000e+00 : f32
    %broadcast_in_dim3A_313 = vector.broadcast %broadcast_in_dim3A_312 : f32 to vector<1x512xf32>
    %slice3A_314 = vector.extract_strided_slice %convert_element_type3A_303 {offsets = [1, 0], sizes = [511, 512], strides = [1, 1]} : vector<512x512xf32> to vector<511x512xf32>
    %concatenate3A_315 = tpu.concatenate %slice3A_314, %broadcast_in_dim3A_313 in 0 : vector<511x512xf32>, vector<1x512xf32> -> vector<512x512xf32>
    %broadcast_in_dim3A_316 = arith.constant 0.000000e+00 : f32
    %broadcast_in_dim3A_317 = vector.broadcast %broadcast_in_dim3A_316 : f32 to vector<1x512xf32>
    %slice3A_318 = vector.extract_strided_slice %convert_element_type3A_303 {offsets = [0, 0], sizes = [511, 512], strides = [1, 1]} : vector<512x512xf32> to vector<511x512xf32>
    %concatenate3A_319 = tpu.concatenate %broadcast_in_dim3A_317, %slice3A_318 in 0 : vector<1x512xf32>, vector<511x512xf32> -> vector<512x512xf32>
    %add3A_320 = arith.addf %concatenate3A_311, %concatenate3A_307 : vector<512x512xf32>
    %mul3A_321 = arith.constant 2.000000e+00 : f32
    %mul3A_322 = vector.broadcast %mul3A_321 : f32 to vector<512x512xf32>
    %mul3A_323 = arith.mulf %mul3A_322, %convert_element_type3A_303 : vector<512x512xf32>
    %sub3A_324 = arith.subf %add3A_320, %mul3A_323 : vector<512x512xf32>
    %add3A_325 = arith.addf %concatenate3A_319, %concatenate3A_315 : vector<512x512xf32>
    %mul3A_326 = arith.constant 2.000000e+00 : f32
    %mul3A_327 = vector.broadcast %mul3A_326 : f32 to vector<512x512xf32>
    %mul3A_328 = arith.mulf %mul3A_327, %convert_element_type3A_303 : vector<512x512xf32>
    %sub3A_329 = arith.subf %add3A_325, %mul3A_328 : vector<512x512xf32>
    %broadcast_in_dim3A_330 = arith.constant 0.000000e+00 : f32
    %broadcast_in_dim3A_331 = vector.broadcast %broadcast_in_dim3A_330 : f32 to vector<512x1xf32>
    %slice3A_332 = vector.extract_strided_slice %convert_element_type3A_303 {offsets = [0, 0], sizes = [512, 511], strides = [1, 1]} : vector<512x512xf32> to vector<512x511xf32>
    %concatenate3A_333 = tpu.concatenate %broadcast_in_dim3A_331, %slice3A_332 in 1 : vector<512x1xf32>, vector<512x511xf32> -> vector<512x512xf32>
    %broadcast_in_dim3A_334 = arith.constant 0.000000e+00 : f32
    %broadcast_in_dim3A_335 = vector.broadcast %broadcast_in_dim3A_334 : f32 to vector<512x1xf32>
    %slice3A_336 = vector.extract_strided_slice %convert_element_type3A_303 {offsets = [0, 1], sizes = [512, 511], strides = [1, 1]} : vector<512x512xf32> to vector<512x511xf32>
    %concatenate3A_337 = tpu.concatenate %slice3A_336, %broadcast_in_dim3A_335 in 1 : vector<512x511xf32>, vector<512x1xf32> -> vector<512x512xf32>
    %sub3A_338 = arith.subf %concatenate3A_333, %concatenate3A_337 : vector<512x512xf32>
    %broadcast_in_dim3A_339 = arith.constant 0.000000e+00 : f32
    %broadcast_in_dim3A_340 = vector.broadcast %broadcast_in_dim3A_339 : f32 to vector<1x512xf32>
    %slice3A_341 = vector.extract_strided_slice %sub3A_338 {offsets = [0, 0], sizes = [511, 512], strides = [1, 1]} : vector<512x512xf32> to vector<511x512xf32>
    %concatenate3A_342 = tpu.concatenate %broadcast_in_dim3A_340, %slice3A_341 in 0 : vector<1x512xf32>, vector<511x512xf32> -> vector<512x512xf32>
    %broadcast_in_dim3A_343 = arith.constant 0.000000e+00 : f32
    %broadcast_in_dim3A_344 = vector.broadcast %broadcast_in_dim3A_343 : f32 to vector<1x512xf32>
    %slice3A_345 = vector.extract_strided_slice %sub3A_338 {offsets = [1, 0], sizes = [511, 512], strides = [1, 1]} : vector<512x512xf32> to vector<511x512xf32>
    %concatenate3A_346 = tpu.concatenate %slice3A_345, %broadcast_in_dim3A_344 in 0 : vector<511x512xf32>, vector<1x512xf32> -> vector<512x512xf32>
    %sub3A_347 = arith.subf %concatenate3A_342, %concatenate3A_346 : vector<512x512xf32>
    %mul3A_348 = arith.constant 2.500000e-01 : f32
    %mul3A_349 = vector.broadcast %mul3A_348 : f32 to vector<512x512xf32>
    %mul3A_350 = arith.mulf %mul3A_349, %sub3A_347 : vector<512x512xf32>
    %mul3A_351 = arith.mulf %sub3A_324, %sub3A_329 : vector<512x512xf32>
    %mul3A_352 = arith.mulf %mul3A_350, %mul3A_350 : vector<512x512xf32>
    %sub3A_353 = arith.subf %mul3A_351, %mul3A_352 : vector<512x512xf32>
    %mul3A_354 = arith.constant 264.224609 : f32
    %mul3A_355 = vector.broadcast %mul3A_354 : f32 to vector<512x512xf32>
    %mul3A_356 = arith.mulf %mul3A_355, %sub3A_353 : vector<512x512xf32>
    %max3A_357 = arith.constant 0.000000e+00 : f32
    %max3A_358 = vector.broadcast %max3A_357 : f32 to vector<512x512xf32>
    %max3A_359 = arith.maximumf %mul3A_356, %max3A_358 : vector<512x512xf32>
    %broadcast_in_dim3A_360 = arith.constant 0xFF800000 : f32
    %broadcast_in_dim3A_361 = vector.broadcast %broadcast_in_dim3A_360 : f32 to vector<512x1xf32>
    %slice3A_362 = vector.extract_strided_slice %max3A_131 {offsets = [0, 1], sizes = [512, 511], strides = [1, 1]} : vector<512x512xf32> to vector<512x511xf32>
    %concatenate3A_363 = tpu.concatenate %slice3A_362, %broadcast_in_dim3A_361 in 1 : vector<512x511xf32>, vector<512x1xf32> -> vector<512x512xf32>
    %broadcast_in_dim3A_364 = arith.constant 0xFF800000 : f32
    %broadcast_in_dim3A_365 = vector.broadcast %broadcast_in_dim3A_364 : f32 to vector<512x1xf32>
    %slice3A_366 = vector.extract_strided_slice %max3A_131 {offsets = [0, 0], sizes = [512, 511], strides = [1, 1]} : vector<512x512xf32> to vector<512x511xf32>
    %concatenate3A_367 = tpu.concatenate %broadcast_in_dim3A_365, %slice3A_366 in 1 : vector<512x1xf32>, vector<512x511xf32> -> vector<512x512xf32>
    %max3A_368 = arith.maximumf %concatenate3A_363, %concatenate3A_367 : vector<512x512xf32>
    %max3A_369 = arith.maximumf %max3A_131, %max3A_368 : vector<512x512xf32>
    %broadcast_in_dim3A_370 = arith.constant 0xFF800000 : f32
    %broadcast_in_dim3A_371 = vector.broadcast %broadcast_in_dim3A_370 : f32 to vector<1x512xf32>
    %slice3A_372 = vector.extract_strided_slice %max3A_369 {offsets = [1, 0], sizes = [511, 512], strides = [1, 1]} : vector<512x512xf32> to vector<511x512xf32>
    %concatenate3A_373 = tpu.concatenate %slice3A_372, %broadcast_in_dim3A_371 in 0 : vector<511x512xf32>, vector<1x512xf32> -> vector<512x512xf32>
    %broadcast_in_dim3A_374 = arith.constant 0xFF800000 : f32
    %broadcast_in_dim3A_375 = vector.broadcast %broadcast_in_dim3A_374 : f32 to vector<1x512xf32>
    %slice3A_376 = vector.extract_strided_slice %max3A_369 {offsets = [0, 0], sizes = [511, 512], strides = [1, 1]} : vector<512x512xf32> to vector<511x512xf32>
    %concatenate3A_377 = tpu.concatenate %broadcast_in_dim3A_375, %slice3A_376 in 0 : vector<1x512xf32>, vector<511x512xf32> -> vector<512x512xf32>
    %max3A_378 = arith.maximumf %concatenate3A_373, %concatenate3A_377 : vector<512x512xf32>
    %max3A_379 = arith.maximumf %max3A_369, %max3A_378 : vector<512x512xf32>
    %broadcast_in_dim3A_380 = arith.constant 0xFF800000 : f32
    %broadcast_in_dim3A_381 = vector.broadcast %broadcast_in_dim3A_380 : f32 to vector<512x1xf32>
    %slice3A_382 = vector.extract_strided_slice %max3A_188 {offsets = [0, 1], sizes = [512, 511], strides = [1, 1]} : vector<512x512xf32> to vector<512x511xf32>
    %concatenate3A_383 = tpu.concatenate %slice3A_382, %broadcast_in_dim3A_381 in 1 : vector<512x511xf32>, vector<512x1xf32> -> vector<512x512xf32>
    %broadcast_in_dim3A_384 = arith.constant 0xFF800000 : f32
    %broadcast_in_dim3A_385 = vector.broadcast %broadcast_in_dim3A_384 : f32 to vector<512x1xf32>
    %slice3A_386 = vector.extract_strided_slice %max3A_188 {offsets = [0, 0], sizes = [512, 511], strides = [1, 1]} : vector<512x512xf32> to vector<512x511xf32>
    %concatenate3A_387 = tpu.concatenate %broadcast_in_dim3A_385, %slice3A_386 in 1 : vector<512x1xf32>, vector<512x511xf32> -> vector<512x512xf32>
    %max3A_388 = arith.maximumf %concatenate3A_383, %concatenate3A_387 : vector<512x512xf32>
    %max3A_389 = arith.maximumf %max3A_188, %max3A_388 : vector<512x512xf32>
    %broadcast_in_dim3A_390 = arith.constant 0xFF800000 : f32
    %broadcast_in_dim3A_391 = vector.broadcast %broadcast_in_dim3A_390 : f32 to vector<1x512xf32>
    %slice3A_392 = vector.extract_strided_slice %max3A_389 {offsets = [1, 0], sizes = [511, 512], strides = [1, 1]} : vector<512x512xf32> to vector<511x512xf32>
    %concatenate3A_393 = tpu.concatenate %slice3A_392, %broadcast_in_dim3A_391 in 0 : vector<511x512xf32>, vector<1x512xf32> -> vector<512x512xf32>
    %broadcast_in_dim3A_394 = arith.constant 0xFF800000 : f32
    %broadcast_in_dim3A_395 = vector.broadcast %broadcast_in_dim3A_394 : f32 to vector<1x512xf32>
    %slice3A_396 = vector.extract_strided_slice %max3A_389 {offsets = [0, 0], sizes = [511, 512], strides = [1, 1]} : vector<512x512xf32> to vector<511x512xf32>
    %concatenate3A_397 = tpu.concatenate %broadcast_in_dim3A_395, %slice3A_396 in 0 : vector<1x512xf32>, vector<511x512xf32> -> vector<512x512xf32>
    %max3A_398 = arith.maximumf %concatenate3A_393, %concatenate3A_397 : vector<512x512xf32>
    %max3A_399 = arith.maximumf %max3A_389, %max3A_398 : vector<512x512xf32>
    %broadcast_in_dim3A_400 = arith.constant 0xFF800000 : f32
    %broadcast_in_dim3A_401 = vector.broadcast %broadcast_in_dim3A_400 : f32 to vector<512x1xf32>
    %slice3A_402 = vector.extract_strided_slice %max3A_245 {offsets = [0, 1], sizes = [512, 511], strides = [1, 1]} : vector<512x512xf32> to vector<512x511xf32>
    %concatenate3A_403 = tpu.concatenate %slice3A_402, %broadcast_in_dim3A_401 in 1 : vector<512x511xf32>, vector<512x1xf32> -> vector<512x512xf32>
    %broadcast_in_dim3A_404 = arith.constant 0xFF800000 : f32
    %broadcast_in_dim3A_405 = vector.broadcast %broadcast_in_dim3A_404 : f32 to vector<512x1xf32>
    %slice3A_406 = vector.extract_strided_slice %max3A_245 {offsets = [0, 0], sizes = [512, 511], strides = [1, 1]} : vector<512x512xf32> to vector<512x511xf32>
    %concatenate3A_407 = tpu.concatenate %broadcast_in_dim3A_405, %slice3A_406 in 1 : vector<512x1xf32>, vector<512x511xf32> -> vector<512x512xf32>
    %max3A_408 = arith.maximumf %concatenate3A_403, %concatenate3A_407 : vector<512x512xf32>
    %max3A_409 = arith.maximumf %max3A_245, %max3A_408 : vector<512x512xf32>
    %broadcast_in_dim3A_410 = arith.constant 0xFF800000 : f32
    %broadcast_in_dim3A_411 = vector.broadcast %broadcast_in_dim3A_410 : f32 to vector<1x512xf32>
    %slice3A_412 = vector.extract_strided_slice %max3A_409 {offsets = [1, 0], sizes = [511, 512], strides = [1, 1]} : vector<512x512xf32> to vector<511x512xf32>
    %concatenate3A_413 = tpu.concatenate %slice3A_412, %broadcast_in_dim3A_411 in 0 : vector<511x512xf32>, vector<1x512xf32> -> vector<512x512xf32>
    %broadcast_in_dim3A_414 = arith.constant 0xFF800000 : f32
    %broadcast_in_dim3A_415 = vector.broadcast %broadcast_in_dim3A_414 : f32 to vector<1x512xf32>
    %slice3A_416 = vector.extract_strided_slice %max3A_409 {offsets = [0, 0], sizes = [511, 512], strides = [1, 1]} : vector<512x512xf32> to vector<511x512xf32>
    %concatenate3A_417 = tpu.concatenate %broadcast_in_dim3A_415, %slice3A_416 in 0 : vector<1x512xf32>, vector<511x512xf32> -> vector<512x512xf32>
    %max3A_418 = arith.maximumf %concatenate3A_413, %concatenate3A_417 : vector<512x512xf32>
    %max3A_419 = arith.maximumf %max3A_409, %max3A_418 : vector<512x512xf32>
    %broadcast_in_dim3A_420 = arith.constant 0xFF800000 : f32
    %broadcast_in_dim3A_421 = vector.broadcast %broadcast_in_dim3A_420 : f32 to vector<512x1xf32>
    %slice3A_422 = vector.extract_strided_slice %max3A_302 {offsets = [0, 1], sizes = [512, 511], strides = [1, 1]} : vector<512x512xf32> to vector<512x511xf32>
    %concatenate3A_423 = tpu.concatenate %slice3A_422, %broadcast_in_dim3A_421 in 1 : vector<512x511xf32>, vector<512x1xf32> -> vector<512x512xf32>
    %broadcast_in_dim3A_424 = arith.constant 0xFF800000 : f32
    %broadcast_in_dim3A_425 = vector.broadcast %broadcast_in_dim3A_424 : f32 to vector<512x1xf32>
    %slice3A_426 = vector.extract_strided_slice %max3A_302 {offsets = [0, 0], sizes = [512, 511], strides = [1, 1]} : vector<512x512xf32> to vector<512x511xf32>
    %concatenate3A_427 = tpu.concatenate %broadcast_in_dim3A_425, %slice3A_426 in 1 : vector<512x1xf32>, vector<512x511xf32> -> vector<512x512xf32>
    %max3A_428 = arith.maximumf %concatenate3A_423, %concatenate3A_427 : vector<512x512xf32>
    %max3A_429 = arith.maximumf %max3A_302, %max3A_428 : vector<512x512xf32>
    %broadcast_in_dim3A_430 = arith.constant 0xFF800000 : f32
    %broadcast_in_dim3A_431 = vector.broadcast %broadcast_in_dim3A_430 : f32 to vector<1x512xf32>
    %slice3A_432 = vector.extract_strided_slice %max3A_429 {offsets = [1, 0], sizes = [511, 512], strides = [1, 1]} : vector<512x512xf32> to vector<511x512xf32>
    %concatenate3A_433 = tpu.concatenate %slice3A_432, %broadcast_in_dim3A_431 in 0 : vector<511x512xf32>, vector<1x512xf32> -> vector<512x512xf32>
    %broadcast_in_dim3A_434 = arith.constant 0xFF800000 : f32
    %broadcast_in_dim3A_435 = vector.broadcast %broadcast_in_dim3A_434 : f32 to vector<1x512xf32>
    %slice3A_436 = vector.extract_strided_slice %max3A_429 {offsets = [0, 0], sizes = [511, 512], strides = [1, 1]} : vector<512x512xf32> to vector<511x512xf32>
    %concatenate3A_437 = tpu.concatenate %broadcast_in_dim3A_435, %slice3A_436 in 0 : vector<1x512xf32>, vector<511x512xf32> -> vector<512x512xf32>
    %max3A_438 = arith.maximumf %concatenate3A_433, %concatenate3A_437 : vector<512x512xf32>
    %max3A_439 = arith.maximumf %max3A_429, %max3A_438 : vector<512x512xf32>
    %broadcast_in_dim3A_440 = arith.constant 0xFF800000 : f32
    %broadcast_in_dim3A_441 = vector.broadcast %broadcast_in_dim3A_440 : f32 to vector<512x1xf32>
    %slice3A_442 = vector.extract_strided_slice %max3A_359 {offsets = [0, 1], sizes = [512, 511], strides = [1, 1]} : vector<512x512xf32> to vector<512x511xf32>
    %concatenate3A_443 = tpu.concatenate %slice3A_442, %broadcast_in_dim3A_441 in 1 : vector<512x511xf32>, vector<512x1xf32> -> vector<512x512xf32>
    %broadcast_in_dim3A_444 = arith.constant 0xFF800000 : f32
    %broadcast_in_dim3A_445 = vector.broadcast %broadcast_in_dim3A_444 : f32 to vector<512x1xf32>
    %slice3A_446 = vector.extract_strided_slice %max3A_359 {offsets = [0, 0], sizes = [512, 511], strides = [1, 1]} : vector<512x512xf32> to vector<512x511xf32>
    %concatenate3A_447 = tpu.concatenate %broadcast_in_dim3A_445, %slice3A_446 in 1 : vector<512x1xf32>, vector<512x511xf32> -> vector<512x512xf32>
    %max3A_448 = arith.maximumf %concatenate3A_443, %concatenate3A_447 : vector<512x512xf32>
    %max3A_449 = arith.maximumf %max3A_359, %max3A_448 : vector<512x512xf32>
    %broadcast_in_dim3A_450 = arith.constant 0xFF800000 : f32
    %broadcast_in_dim3A_451 = vector.broadcast %broadcast_in_dim3A_450 : f32 to vector<1x512xf32>
    %slice3A_452 = vector.extract_strided_slice %max3A_449 {offsets = [1, 0], sizes = [511, 512], strides = [1, 1]} : vector<512x512xf32> to vector<511x512xf32>
    %concatenate3A_453 = tpu.concatenate %slice3A_452, %broadcast_in_dim3A_451 in 0 : vector<511x512xf32>, vector<1x512xf32> -> vector<512x512xf32>
    %broadcast_in_dim3A_454 = arith.constant 0xFF800000 : f32
    %broadcast_in_dim3A_455 = vector.broadcast %broadcast_in_dim3A_454 : f32 to vector<1x512xf32>
    %slice3A_456 = vector.extract_strided_slice %max3A_449 {offsets = [0, 0], sizes = [511, 512], strides = [1, 1]} : vector<512x512xf32> to vector<511x512xf32>
    %concatenate3A_457 = tpu.concatenate %broadcast_in_dim3A_455, %slice3A_456 in 0 : vector<1x512xf32>, vector<511x512xf32> -> vector<512x512xf32>
    %max3A_458 = arith.maximumf %concatenate3A_453, %concatenate3A_457 : vector<512x512xf32>
    %max3A_459 = arith.maximumf %max3A_449, %max3A_458 : vector<512x512xf32>
    %iota3A = tpu.iota {dimensions = array<i32: 0>} : vector<512x512xi32>
    %iota3A_460 = tpu.iota {dimensions = array<i32: 1>} : vector<512x512xi32>
    %ge3A = arith.constant 16 : i32
    %ge3A_461 = vector.broadcast %ge3A : i32 to vector<512x512xi32>
    %ge3A_462 = arith.cmpi sge, %iota3A, %ge3A_461 : vector<512x512xi32>
    %lt3A = arith.constant 496 : i32
    %lt3A_463 = vector.broadcast %lt3A : i32 to vector<512x512xi32>
    %lt3A_464 = arith.cmpi slt, %iota3A, %lt3A_463 : vector<512x512xi32>
    %and3A = arith.andi %ge3A_462, %lt3A_464 : vector<512x512xi1>
    %ge3A_465 = arith.constant 16 : i32
    %ge3A_466 = vector.broadcast %ge3A_465 : i32 to vector<512x512xi32>
    %ge3A_467 = arith.cmpi sge, %iota3A_460, %ge3A_466 : vector<512x512xi32>
    %and3A_468 = arith.andi %and3A, %ge3A_467 : vector<512x512xi1>
    %lt3A_469 = arith.constant 496 : i32
    %lt3A_470 = vector.broadcast %lt3A_469 : i32 to vector<512x512xi32>
    %lt3A_471 = arith.cmpi slt, %iota3A_460, %lt3A_470 : vector<512x512xi32>
    %and3A_472 = arith.andi %and3A_468, %lt3A_471 : vector<512x512xi1>
    %max3A_473 = arith.maximumf %max3A_399, %max3A_419 : vector<512x512xf32>
    %max3A_474 = arith.maximumf %max3A_379, %max3A_473 : vector<512x512xf32>
    %ge3A_475 = arith.cmpf oge, %max3A_188, %max3A_474 : vector<512x512xf32>
    %gt3A = arith.constant 0.000000e+00 : f32
    %gt3A_476 = vector.broadcast %gt3A : f32 to vector<512x512xf32>
    %gt3A_477 = arith.cmpf ogt, %max3A_188, %gt3A_476 : vector<512x512xf32>
    %and3A_478 = arith.andi %ge3A_475, %gt3A_477 : vector<512x512xi1>
    %and3A_479 = arith.andi %and3A_478, %and3A_472 : vector<512x512xi1>
    %jit3A = arith.constant 0.000000e+00 : f32
    %broadcast_in_dim3A_480 = vector.broadcast %jit3A : f32 to vector<512x512xf32>
    %select_n3A = arith.select %and3A_479, %max3A_188, %broadcast_in_dim3A_480 : vector<512x512xi1>, vector<512x512xf32>
    %swap3A = arith.constant 0 : index
    %swap3A_481 = arith.constant 0 : index
    %swap3A_482 = arith.constant 0 : index
    %swap3A_483 = vector.load %arg18[%swap3A, %swap3A_481, %swap3A_482] : memref<3x512x512xf32, #tpu.memory_space<vmem>>, vector<1x512x512xf32>
    %swap3A_484 = vector.shape_cast %swap3A_483 : vector<1x512x512xf32> to vector<512x512xf32>
    %swap3A_485 = vector.shape_cast %select_n3A : vector<512x512xf32> to vector<1x512x512xf32>
    tpu.vector_store %arg18[%swap3A, %swap3A_481, %swap3A_482], %swap3A_485 {strides = array<i32>} : memref<3x512x512xf32, #tpu.memory_space<vmem>>, vector<1x512x512xf32>,
    %slice3A_486 = vector.extract_strided_slice %select_n3A {offsets = [0, 0], sizes = [512, 128], strides = [1, 1]} : vector<512x512xf32> to vector<512x128xf32>
    %slice3A_487 = vector.extract_strided_slice %select_n3A {offsets = [0, 128], sizes = [512, 128], strides = [1, 1]} : vector<512x512xf32> to vector<512x128xf32>
    %max3A_488 = arith.maximumf %slice3A_486, %slice3A_487 : vector<512x128xf32>
    %slice3A_489 = vector.extract_strided_slice %select_n3A {offsets = [0, 256], sizes = [512, 128], strides = [1, 1]} : vector<512x512xf32> to vector<512x128xf32>
    %max3A_490 = arith.maximumf %max3A_488, %slice3A_489 : vector<512x128xf32>
    %slice3A_491 = vector.extract_strided_slice %select_n3A {offsets = [0, 384], sizes = [512, 128], strides = [1, 1]} : vector<512x512xf32> to vector<512x128xf32>
    %max3A_492 = arith.maximumf %max3A_490, %slice3A_491 : vector<512x128xf32>
    %slice3A_493 = vector.extract_strided_slice %max3A_492 {offsets = [0, 0], sizes = [256, 128], strides = [1, 1]} : vector<512x128xf32> to vector<256x128xf32>
    %slice3A_494 = vector.extract_strided_slice %max3A_492 {offsets = [256, 0], sizes = [256, 128], strides = [1, 1]} : vector<512x128xf32> to vector<256x128xf32>
    %max3A_495 = arith.maximumf %slice3A_493, %slice3A_494 : vector<256x128xf32>
    %slice3A_496 = vector.extract_strided_slice %max3A_495 {offsets = [0, 0], sizes = [128, 128], strides = [1, 1]} : vector<256x128xf32> to vector<128x128xf32>
    %slice3A_497 = vector.extract_strided_slice %max3A_495 {offsets = [128, 0], sizes = [128, 128], strides = [1, 1]} : vector<256x128xf32> to vector<128x128xf32>
    %max3A_498 = arith.maximumf %slice3A_496, %slice3A_497 : vector<128x128xf32>
    %reduce_max3A = arith.constant dense<0xFF800000> : vector<512xf32>
    %reduce_max3A_499 = vector.multi_reduction <maximumf>, %select_n3A, %reduce_max3A [1] : vector<512x512xf32> to vector<512xf32>
    %broadcast_in_dim3A_500 = vector.shape_cast %reduce_max3A_499 : vector<512xf32> to vector<512x1xf32>
    %max3A_501 = arith.maximumf %max3A_419, %max3A_439 : vector<512x512xf32>
    %max3A_502 = arith.maximumf %max3A_399, %max3A_501 : vector<512x512xf32>
    %ge3A_503 = arith.cmpf oge, %max3A_245, %max3A_502 : vector<512x512xf32>
    %gt3A_504 = arith.constant 0.000000e+00 : f32
    %gt3A_505 = vector.broadcast %gt3A_504 : f32 to vector<512x512xf32>
    %gt3A_506 = arith.cmpf ogt, %max3A_245, %gt3A_505 : vector<512x512xf32>
    %and3A_507 = arith.andi %ge3A_503, %gt3A_506 : vector<512x512xi1>
    %and3A_508 = arith.andi %and3A_507, %and3A_472 : vector<512x512xi1>
    %jit3A_509 = arith.constant 0.000000e+00 : f32
    %broadcast_in_dim3A_510 = vector.broadcast %jit3A_509 : f32 to vector<512x512xf32>
    %select_n3A_511 = arith.select %and3A_508, %max3A_245, %broadcast_in_dim3A_510 : vector<512x512xi1>, vector<512x512xf32>
    %swap3A_512 = arith.constant 1 : index
    %swap3A_513 = arith.constant 0 : index
    %swap3A_514 = arith.constant 0 : index
    %swap3A_515 = vector.load %arg18[%swap3A_512, %swap3A_513, %swap3A_514] : memref<3x512x512xf32, #tpu.memory_space<vmem>>, vector<1x512x512xf32>
    %swap3A_516 = vector.shape_cast %swap3A_515 : vector<1x512x512xf32> to vector<512x512xf32>
    %swap3A_517 = vector.shape_cast %select_n3A_511 : vector<512x512xf32> to vector<1x512x512xf32>
    tpu.vector_store %arg18[%swap3A_512, %swap3A_513, %swap3A_514], %swap3A_517 {strides = array<i32>} : memref<3x512x512xf32, #tpu.memory_space<vmem>>, vector<1x512x512xf32>,
    %slice3A_518 = vector.extract_strided_slice %select_n3A_511 {offsets = [0, 0], sizes = [512, 128], strides = [1, 1]} : vector<512x512xf32> to vector<512x128xf32>
    %slice3A_519 = vector.extract_strided_slice %select_n3A_511 {offsets = [0, 128], sizes = [512, 128], strides = [1, 1]} : vector<512x512xf32> to vector<512x128xf32>
    %max3A_520 = arith.maximumf %slice3A_518, %slice3A_519 : vector<512x128xf32>
    %slice3A_521 = vector.extract_strided_slice %select_n3A_511 {offsets = [0, 256], sizes = [512, 128], strides = [1, 1]} : vector<512x512xf32> to vector<512x128xf32>
    %max3A_522 = arith.maximumf %max3A_520, %slice3A_521 : vector<512x128xf32>
    %slice3A_523 = vector.extract_strided_slice %select_n3A_511 {offsets = [0, 384], sizes = [512, 128], strides = [1, 1]} : vector<512x512xf32> to vector<512x128xf32>
    %max3A_524 = arith.maximumf %max3A_522, %slice3A_523 : vector<512x128xf32>
    %slice3A_525 = vector.extract_strided_slice %max3A_524 {offsets = [0, 0], sizes = [256, 128], strides = [1, 1]} : vector<512x128xf32> to vector<256x128xf32>
    %slice3A_526 = vector.extract_strided_slice %max3A_524 {offsets = [256, 0], sizes = [256, 128], strides = [1, 1]} : vector<512x128xf32> to vector<256x128xf32>
    %max3A_527 = arith.maximumf %slice3A_525, %slice3A_526 : vector<256x128xf32>
    %slice3A_528 = vector.extract_strided_slice %max3A_527 {offsets = [0, 0], sizes = [128, 128], strides = [1, 1]} : vector<256x128xf32> to vector<128x128xf32>
    %slice3A_529 = vector.extract_strided_slice %max3A_527 {offsets = [128, 0], sizes = [128, 128], strides = [1, 1]} : vector<256x128xf32> to vector<128x128xf32>
    %max3A_530 = arith.maximumf %slice3A_528, %slice3A_529 : vector<128x128xf32>
    %reduce_max3A_531 = arith.constant dense<0xFF800000> : vector<512xf32>
    %reduce_max3A_532 = vector.multi_reduction <maximumf>, %select_n3A_511, %reduce_max3A_531 [1] : vector<512x512xf32> to vector<512xf32>
    %broadcast_in_dim3A_533 = vector.shape_cast %reduce_max3A_532 : vector<512xf32> to vector<512x1xf32>
    %max3A_534 = arith.maximumf %max3A_439, %max3A_459 : vector<512x512xf32>
    %max3A_535 = arith.maximumf %max3A_419, %max3A_534 : vector<512x512xf32>
    %ge3A_536 = arith.cmpf oge, %max3A_302, %max3A_535 : vector<512x512xf32>
    %gt3A_537 = arith.constant 0.000000e+00 : f32
    %gt3A_538 = vector.broadcast %gt3A_537 : f32 to vector<512x512xf32>
    %gt3A_539 = arith.cmpf ogt, %max3A_302, %gt3A_538 : vector<512x512xf32>
    %and3A_540 = arith.andi %ge3A_536, %gt3A_539 : vector<512x512xi1>
    %and3A_541 = arith.andi %and3A_540, %and3A_472 : vector<512x512xi1>
    %jit3A_542 = arith.constant 0.000000e+00 : f32
    %broadcast_in_dim3A_543 = vector.broadcast %jit3A_542 : f32 to vector<512x512xf32>
    %select_n3A_544 = arith.select %and3A_541, %max3A_302, %broadcast_in_dim3A_543 : vector<512x512xi1>, vector<512x512xf32>
    %swap3A_545 = arith.constant 2 : index
    %swap3A_546 = arith.constant 0 : index
    %swap3A_547 = arith.constant 0 : index
    %swap3A_548 = vector.load %arg18[%swap3A_545, %swap3A_546, %swap3A_547] : memref<3x512x512xf32, #tpu.memory_space<vmem>>, vector<1x512x512xf32>
    %swap3A_549 = vector.shape_cast %swap3A_548 : vector<1x512x512xf32> to vector<512x512xf32>
    %swap3A_550 = vector.shape_cast %select_n3A_544 : vector<512x512xf32> to vector<1x512x512xf32>
    tpu.vector_store %arg18[%swap3A_545, %swap3A_546, %swap3A_547], %swap3A_550 {strides = array<i32>} : memref<3x512x512xf32, #tpu.memory_space<vmem>>, vector<1x512x512xf32>,
    %slice3A_551 = vector.extract_strided_slice %select_n3A_544 {offsets = [0, 0], sizes = [512, 128], strides = [1, 1]} : vector<512x512xf32> to vector<512x128xf32>
    %slice3A_552 = vector.extract_strided_slice %select_n3A_544 {offsets = [0, 128], sizes = [512, 128], strides = [1, 1]} : vector<512x512xf32> to vector<512x128xf32>
    %max3A_553 = arith.maximumf %slice3A_551, %slice3A_552 : vector<512x128xf32>
    %slice3A_554 = vector.extract_strided_slice %select_n3A_544 {offsets = [0, 256], sizes = [512, 128], strides = [1, 1]} : vector<512x512xf32> to vector<512x128xf32>
    %max3A_555 = arith.maximumf %max3A_553, %slice3A_554 : vector<512x128xf32>
    %slice3A_556 = vector.extract_strided_slice %select_n3A_544 {offsets = [0, 384], sizes = [512, 128], strides = [1, 1]} : vector<512x512xf32> to vector<512x128xf32>
    %max3A_557 = arith.maximumf %max3A_555, %slice3A_556 : vector<512x128xf32>
    %slice3A_558 = vector.extract_strided_slice %max3A_557 {offsets = [0, 0], sizes = [256, 128], strides = [1, 1]} : vector<512x128xf32> to vector<256x128xf32>
    %slice3A_559 = vector.extract_strided_slice %max3A_557 {offsets = [256, 0], sizes = [256, 128], strides = [1, 1]} : vector<512x128xf32> to vector<256x128xf32>
    %max3A_560 = arith.maximumf %slice3A_558, %slice3A_559 : vector<256x128xf32>
    %slice3A_561 = vector.extract_strided_slice %max3A_560 {offsets = [0, 0], sizes = [128, 128], strides = [1, 1]} : vector<256x128xf32> to vector<128x128xf32>
    %slice3A_562 = vector.extract_strided_slice %max3A_560 {offsets = [128, 0], sizes = [128, 128], strides = [1, 1]} : vector<256x128xf32> to vector<128x128xf32>
    %max3A_563 = arith.maximumf %slice3A_561, %slice3A_562 : vector<128x128xf32>
    %reduce_max3A_564 = arith.constant dense<0xFF800000> : vector<512xf32>
    %reduce_max3A_565 = vector.multi_reduction <maximumf>, %select_n3A_544, %reduce_max3A_564 [1] : vector<512x512xf32> to vector<512xf32>
    %broadcast_in_dim3A_566 = vector.shape_cast %reduce_max3A_565 : vector<512xf32> to vector<512x1xf32>
    %dot_general3A_567 = arith.constant dense<0.000000e+00> : vector<512x256xf32>
    %dot_general3A_568 = tpu.matmul %convert_element_type3A_75, %get3A_46, %dot_general3A_567 {dimension_numbers = #tpu.dot_dimension_numbers<[1], [0], [0], [1], [0, 0, 1, 1], [], []>, transpose_lhs_hint = false} : vector<512x512xbf16>, vector<512x256xbf16>, vector<512x256xf32> -> vector<512x256xf32>
    %dot_general3A_569 = arith.constant dense<0.000000e+00> : vector<256x256xf32>
    %dot_general3A_570 = tpu.matmul %get3A_43, %dot_general3A_568, %dot_general3A_569 {dimension_numbers = #tpu.dot_dimension_numbers<[1], [0], [0], [1], [0, 0, 1, 1], [], []>, transpose_lhs_hint = false} : vector<256x512xbf16>, vector<512x256xf32>, vector<256x256xf32> -> vector<256x256xf32>
    %convert_element_type3A_571 = arith.truncf %dot_general3A_570 : vector<256x256xf32> to vector<256x256xbf16>
    %dot_general3A_572 = arith.constant dense<0.000000e+00> : vector<256x256xf32>
    %dot_general3A_573 = tpu.matmul %get3A_19, %convert_element_type3A_571, %dot_general3A_572 {dimension_numbers = #tpu.dot_dimension_numbers<[1], [0], [0], [1], [0, 0, 1, 1], [], []>, transpose_lhs_hint = false} : vector<256x256xbf16>, vector<256x256xbf16>, vector<256x256xf32> -> vector<256x256xf32>
    %convert_element_type3A_574 = arith.truncf %dot_general3A_573 : vector<256x256xf32> to vector<256x256xbf16>
    %dot_general3A_575 = arith.constant dense<0.000000e+00> : vector<256x256xf32>
    %dot_general3A_576 = tpu.matmul %convert_element_type3A_574, %get3A_19, %dot_general3A_575 {dimension_numbers = #tpu.dot_dimension_numbers<[1], [0], [0], [1], [0, 0, 1, 1], [], []>, transpose_lhs_hint = false} : vector<256x256xbf16>, vector<256x256xbf16>, vector<256x256xf32> -> vector<256x256xf32>
    %convert_element_type3A_577 = arith.truncf %dot_general3A_576 : vector<256x256xf32> to vector<256x256xbf16>
    %dot_general3A_578 = arith.constant dense<0.000000e+00> : vector<256x256xf32>
    %dot_general3A_579 = tpu.matmul %get3A_22, %convert_element_type3A_577, %dot_general3A_578 {dimension_numbers = #tpu.dot_dimension_numbers<[1], [0], [0], [1], [0, 0, 1, 1], [], []>, transpose_lhs_hint = false} : vector<256x256xbf16>, vector<256x256xbf16>, vector<256x256xf32> -> vector<256x256xf32>
    %convert_element_type3A_580 = arith.truncf %dot_general3A_579 : vector<256x256xf32> to vector<256x256xbf16>
    %dot_general3A_581 = arith.constant dense<0.000000e+00> : vector<256x256xf32>
    %dot_general3A_582 = tpu.matmul %convert_element_type3A_580, %get3A_22, %dot_general3A_581 {dimension_numbers = #tpu.dot_dimension_numbers<[1], [0], [0], [1], [0, 0, 1, 1], [], []>, transpose_lhs_hint = false} : vector<256x256xbf16>, vector<256x256xbf16>, vector<256x256xf32> -> vector<256x256xf32>
    %convert_element_type3A_583 = arith.truncf %dot_general3A_582 : vector<256x256xf32> to vector<256x256xbf16>
    %dot_general3A_584 = arith.constant dense<0.000000e+00> : vector<256x256xf32>
    %dot_general3A_585 = tpu.matmul %get3A_25, %convert_element_type3A_583, %dot_general3A_584 {dimension_numbers = #tpu.dot_dimension_numbers<[1], [0], [0], [1], [0, 0, 1, 1], [], []>, transpose_lhs_hint = false} : vector<256x256xbf16>, vector<256x256xbf16>, vector<256x256xf32> -> vector<256x256xf32>
    %convert_element_type3A_586 = arith.truncf %dot_general3A_585 : vector<256x256xf32> to vector<256x256xbf16>
    %dot_general3A_587 = arith.constant dense<0.000000e+00> : vector<256x256xf32>
    %dot_general3A_588 = tpu.matmul %convert_element_type3A_586, %get3A_25, %dot_general3A_587 {dimension_numbers = #tpu.dot_dimension_numbers<[1], [0], [0], [1], [0, 0, 1, 1], [], []>, transpose_lhs_hint = false} : vector<256x256xbf16>, vector<256x256xbf16>, vector<256x256xf32> -> vector<256x256xf32>
    %convert_element_type3A_589 = arith.truncf %dot_general3A_588 : vector<256x256xf32> to vector<256x256xbf16>
    %dot_general3A_590 = arith.constant dense<0.000000e+00> : vector<256x256xf32>
    %dot_general3A_591 = tpu.matmul %get3A_28, %convert_element_type3A_589, %dot_general3A_590 {dimension_numbers = #tpu.dot_dimension_numbers<[1], [0], [0], [1], [0, 0, 1, 1], [], []>, transpose_lhs_hint = false} : vector<256x256xbf16>, vector<256x256xbf16>, vector<256x256xf32> -> vector<256x256xf32>
    %convert_element_type3A_592 = arith.truncf %dot_general3A_591 : vector<256x256xf32> to vector<256x256xbf16>
    %dot_general3A_593 = arith.constant dense<0.000000e+00> : vector<256x256xf32>
    %dot_general3A_594 = tpu.matmul %convert_element_type3A_592, %get3A_28, %dot_general3A_593 {dimension_numbers = #tpu.dot_dimension_numbers<[1], [0], [0], [1], [0, 0, 1, 1], [], []>, transpose_lhs_hint = false} : vector<256x256xbf16>, vector<256x256xbf16>, vector<256x256xf32> -> vector<256x256xf32>
    %convert_element_type3A_595 = arith.truncf %dot_general3A_594 : vector<256x256xf32> to vector<256x256xbf16>
    %convert_element_type3A_596 = arith.extf %convert_element_type3A_571 : vector<256x256xbf16> to vector<256x256xf32>
    %broadcast_in_dim3A_597 = arith.constant 0.000000e+00 : f32
    %broadcast_in_dim3A_598 = vector.broadcast %broadcast_in_dim3A_597 : f32 to vector<256x1xf32>
    %slice3A_599 = vector.extract_strided_slice %convert_element_type3A_596 {offsets = [0, 1], sizes = [256, 255], strides = [1, 1]} : vector<256x256xf32> to vector<256x255xf32>
    %concatenate3A_600 = tpu.concatenate %slice3A_599, %broadcast_in_dim3A_598 in 1 : vector<256x255xf32>, vector<256x1xf32> -> vector<256x256xf32>
    %broadcast_in_dim3A_601 = arith.constant 0.000000e+00 : f32
    %broadcast_in_dim3A_602 = vector.broadcast %broadcast_in_dim3A_601 : f32 to vector<256x1xf32>
    %slice3A_603 = vector.extract_strided_slice %convert_element_type3A_596 {offsets = [0, 0], sizes = [256, 255], strides = [1, 1]} : vector<256x256xf32> to vector<256x255xf32>
    %concatenate3A_604 = tpu.concatenate %broadcast_in_dim3A_602, %slice3A_603 in 1 : vector<256x1xf32>, vector<256x255xf32> -> vector<256x256xf32>
    %broadcast_in_dim3A_605 = arith.constant 0.000000e+00 : f32
    %broadcast_in_dim3A_606 = vector.broadcast %broadcast_in_dim3A_605 : f32 to vector<1x256xf32>
    %slice3A_607 = vector.extract_strided_slice %convert_element_type3A_596 {offsets = [1, 0], sizes = [255, 256], strides = [1, 1]} : vector<256x256xf32> to vector<255x256xf32>
    %concatenate3A_608 = tpu.concatenate %slice3A_607, %broadcast_in_dim3A_606 in 0 : vector<255x256xf32>, vector<1x256xf32> -> vector<256x256xf32>
    %broadcast_in_dim3A_609 = arith.constant 0.000000e+00 : f32
    %broadcast_in_dim3A_610 = vector.broadcast %broadcast_in_dim3A_609 : f32 to vector<1x256xf32>
    %slice3A_611 = vector.extract_strided_slice %convert_element_type3A_596 {offsets = [0, 0], sizes = [255, 256], strides = [1, 1]} : vector<256x256xf32> to vector<255x256xf32>
    %concatenate3A_612 = tpu.concatenate %broadcast_in_dim3A_610, %slice3A_611 in 0 : vector<1x256xf32>, vector<255x256xf32> -> vector<256x256xf32>
    %add3A_613 = arith.addf %concatenate3A_604, %concatenate3A_600 : vector<256x256xf32>
    %mul3A_614 = arith.constant 2.000000e+00 : f32
    %mul3A_615 = vector.broadcast %mul3A_614 : f32 to vector<256x256xf32>
    %mul3A_616 = arith.mulf %mul3A_615, %convert_element_type3A_596 : vector<256x256xf32>
    %sub3A_617 = arith.subf %add3A_613, %mul3A_616 : vector<256x256xf32>
    %add3A_618 = arith.addf %concatenate3A_612, %concatenate3A_608 : vector<256x256xf32>
    %mul3A_619 = arith.constant 2.000000e+00 : f32
    %mul3A_620 = vector.broadcast %mul3A_619 : f32 to vector<256x256xf32>
    %mul3A_621 = arith.mulf %mul3A_620, %convert_element_type3A_596 : vector<256x256xf32>
    %sub3A_622 = arith.subf %add3A_618, %mul3A_621 : vector<256x256xf32>
    %broadcast_in_dim3A_623 = arith.constant 0.000000e+00 : f32
    %broadcast_in_dim3A_624 = vector.broadcast %broadcast_in_dim3A_623 : f32 to vector<256x1xf32>
    %slice3A_625 = vector.extract_strided_slice %convert_element_type3A_596 {offsets = [0, 0], sizes = [256, 255], strides = [1, 1]} : vector<256x256xf32> to vector<256x255xf32>
    %concatenate3A_626 = tpu.concatenate %broadcast_in_dim3A_624, %slice3A_625 in 1 : vector<256x1xf32>, vector<256x255xf32> -> vector<256x256xf32>
    %broadcast_in_dim3A_627 = arith.constant 0.000000e+00 : f32
    %broadcast_in_dim3A_628 = vector.broadcast %broadcast_in_dim3A_627 : f32 to vector<256x1xf32>
    %slice3A_629 = vector.extract_strided_slice %convert_element_type3A_596 {offsets = [0, 1], sizes = [256, 255], strides = [1, 1]} : vector<256x256xf32> to vector<256x255xf32>
    %concatenate3A_630 = tpu.concatenate %slice3A_629, %broadcast_in_dim3A_628 in 1 : vector<256x255xf32>, vector<256x1xf32> -> vector<256x256xf32>
    %sub3A_631 = arith.subf %concatenate3A_626, %concatenate3A_630 : vector<256x256xf32>
    %broadcast_in_dim3A_632 = arith.constant 0.000000e+00 : f32
    %broadcast_in_dim3A_633 = vector.broadcast %broadcast_in_dim3A_632 : f32 to vector<1x256xf32>
    %slice3A_634 = vector.extract_strided_slice %sub3A_631 {offsets = [0, 0], sizes = [255, 256], strides = [1, 1]} : vector<256x256xf32> to vector<255x256xf32>
    %concatenate3A_635 = tpu.concatenate %broadcast_in_dim3A_633, %slice3A_634 in 0 : vector<1x256xf32>, vector<255x256xf32> -> vector<256x256xf32>
    %broadcast_in_dim3A_636 = arith.constant 0.000000e+00 : f32
    %broadcast_in_dim3A_637 = vector.broadcast %broadcast_in_dim3A_636 : f32 to vector<1x256xf32>
    %slice3A_638 = vector.extract_strided_slice %sub3A_631 {offsets = [1, 0], sizes = [255, 256], strides = [1, 1]} : vector<256x256xf32> to vector<255x256xf32>
    %concatenate3A_639 = tpu.concatenate %slice3A_638, %broadcast_in_dim3A_637 in 0 : vector<255x256xf32>, vector<1x256xf32> -> vector<256x256xf32>
    %sub3A_640 = arith.subf %concatenate3A_635, %concatenate3A_639 : vector<256x256xf32>
    %mul3A_641 = arith.constant 2.500000e-01 : f32
    %mul3A_642 = vector.broadcast %mul3A_641 : f32 to vector<256x256xf32>
    %mul3A_643 = arith.mulf %mul3A_642, %sub3A_640 : vector<256x256xf32>
    %mul3A_644 = arith.mulf %sub3A_617, %sub3A_622 : vector<256x256xf32>
    %mul3A_645 = arith.mulf %mul3A_643, %mul3A_643 : vector<256x256xf32>
    %sub3A_646 = arith.subf %mul3A_644, %mul3A_645 : vector<256x256xf32>
    %mul3A_647 = arith.constant 6.553600e+00 : f32
    %mul3A_648 = vector.broadcast %mul3A_647 : f32 to vector<256x256xf32>
    %mul3A_649 = arith.mulf %mul3A_648, %sub3A_646 : vector<256x256xf32>
    %max3A_650 = arith.constant 0.000000e+00 : f32
    %max3A_651 = vector.broadcast %max3A_650 : f32 to vector<256x256xf32>
    %max3A_652 = arith.maximumf %mul3A_649, %max3A_651 : vector<256x256xf32>
    %convert_element_type3A_653 = arith.extf %convert_element_type3A_577 : vector<256x256xbf16> to vector<256x256xf32>
    %broadcast_in_dim3A_654 = arith.constant 0.000000e+00 : f32
    %broadcast_in_dim3A_655 = vector.broadcast %broadcast_in_dim3A_654 : f32 to vector<256x1xf32>
    %slice3A_656 = vector.extract_strided_slice %convert_element_type3A_653 {offsets = [0, 1], sizes = [256, 255], strides = [1, 1]} : vector<256x256xf32> to vector<256x255xf32>
    %concatenate3A_657 = tpu.concatenate %slice3A_656, %broadcast_in_dim3A_655 in 1 : vector<256x255xf32>, vector<256x1xf32> -> vector<256x256xf32>
    %broadcast_in_dim3A_658 = arith.constant 0.000000e+00 : f32
    %broadcast_in_dim3A_659 = vector.broadcast %broadcast_in_dim3A_658 : f32 to vector<256x1xf32>
    %slice3A_660 = vector.extract_strided_slice %convert_element_type3A_653 {offsets = [0, 0], sizes = [256, 255], strides = [1, 1]} : vector<256x256xf32> to vector<256x255xf32>
    %concatenate3A_661 = tpu.concatenate %broadcast_in_dim3A_659, %slice3A_660 in 1 : vector<256x1xf32>, vector<256x255xf32> -> vector<256x256xf32>
    %broadcast_in_dim3A_662 = arith.constant 0.000000e+00 : f32
    %broadcast_in_dim3A_663 = vector.broadcast %broadcast_in_dim3A_662 : f32 to vector<1x256xf32>
    %slice3A_664 = vector.extract_strided_slice %convert_element_type3A_653 {offsets = [1, 0], sizes = [255, 256], strides = [1, 1]} : vector<256x256xf32> to vector<255x256xf32>
    %concatenate3A_665 = tpu.concatenate %slice3A_664, %broadcast_in_dim3A_663 in 0 : vector<255x256xf32>, vector<1x256xf32> -> vector<256x256xf32>
    %broadcast_in_dim3A_666 = arith.constant 0.000000e+00 : f32
    %broadcast_in_dim3A_667 = vector.broadcast %broadcast_in_dim3A_666 : f32 to vector<1x256xf32>
    %slice3A_668 = vector.extract_strided_slice %convert_element_type3A_653 {offsets = [0, 0], sizes = [255, 256], strides = [1, 1]} : vector<256x256xf32> to vector<255x256xf32>
    %concatenate3A_669 = tpu.concatenate %broadcast_in_dim3A_667, %slice3A_668 in 0 : vector<1x256xf32>, vector<255x256xf32> -> vector<256x256xf32>
    %add3A_670 = arith.addf %concatenate3A_661, %concatenate3A_657 : vector<256x256xf32>
    %mul3A_671 = arith.constant 2.000000e+00 : f32
    %mul3A_672 = vector.broadcast %mul3A_671 : f32 to vector<256x256xf32>
    %mul3A_673 = arith.mulf %mul3A_672, %convert_element_type3A_653 : vector<256x256xf32>
    %sub3A_674 = arith.subf %add3A_670, %mul3A_673 : vector<256x256xf32>
    %add3A_675 = arith.addf %concatenate3A_669, %concatenate3A_665 : vector<256x256xf32>
    %mul3A_676 = arith.constant 2.000000e+00 : f32
    %mul3A_677 = vector.broadcast %mul3A_676 : f32 to vector<256x256xf32>
    %mul3A_678 = arith.mulf %mul3A_677, %convert_element_type3A_653 : vector<256x256xf32>
    %sub3A_679 = arith.subf %add3A_675, %mul3A_678 : vector<256x256xf32>
    %broadcast_in_dim3A_680 = arith.constant 0.000000e+00 : f32
    %broadcast_in_dim3A_681 = vector.broadcast %broadcast_in_dim3A_680 : f32 to vector<256x1xf32>
    %slice3A_682 = vector.extract_strided_slice %convert_element_type3A_653 {offsets = [0, 0], sizes = [256, 255], strides = [1, 1]} : vector<256x256xf32> to vector<256x255xf32>
    %concatenate3A_683 = tpu.concatenate %broadcast_in_dim3A_681, %slice3A_682 in 1 : vector<256x1xf32>, vector<256x255xf32> -> vector<256x256xf32>
    %broadcast_in_dim3A_684 = arith.constant 0.000000e+00 : f32
    %broadcast_in_dim3A_685 = vector.broadcast %broadcast_in_dim3A_684 : f32 to vector<256x1xf32>
    %slice3A_686 = vector.extract_strided_slice %convert_element_type3A_653 {offsets = [0, 1], sizes = [256, 255], strides = [1, 1]} : vector<256x256xf32> to vector<256x255xf32>
    %concatenate3A_687 = tpu.concatenate %slice3A_686, %broadcast_in_dim3A_685 in 1 : vector<256x255xf32>, vector<256x1xf32> -> vector<256x256xf32>
    %sub3A_688 = arith.subf %concatenate3A_683, %concatenate3A_687 : vector<256x256xf32>
    %broadcast_in_dim3A_689 = arith.constant 0.000000e+00 : f32
    %broadcast_in_dim3A_690 = vector.broadcast %broadcast_in_dim3A_689 : f32 to vector<1x256xf32>
    %slice3A_691 = vector.extract_strided_slice %sub3A_688 {offsets = [0, 0], sizes = [255, 256], strides = [1, 1]} : vector<256x256xf32> to vector<255x256xf32>
    %concatenate3A_692 = tpu.concatenate %broadcast_in_dim3A_690, %slice3A_691 in 0 : vector<1x256xf32>, vector<255x256xf32> -> vector<256x256xf32>
    %broadcast_in_dim3A_693 = arith.constant 0.000000e+00 : f32
    %broadcast_in_dim3A_694 = vector.broadcast %broadcast_in_dim3A_693 : f32 to vector<1x256xf32>
    %slice3A_695 = vector.extract_strided_slice %sub3A_688 {offsets = [1, 0], sizes = [255, 256], strides = [1, 1]} : vector<256x256xf32> to vector<255x256xf32>
    %concatenate3A_696 = tpu.concatenate %slice3A_695, %broadcast_in_dim3A_694 in 0 : vector<255x256xf32>, vector<1x256xf32> -> vector<256x256xf32>
    %sub3A_697 = arith.subf %concatenate3A_692, %concatenate3A_696 : vector<256x256xf32>
    %mul3A_698 = arith.constant 2.500000e-01 : f32
    %mul3A_699 = vector.broadcast %mul3A_698 : f32 to vector<256x256xf32>
    %mul3A_700 = arith.mulf %mul3A_699, %sub3A_697 : vector<256x256xf32>
    %mul3A_701 = arith.mulf %sub3A_674, %sub3A_679 : vector<256x256xf32>
    %mul3A_702 = arith.mulf %mul3A_700, %mul3A_700 : vector<256x256xf32>
    %sub3A_703 = arith.subf %mul3A_701, %mul3A_702 : vector<256x256xf32>
    %mul3A_704 = arith.constant 16.5140381 : f32
    %mul3A_705 = vector.broadcast %mul3A_704 : f32 to vector<256x256xf32>
    %mul3A_706 = arith.mulf %mul3A_705, %sub3A_703 : vector<256x256xf32>
    %max3A_707 = arith.constant 0.000000e+00 : f32
    %max3A_708 = vector.broadcast %max3A_707 : f32 to vector<256x256xf32>
    %max3A_709 = arith.maximumf %mul3A_706, %max3A_708 : vector<256x256xf32>
    %convert_element_type3A_710 = arith.extf %convert_element_type3A_583 : vector<256x256xbf16> to vector<256x256xf32>
    %broadcast_in_dim3A_711 = arith.constant 0.000000e+00 : f32
    %broadcast_in_dim3A_712 = vector.broadcast %broadcast_in_dim3A_711 : f32 to vector<256x1xf32>
    %slice3A_713 = vector.extract_strided_slice %convert_element_type3A_710 {offsets = [0, 1], sizes = [256, 255], strides = [1, 1]} : vector<256x256xf32> to vector<256x255xf32>
    %concatenate3A_714 = tpu.concatenate %slice3A_713, %broadcast_in_dim3A_712 in 1 : vector<256x255xf32>, vector<256x1xf32> -> vector<256x256xf32>
    %broadcast_in_dim3A_715 = arith.constant 0.000000e+00 : f32
    %broadcast_in_dim3A_716 = vector.broadcast %broadcast_in_dim3A_715 : f32 to vector<256x1xf32>
    %slice3A_717 = vector.extract_strided_slice %convert_element_type3A_710 {offsets = [0, 0], sizes = [256, 255], strides = [1, 1]} : vector<256x256xf32> to vector<256x255xf32>
    %concatenate3A_718 = tpu.concatenate %broadcast_in_dim3A_716, %slice3A_717 in 1 : vector<256x1xf32>, vector<256x255xf32> -> vector<256x256xf32>
    %broadcast_in_dim3A_719 = arith.constant 0.000000e+00 : f32
    %broadcast_in_dim3A_720 = vector.broadcast %broadcast_in_dim3A_719 : f32 to vector<1x256xf32>
    %slice3A_721 = vector.extract_strided_slice %convert_element_type3A_710 {offsets = [1, 0], sizes = [255, 256], strides = [1, 1]} : vector<256x256xf32> to vector<255x256xf32>
    %concatenate3A_722 = tpu.concatenate %slice3A_721, %broadcast_in_dim3A_720 in 0 : vector<255x256xf32>, vector<1x256xf32> -> vector<256x256xf32>
    %broadcast_in_dim3A_723 = arith.constant 0.000000e+00 : f32
    %broadcast_in_dim3A_724 = vector.broadcast %broadcast_in_dim3A_723 : f32 to vector<1x256xf32>
    %slice3A_725 = vector.extract_strided_slice %convert_element_type3A_710 {offsets = [0, 0], sizes = [255, 256], strides = [1, 1]} : vector<256x256xf32> to vector<255x256xf32>
    %concatenate3A_726 = tpu.concatenate %broadcast_in_dim3A_724, %slice3A_725 in 0 : vector<1x256xf32>, vector<255x256xf32> -> vector<256x256xf32>
    %add3A_727 = arith.addf %concatenate3A_718, %concatenate3A_714 : vector<256x256xf32>
    %mul3A_728 = arith.constant 2.000000e+00 : f32
    %mul3A_729 = vector.broadcast %mul3A_728 : f32 to vector<256x256xf32>
    %mul3A_730 = arith.mulf %mul3A_729, %convert_element_type3A_710 : vector<256x256xf32>
    %sub3A_731 = arith.subf %add3A_727, %mul3A_730 : vector<256x256xf32>
    %add3A_732 = arith.addf %concatenate3A_726, %concatenate3A_722 : vector<256x256xf32>
    %mul3A_733 = arith.constant 2.000000e+00 : f32
    %mul3A_734 = vector.broadcast %mul3A_733 : f32 to vector<256x256xf32>
    %mul3A_735 = arith.mulf %mul3A_734, %convert_element_type3A_710 : vector<256x256xf32>
    %sub3A_736 = arith.subf %add3A_732, %mul3A_735 : vector<256x256xf32>
    %broadcast_in_dim3A_737 = arith.constant 0.000000e+00 : f32
    %broadcast_in_dim3A_738 = vector.broadcast %broadcast_in_dim3A_737 : f32 to vector<256x1xf32>
    %slice3A_739 = vector.extract_strided_slice %convert_element_type3A_710 {offsets = [0, 0], sizes = [256, 255], strides = [1, 1]} : vector<256x256xf32> to vector<256x255xf32>
    %concatenate3A_740 = tpu.concatenate %broadcast_in_dim3A_738, %slice3A_739 in 1 : vector<256x1xf32>, vector<256x255xf32> -> vector<256x256xf32>
    %broadcast_in_dim3A_741 = arith.constant 0.000000e+00 : f32
    %broadcast_in_dim3A_742 = vector.broadcast %broadcast_in_dim3A_741 : f32 to vector<256x1xf32>
    %slice3A_743 = vector.extract_strided_slice %convert_element_type3A_710 {offsets = [0, 1], sizes = [256, 255], strides = [1, 1]} : vector<256x256xf32> to vector<256x255xf32>
    %concatenate3A_744 = tpu.concatenate %slice3A_743, %broadcast_in_dim3A_742 in 1 : vector<256x255xf32>, vector<256x1xf32> -> vector<256x256xf32>
    %sub3A_745 = arith.subf %concatenate3A_740, %concatenate3A_744 : vector<256x256xf32>
    %broadcast_in_dim3A_746 = arith.constant 0.000000e+00 : f32
    %broadcast_in_dim3A_747 = vector.broadcast %broadcast_in_dim3A_746 : f32 to vector<1x256xf32>
    %slice3A_748 = vector.extract_strided_slice %sub3A_745 {offsets = [0, 0], sizes = [255, 256], strides = [1, 1]} : vector<256x256xf32> to vector<255x256xf32>
    %concatenate3A_749 = tpu.concatenate %broadcast_in_dim3A_747, %slice3A_748 in 0 : vector<1x256xf32>, vector<255x256xf32> -> vector<256x256xf32>
    %broadcast_in_dim3A_750 = arith.constant 0.000000e+00 : f32
    %broadcast_in_dim3A_751 = vector.broadcast %broadcast_in_dim3A_750 : f32 to vector<1x256xf32>
    %slice3A_752 = vector.extract_strided_slice %sub3A_745 {offsets = [1, 0], sizes = [255, 256], strides = [1, 1]} : vector<256x256xf32> to vector<255x256xf32>
    %concatenate3A_753 = tpu.concatenate %slice3A_752, %broadcast_in_dim3A_751 in 0 : vector<255x256xf32>, vector<1x256xf32> -> vector<256x256xf32>
    %sub3A_754 = arith.subf %concatenate3A_749, %concatenate3A_753 : vector<256x256xf32>
    %mul3A_755 = arith.constant 2.500000e-01 : f32
    %mul3A_756 = vector.broadcast %mul3A_755 : f32 to vector<256x256xf32>
    %mul3A_757 = arith.mulf %mul3A_756, %sub3A_754 : vector<256x256xf32>
    %mul3A_758 = arith.mulf %sub3A_731, %sub3A_736 : vector<256x256xf32>
    %mul3A_759 = arith.mulf %mul3A_757, %mul3A_757 : vector<256x256xf32>
    %sub3A_760 = arith.subf %mul3A_758, %mul3A_759 : vector<256x256xf32>
    %mul3A_761 = arith.constant 41.6127663 : f32
    %mul3A_762 = vector.broadcast %mul3A_761 : f32 to vector<256x256xf32>
    %mul3A_763 = arith.mulf %mul3A_762, %sub3A_760 : vector<256x256xf32>
    %max3A_764 = arith.constant 0.000000e+00 : f32
    %max3A_765 = vector.broadcast %max3A_764 : f32 to vector<256x256xf32>
    %max3A_766 = arith.maximumf %mul3A_763, %max3A_765 : vector<256x256xf32>
    %convert_element_type3A_767 = arith.extf %convert_element_type3A_589 : vector<256x256xbf16> to vector<256x256xf32>
    %broadcast_in_dim3A_768 = arith.constant 0.000000e+00 : f32
    %broadcast_in_dim3A_769 = vector.broadcast %broadcast_in_dim3A_768 : f32 to vector<256x1xf32>
    %slice3A_770 = vector.extract_strided_slice %convert_element_type3A_767 {offsets = [0, 1], sizes = [256, 255], strides = [1, 1]} : vector<256x256xf32> to vector<256x255xf32>
    %concatenate3A_771 = tpu.concatenate %slice3A_770, %broadcast_in_dim3A_769 in 1 : vector<256x255xf32>, vector<256x1xf32> -> vector<256x256xf32>
    %broadcast_in_dim3A_772 = arith.constant 0.000000e+00 : f32
    %broadcast_in_dim3A_773 = vector.broadcast %broadcast_in_dim3A_772 : f32 to vector<256x1xf32>
    %slice3A_774 = vector.extract_strided_slice %convert_element_type3A_767 {offsets = [0, 0], sizes = [256, 255], strides = [1, 1]} : vector<256x256xf32> to vector<256x255xf32>
    %concatenate3A_775 = tpu.concatenate %broadcast_in_dim3A_773, %slice3A_774 in 1 : vector<256x1xf32>, vector<256x255xf32> -> vector<256x256xf32>
    %broadcast_in_dim3A_776 = arith.constant 0.000000e+00 : f32
    %broadcast_in_dim3A_777 = vector.broadcast %broadcast_in_dim3A_776 : f32 to vector<1x256xf32>
    %slice3A_778 = vector.extract_strided_slice %convert_element_type3A_767 {offsets = [1, 0], sizes = [255, 256], strides = [1, 1]} : vector<256x256xf32> to vector<255x256xf32>
    %concatenate3A_779 = tpu.concatenate %slice3A_778, %broadcast_in_dim3A_777 in 0 : vector<255x256xf32>, vector<1x256xf32> -> vector<256x256xf32>
    %broadcast_in_dim3A_780 = arith.constant 0.000000e+00 : f32
    %broadcast_in_dim3A_781 = vector.broadcast %broadcast_in_dim3A_780 : f32 to vector<1x256xf32>
    %slice3A_782 = vector.extract_strided_slice %convert_element_type3A_767 {offsets = [0, 0], sizes = [255, 256], strides = [1, 1]} : vector<256x256xf32> to vector<255x256xf32>
    %concatenate3A_783 = tpu.concatenate %broadcast_in_dim3A_781, %slice3A_782 in 0 : vector<1x256xf32>, vector<255x256xf32> -> vector<256x256xf32>
    %add3A_784 = arith.addf %concatenate3A_775, %concatenate3A_771 : vector<256x256xf32>
    %mul3A_785 = arith.constant 2.000000e+00 : f32
    %mul3A_786 = vector.broadcast %mul3A_785 : f32 to vector<256x256xf32>
    %mul3A_787 = arith.mulf %mul3A_786, %convert_element_type3A_767 : vector<256x256xf32>
    %sub3A_788 = arith.subf %add3A_784, %mul3A_787 : vector<256x256xf32>
    %add3A_789 = arith.addf %concatenate3A_783, %concatenate3A_779 : vector<256x256xf32>
    %mul3A_790 = arith.constant 2.000000e+00 : f32
    %mul3A_791 = vector.broadcast %mul3A_790 : f32 to vector<256x256xf32>
    %mul3A_792 = arith.mulf %mul3A_791, %convert_element_type3A_767 : vector<256x256xf32>
    %sub3A_793 = arith.subf %add3A_789, %mul3A_792 : vector<256x256xf32>
    %broadcast_in_dim3A_794 = arith.constant 0.000000e+00 : f32
    %broadcast_in_dim3A_795 = vector.broadcast %broadcast_in_dim3A_794 : f32 to vector<256x1xf32>
    %slice3A_796 = vector.extract_strided_slice %convert_element_type3A_767 {offsets = [0, 0], sizes = [256, 255], strides = [1, 1]} : vector<256x256xf32> to vector<256x255xf32>
    %concatenate3A_797 = tpu.concatenate %broadcast_in_dim3A_795, %slice3A_796 in 1 : vector<256x1xf32>, vector<256x255xf32> -> vector<256x256xf32>
    %broadcast_in_dim3A_798 = arith.constant 0.000000e+00 : f32
    %broadcast_in_dim3A_799 = vector.broadcast %broadcast_in_dim3A_798 : f32 to vector<256x1xf32>
    %slice3A_800 = vector.extract_strided_slice %convert_element_type3A_767 {offsets = [0, 1], sizes = [256, 255], strides = [1, 1]} : vector<256x256xf32> to vector<256x255xf32>
    %concatenate3A_801 = tpu.concatenate %slice3A_800, %broadcast_in_dim3A_799 in 1 : vector<256x255xf32>, vector<256x1xf32> -> vector<256x256xf32>
    %sub3A_802 = arith.subf %concatenate3A_797, %concatenate3A_801 : vector<256x256xf32>
    %broadcast_in_dim3A_803 = arith.constant 0.000000e+00 : f32
    %broadcast_in_dim3A_804 = vector.broadcast %broadcast_in_dim3A_803 : f32 to vector<1x256xf32>
    %slice3A_805 = vector.extract_strided_slice %sub3A_802 {offsets = [0, 0], sizes = [255, 256], strides = [1, 1]} : vector<256x256xf32> to vector<255x256xf32>
    %concatenate3A_806 = tpu.concatenate %broadcast_in_dim3A_804, %slice3A_805 in 0 : vector<1x256xf32>, vector<255x256xf32> -> vector<256x256xf32>
    %broadcast_in_dim3A_807 = arith.constant 0.000000e+00 : f32
    %broadcast_in_dim3A_808 = vector.broadcast %broadcast_in_dim3A_807 : f32 to vector<1x256xf32>
    %slice3A_809 = vector.extract_strided_slice %sub3A_802 {offsets = [1, 0], sizes = [255, 256], strides = [1, 1]} : vector<256x256xf32> to vector<255x256xf32>
    %concatenate3A_810 = tpu.concatenate %slice3A_809, %broadcast_in_dim3A_808 in 0 : vector<255x256xf32>, vector<1x256xf32> -> vector<256x256xf32>
    %sub3A_811 = arith.subf %concatenate3A_806, %concatenate3A_810 : vector<256x256xf32>
    %mul3A_812 = arith.constant 2.500000e-01 : f32
    %mul3A_813 = vector.broadcast %mul3A_812 : f32 to vector<256x256xf32>
    %mul3A_814 = arith.mulf %mul3A_813, %sub3A_811 : vector<256x256xf32>
    %mul3A_815 = arith.mulf %sub3A_788, %sub3A_793 : vector<256x256xf32>
    %mul3A_816 = arith.mulf %mul3A_814, %mul3A_814 : vector<256x256xf32>
    %sub3A_817 = arith.subf %mul3A_815, %mul3A_816 : vector<256x256xf32>
    %mul3A_818 = arith.constant 104.857597 : f32
    %mul3A_819 = vector.broadcast %mul3A_818 : f32 to vector<256x256xf32>
    %mul3A_820 = arith.mulf %mul3A_819, %sub3A_817 : vector<256x256xf32>
    %max3A_821 = arith.constant 0.000000e+00 : f32
    %max3A_822 = vector.broadcast %max3A_821 : f32 to vector<256x256xf32>
    %max3A_823 = arith.maximumf %mul3A_820, %max3A_822 : vector<256x256xf32>
    %convert_element_type3A_824 = arith.extf %convert_element_type3A_595 : vector<256x256xbf16> to vector<256x256xf32>
    %broadcast_in_dim3A_825 = arith.constant 0.000000e+00 : f32
    %broadcast_in_dim3A_826 = vector.broadcast %broadcast_in_dim3A_825 : f32 to vector<256x1xf32>
    %slice3A_827 = vector.extract_strided_slice %convert_element_type3A_824 {offsets = [0, 1], sizes = [256, 255], strides = [1, 1]} : vector<256x256xf32> to vector<256x255xf32>
    %concatenate3A_828 = tpu.concatenate %slice3A_827, %broadcast_in_dim3A_826 in 1 : vector<256x255xf32>, vector<256x1xf32> -> vector<256x256xf32>
    %broadcast_in_dim3A_829 = arith.constant 0.000000e+00 : f32
    %broadcast_in_dim3A_830 = vector.broadcast %broadcast_in_dim3A_829 : f32 to vector<256x1xf32>
    %slice3A_831 = vector.extract_strided_slice %convert_element_type3A_824 {offsets = [0, 0], sizes = [256, 255], strides = [1, 1]} : vector<256x256xf32> to vector<256x255xf32>
    %concatenate3A_832 = tpu.concatenate %broadcast_in_dim3A_830, %slice3A_831 in 1 : vector<256x1xf32>, vector<256x255xf32> -> vector<256x256xf32>
    %broadcast_in_dim3A_833 = arith.constant 0.000000e+00 : f32
    %broadcast_in_dim3A_834 = vector.broadcast %broadcast_in_dim3A_833 : f32 to vector<1x256xf32>
    %slice3A_835 = vector.extract_strided_slice %convert_element_type3A_824 {offsets = [1, 0], sizes = [255, 256], strides = [1, 1]} : vector<256x256xf32> to vector<255x256xf32>
    %concatenate3A_836 = tpu.concatenate %slice3A_835, %broadcast_in_dim3A_834 in 0 : vector<255x256xf32>, vector<1x256xf32> -> vector<256x256xf32>
    %broadcast_in_dim3A_837 = arith.constant 0.000000e+00 : f32
    %broadcast_in_dim3A_838 = vector.broadcast %broadcast_in_dim3A_837 : f32 to vector<1x256xf32>
    %slice3A_839 = vector.extract_strided_slice %convert_element_type3A_824 {offsets = [0, 0], sizes = [255, 256], strides = [1, 1]} : vector<256x256xf32> to vector<255x256xf32>
    %concatenate3A_840 = tpu.concatenate %broadcast_in_dim3A_838, %slice3A_839 in 0 : vector<1x256xf32>, vector<255x256xf32> -> vector<256x256xf32>
    %add3A_841 = arith.addf %concatenate3A_832, %concatenate3A_828 : vector<256x256xf32>
    %mul3A_842 = arith.constant 2.000000e+00 : f32
    %mul3A_843 = vector.broadcast %mul3A_842 : f32 to vector<256x256xf32>
    %mul3A_844 = arith.mulf %mul3A_843, %convert_element_type3A_824 : vector<256x256xf32>
    %sub3A_845 = arith.subf %add3A_841, %mul3A_844 : vector<256x256xf32>
    %add3A_846 = arith.addf %concatenate3A_840, %concatenate3A_836 : vector<256x256xf32>
    %mul3A_847 = arith.constant 2.000000e+00 : f32
    %mul3A_848 = vector.broadcast %mul3A_847 : f32 to vector<256x256xf32>
    %mul3A_849 = arith.mulf %mul3A_848, %convert_element_type3A_824 : vector<256x256xf32>
    %sub3A_850 = arith.subf %add3A_846, %mul3A_849 : vector<256x256xf32>
    %broadcast_in_dim3A_851 = arith.constant 0.000000e+00 : f32
    %broadcast_in_dim3A_852 = vector.broadcast %broadcast_in_dim3A_851 : f32 to vector<256x1xf32>
    %slice3A_853 = vector.extract_strided_slice %convert_element_type3A_824 {offsets = [0, 0], sizes = [256, 255], strides = [1, 1]} : vector<256x256xf32> to vector<256x255xf32>
    %concatenate3A_854 = tpu.concatenate %broadcast_in_dim3A_852, %slice3A_853 in 1 : vector<256x1xf32>, vector<256x255xf32> -> vector<256x256xf32>
    %broadcast_in_dim3A_855 = arith.constant 0.000000e+00 : f32
    %broadcast_in_dim3A_856 = vector.broadcast %broadcast_in_dim3A_855 : f32 to vector<256x1xf32>
    %slice3A_857 = vector.extract_strided_slice %convert_element_type3A_824 {offsets = [0, 1], sizes = [256, 255], strides = [1, 1]} : vector<256x256xf32> to vector<256x255xf32>
    %concatenate3A_858 = tpu.concatenate %slice3A_857, %broadcast_in_dim3A_856 in 1 : vector<256x255xf32>, vector<256x1xf32> -> vector<256x256xf32>
    %sub3A_859 = arith.subf %concatenate3A_854, %concatenate3A_858 : vector<256x256xf32>
    %broadcast_in_dim3A_860 = arith.constant 0.000000e+00 : f32
    %broadcast_in_dim3A_861 = vector.broadcast %broadcast_in_dim3A_860 : f32 to vector<1x256xf32>
    %slice3A_862 = vector.extract_strided_slice %sub3A_859 {offsets = [0, 0], sizes = [255, 256], strides = [1, 1]} : vector<256x256xf32> to vector<255x256xf32>
    %concatenate3A_863 = tpu.concatenate %broadcast_in_dim3A_861, %slice3A_862 in 0 : vector<1x256xf32>, vector<255x256xf32> -> vector<256x256xf32>
    %broadcast_in_dim3A_864 = arith.constant 0.000000e+00 : f32
    %broadcast_in_dim3A_865 = vector.broadcast %broadcast_in_dim3A_864 : f32 to vector<1x256xf32>
    %slice3A_866 = vector.extract_strided_slice %sub3A_859 {offsets = [1, 0], sizes = [255, 256], strides = [1, 1]} : vector<256x256xf32> to vector<255x256xf32>
    %concatenate3A_867 = tpu.concatenate %slice3A_866, %broadcast_in_dim3A_865 in 0 : vector<255x256xf32>, vector<1x256xf32> -> vector<256x256xf32>
    %sub3A_868 = arith.subf %concatenate3A_863, %concatenate3A_867 : vector<256x256xf32>
    %mul3A_869 = arith.constant 2.500000e-01 : f32
    %mul3A_870 = vector.broadcast %mul3A_869 : f32 to vector<256x256xf32>
    %mul3A_871 = arith.mulf %mul3A_870, %sub3A_868 : vector<256x256xf32>
    %mul3A_872 = arith.mulf %sub3A_845, %sub3A_850 : vector<256x256xf32>
    %mul3A_873 = arith.mulf %mul3A_871, %mul3A_871 : vector<256x256xf32>
    %sub3A_874 = arith.subf %mul3A_872, %mul3A_873 : vector<256x256xf32>
    %mul3A_875 = arith.constant 264.224609 : f32
    %mul3A_876 = vector.broadcast %mul3A_875 : f32 to vector<256x256xf32>
    %mul3A_877 = arith.mulf %mul3A_876, %sub3A_874 : vector<256x256xf32>
    %max3A_878 = arith.constant 0.000000e+00 : f32
    %max3A_879 = vector.broadcast %max3A_878 : f32 to vector<256x256xf32>
    %max3A_880 = arith.maximumf %mul3A_877, %max3A_879 : vector<256x256xf32>
    %broadcast_in_dim3A_881 = arith.constant 0xFF800000 : f32
    %broadcast_in_dim3A_882 = vector.broadcast %broadcast_in_dim3A_881 : f32 to vector<256x1xf32>
    %slice3A_883 = vector.extract_strided_slice %max3A_652 {offsets = [0, 1], sizes = [256, 255], strides = [1, 1]} : vector<256x256xf32> to vector<256x255xf32>
    %concatenate3A_884 = tpu.concatenate %slice3A_883, %broadcast_in_dim3A_882 in 1 : vector<256x255xf32>, vector<256x1xf32> -> vector<256x256xf32>
    %broadcast_in_dim3A_885 = arith.constant 0xFF800000 : f32
    %broadcast_in_dim3A_886 = vector.broadcast %broadcast_in_dim3A_885 : f32 to vector<256x1xf32>
    %slice3A_887 = vector.extract_strided_slice %max3A_652 {offsets = [0, 0], sizes = [256, 255], strides = [1, 1]} : vector<256x256xf32> to vector<256x255xf32>
    %concatenate3A_888 = tpu.concatenate %broadcast_in_dim3A_886, %slice3A_887 in 1 : vector<256x1xf32>, vector<256x255xf32> -> vector<256x256xf32>
    %max3A_889 = arith.maximumf %concatenate3A_884, %concatenate3A_888 : vector<256x256xf32>
    %max3A_890 = arith.maximumf %max3A_652, %max3A_889 : vector<256x256xf32>
    %broadcast_in_dim3A_891 = arith.constant 0xFF800000 : f32
    %broadcast_in_dim3A_892 = vector.broadcast %broadcast_in_dim3A_891 : f32 to vector<1x256xf32>
    %slice3A_893 = vector.extract_strided_slice %max3A_890 {offsets = [1, 0], sizes = [255, 256], strides = [1, 1]} : vector<256x256xf32> to vector<255x256xf32>
    %concatenate3A_894 = tpu.concatenate %slice3A_893, %broadcast_in_dim3A_892 in 0 : vector<255x256xf32>, vector<1x256xf32> -> vector<256x256xf32>
    %broadcast_in_dim3A_895 = arith.constant 0xFF800000 : f32
    %broadcast_in_dim3A_896 = vector.broadcast %broadcast_in_dim3A_895 : f32 to vector<1x256xf32>
    %slice3A_897 = vector.extract_strided_slice %max3A_890 {offsets = [0, 0], sizes = [255, 256], strides = [1, 1]} : vector<256x256xf32> to vector<255x256xf32>
    %concatenate3A_898 = tpu.concatenate %broadcast_in_dim3A_896, %slice3A_897 in 0 : vector<1x256xf32>, vector<255x256xf32> -> vector<256x256xf32>
    %max3A_899 = arith.maximumf %concatenate3A_894, %concatenate3A_898 : vector<256x256xf32>
    %max3A_900 = arith.maximumf %max3A_890, %max3A_899 : vector<256x256xf32>
    %broadcast_in_dim3A_901 = arith.constant 0xFF800000 : f32
    %broadcast_in_dim3A_902 = vector.broadcast %broadcast_in_dim3A_901 : f32 to vector<256x1xf32>
    %slice3A_903 = vector.extract_strided_slice %max3A_709 {offsets = [0, 1], sizes = [256, 255], strides = [1, 1]} : vector<256x256xf32> to vector<256x255xf32>
    %concatenate3A_904 = tpu.concatenate %slice3A_903, %broadcast_in_dim3A_902 in 1 : vector<256x255xf32>, vector<256x1xf32> -> vector<256x256xf32>
    %broadcast_in_dim3A_905 = arith.constant 0xFF800000 : f32
    %broadcast_in_dim3A_906 = vector.broadcast %broadcast_in_dim3A_905 : f32 to vector<256x1xf32>
    %slice3A_907 = vector.extract_strided_slice %max3A_709 {offsets = [0, 0], sizes = [256, 255], strides = [1, 1]} : vector<256x256xf32> to vector<256x255xf32>
    %concatenate3A_908 = tpu.concatenate %broadcast_in_dim3A_906, %slice3A_907 in 1 : vector<256x1xf32>, vector<256x255xf32> -> vector<256x256xf32>
    %max3A_909 = arith.maximumf %concatenate3A_904, %concatenate3A_908 : vector<256x256xf32>
    %max3A_910 = arith.maximumf %max3A_709, %max3A_909 : vector<256x256xf32>
    %broadcast_in_dim3A_911 = arith.constant 0xFF800000 : f32
    %broadcast_in_dim3A_912 = vector.broadcast %broadcast_in_dim3A_911 : f32 to vector<1x256xf32>
    %slice3A_913 = vector.extract_strided_slice %max3A_910 {offsets = [1, 0], sizes = [255, 256], strides = [1, 1]} : vector<256x256xf32> to vector<255x256xf32>
    %concatenate3A_914 = tpu.concatenate %slice3A_913, %broadcast_in_dim3A_912 in 0 : vector<255x256xf32>, vector<1x256xf32> -> vector<256x256xf32>
    %broadcast_in_dim3A_915 = arith.constant 0xFF800000 : f32
    %broadcast_in_dim3A_916 = vector.broadcast %broadcast_in_dim3A_915 : f32 to vector<1x256xf32>
    %slice3A_917 = vector.extract_strided_slice %max3A_910 {offsets = [0, 0], sizes = [255, 256], strides = [1, 1]} : vector<256x256xf32> to vector<255x256xf32>
    %concatenate3A_918 = tpu.concatenate %broadcast_in_dim3A_916, %slice3A_917 in 0 : vector<1x256xf32>, vector<255x256xf32> -> vector<256x256xf32>
    %max3A_919 = arith.maximumf %concatenate3A_914, %concatenate3A_918 : vector<256x256xf32>
    %max3A_920 = arith.maximumf %max3A_910, %max3A_919 : vector<256x256xf32>
    %broadcast_in_dim3A_921 = arith.constant 0xFF800000 : f32
    %broadcast_in_dim3A_922 = vector.broadcast %broadcast_in_dim3A_921 : f32 to vector<256x1xf32>
    %slice3A_923 = vector.extract_strided_slice %max3A_766 {offsets = [0, 1], sizes = [256, 255], strides = [1, 1]} : vector<256x256xf32> to vector<256x255xf32>
    %concatenate3A_924 = tpu.concatenate %slice3A_923, %broadcast_in_dim3A_922 in 1 : vector<256x255xf32>, vector<256x1xf32> -> vector<256x256xf32>
    %broadcast_in_dim3A_925 = arith.constant 0xFF800000 : f32
    %broadcast_in_dim3A_926 = vector.broadcast %broadcast_in_dim3A_925 : f32 to vector<256x1xf32>
    %slice3A_927 = vector.extract_strided_slice %max3A_766 {offsets = [0, 0], sizes = [256, 255], strides = [1, 1]} : vector<256x256xf32> to vector<256x255xf32>
    %concatenate3A_928 = tpu.concatenate %broadcast_in_dim3A_926, %slice3A_927 in 1 : vector<256x1xf32>, vector<256x255xf32> -> vector<256x256xf32>
    %max3A_929 = arith.maximumf %concatenate3A_924, %concatenate3A_928 : vector<256x256xf32>
    %max3A_930 = arith.maximumf %max3A_766, %max3A_929 : vector<256x256xf32>
    %broadcast_in_dim3A_931 = arith.constant 0xFF800000 : f32
    %broadcast_in_dim3A_932 = vector.broadcast %broadcast_in_dim3A_931 : f32 to vector<1x256xf32>
    %slice3A_933 = vector.extract_strided_slice %max3A_930 {offsets = [1, 0], sizes = [255, 256], strides = [1, 1]} : vector<256x256xf32> to vector<255x256xf32>
    %concatenate3A_934 = tpu.concatenate %slice3A_933, %broadcast_in_dim3A_932 in 0 : vector<255x256xf32>, vector<1x256xf32> -> vector<256x256xf32>
    %broadcast_in_dim3A_935 = arith.constant 0xFF800000 : f32
    %broadcast_in_dim3A_936 = vector.broadcast %broadcast_in_dim3A_935 : f32 to vector<1x256xf32>
    %slice3A_937 = vector.extract_strided_slice %max3A_930 {offsets = [0, 0], sizes = [255, 256], strides = [1, 1]} : vector<256x256xf32> to vector<255x256xf32>
    %concatenate3A_938 = tpu.concatenate %broadcast_in_dim3A_936, %slice3A_937 in 0 : vector<1x256xf32>, vector<255x256xf32> -> vector<256x256xf32>
    %max3A_939 = arith.maximumf %concatenate3A_934, %concatenate3A_938 : vector<256x256xf32>
    %max3A_940 = arith.maximumf %max3A_930, %max3A_939 : vector<256x256xf32>
    %broadcast_in_dim3A_941 = arith.constant 0xFF800000 : f32
    %broadcast_in_dim3A_942 = vector.broadcast %broadcast_in_dim3A_941 : f32 to vector<256x1xf32>
    %slice3A_943 = vector.extract_strided_slice %max3A_823 {offsets = [0, 1], sizes = [256, 255], strides = [1, 1]} : vector<256x256xf32> to vector<256x255xf32>
    %concatenate3A_944 = tpu.concatenate %slice3A_943, %broadcast_in_dim3A_942 in 1 : vector<256x255xf32>, vector<256x1xf32> -> vector<256x256xf32>
    %broadcast_in_dim3A_945 = arith.constant 0xFF800000 : f32
    %broadcast_in_dim3A_946 = vector.broadcast %broadcast_in_dim3A_945 : f32 to vector<256x1xf32>
    %slice3A_947 = vector.extract_strided_slice %max3A_823 {offsets = [0, 0], sizes = [256, 255], strides = [1, 1]} : vector<256x256xf32> to vector<256x255xf32>
    %concatenate3A_948 = tpu.concatenate %broadcast_in_dim3A_946, %slice3A_947 in 1 : vector<256x1xf32>, vector<256x255xf32> -> vector<256x256xf32>
    %max3A_949 = arith.maximumf %concatenate3A_944, %concatenate3A_948 : vector<256x256xf32>
    %max3A_950 = arith.maximumf %max3A_823, %max3A_949 : vector<256x256xf32>
    %broadcast_in_dim3A_951 = arith.constant 0xFF800000 : f32
    %broadcast_in_dim3A_952 = vector.broadcast %broadcast_in_dim3A_951 : f32 to vector<1x256xf32>
    %slice3A_953 = vector.extract_strided_slice %max3A_950 {offsets = [1, 0], sizes = [255, 256], strides = [1, 1]} : vector<256x256xf32> to vector<255x256xf32>
    %concatenate3A_954 = tpu.concatenate %slice3A_953, %broadcast_in_dim3A_952 in 0 : vector<255x256xf32>, vector<1x256xf32> -> vector<256x256xf32>
    %broadcast_in_dim3A_955 = arith.constant 0xFF800000 : f32
    %broadcast_in_dim3A_956 = vector.broadcast %broadcast_in_dim3A_955 : f32 to vector<1x256xf32>
    %slice3A_957 = vector.extract_strided_slice %max3A_950 {offsets = [0, 0], sizes = [255, 256], strides = [1, 1]} : vector<256x256xf32> to vector<255x256xf32>
    %concatenate3A_958 = tpu.concatenate %broadcast_in_dim3A_956, %slice3A_957 in 0 : vector<1x256xf32>, vector<255x256xf32> -> vector<256x256xf32>
    %max3A_959 = arith.maximumf %concatenate3A_954, %concatenate3A_958 : vector<256x256xf32>
    %max3A_960 = arith.maximumf %max3A_950, %max3A_959 : vector<256x256xf32>
    %broadcast_in_dim3A_961 = arith.constant 0xFF800000 : f32
    %broadcast_in_dim3A_962 = vector.broadcast %broadcast_in_dim3A_961 : f32 to vector<256x1xf32>
    %slice3A_963 = vector.extract_strided_slice %max3A_880 {offsets = [0, 1], sizes = [256, 255], strides = [1, 1]} : vector<256x256xf32> to vector<256x255xf32>
    %concatenate3A_964 = tpu.concatenate %slice3A_963, %broadcast_in_dim3A_962 in 1 : vector<256x255xf32>, vector<256x1xf32> -> vector<256x256xf32>
    %broadcast_in_dim3A_965 = arith.constant 0xFF800000 : f32
    %broadcast_in_dim3A_966 = vector.broadcast %broadcast_in_dim3A_965 : f32 to vector<256x1xf32>
    %slice3A_967 = vector.extract_strided_slice %max3A_880 {offsets = [0, 0], sizes = [256, 255], strides = [1, 1]} : vector<256x256xf32> to vector<256x255xf32>
    %concatenate3A_968 = tpu.concatenate %broadcast_in_dim3A_966, %slice3A_967 in 1 : vector<256x1xf32>, vector<256x255xf32> -> vector<256x256xf32>
    %max3A_969 = arith.maximumf %concatenate3A_964, %concatenate3A_968 : vector<256x256xf32>
    %max3A_970 = arith.maximumf %max3A_880, %max3A_969 : vector<256x256xf32>
    %broadcast_in_dim3A_971 = arith.constant 0xFF800000 : f32
    %broadcast_in_dim3A_972 = vector.broadcast %broadcast_in_dim3A_971 : f32 to vector<1x256xf32>
    %slice3A_973 = vector.extract_strided_slice %max3A_970 {offsets = [1, 0], sizes = [255, 256], strides = [1, 1]} : vector<256x256xf32> to vector<255x256xf32>
    %concatenate3A_974 = tpu.concatenate %slice3A_973, %broadcast_in_dim3A_972 in 0 : vector<255x256xf32>, vector<1x256xf32> -> vector<256x256xf32>
    %broadcast_in_dim3A_975 = arith.constant 0xFF800000 : f32
    %broadcast_in_dim3A_976 = vector.broadcast %broadcast_in_dim3A_975 : f32 to vector<1x256xf32>
    %slice3A_977 = vector.extract_strided_slice %max3A_970 {offsets = [0, 0], sizes = [255, 256], strides = [1, 1]} : vector<256x256xf32> to vector<255x256xf32>
    %concatenate3A_978 = tpu.concatenate %broadcast_in_dim3A_976, %slice3A_977 in 0 : vector<1x256xf32>, vector<255x256xf32> -> vector<256x256xf32>
    %max3A_979 = arith.maximumf %concatenate3A_974, %concatenate3A_978 : vector<256x256xf32>
    %max3A_980 = arith.maximumf %max3A_970, %max3A_979 : vector<256x256xf32>
    %iota3A_981 = tpu.iota {dimensions = array<i32: 0>} : vector<256x256xi32>
    %iota3A_982 = tpu.iota {dimensions = array<i32: 1>} : vector<256x256xi32>
    %ge3A_983 = arith.constant 16 : i32
    %ge3A_984 = vector.broadcast %ge3A_983 : i32 to vector<256x256xi32>
    %ge3A_985 = arith.cmpi sge, %iota3A_981, %ge3A_984 : vector<256x256xi32>
    %lt3A_986 = arith.constant 240 : i32
    %lt3A_987 = vector.broadcast %lt3A_986 : i32 to vector<256x256xi32>
    %lt3A_988 = arith.cmpi slt, %iota3A_981, %lt3A_987 : vector<256x256xi32>
    %and3A_989 = arith.andi %ge3A_985, %lt3A_988 : vector<256x256xi1>
    %ge3A_990 = arith.constant 16 : i32
    %ge3A_991 = vector.broadcast %ge3A_990 : i32 to vector<256x256xi32>
    %ge3A_992 = arith.cmpi sge, %iota3A_982, %ge3A_991 : vector<256x256xi32>
    %and3A_993 = arith.andi %and3A_989, %ge3A_992 : vector<256x256xi1>
    %lt3A_994 = arith.constant 240 : i32
    %lt3A_995 = vector.broadcast %lt3A_994 : i32 to vector<256x256xi32>
    %lt3A_996 = arith.cmpi slt, %iota3A_982, %lt3A_995 : vector<256x256xi32>
    %and3A_997 = arith.andi %and3A_993, %lt3A_996 : vector<256x256xi1>
    %max3A_998 = arith.maximumf %max3A_920, %max3A_940 : vector<256x256xf32>
    %max3A_999 = arith.maximumf %max3A_900, %max3A_998 : vector<256x256xf32>
    %ge3A_1000 = arith.cmpf oge, %max3A_709, %max3A_999 : vector<256x256xf32>
    %gt3A_1001 = arith.constant 0.000000e+00 : f32
    %gt3A_1002 = vector.broadcast %gt3A_1001 : f32 to vector<256x256xf32>
    %gt3A_1003 = arith.cmpf ogt, %max3A_709, %gt3A_1002 : vector<256x256xf32>
    %and3A_1004 = arith.andi %ge3A_1000, %gt3A_1003 : vector<256x256xi1>
    %and3A_1005 = arith.andi %and3A_1004, %and3A_997 : vector<256x256xi1>
    %jit3A_1006 = arith.constant 0.000000e+00 : f32
    %broadcast_in_dim3A_1007 = vector.broadcast %jit3A_1006 : f32 to vector<256x256xf32>
    %select_n3A_1008 = arith.select %and3A_1005, %max3A_709, %broadcast_in_dim3A_1007 : vector<256x256xi1>, vector<256x256xf32>
    %swap3A_1009 = arith.constant 0 : index
    %swap3A_1010 = arith.constant 0 : index
    %swap3A_1011 = arith.constant 0 : index
    %swap3A_1012 = vector.load %arg19[%swap3A_1009, %swap3A_1010, %swap3A_1011] : memref<3x256x256xf32, #tpu.memory_space<vmem>>, vector<1x256x256xf32>
    %swap3A_1013 = vector.shape_cast %swap3A_1012 : vector<1x256x256xf32> to vector<256x256xf32>
    %swap3A_1014 = vector.shape_cast %select_n3A_1008 : vector<256x256xf32> to vector<1x256x256xf32>
    tpu.vector_store %arg19[%swap3A_1009, %swap3A_1010, %swap3A_1011], %swap3A_1014 {strides = array<i32>} : memref<3x256x256xf32, #tpu.memory_space<vmem>>, vector<1x256x256xf32>,
    %slice3A_1015 = vector.extract_strided_slice %select_n3A_1008 {offsets = [0, 0], sizes = [256, 128], strides = [1, 1]} : vector<256x256xf32> to vector<256x128xf32>
    %slice3A_1016 = vector.extract_strided_slice %select_n3A_1008 {offsets = [0, 128], sizes = [256, 128], strides = [1, 1]} : vector<256x256xf32> to vector<256x128xf32>
    %max3A_1017 = arith.maximumf %slice3A_1015, %slice3A_1016 : vector<256x128xf32>
    %slice3A_1018 = vector.extract_strided_slice %max3A_1017 {offsets = [0, 0], sizes = [128, 128], strides = [1, 1]} : vector<256x128xf32> to vector<128x128xf32>
    %slice3A_1019 = vector.extract_strided_slice %max3A_1017 {offsets = [128, 0], sizes = [128, 128], strides = [1, 1]} : vector<256x128xf32> to vector<128x128xf32>
    %max3A_1020 = arith.maximumf %slice3A_1018, %slice3A_1019 : vector<128x128xf32>
    %slice3A_1021 = vector.extract_strided_slice %max3A_1020 {offsets = [0, 0], sizes = [64, 128], strides = [1, 1]} : vector<128x128xf32> to vector<64x128xf32>
    %slice3A_1022 = vector.extract_strided_slice %max3A_1020 {offsets = [64, 0], sizes = [64, 128], strides = [1, 1]} : vector<128x128xf32> to vector<64x128xf32>
    %max3A_1023 = arith.maximumf %slice3A_1021, %slice3A_1022 : vector<64x128xf32>
    %reduce_max3A_1024 = arith.constant dense<0xFF800000> : vector<256xf32>
    %reduce_max3A_1025 = vector.multi_reduction <maximumf>, %select_n3A_1008, %reduce_max3A_1024 [1] : vector<256x256xf32> to vector<256xf32>
    %broadcast_in_dim3A_1026 = vector.shape_cast %reduce_max3A_1025 : vector<256xf32> to vector<256x1xf32>
    %max3A_1027 = arith.maximumf %max3A_940, %max3A_960 : vector<256x256xf32>
    %max3A_1028 = arith.maximumf %max3A_920, %max3A_1027 : vector<256x256xf32>
    %ge3A_1029 = arith.cmpf oge, %max3A_766, %max3A_1028 : vector<256x256xf32>
    %gt3A_1030 = arith.constant 0.000000e+00 : f32
    %gt3A_1031 = vector.broadcast %gt3A_1030 : f32 to vector<256x256xf32>
    %gt3A_1032 = arith.cmpf ogt, %max3A_766, %gt3A_1031 : vector<256x256xf32>
    %and3A_1033 = arith.andi %ge3A_1029, %gt3A_1032 : vector<256x256xi1>
    %and3A_1034 = arith.andi %and3A_1033, %and3A_997 : vector<256x256xi1>
    %jit3A_1035 = arith.constant 0.000000e+00 : f32
    %broadcast_in_dim3A_1036 = vector.broadcast %jit3A_1035 : f32 to vector<256x256xf32>
    %select_n3A_1037 = arith.select %and3A_1034, %max3A_766, %broadcast_in_dim3A_1036 : vector<256x256xi1>, vector<256x256xf32>
    %swap3A_1038 = arith.constant 1 : index
    %swap3A_1039 = arith.constant 0 : index
    %swap3A_1040 = arith.constant 0 : index
    %swap3A_1041 = vector.load %arg19[%swap3A_1038, %swap3A_1039, %swap3A_1040] : memref<3x256x256xf32, #tpu.memory_space<vmem>>, vector<1x256x256xf32>
    %swap3A_1042 = vector.shape_cast %swap3A_1041 : vector<1x256x256xf32> to vector<256x256xf32>
    %swap3A_1043 = vector.shape_cast %select_n3A_1037 : vector<256x256xf32> to vector<1x256x256xf32>
    tpu.vector_store %arg19[%swap3A_1038, %swap3A_1039, %swap3A_1040], %swap3A_1043 {strides = array<i32>} : memref<3x256x256xf32, #tpu.memory_space<vmem>>, vector<1x256x256xf32>,
    %slice3A_1044 = vector.extract_strided_slice %select_n3A_1037 {offsets = [0, 0], sizes = [256, 128], strides = [1, 1]} : vector<256x256xf32> to vector<256x128xf32>
    %slice3A_1045 = vector.extract_strided_slice %select_n3A_1037 {offsets = [0, 128], sizes = [256, 128], strides = [1, 1]} : vector<256x256xf32> to vector<256x128xf32>
    %max3A_1046 = arith.maximumf %slice3A_1044, %slice3A_1045 : vector<256x128xf32>
    %slice3A_1047 = vector.extract_strided_slice %max3A_1046 {offsets = [0, 0], sizes = [128, 128], strides = [1, 1]} : vector<256x128xf32> to vector<128x128xf32>
    %slice3A_1048 = vector.extract_strided_slice %max3A_1046 {offsets = [128, 0], sizes = [128, 128], strides = [1, 1]} : vector<256x128xf32> to vector<128x128xf32>
    %max3A_1049 = arith.maximumf %slice3A_1047, %slice3A_1048 : vector<128x128xf32>
    %slice3A_1050 = vector.extract_strided_slice %max3A_1049 {offsets = [0, 0], sizes = [64, 128], strides = [1, 1]} : vector<128x128xf32> to vector<64x128xf32>
    %slice3A_1051 = vector.extract_strided_slice %max3A_1049 {offsets = [64, 0], sizes = [64, 128], strides = [1, 1]} : vector<128x128xf32> to vector<64x128xf32>
    %max3A_1052 = arith.maximumf %slice3A_1050, %slice3A_1051 : vector<64x128xf32>
    %reduce_max3A_1053 = arith.constant dense<0xFF800000> : vector<256xf32>
    %reduce_max3A_1054 = vector.multi_reduction <maximumf>, %select_n3A_1037, %reduce_max3A_1053 [1] : vector<256x256xf32> to vector<256xf32>
    %broadcast_in_dim3A_1055 = vector.shape_cast %reduce_max3A_1054 : vector<256xf32> to vector<256x1xf32>
    %max3A_1056 = arith.maximumf %max3A_960, %max3A_980 : vector<256x256xf32>
    %max3A_1057 = arith.maximumf %max3A_940, %max3A_1056 : vector<256x256xf32>
    %ge3A_1058 = arith.cmpf oge, %max3A_823, %max3A_1057 : vector<256x256xf32>
    %gt3A_1059 = arith.constant 0.000000e+00 : f32
    %gt3A_1060 = vector.broadcast %gt3A_1059 : f32 to vector<256x256xf32>
    %gt3A_1061 = arith.cmpf ogt, %max3A_823, %gt3A_1060 : vector<256x256xf32>
    %and3A_1062 = arith.andi %ge3A_1058, %gt3A_1061 : vector<256x256xi1>
    %and3A_1063 = arith.andi %and3A_1062, %and3A_997 : vector<256x256xi1>
    %jit3A_1064 = arith.constant 0.000000e+00 : f32
    %broadcast_in_dim3A_1065 = vector.broadcast %jit3A_1064 : f32 to vector<256x256xf32>
    %select_n3A_1066 = arith.select %and3A_1063, %max3A_823, %broadcast_in_dim3A_1065 : vector<256x256xi1>, vector<256x256xf32>
    %swap3A_1067 = arith.constant 2 : index
    %swap3A_1068 = arith.constant 0 : index
    %swap3A_1069 = arith.constant 0 : index
    %swap3A_1070 = vector.load %arg19[%swap3A_1067, %swap3A_1068, %swap3A_1069] : memref<3x256x256xf32, #tpu.memory_space<vmem>>, vector<1x256x256xf32>
    %swap3A_1071 = vector.shape_cast %swap3A_1070 : vector<1x256x256xf32> to vector<256x256xf32>
    %swap3A_1072 = vector.shape_cast %select_n3A_1066 : vector<256x256xf32> to vector<1x256x256xf32>
    tpu.vector_store %arg19[%swap3A_1067, %swap3A_1068, %swap3A_1069], %swap3A_1072 {strides = array<i32>} : memref<3x256x256xf32, #tpu.memory_space<vmem>>, vector<1x256x256xf32>,
    %slice3A_1073 = vector.extract_strided_slice %select_n3A_1066 {offsets = [0, 0], sizes = [256, 128], strides = [1, 1]} : vector<256x256xf32> to vector<256x128xf32>
    %slice3A_1074 = vector.extract_strided_slice %select_n3A_1066 {offsets = [0, 128], sizes = [256, 128], strides = [1, 1]} : vector<256x256xf32> to vector<256x128xf32>
    %max3A_1075 = arith.maximumf %slice3A_1073, %slice3A_1074 : vector<256x128xf32>
    %slice3A_1076 = vector.extract_strided_slice %max3A_1075 {offsets = [0, 0], sizes = [128, 128], strides = [1, 1]} : vector<256x128xf32> to vector<128x128xf32>
    %slice3A_1077 = vector.extract_strided_slice %max3A_1075 {offsets = [128, 0], sizes = [128, 128], strides = [1, 1]} : vector<256x128xf32> to vector<128x128xf32>
    %max3A_1078 = arith.maximumf %slice3A_1076, %slice3A_1077 : vector<128x128xf32>
    %slice3A_1079 = vector.extract_strided_slice %max3A_1078 {offsets = [0, 0], sizes = [64, 128], strides = [1, 1]} : vector<128x128xf32> to vector<64x128xf32>
    %slice3A_1080 = vector.extract_strided_slice %max3A_1078 {offsets = [64, 0], sizes = [64, 128], strides = [1, 1]} : vector<128x128xf32> to vector<64x128xf32>
    %max3A_1081 = arith.maximumf %slice3A_1079, %slice3A_1080 : vector<64x128xf32>
    %reduce_max3A_1082 = arith.constant dense<0xFF800000> : vector<256xf32>
    %reduce_max3A_1083 = vector.multi_reduction <maximumf>, %select_n3A_1066, %reduce_max3A_1082 [1] : vector<256x256xf32> to vector<256xf32>
    %broadcast_in_dim3A_1084 = vector.shape_cast %reduce_max3A_1083 : vector<256xf32> to vector<256x1xf32>
    %dot_general3A_1085 = arith.constant dense<0.000000e+00> : vector<256x128xf32>
    %dot_general3A_1086 = tpu.matmul %convert_element_type3A_589, %get3A_52, %dot_general3A_1085 {dimension_numbers = #tpu.dot_dimension_numbers<[1], [0], [0], [1], [0, 0, 1, 1], [], []>, transpose_lhs_hint = false} : vector<256x256xbf16>, vector<256x128xbf16>, vector<256x128xf32> -> vector<256x128xf32>
    %dot_general3A_1087 = arith.constant dense<0.000000e+00> : vector<128x128xf32>
    %dot_general3A_1088 = tpu.matmul %get3A_49, %dot_general3A_1086, %dot_general3A_1087 {dimension_numbers = #tpu.dot_dimension_numbers<[1], [0], [0], [1], [0, 0, 1, 1], [], []>, transpose_lhs_hint = false} : vector<128x256xbf16>, vector<256x128xf32>, vector<128x128xf32> -> vector<128x128xf32>
    %convert_element_type3A_1089 = arith.truncf %dot_general3A_1088 : vector<128x128xf32> to vector<128x128xbf16>
    %dot_general3A_1090 = arith.constant dense<0.000000e+00> : vector<128x128xf32>
    %dot_general3A_1091 = tpu.matmul %get3A_31, %convert_element_type3A_1089, %dot_general3A_1090 {dimension_numbers = #tpu.dot_dimension_numbers<[1], [0], [0], [1], [0, 0, 1, 1], [], []>, transpose_lhs_hint = false} : vector<128x128xbf16>, vector<128x128xbf16>, vector<128x128xf32> -> vector<128x128xf32>
    %convert_element_type3A_1092 = arith.truncf %dot_general3A_1091 : vector<128x128xf32> to vector<128x128xbf16>
    %dot_general3A_1093 = arith.constant dense<0.000000e+00> : vector<128x128xf32>
    %dot_general3A_1094 = tpu.matmul %convert_element_type3A_1092, %get3A_31, %dot_general3A_1093 {dimension_numbers = #tpu.dot_dimension_numbers<[1], [0], [0], [1], [0, 0, 1, 1], [], []>, transpose_lhs_hint = false} : vector<128x128xbf16>, vector<128x128xbf16>, vector<128x128xf32> -> vector<128x128xf32>
    %convert_element_type3A_1095 = arith.truncf %dot_general3A_1094 : vector<128x128xf32> to vector<128x128xbf16>
    %dot_general3A_1096 = arith.constant dense<0.000000e+00> : vector<128x128xf32>
    %dot_general3A_1097 = tpu.matmul %get3A_34, %convert_element_type3A_1095, %dot_general3A_1096 {dimension_numbers = #tpu.dot_dimension_numbers<[1], [0], [0], [1], [0, 0, 1, 1], [], []>, transpose_lhs_hint = false} : vector<128x128xbf16>, vector<128x128xbf16>, vector<128x128xf32> -> vector<128x128xf32>
    %convert_element_type3A_1098 = arith.truncf %dot_general3A_1097 : vector<128x128xf32> to vector<128x128xbf16>
    %dot_general3A_1099 = arith.constant dense<0.000000e+00> : vector<128x128xf32>
    %dot_general3A_1100 = tpu.matmul %convert_element_type3A_1098, %get3A_34, %dot_general3A_1099 {dimension_numbers = #tpu.dot_dimension_numbers<[1], [0], [0], [1], [0, 0, 1, 1], [], []>, transpose_lhs_hint = false} : vector<128x128xbf16>, vector<128x128xbf16>, vector<128x128xf32> -> vector<128x128xf32>
    %convert_element_type3A_1101 = arith.truncf %dot_general3A_1100 : vector<128x128xf32> to vector<128x128xbf16>
    %dot_general3A_1102 = arith.constant dense<0.000000e+00> : vector<128x128xf32>
    %dot_general3A_1103 = tpu.matmul %get3A_37, %convert_element_type3A_1101, %dot_general3A_1102 {dimension_numbers = #tpu.dot_dimension_numbers<[1], [0], [0], [1], [0, 0, 1, 1], [], []>, transpose_lhs_hint = false} : vector<128x128xbf16>, vector<128x128xbf16>, vector<128x128xf32> -> vector<128x128xf32>
    %convert_element_type3A_1104 = arith.truncf %dot_general3A_1103 : vector<128x128xf32> to vector<128x128xbf16>
    %dot_general3A_1105 = arith.constant dense<0.000000e+00> : vector<128x128xf32>
    %dot_general3A_1106 = tpu.matmul %convert_element_type3A_1104, %get3A_37, %dot_general3A_1105 {dimension_numbers = #tpu.dot_dimension_numbers<[1], [0], [0], [1], [0, 0, 1, 1], [], []>, transpose_lhs_hint = false} : vector<128x128xbf16>, vector<128x128xbf16>, vector<128x128xf32> -> vector<128x128xf32>
    %convert_element_type3A_1107 = arith.truncf %dot_general3A_1106 : vector<128x128xf32> to vector<128x128xbf16>
    %dot_general3A_1108 = arith.constant dense<0.000000e+00> : vector<128x128xf32>
    %dot_general3A_1109 = tpu.matmul %get3A_40, %convert_element_type3A_1107, %dot_general3A_1108 {dimension_numbers = #tpu.dot_dimension_numbers<[1], [0], [0], [1], [0, 0, 1, 1], [], []>, transpose_lhs_hint = false} : vector<128x128xbf16>, vector<128x128xbf16>, vector<128x128xf32> -> vector<128x128xf32>
    %convert_element_type3A_1110 = arith.truncf %dot_general3A_1109 : vector<128x128xf32> to vector<128x128xbf16>
    %dot_general3A_1111 = arith.constant dense<0.000000e+00> : vector<128x128xf32>
    %dot_general3A_1112 = tpu.matmul %convert_element_type3A_1110, %get3A_40, %dot_general3A_1111 {dimension_numbers = #tpu.dot_dimension_numbers<[1], [0], [0], [1], [0, 0, 1, 1], [], []>, transpose_lhs_hint = false} : vector<128x128xbf16>, vector<128x128xbf16>, vector<128x128xf32> -> vector<128x128xf32>
    %convert_element_type3A_1113 = arith.truncf %dot_general3A_1112 : vector<128x128xf32> to vector<128x128xbf16>
    %convert_element_type3A_1114 = arith.extf %convert_element_type3A_1089 : vector<128x128xbf16> to vector<128x128xf32>
    %broadcast_in_dim3A_1115 = arith.constant 0.000000e+00 : f32
    %broadcast_in_dim3A_1116 = vector.broadcast %broadcast_in_dim3A_1115 : f32 to vector<128x1xf32>
    %slice3A_1117 = vector.extract_strided_slice %convert_element_type3A_1114 {offsets = [0, 1], sizes = [128, 127], strides = [1, 1]} : vector<128x128xf32> to vector<128x127xf32>
    %concatenate3A_1118 = tpu.concatenate %slice3A_1117, %broadcast_in_dim3A_1116 in 1 : vector<128x127xf32>, vector<128x1xf32> -> vector<128x128xf32>
    %broadcast_in_dim3A_1119 = arith.constant 0.000000e+00 : f32
    %broadcast_in_dim3A_1120 = vector.broadcast %broadcast_in_dim3A_1119 : f32 to vector<128x1xf32>
    %slice3A_1121 = vector.extract_strided_slice %convert_element_type3A_1114 {offsets = [0, 0], sizes = [128, 127], strides = [1, 1]} : vector<128x128xf32> to vector<128x127xf32>
    %concatenate3A_1122 = tpu.concatenate %broadcast_in_dim3A_1120, %slice3A_1121 in 1 : vector<128x1xf32>, vector<128x127xf32> -> vector<128x128xf32>
    %broadcast_in_dim3A_1123 = arith.constant 0.000000e+00 : f32
    %broadcast_in_dim3A_1124 = vector.broadcast %broadcast_in_dim3A_1123 : f32 to vector<1x128xf32>
    %slice3A_1125 = vector.extract_strided_slice %convert_element_type3A_1114 {offsets = [1, 0], sizes = [127, 128], strides = [1, 1]} : vector<128x128xf32> to vector<127x128xf32>
    %concatenate3A_1126 = tpu.concatenate %slice3A_1125, %broadcast_in_dim3A_1124 in 0 : vector<127x128xf32>, vector<1x128xf32> -> vector<128x128xf32>
    %broadcast_in_dim3A_1127 = arith.constant 0.000000e+00 : f32
    %broadcast_in_dim3A_1128 = vector.broadcast %broadcast_in_dim3A_1127 : f32 to vector<1x128xf32>
    %slice3A_1129 = vector.extract_strided_slice %convert_element_type3A_1114 {offsets = [0, 0], sizes = [127, 128], strides = [1, 1]} : vector<128x128xf32> to vector<127x128xf32>
    %concatenate3A_1130 = tpu.concatenate %broadcast_in_dim3A_1128, %slice3A_1129 in 0 : vector<1x128xf32>, vector<127x128xf32> -> vector<128x128xf32>
    %add3A_1131 = arith.addf %concatenate3A_1122, %concatenate3A_1118 : vector<128x128xf32>
    %mul3A_1132 = arith.constant 2.000000e+00 : f32
    %mul3A_1133 = vector.broadcast %mul3A_1132 : f32 to vector<128x128xf32>
    %mul3A_1134 = arith.mulf %mul3A_1133, %convert_element_type3A_1114 : vector<128x128xf32>
    %sub3A_1135 = arith.subf %add3A_1131, %mul3A_1134 : vector<128x128xf32>
    %add3A_1136 = arith.addf %concatenate3A_1130, %concatenate3A_1126 : vector<128x128xf32>
    %mul3A_1137 = arith.constant 2.000000e+00 : f32
    %mul3A_1138 = vector.broadcast %mul3A_1137 : f32 to vector<128x128xf32>
    %mul3A_1139 = arith.mulf %mul3A_1138, %convert_element_type3A_1114 : vector<128x128xf32>
    %sub3A_1140 = arith.subf %add3A_1136, %mul3A_1139 : vector<128x128xf32>
    %broadcast_in_dim3A_1141 = arith.constant 0.000000e+00 : f32
    %broadcast_in_dim3A_1142 = vector.broadcast %broadcast_in_dim3A_1141 : f32 to vector<128x1xf32>
    %slice3A_1143 = vector.extract_strided_slice %convert_element_type3A_1114 {offsets = [0, 0], sizes = [128, 127], strides = [1, 1]} : vector<128x128xf32> to vector<128x127xf32>
    %concatenate3A_1144 = tpu.concatenate %broadcast_in_dim3A_1142, %slice3A_1143 in 1 : vector<128x1xf32>, vector<128x127xf32> -> vector<128x128xf32>
    %broadcast_in_dim3A_1145 = arith.constant 0.000000e+00 : f32
    %broadcast_in_dim3A_1146 = vector.broadcast %broadcast_in_dim3A_1145 : f32 to vector<128x1xf32>
    %slice3A_1147 = vector.extract_strided_slice %convert_element_type3A_1114 {offsets = [0, 1], sizes = [128, 127], strides = [1, 1]} : vector<128x128xf32> to vector<128x127xf32>
    %concatenate3A_1148 = tpu.concatenate %slice3A_1147, %broadcast_in_dim3A_1146 in 1 : vector<128x127xf32>, vector<128x1xf32> -> vector<128x128xf32>
    %sub3A_1149 = arith.subf %concatenate3A_1144, %concatenate3A_1148 : vector<128x128xf32>
    %broadcast_in_dim3A_1150 = arith.constant 0.000000e+00 : f32
    %broadcast_in_dim3A_1151 = vector.broadcast %broadcast_in_dim3A_1150 : f32 to vector<1x128xf32>
    %slice3A_1152 = vector.extract_strided_slice %sub3A_1149 {offsets = [0, 0], sizes = [127, 128], strides = [1, 1]} : vector<128x128xf32> to vector<127x128xf32>
    %concatenate3A_1153 = tpu.concatenate %broadcast_in_dim3A_1151, %slice3A_1152 in 0 : vector<1x128xf32>, vector<127x128xf32> -> vector<128x128xf32>
    %broadcast_in_dim3A_1154 = arith.constant 0.000000e+00 : f32
    %broadcast_in_dim3A_1155 = vector.broadcast %broadcast_in_dim3A_1154 : f32 to vector<1x128xf32>
    %slice3A_1156 = vector.extract_strided_slice %sub3A_1149 {offsets = [1, 0], sizes = [127, 128], strides = [1, 1]} : vector<128x128xf32> to vector<127x128xf32>
    %concatenate3A_1157 = tpu.concatenate %slice3A_1156, %broadcast_in_dim3A_1155 in 0 : vector<127x128xf32>, vector<1x128xf32> -> vector<128x128xf32>
    %sub3A_1158 = arith.subf %concatenate3A_1153, %concatenate3A_1157 : vector<128x128xf32>
    %mul3A_1159 = arith.constant 2.500000e-01 : f32
    %mul3A_1160 = vector.broadcast %mul3A_1159 : f32 to vector<128x128xf32>
    %mul3A_1161 = arith.mulf %mul3A_1160, %sub3A_1158 : vector<128x128xf32>
    %mul3A_1162 = arith.mulf %sub3A_1135, %sub3A_1140 : vector<128x128xf32>
    %mul3A_1163 = arith.mulf %mul3A_1161, %mul3A_1161 : vector<128x128xf32>
    %sub3A_1164 = arith.subf %mul3A_1162, %mul3A_1163 : vector<128x128xf32>
    %mul3A_1165 = arith.constant 6.553600e+00 : f32
    %mul3A_1166 = vector.broadcast %mul3A_1165 : f32 to vector<128x128xf32>
    %mul3A_1167 = arith.mulf %mul3A_1166, %sub3A_1164 : vector<128x128xf32>
    %max3A_1168 = arith.constant 0.000000e+00 : f32
    %max3A_1169 = vector.broadcast %max3A_1168 : f32 to vector<128x128xf32>
    %max3A_1170 = arith.maximumf %mul3A_1167, %max3A_1169 : vector<128x128xf32>
    %convert_element_type3A_1171 = arith.extf %convert_element_type3A_1095 : vector<128x128xbf16> to vector<128x128xf32>
    %broadcast_in_dim3A_1172 = arith.constant 0.000000e+00 : f32
    %broadcast_in_dim3A_1173 = vector.broadcast %broadcast_in_dim3A_1172 : f32 to vector<128x1xf32>
    %slice3A_1174 = vector.extract_strided_slice %convert_element_type3A_1171 {offsets = [0, 1], sizes = [128, 127], strides = [1, 1]} : vector<128x128xf32> to vector<128x127xf32>
    %concatenate3A_1175 = tpu.concatenate %slice3A_1174, %broadcast_in_dim3A_1173 in 1 : vector<128x127xf32>, vector<128x1xf32> -> vector<128x128xf32>
    %broadcast_in_dim3A_1176 = arith.constant 0.000000e+00 : f32
    %broadcast_in_dim3A_1177 = vector.broadcast %broadcast_in_dim3A_1176 : f32 to vector<128x1xf32>
    %slice3A_1178 = vector.extract_strided_slice %convert_element_type3A_1171 {offsets = [0, 0], sizes = [128, 127], strides = [1, 1]} : vector<128x128xf32> to vector<128x127xf32>
    %concatenate3A_1179 = tpu.concatenate %broadcast_in_dim3A_1177, %slice3A_1178 in 1 : vector<128x1xf32>, vector<128x127xf32> -> vector<128x128xf32>
    %broadcast_in_dim3A_1180 = arith.constant 0.000000e+00 : f32
    %broadcast_in_dim3A_1181 = vector.broadcast %broadcast_in_dim3A_1180 : f32 to vector<1x128xf32>
    %slice3A_1182 = vector.extract_strided_slice %convert_element_type3A_1171 {offsets = [1, 0], sizes = [127, 128], strides = [1, 1]} : vector<128x128xf32> to vector<127x128xf32>
    %concatenate3A_1183 = tpu.concatenate %slice3A_1182, %broadcast_in_dim3A_1181 in 0 : vector<127x128xf32>, vector<1x128xf32> -> vector<128x128xf32>
    %broadcast_in_dim3A_1184 = arith.constant 0.000000e+00 : f32
    %broadcast_in_dim3A_1185 = vector.broadcast %broadcast_in_dim3A_1184 : f32 to vector<1x128xf32>
    %slice3A_1186 = vector.extract_strided_slice %convert_element_type3A_1171 {offsets = [0, 0], sizes = [127, 128], strides = [1, 1]} : vector<128x128xf32> to vector<127x128xf32>
    %concatenate3A_1187 = tpu.concatenate %broadcast_in_dim3A_1185, %slice3A_1186 in 0 : vector<1x128xf32>, vector<127x128xf32> -> vector<128x128xf32>
    %add3A_1188 = arith.addf %concatenate3A_1179, %concatenate3A_1175 : vector<128x128xf32>
    %mul3A_1189 = arith.constant 2.000000e+00 : f32
    %mul3A_1190 = vector.broadcast %mul3A_1189 : f32 to vector<128x128xf32>
    %mul3A_1191 = arith.mulf %mul3A_1190, %convert_element_type3A_1171 : vector<128x128xf32>
    %sub3A_1192 = arith.subf %add3A_1188, %mul3A_1191 : vector<128x128xf32>
    %add3A_1193 = arith.addf %concatenate3A_1187, %concatenate3A_1183 : vector<128x128xf32>
    %mul3A_1194 = arith.constant 2.000000e+00 : f32
    %mul3A_1195 = vector.broadcast %mul3A_1194 : f32 to vector<128x128xf32>
    %mul3A_1196 = arith.mulf %mul3A_1195, %convert_element_type3A_1171 : vector<128x128xf32>
    %sub3A_1197 = arith.subf %add3A_1193, %mul3A_1196 : vector<128x128xf32>
    %broadcast_in_dim3A_1198 = arith.constant 0.000000e+00 : f32
    %broadcast_in_dim3A_1199 = vector.broadcast %broadcast_in_dim3A_1198 : f32 to vector<128x1xf32>
    %slice3A_1200 = vector.extract_strided_slice %convert_element_type3A_1171 {offsets = [0, 0], sizes = [128, 127], strides = [1, 1]} : vector<128x128xf32> to vector<128x127xf32>
    %concatenate3A_1201 = tpu.concatenate %broadcast_in_dim3A_1199, %slice3A_1200 in 1 : vector<128x1xf32>, vector<128x127xf32> -> vector<128x128xf32>
    %broadcast_in_dim3A_1202 = arith.constant 0.000000e+00 : f32
    %broadcast_in_dim3A_1203 = vector.broadcast %broadcast_in_dim3A_1202 : f32 to vector<128x1xf32>
    %slice3A_1204 = vector.extract_strided_slice %convert_element_type3A_1171 {offsets = [0, 1], sizes = [128, 127], strides = [1, 1]} : vector<128x128xf32> to vector<128x127xf32>
    %concatenate3A_1205 = tpu.concatenate %slice3A_1204, %broadcast_in_dim3A_1203 in 1 : vector<128x127xf32>, vector<128x1xf32> -> vector<128x128xf32>
    %sub3A_1206 = arith.subf %concatenate3A_1201, %concatenate3A_1205 : vector<128x128xf32>
    %broadcast_in_dim3A_1207 = arith.constant 0.000000e+00 : f32
    %broadcast_in_dim3A_1208 = vector.broadcast %broadcast_in_dim3A_1207 : f32 to vector<1x128xf32>
    %slice3A_1209 = vector.extract_strided_slice %sub3A_1206 {offsets = [0, 0], sizes = [127, 128], strides = [1, 1]} : vector<128x128xf32> to vector<127x128xf32>
    %concatenate3A_1210 = tpu.concatenate %broadcast_in_dim3A_1208, %slice3A_1209 in 0 : vector<1x128xf32>, vector<127x128xf32> -> vector<128x128xf32>
    %broadcast_in_dim3A_1211 = arith.constant 0.000000e+00 : f32
    %broadcast_in_dim3A_1212 = vector.broadcast %broadcast_in_dim3A_1211 : f32 to vector<1x128xf32>
    %slice3A_1213 = vector.extract_strided_slice %sub3A_1206 {offsets = [1, 0], sizes = [127, 128], strides = [1, 1]} : vector<128x128xf32> to vector<127x128xf32>
    %concatenate3A_1214 = tpu.concatenate %slice3A_1213, %broadcast_in_dim3A_1212 in 0 : vector<127x128xf32>, vector<1x128xf32> -> vector<128x128xf32>
    %sub3A_1215 = arith.subf %concatenate3A_1210, %concatenate3A_1214 : vector<128x128xf32>
    %mul3A_1216 = arith.constant 2.500000e-01 : f32
    %mul3A_1217 = vector.broadcast %mul3A_1216 : f32 to vector<128x128xf32>
    %mul3A_1218 = arith.mulf %mul3A_1217, %sub3A_1215 : vector<128x128xf32>
    %mul3A_1219 = arith.mulf %sub3A_1192, %sub3A_1197 : vector<128x128xf32>
    %mul3A_1220 = arith.mulf %mul3A_1218, %mul3A_1218 : vector<128x128xf32>
    %sub3A_1221 = arith.subf %mul3A_1219, %mul3A_1220 : vector<128x128xf32>
    %mul3A_1222 = arith.constant 16.5140381 : f32
    %mul3A_1223 = vector.broadcast %mul3A_1222 : f32 to vector<128x128xf32>
    %mul3A_1224 = arith.mulf %mul3A_1223, %sub3A_1221 : vector<128x128xf32>
    %max3A_1225 = arith.constant 0.000000e+00 : f32
    %max3A_1226 = vector.broadcast %max3A_1225 : f32 to vector<128x128xf32>
    %max3A_1227 = arith.maximumf %mul3A_1224, %max3A_1226 : vector<128x128xf32>
    %convert_element_type3A_1228 = arith.extf %convert_element_type3A_1101 : vector<128x128xbf16> to vector<128x128xf32>
    %broadcast_in_dim3A_1229 = arith.constant 0.000000e+00 : f32
    %broadcast_in_dim3A_1230 = vector.broadcast %broadcast_in_dim3A_1229 : f32 to vector<128x1xf32>
    %slice3A_1231 = vector.extract_strided_slice %convert_element_type3A_1228 {offsets = [0, 1], sizes = [128, 127], strides = [1, 1]} : vector<128x128xf32> to vector<128x127xf32>
    %concatenate3A_1232 = tpu.concatenate %slice3A_1231, %broadcast_in_dim3A_1230 in 1 : vector<128x127xf32>, vector<128x1xf32> -> vector<128x128xf32>
    %broadcast_in_dim3A_1233 = arith.constant 0.000000e+00 : f32
    %broadcast_in_dim3A_1234 = vector.broadcast %broadcast_in_dim3A_1233 : f32 to vector<128x1xf32>
    %slice3A_1235 = vector.extract_strided_slice %convert_element_type3A_1228 {offsets = [0, 0], sizes = [128, 127], strides = [1, 1]} : vector<128x128xf32> to vector<128x127xf32>
    %concatenate3A_1236 = tpu.concatenate %broadcast_in_dim3A_1234, %slice3A_1235 in 1 : vector<128x1xf32>, vector<128x127xf32> -> vector<128x128xf32>
    %broadcast_in_dim3A_1237 = arith.constant 0.000000e+00 : f32
    %broadcast_in_dim3A_1238 = vector.broadcast %broadcast_in_dim3A_1237 : f32 to vector<1x128xf32>
    %slice3A_1239 = vector.extract_strided_slice %convert_element_type3A_1228 {offsets = [1, 0], sizes = [127, 128], strides = [1, 1]} : vector<128x128xf32> to vector<127x128xf32>
    %concatenate3A_1240 = tpu.concatenate %slice3A_1239, %broadcast_in_dim3A_1238 in 0 : vector<127x128xf32>, vector<1x128xf32> -> vector<128x128xf32>
    %broadcast_in_dim3A_1241 = arith.constant 0.000000e+00 : f32
    %broadcast_in_dim3A_1242 = vector.broadcast %broadcast_in_dim3A_1241 : f32 to vector<1x128xf32>
    %slice3A_1243 = vector.extract_strided_slice %convert_element_type3A_1228 {offsets = [0, 0], sizes = [127, 128], strides = [1, 1]} : vector<128x128xf32> to vector<127x128xf32>
    %concatenate3A_1244 = tpu.concatenate %broadcast_in_dim3A_1242, %slice3A_1243 in 0 : vector<1x128xf32>, vector<127x128xf32> -> vector<128x128xf32>
    %add3A_1245 = arith.addf %concatenate3A_1236, %concatenate3A_1232 : vector<128x128xf32>
    %mul3A_1246 = arith.constant 2.000000e+00 : f32
    %mul3A_1247 = vector.broadcast %mul3A_1246 : f32 to vector<128x128xf32>
    %mul3A_1248 = arith.mulf %mul3A_1247, %convert_element_type3A_1228 : vector<128x128xf32>
    %sub3A_1249 = arith.subf %add3A_1245, %mul3A_1248 : vector<128x128xf32>
    %add3A_1250 = arith.addf %concatenate3A_1244, %concatenate3A_1240 : vector<128x128xf32>
    %mul3A_1251 = arith.constant 2.000000e+00 : f32
    %mul3A_1252 = vector.broadcast %mul3A_1251 : f32 to vector<128x128xf32>
    %mul3A_1253 = arith.mulf %mul3A_1252, %convert_element_type3A_1228 : vector<128x128xf32>
    %sub3A_1254 = arith.subf %add3A_1250, %mul3A_1253 : vector<128x128xf32>
    %broadcast_in_dim3A_1255 = arith.constant 0.000000e+00 : f32
    %broadcast_in_dim3A_1256 = vector.broadcast %broadcast_in_dim3A_1255 : f32 to vector<128x1xf32>
    %slice3A_1257 = vector.extract_strided_slice %convert_element_type3A_1228 {offsets = [0, 0], sizes = [128, 127], strides = [1, 1]} : vector<128x128xf32> to vector<128x127xf32>
    %concatenate3A_1258 = tpu.concatenate %broadcast_in_dim3A_1256, %slice3A_1257 in 1 : vector<128x1xf32>, vector<128x127xf32> -> vector<128x128xf32>
    %broadcast_in_dim3A_1259 = arith.constant 0.000000e+00 : f32
    %broadcast_in_dim3A_1260 = vector.broadcast %broadcast_in_dim3A_1259 : f32 to vector<128x1xf32>
    %slice3A_1261 = vector.extract_strided_slice %convert_element_type3A_1228 {offsets = [0, 1], sizes = [128, 127], strides = [1, 1]} : vector<128x128xf32> to vector<128x127xf32>
    %concatenate3A_1262 = tpu.concatenate %slice3A_1261, %broadcast_in_dim3A_1260 in 1 : vector<128x127xf32>, vector<128x1xf32> -> vector<128x128xf32>
    %sub3A_1263 = arith.subf %concatenate3A_1258, %concatenate3A_1262 : vector<128x128xf32>
    %broadcast_in_dim3A_1264 = arith.constant 0.000000e+00 : f32
    %broadcast_in_dim3A_1265 = vector.broadcast %broadcast_in_dim3A_1264 : f32 to vector<1x128xf32>
    %slice3A_1266 = vector.extract_strided_slice %sub3A_1263 {offsets = [0, 0], sizes = [127, 128], strides = [1, 1]} : vector<128x128xf32> to vector<127x128xf32>
    %concatenate3A_1267 = tpu.concatenate %broadcast_in_dim3A_1265, %slice3A_1266 in 0 : vector<1x128xf32>, vector<127x128xf32> -> vector<128x128xf32>
    %broadcast_in_dim3A_1268 = arith.constant 0.000000e+00 : f32
    %broadcast_in_dim3A_1269 = vector.broadcast %broadcast_in_dim3A_1268 : f32 to vector<1x128xf32>
    %slice3A_1270 = vector.extract_strided_slice %sub3A_1263 {offsets = [1, 0], sizes = [127, 128], strides = [1, 1]} : vector<128x128xf32> to vector<127x128xf32>
    %concatenate3A_1271 = tpu.concatenate %slice3A_1270, %broadcast_in_dim3A_1269 in 0 : vector<127x128xf32>, vector<1x128xf32> -> vector<128x128xf32>
    %sub3A_1272 = arith.subf %concatenate3A_1267, %concatenate3A_1271 : vector<128x128xf32>
    %mul3A_1273 = arith.constant 2.500000e-01 : f32
    %mul3A_1274 = vector.broadcast %mul3A_1273 : f32 to vector<128x128xf32>
    %mul3A_1275 = arith.mulf %mul3A_1274, %sub3A_1272 : vector<128x128xf32>
    %mul3A_1276 = arith.mulf %sub3A_1249, %sub3A_1254 : vector<128x128xf32>
    %mul3A_1277 = arith.mulf %mul3A_1275, %mul3A_1275 : vector<128x128xf32>
    %sub3A_1278 = arith.subf %mul3A_1276, %mul3A_1277 : vector<128x128xf32>
    %mul3A_1279 = arith.constant 41.6127663 : f32
    %mul3A_1280 = vector.broadcast %mul3A_1279 : f32 to vector<128x128xf32>
    %mul3A_1281 = arith.mulf %mul3A_1280, %sub3A_1278 : vector<128x128xf32>
    %max3A_1282 = arith.constant 0.000000e+00 : f32
    %max3A_1283 = vector.broadcast %max3A_1282 : f32 to vector<128x128xf32>
    %max3A_1284 = arith.maximumf %mul3A_1281, %max3A_1283 : vector<128x128xf32>
    %convert_element_type3A_1285 = arith.extf %convert_element_type3A_1107 : vector<128x128xbf16> to vector<128x128xf32>
    %broadcast_in_dim3A_1286 = arith.constant 0.000000e+00 : f32
    %broadcast_in_dim3A_1287 = vector.broadcast %broadcast_in_dim3A_1286 : f32 to vector<128x1xf32>
    %slice3A_1288 = vector.extract_strided_slice %convert_element_type3A_1285 {offsets = [0, 1], sizes = [128, 127], strides = [1, 1]} : vector<128x128xf32> to vector<128x127xf32>
    %concatenate3A_1289 = tpu.concatenate %slice3A_1288, %broadcast_in_dim3A_1287 in 1 : vector<128x127xf32>, vector<128x1xf32> -> vector<128x128xf32>
    %broadcast_in_dim3A_1290 = arith.constant 0.000000e+00 : f32
    %broadcast_in_dim3A_1291 = vector.broadcast %broadcast_in_dim3A_1290 : f32 to vector<128x1xf32>
    %slice3A_1292 = vector.extract_strided_slice %convert_element_type3A_1285 {offsets = [0, 0], sizes = [128, 127], strides = [1, 1]} : vector<128x128xf32> to vector<128x127xf32>
    %concatenate3A_1293 = tpu.concatenate %broadcast_in_dim3A_1291, %slice3A_1292 in 1 : vector<128x1xf32>, vector<128x127xf32> -> vector<128x128xf32>
    %broadcast_in_dim3A_1294 = arith.constant 0.000000e+00 : f32
    %broadcast_in_dim3A_1295 = vector.broadcast %broadcast_in_dim3A_1294 : f32 to vector<1x128xf32>
    %slice3A_1296 = vector.extract_strided_slice %convert_element_type3A_1285 {offsets = [1, 0], sizes = [127, 128], strides = [1, 1]} : vector<128x128xf32> to vector<127x128xf32>
    %concatenate3A_1297 = tpu.concatenate %slice3A_1296, %broadcast_in_dim3A_1295 in 0 : vector<127x128xf32>, vector<1x128xf32> -> vector<128x128xf32>
    %broadcast_in_dim3A_1298 = arith.constant 0.000000e+00 : f32
    %broadcast_in_dim3A_1299 = vector.broadcast %broadcast_in_dim3A_1298 : f32 to vector<1x128xf32>
    %slice3A_1300 = vector.extract_strided_slice %convert_element_type3A_1285 {offsets = [0, 0], sizes = [127, 128], strides = [1, 1]} : vector<128x128xf32> to vector<127x128xf32>
    %concatenate3A_1301 = tpu.concatenate %broadcast_in_dim3A_1299, %slice3A_1300 in 0 : vector<1x128xf32>, vector<127x128xf32> -> vector<128x128xf32>
    %add3A_1302 = arith.addf %concatenate3A_1293, %concatenate3A_1289 : vector<128x128xf32>
    %mul3A_1303 = arith.constant 2.000000e+00 : f32
    %mul3A_1304 = vector.broadcast %mul3A_1303 : f32 to vector<128x128xf32>
    %mul3A_1305 = arith.mulf %mul3A_1304, %convert_element_type3A_1285 : vector<128x128xf32>
    %sub3A_1306 = arith.subf %add3A_1302, %mul3A_1305 : vector<128x128xf32>
    %add3A_1307 = arith.addf %concatenate3A_1301, %concatenate3A_1297 : vector<128x128xf32>
    %mul3A_1308 = arith.constant 2.000000e+00 : f32
    %mul3A_1309 = vector.broadcast %mul3A_1308 : f32 to vector<128x128xf32>
    %mul3A_1310 = arith.mulf %mul3A_1309, %convert_element_type3A_1285 : vector<128x128xf32>
    %sub3A_1311 = arith.subf %add3A_1307, %mul3A_1310 : vector<128x128xf32>
    %broadcast_in_dim3A_1312 = arith.constant 0.000000e+00 : f32
    %broadcast_in_dim3A_1313 = vector.broadcast %broadcast_in_dim3A_1312 : f32 to vector<128x1xf32>
    %slice3A_1314 = vector.extract_strided_slice %convert_element_type3A_1285 {offsets = [0, 0], sizes = [128, 127], strides = [1, 1]} : vector<128x128xf32> to vector<128x127xf32>
    %concatenate3A_1315 = tpu.concatenate %broadcast_in_dim3A_1313, %slice3A_1314 in 1 : vector<128x1xf32>, vector<128x127xf32> -> vector<128x128xf32>
    %broadcast_in_dim3A_1316 = arith.constant 0.000000e+00 : f32
    %broadcast_in_dim3A_1317 = vector.broadcast %broadcast_in_dim3A_1316 : f32 to vector<128x1xf32>
    %slice3A_1318 = vector.extract_strided_slice %convert_element_type3A_1285 {offsets = [0, 1], sizes = [128, 127], strides = [1, 1]} : vector<128x128xf32> to vector<128x127xf32>
    %concatenate3A_1319 = tpu.concatenate %slice3A_1318, %broadcast_in_dim3A_1317 in 1 : vector<128x127xf32>, vector<128x1xf32> -> vector<128x128xf32>
    %sub3A_1320 = arith.subf %concatenate3A_1315, %concatenate3A_1319 : vector<128x128xf32>
    %broadcast_in_dim3A_1321 = arith.constant 0.000000e+00 : f32
    %broadcast_in_dim3A_1322 = vector.broadcast %broadcast_in_dim3A_1321 : f32 to vector<1x128xf32>
    %slice3A_1323 = vector.extract_strided_slice %sub3A_1320 {offsets = [0, 0], sizes = [127, 128], strides = [1, 1]} : vector<128x128xf32> to vector<127x128xf32>
    %concatenate3A_1324 = tpu.concatenate %broadcast_in_dim3A_1322, %slice3A_1323 in 0 : vector<1x128xf32>, vector<127x128xf32> -> vector<128x128xf32>
    %broadcast_in_dim3A_1325 = arith.constant 0.000000e+00 : f32
    %broadcast_in_dim3A_1326 = vector.broadcast %broadcast_in_dim3A_1325 : f32 to vector<1x128xf32>
    %slice3A_1327 = vector.extract_strided_slice %sub3A_1320 {offsets = [1, 0], sizes = [127, 128], strides = [1, 1]} : vector<128x128xf32> to vector<127x128xf32>
    %concatenate3A_1328 = tpu.concatenate %slice3A_1327, %broadcast_in_dim3A_1326 in 0 : vector<127x128xf32>, vector<1x128xf32> -> vector<128x128xf32>
    %sub3A_1329 = arith.subf %concatenate3A_1324, %concatenate3A_1328 : vector<128x128xf32>
    %mul3A_1330 = arith.constant 2.500000e-01 : f32
    %mul3A_1331 = vector.broadcast %mul3A_1330 : f32 to vector<128x128xf32>
    %mul3A_1332 = arith.mulf %mul3A_1331, %sub3A_1329 : vector<128x128xf32>
    %mul3A_1333 = arith.mulf %sub3A_1306, %sub3A_1311 : vector<128x128xf32>
    %mul3A_1334 = arith.mulf %mul3A_1332, %mul3A_1332 : vector<128x128xf32>
    %sub3A_1335 = arith.subf %mul3A_1333, %mul3A_1334 : vector<128x128xf32>
    %mul3A_1336 = arith.constant 104.857597 : f32
    %mul3A_1337 = vector.broadcast %mul3A_1336 : f32 to vector<128x128xf32>
    %mul3A_1338 = arith.mulf %mul3A_1337, %sub3A_1335 : vector<128x128xf32>
    %max3A_1339 = arith.constant 0.000000e+00 : f32
    %max3A_1340 = vector.broadcast %max3A_1339 : f32 to vector<128x128xf32>
    %max3A_1341 = arith.maximumf %mul3A_1338, %max3A_1340 : vector<128x128xf32>
    %convert_element_type3A_1342 = arith.extf %convert_element_type3A_1113 : vector<128x128xbf16> to vector<128x128xf32>
    %broadcast_in_dim3A_1343 = arith.constant 0.000000e+00 : f32
    %broadcast_in_dim3A_1344 = vector.broadcast %broadcast_in_dim3A_1343 : f32 to vector<128x1xf32>
    %slice3A_1345 = vector.extract_strided_slice %convert_element_type3A_1342 {offsets = [0, 1], sizes = [128, 127], strides = [1, 1]} : vector<128x128xf32> to vector<128x127xf32>
    %concatenate3A_1346 = tpu.concatenate %slice3A_1345, %broadcast_in_dim3A_1344 in 1 : vector<128x127xf32>, vector<128x1xf32> -> vector<128x128xf32>
    %broadcast_in_dim3A_1347 = arith.constant 0.000000e+00 : f32
    %broadcast_in_dim3A_1348 = vector.broadcast %broadcast_in_dim3A_1347 : f32 to vector<128x1xf32>
    %slice3A_1349 = vector.extract_strided_slice %convert_element_type3A_1342 {offsets = [0, 0], sizes = [128, 127], strides = [1, 1]} : vector<128x128xf32> to vector<128x127xf32>
    %concatenate3A_1350 = tpu.concatenate %broadcast_in_dim3A_1348, %slice3A_1349 in 1 : vector<128x1xf32>, vector<128x127xf32> -> vector<128x128xf32>
    %broadcast_in_dim3A_1351 = arith.constant 0.000000e+00 : f32
    %broadcast_in_dim3A_1352 = vector.broadcast %broadcast_in_dim3A_1351 : f32 to vector<1x128xf32>
    %slice3A_1353 = vector.extract_strided_slice %convert_element_type3A_1342 {offsets = [1, 0], sizes = [127, 128], strides = [1, 1]} : vector<128x128xf32> to vector<127x128xf32>
    %concatenate3A_1354 = tpu.concatenate %slice3A_1353, %broadcast_in_dim3A_1352 in 0 : vector<127x128xf32>, vector<1x128xf32> -> vector<128x128xf32>
    %broadcast_in_dim3A_1355 = arith.constant 0.000000e+00 : f32
    %broadcast_in_dim3A_1356 = vector.broadcast %broadcast_in_dim3A_1355 : f32 to vector<1x128xf32>
    %slice3A_1357 = vector.extract_strided_slice %convert_element_type3A_1342 {offsets = [0, 0], sizes = [127, 128], strides = [1, 1]} : vector<128x128xf32> to vector<127x128xf32>
    %concatenate3A_1358 = tpu.concatenate %broadcast_in_dim3A_1356, %slice3A_1357 in 0 : vector<1x128xf32>, vector<127x128xf32> -> vector<128x128xf32>
    %add3A_1359 = arith.addf %concatenate3A_1350, %concatenate3A_1346 : vector<128x128xf32>
    %mul3A_1360 = arith.constant 2.000000e+00 : f32
    %mul3A_1361 = vector.broadcast %mul3A_1360 : f32 to vector<128x128xf32>
    %mul3A_1362 = arith.mulf %mul3A_1361, %convert_element_type3A_1342 : vector<128x128xf32>
    %sub3A_1363 = arith.subf %add3A_1359, %mul3A_1362 : vector<128x128xf32>
    %add3A_1364 = arith.addf %concatenate3A_1358, %concatenate3A_1354 : vector<128x128xf32>
    %mul3A_1365 = arith.constant 2.000000e+00 : f32
    %mul3A_1366 = vector.broadcast %mul3A_1365 : f32 to vector<128x128xf32>
    %mul3A_1367 = arith.mulf %mul3A_1366, %convert_element_type3A_1342 : vector<128x128xf32>
    %sub3A_1368 = arith.subf %add3A_1364, %mul3A_1367 : vector<128x128xf32>
    %broadcast_in_dim3A_1369 = arith.constant 0.000000e+00 : f32
    %broadcast_in_dim3A_1370 = vector.broadcast %broadcast_in_dim3A_1369 : f32 to vector<128x1xf32>
    %slice3A_1371 = vector.extract_strided_slice %convert_element_type3A_1342 {offsets = [0, 0], sizes = [128, 127], strides = [1, 1]} : vector<128x128xf32> to vector<128x127xf32>
    %concatenate3A_1372 = tpu.concatenate %broadcast_in_dim3A_1370, %slice3A_1371 in 1 : vector<128x1xf32>, vector<128x127xf32> -> vector<128x128xf32>
    %broadcast_in_dim3A_1373 = arith.constant 0.000000e+00 : f32
    %broadcast_in_dim3A_1374 = vector.broadcast %broadcast_in_dim3A_1373 : f32 to vector<128x1xf32>
    %slice3A_1375 = vector.extract_strided_slice %convert_element_type3A_1342 {offsets = [0, 1], sizes = [128, 127], strides = [1, 1]} : vector<128x128xf32> to vector<128x127xf32>
    %concatenate3A_1376 = tpu.concatenate %slice3A_1375, %broadcast_in_dim3A_1374 in 1 : vector<128x127xf32>, vector<128x1xf32> -> vector<128x128xf32>
    %sub3A_1377 = arith.subf %concatenate3A_1372, %concatenate3A_1376 : vector<128x128xf32>
    %broadcast_in_dim3A_1378 = arith.constant 0.000000e+00 : f32
    %broadcast_in_dim3A_1379 = vector.broadcast %broadcast_in_dim3A_1378 : f32 to vector<1x128xf32>
    %slice3A_1380 = vector.extract_strided_slice %sub3A_1377 {offsets = [0, 0], sizes = [127, 128], strides = [1, 1]} : vector<128x128xf32> to vector<127x128xf32>
    %concatenate3A_1381 = tpu.concatenate %broadcast_in_dim3A_1379, %slice3A_1380 in 0 : vector<1x128xf32>, vector<127x128xf32> -> vector<128x128xf32>
    %broadcast_in_dim3A_1382 = arith.constant 0.000000e+00 : f32
    %broadcast_in_dim3A_1383 = vector.broadcast %broadcast_in_dim3A_1382 : f32 to vector<1x128xf32>
    %slice3A_1384 = vector.extract_strided_slice %sub3A_1377 {offsets = [1, 0], sizes = [127, 128], strides = [1, 1]} : vector<128x128xf32> to vector<127x128xf32>
    %concatenate3A_1385 = tpu.concatenate %slice3A_1384, %broadcast_in_dim3A_1383 in 0 : vector<127x128xf32>, vector<1x128xf32> -> vector<128x128xf32>
    %sub3A_1386 = arith.subf %concatenate3A_1381, %concatenate3A_1385 : vector<128x128xf32>
    %mul3A_1387 = arith.constant 2.500000e-01 : f32
    %mul3A_1388 = vector.broadcast %mul3A_1387 : f32 to vector<128x128xf32>
    %mul3A_1389 = arith.mulf %mul3A_1388, %sub3A_1386 : vector<128x128xf32>
    %mul3A_1390 = arith.mulf %sub3A_1363, %sub3A_1368 : vector<128x128xf32>
    %mul3A_1391 = arith.mulf %mul3A_1389, %mul3A_1389 : vector<128x128xf32>
    %sub3A_1392 = arith.subf %mul3A_1390, %mul3A_1391 : vector<128x128xf32>
    %mul3A_1393 = arith.constant 264.224609 : f32
    %mul3A_1394 = vector.broadcast %mul3A_1393 : f32 to vector<128x128xf32>
    %mul3A_1395 = arith.mulf %mul3A_1394, %sub3A_1392 : vector<128x128xf32>
    %max3A_1396 = arith.constant 0.000000e+00 : f32
    %max3A_1397 = vector.broadcast %max3A_1396 : f32 to vector<128x128xf32>
    %max3A_1398 = arith.maximumf %mul3A_1395, %max3A_1397 : vector<128x128xf32>
    %broadcast_in_dim3A_1399 = arith.constant 0xFF800000 : f32
    %broadcast_in_dim3A_1400 = vector.broadcast %broadcast_in_dim3A_1399 : f32 to vector<128x1xf32>
    %slice3A_1401 = vector.extract_strided_slice %max3A_1170 {offsets = [0, 1], sizes = [128, 127], strides = [1, 1]} : vector<128x128xf32> to vector<128x127xf32>
    %concatenate3A_1402 = tpu.concatenate %slice3A_1401, %broadcast_in_dim3A_1400 in 1 : vector<128x127xf32>, vector<128x1xf32> -> vector<128x128xf32>
    %broadcast_in_dim3A_1403 = arith.constant 0xFF800000 : f32
    %broadcast_in_dim3A_1404 = vector.broadcast %broadcast_in_dim3A_1403 : f32 to vector<128x1xf32>
    %slice3A_1405 = vector.extract_strided_slice %max3A_1170 {offsets = [0, 0], sizes = [128, 127], strides = [1, 1]} : vector<128x128xf32> to vector<128x127xf32>
    %concatenate3A_1406 = tpu.concatenate %broadcast_in_dim3A_1404, %slice3A_1405 in 1 : vector<128x1xf32>, vector<128x127xf32> -> vector<128x128xf32>
    %max3A_1407 = arith.maximumf %concatenate3A_1402, %concatenate3A_1406 : vector<128x128xf32>
    %max3A_1408 = arith.maximumf %max3A_1170, %max3A_1407 : vector<128x128xf32>
    %broadcast_in_dim3A_1409 = arith.constant 0xFF800000 : f32
    %broadcast_in_dim3A_1410 = vector.broadcast %broadcast_in_dim3A_1409 : f32 to vector<1x128xf32>
    %slice3A_1411 = vector.extract_strided_slice %max3A_1408 {offsets = [1, 0], sizes = [127, 128], strides = [1, 1]} : vector<128x128xf32> to vector<127x128xf32>
    %concatenate3A_1412 = tpu.concatenate %slice3A_1411, %broadcast_in_dim3A_1410 in 0 : vector<127x128xf32>, vector<1x128xf32> -> vector<128x128xf32>
    %broadcast_in_dim3A_1413 = arith.constant 0xFF800000 : f32
    %broadcast_in_dim3A_1414 = vector.broadcast %broadcast_in_dim3A_1413 : f32 to vector<1x128xf32>
    %slice3A_1415 = vector.extract_strided_slice %max3A_1408 {offsets = [0, 0], sizes = [127, 128], strides = [1, 1]} : vector<128x128xf32> to vector<127x128xf32>
    %concatenate3A_1416 = tpu.concatenate %broadcast_in_dim3A_1414, %slice3A_1415 in 0 : vector<1x128xf32>, vector<127x128xf32> -> vector<128x128xf32>
    %max3A_1417 = arith.maximumf %concatenate3A_1412, %concatenate3A_1416 : vector<128x128xf32>
    %max3A_1418 = arith.maximumf %max3A_1408, %max3A_1417 : vector<128x128xf32>
    %broadcast_in_dim3A_1419 = arith.constant 0xFF800000 : f32
    %broadcast_in_dim3A_1420 = vector.broadcast %broadcast_in_dim3A_1419 : f32 to vector<128x1xf32>
    %slice3A_1421 = vector.extract_strided_slice %max3A_1227 {offsets = [0, 1], sizes = [128, 127], strides = [1, 1]} : vector<128x128xf32> to vector<128x127xf32>
    %concatenate3A_1422 = tpu.concatenate %slice3A_1421, %broadcast_in_dim3A_1420 in 1 : vector<128x127xf32>, vector<128x1xf32> -> vector<128x128xf32>
    %broadcast_in_dim3A_1423 = arith.constant 0xFF800000 : f32
    %broadcast_in_dim3A_1424 = vector.broadcast %broadcast_in_dim3A_1423 : f32 to vector<128x1xf32>
    %slice3A_1425 = vector.extract_strided_slice %max3A_1227 {offsets = [0, 0], sizes = [128, 127], strides = [1, 1]} : vector<128x128xf32> to vector<128x127xf32>
    %concatenate3A_1426 = tpu.concatenate %broadcast_in_dim3A_1424, %slice3A_1425 in 1 : vector<128x1xf32>, vector<128x127xf32> -> vector<128x128xf32>
    %max3A_1427 = arith.maximumf %concatenate3A_1422, %concatenate3A_1426 : vector<128x128xf32>
    %max3A_1428 = arith.maximumf %max3A_1227, %max3A_1427 : vector<128x128xf32>
    %broadcast_in_dim3A_1429 = arith.constant 0xFF800000 : f32
    %broadcast_in_dim3A_1430 = vector.broadcast %broadcast_in_dim3A_1429 : f32 to vector<1x128xf32>
    %slice3A_1431 = vector.extract_strided_slice %max3A_1428 {offsets = [1, 0], sizes = [127, 128], strides = [1, 1]} : vector<128x128xf32> to vector<127x128xf32>
    %concatenate3A_1432 = tpu.concatenate %slice3A_1431, %broadcast_in_dim3A_1430 in 0 : vector<127x128xf32>, vector<1x128xf32> -> vector<128x128xf32>
    %broadcast_in_dim3A_1433 = arith.constant 0xFF800000 : f32
    %broadcast_in_dim3A_1434 = vector.broadcast %broadcast_in_dim3A_1433 : f32 to vector<1x128xf32>
    %slice3A_1435 = vector.extract_strided_slice %max3A_1428 {offsets = [0, 0], sizes = [127, 128], strides = [1, 1]} : vector<128x128xf32> to vector<127x128xf32>
    %concatenate3A_1436 = tpu.concatenate %broadcast_in_dim3A_1434, %slice3A_1435 in 0 : vector<1x128xf32>, vector<127x128xf32> -> vector<128x128xf32>
    %max3A_1437 = arith.maximumf %concatenate3A_1432, %concatenate3A_1436 : vector<128x128xf32>
    %max3A_1438 = arith.maximumf %max3A_1428, %max3A_1437 : vector<128x128xf32>
    %broadcast_in_dim3A_1439 = arith.constant 0xFF800000 : f32
    %broadcast_in_dim3A_1440 = vector.broadcast %broadcast_in_dim3A_1439 : f32 to vector<128x1xf32>
    %slice3A_1441 = vector.extract_strided_slice %max3A_1284 {offsets = [0, 1], sizes = [128, 127], strides = [1, 1]} : vector<128x128xf32> to vector<128x127xf32>
    %concatenate3A_1442 = tpu.concatenate %slice3A_1441, %broadcast_in_dim3A_1440 in 1 : vector<128x127xf32>, vector<128x1xf32> -> vector<128x128xf32>
    %broadcast_in_dim3A_1443 = arith.constant 0xFF800000 : f32
    %broadcast_in_dim3A_1444 = vector.broadcast %broadcast_in_dim3A_1443 : f32 to vector<128x1xf32>
    %slice3A_1445 = vector.extract_strided_slice %max3A_1284 {offsets = [0, 0], sizes = [128, 127], strides = [1, 1]} : vector<128x128xf32> to vector<128x127xf32>
    %concatenate3A_1446 = tpu.concatenate %broadcast_in_dim3A_1444, %slice3A_1445 in 1 : vector<128x1xf32>, vector<128x127xf32> -> vector<128x128xf32>
    %max3A_1447 = arith.maximumf %concatenate3A_1442, %concatenate3A_1446 : vector<128x128xf32>
    %max3A_1448 = arith.maximumf %max3A_1284, %max3A_1447 : vector<128x128xf32>
    %broadcast_in_dim3A_1449 = arith.constant 0xFF800000 : f32
    %broadcast_in_dim3A_1450 = vector.broadcast %broadcast_in_dim3A_1449 : f32 to vector<1x128xf32>
    %slice3A_1451 = vector.extract_strided_slice %max3A_1448 {offsets = [1, 0], sizes = [127, 128], strides = [1, 1]} : vector<128x128xf32> to vector<127x128xf32>
    %concatenate3A_1452 = tpu.concatenate %slice3A_1451, %broadcast_in_dim3A_1450 in 0 : vector<127x128xf32>, vector<1x128xf32> -> vector<128x128xf32>
    %broadcast_in_dim3A_1453 = arith.constant 0xFF800000 : f32
    %broadcast_in_dim3A_1454 = vector.broadcast %broadcast_in_dim3A_1453 : f32 to vector<1x128xf32>
    %slice3A_1455 = vector.extract_strided_slice %max3A_1448 {offsets = [0, 0], sizes = [127, 128], strides = [1, 1]} : vector<128x128xf32> to vector<127x128xf32>
    %concatenate3A_1456 = tpu.concatenate %broadcast_in_dim3A_1454, %slice3A_1455 in 0 : vector<1x128xf32>, vector<127x128xf32> -> vector<128x128xf32>
    %max3A_1457 = arith.maximumf %concatenate3A_1452, %concatenate3A_1456 : vector<128x128xf32>
    %max3A_1458 = arith.maximumf %max3A_1448, %max3A_1457 : vector<128x128xf32>
    %broadcast_in_dim3A_1459 = arith.constant 0xFF800000 : f32
    %broadcast_in_dim3A_1460 = vector.broadcast %broadcast_in_dim3A_1459 : f32 to vector<128x1xf32>
    %slice3A_1461 = vector.extract_strided_slice %max3A_1341 {offsets = [0, 1], sizes = [128, 127], strides = [1, 1]} : vector<128x128xf32> to vector<128x127xf32>
    %concatenate3A_1462 = tpu.concatenate %slice3A_1461, %broadcast_in_dim3A_1460 in 1 : vector<128x127xf32>, vector<128x1xf32> -> vector<128x128xf32>
    %broadcast_in_dim3A_1463 = arith.constant 0xFF800000 : f32
    %broadcast_in_dim3A_1464 = vector.broadcast %broadcast_in_dim3A_1463 : f32 to vector<128x1xf32>
    %slice3A_1465 = vector.extract_strided_slice %max3A_1341 {offsets = [0, 0], sizes = [128, 127], strides = [1, 1]} : vector<128x128xf32> to vector<128x127xf32>
    %concatenate3A_1466 = tpu.concatenate %broadcast_in_dim3A_1464, %slice3A_1465 in 1 : vector<128x1xf32>, vector<128x127xf32> -> vector<128x128xf32>
    %max3A_1467 = arith.maximumf %concatenate3A_1462, %concatenate3A_1466 : vector<128x128xf32>
    %max3A_1468 = arith.maximumf %max3A_1341, %max3A_1467 : vector<128x128xf32>
    %broadcast_in_dim3A_1469 = arith.constant 0xFF800000 : f32
    %broadcast_in_dim3A_1470 = vector.broadcast %broadcast_in_dim3A_1469 : f32 to vector<1x128xf32>
    %slice3A_1471 = vector.extract_strided_slice %max3A_1468 {offsets = [1, 0], sizes = [127, 128], strides = [1, 1]} : vector<128x128xf32> to vector<127x128xf32>
    %concatenate3A_1472 = tpu.concatenate %slice3A_1471, %broadcast_in_dim3A_1470 in 0 : vector<127x128xf32>, vector<1x128xf32> -> vector<128x128xf32>
    %broadcast_in_dim3A_1473 = arith.constant 0xFF800000 : f32
    %broadcast_in_dim3A_1474 = vector.broadcast %broadcast_in_dim3A_1473 : f32 to vector<1x128xf32>
    %slice3A_1475 = vector.extract_strided_slice %max3A_1468 {offsets = [0, 0], sizes = [127, 128], strides = [1, 1]} : vector<128x128xf32> to vector<127x128xf32>
    %concatenate3A_1476 = tpu.concatenate %broadcast_in_dim3A_1474, %slice3A_1475 in 0 : vector<1x128xf32>, vector<127x128xf32> -> vector<128x128xf32>
    %max3A_1477 = arith.maximumf %concatenate3A_1472, %concatenate3A_1476 : vector<128x128xf32>
    %max3A_1478 = arith.maximumf %max3A_1468, %max3A_1477 : vector<128x128xf32>
    %broadcast_in_dim3A_1479 = arith.constant 0xFF800000 : f32
    %broadcast_in_dim3A_1480 = vector.broadcast %broadcast_in_dim3A_1479 : f32 to vector<128x1xf32>
    %slice3A_1481 = vector.extract_strided_slice %max3A_1398 {offsets = [0, 1], sizes = [128, 127], strides = [1, 1]} : vector<128x128xf32> to vector<128x127xf32>
    %concatenate3A_1482 = tpu.concatenate %slice3A_1481, %broadcast_in_dim3A_1480 in 1 : vector<128x127xf32>, vector<128x1xf32> -> vector<128x128xf32>
    %broadcast_in_dim3A_1483 = arith.constant 0xFF800000 : f32
    %broadcast_in_dim3A_1484 = vector.broadcast %broadcast_in_dim3A_1483 : f32 to vector<128x1xf32>
    %slice3A_1485 = vector.extract_strided_slice %max3A_1398 {offsets = [0, 0], sizes = [128, 127], strides = [1, 1]} : vector<128x128xf32> to vector<128x127xf32>
    %concatenate3A_1486 = tpu.concatenate %broadcast_in_dim3A_1484, %slice3A_1485 in 1 : vector<128x1xf32>, vector<128x127xf32> -> vector<128x128xf32>
    %max3A_1487 = arith.maximumf %concatenate3A_1482, %concatenate3A_1486 : vector<128x128xf32>
    %max3A_1488 = arith.maximumf %max3A_1398, %max3A_1487 : vector<128x128xf32>
    %broadcast_in_dim3A_1489 = arith.constant 0xFF800000 : f32
    %broadcast_in_dim3A_1490 = vector.broadcast %broadcast_in_dim3A_1489 : f32 to vector<1x128xf32>
    %slice3A_1491 = vector.extract_strided_slice %max3A_1488 {offsets = [1, 0], sizes = [127, 128], strides = [1, 1]} : vector<128x128xf32> to vector<127x128xf32>
    %concatenate3A_1492 = tpu.concatenate %slice3A_1491, %broadcast_in_dim3A_1490 in 0 : vector<127x128xf32>, vector<1x128xf32> -> vector<128x128xf32>
    %broadcast_in_dim3A_1493 = arith.constant 0xFF800000 : f32
    %broadcast_in_dim3A_1494 = vector.broadcast %broadcast_in_dim3A_1493 : f32 to vector<1x128xf32>
    %slice3A_1495 = vector.extract_strided_slice %max3A_1488 {offsets = [0, 0], sizes = [127, 128], strides = [1, 1]} : vector<128x128xf32> to vector<127x128xf32>
    %concatenate3A_1496 = tpu.concatenate %broadcast_in_dim3A_1494, %slice3A_1495 in 0 : vector<1x128xf32>, vector<127x128xf32> -> vector<128x128xf32>
    %max3A_1497 = arith.maximumf %concatenate3A_1492, %concatenate3A_1496 : vector<128x128xf32>
    %max3A_1498 = arith.maximumf %max3A_1488, %max3A_1497 : vector<128x128xf32>
    %iota3A_1499 = tpu.iota {dimensions = array<i32: 0>} : vector<128x128xi32>
    %iota3A_1500 = tpu.iota {dimensions = array<i32: 1>} : vector<128x128xi32>
    %ge3A_1501 = arith.constant 16 : i32
    %ge3A_1502 = vector.broadcast %ge3A_1501 : i32 to vector<128x128xi32>
    %ge3A_1503 = arith.cmpi sge, %iota3A_1499, %ge3A_1502 : vector<128x128xi32>
    %lt3A_1504 = arith.constant 112 : i32
    %lt3A_1505 = vector.broadcast %lt3A_1504 : i32 to vector<128x128xi32>
    %lt3A_1506 = arith.cmpi slt, %iota3A_1499, %lt3A_1505 : vector<128x128xi32>
    %and3A_1507 = arith.andi %ge3A_1503, %lt3A_1506 : vector<128x128xi1>
    %ge3A_1508 = arith.constant 16 : i32
    %ge3A_1509 = vector.broadcast %ge3A_1508 : i32 to vector<128x128xi32>
    %ge3A_1510 = arith.cmpi sge, %iota3A_1500, %ge3A_1509 : vector<128x128xi32>
    %and3A_1511 = arith.andi %and3A_1507, %ge3A_1510 : vector<128x128xi1>
    %lt3A_1512 = arith.constant 112 : i32
    %lt3A_1513 = vector.broadcast %lt3A_1512 : i32 to vector<128x128xi32>
    %lt3A_1514 = arith.cmpi slt, %iota3A_1500, %lt3A_1513 : vector<128x128xi32>
    %and3A_1515 = arith.andi %and3A_1511, %lt3A_1514 : vector<128x128xi1>
    %max3A_1516 = arith.maximumf %max3A_1438, %max3A_1458 : vector<128x128xf32>
    %max3A_1517 = arith.maximumf %max3A_1418, %max3A_1516 : vector<128x128xf32>
    %ge3A_1518 = arith.cmpf oge, %max3A_1227, %max3A_1517 : vector<128x128xf32>
    %gt3A_1519 = arith.constant 0.000000e+00 : f32
    %gt3A_1520 = vector.broadcast %gt3A_1519 : f32 to vector<128x128xf32>
    %gt3A_1521 = arith.cmpf ogt, %max3A_1227, %gt3A_1520 : vector<128x128xf32>
    %and3A_1522 = arith.andi %ge3A_1518, %gt3A_1521 : vector<128x128xi1>
    %and3A_1523 = arith.andi %and3A_1522, %and3A_1515 : vector<128x128xi1>
    %jit3A_1524 = arith.constant 0.000000e+00 : f32
    %broadcast_in_dim3A_1525 = vector.broadcast %jit3A_1524 : f32 to vector<128x128xf32>
    %select_n3A_1526 = arith.select %and3A_1523, %max3A_1227, %broadcast_in_dim3A_1525 : vector<128x128xi1>, vector<128x128xf32>
    %swap3A_1527 = arith.constant 0 : index
    %swap3A_1528 = arith.constant 0 : index
    %swap3A_1529 = arith.constant 0 : index
    %swap3A_1530 = vector.load %arg20[%swap3A_1527, %swap3A_1528, %swap3A_1529] : memref<3x128x128xf32, #tpu.memory_space<vmem>>, vector<1x128x128xf32>
    %swap3A_1531 = vector.shape_cast %swap3A_1530 : vector<1x128x128xf32> to vector<128x128xf32>
    %swap3A_1532 = vector.shape_cast %select_n3A_1526 : vector<128x128xf32> to vector<1x128x128xf32>
    tpu.vector_store %arg20[%swap3A_1527, %swap3A_1528, %swap3A_1529], %swap3A_1532 {strides = array<i32>} : memref<3x128x128xf32, #tpu.memory_space<vmem>>, vector<1x128x128xf32>,
    %slice3A_1533 = vector.extract_strided_slice %select_n3A_1526 {offsets = [0, 0], sizes = [64, 128], strides = [1, 1]} : vector<128x128xf32> to vector<64x128xf32>
    %slice3A_1534 = vector.extract_strided_slice %select_n3A_1526 {offsets = [64, 0], sizes = [64, 128], strides = [1, 1]} : vector<128x128xf32> to vector<64x128xf32>
    %max3A_1535 = arith.maximumf %slice3A_1533, %slice3A_1534 : vector<64x128xf32>
    %slice3A_1536 = vector.extract_strided_slice %max3A_1535 {offsets = [0, 0], sizes = [32, 128], strides = [1, 1]} : vector<64x128xf32> to vector<32x128xf32>
    %slice3A_1537 = vector.extract_strided_slice %max3A_1535 {offsets = [32, 0], sizes = [32, 128], strides = [1, 1]} : vector<64x128xf32> to vector<32x128xf32>
    %max3A_1538 = arith.maximumf %slice3A_1536, %slice3A_1537 : vector<32x128xf32>
    %reduce_max3A_1539 = arith.constant dense<0xFF800000> : vector<128xf32>
    %reduce_max3A_1540 = vector.multi_reduction <maximumf>, %select_n3A_1526, %reduce_max3A_1539 [1] : vector<128x128xf32> to vector<128xf32>
    %broadcast_in_dim3A_1541 = vector.shape_cast %reduce_max3A_1540 : vector<128xf32> to vector<128x1xf32>
    %max3A_1542 = arith.maximumf %max3A_1458, %max3A_1478 : vector<128x128xf32>
    %max3A_1543 = arith.maximumf %max3A_1438, %max3A_1542 : vector<128x128xf32>
    %ge3A_1544 = arith.cmpf oge, %max3A_1284, %max3A_1543 : vector<128x128xf32>
    %gt3A_1545 = arith.constant 0.000000e+00 : f32
    %gt3A_1546 = vector.broadcast %gt3A_1545 : f32 to vector<128x128xf32>
    %gt3A_1547 = arith.cmpf ogt, %max3A_1284, %gt3A_1546 : vector<128x128xf32>
    %and3A_1548 = arith.andi %ge3A_1544, %gt3A_1547 : vector<128x128xi1>
    %and3A_1549 = arith.andi %and3A_1548, %and3A_1515 : vector<128x128xi1>
    %jit3A_1550 = arith.constant 0.000000e+00 : f32
    %broadcast_in_dim3A_1551 = vector.broadcast %jit3A_1550 : f32 to vector<128x128xf32>
    %select_n3A_1552 = arith.select %and3A_1549, %max3A_1284, %broadcast_in_dim3A_1551 : vector<128x128xi1>, vector<128x128xf32>
    %swap3A_1553 = arith.constant 1 : index
    %swap3A_1554 = arith.constant 0 : index
    %swap3A_1555 = arith.constant 0 : index
    %swap3A_1556 = vector.load %arg20[%swap3A_1553, %swap3A_1554, %swap3A_1555] : memref<3x128x128xf32, #tpu.memory_space<vmem>>, vector<1x128x128xf32>
    %swap3A_1557 = vector.shape_cast %swap3A_1556 : vector<1x128x128xf32> to vector<128x128xf32>
    %swap3A_1558 = vector.shape_cast %select_n3A_1552 : vector<128x128xf32> to vector<1x128x128xf32>
    tpu.vector_store %arg20[%swap3A_1553, %swap3A_1554, %swap3A_1555], %swap3A_1558 {strides = array<i32>} : memref<3x128x128xf32, #tpu.memory_space<vmem>>, vector<1x128x128xf32>,
    %slice3A_1559 = vector.extract_strided_slice %select_n3A_1552 {offsets = [0, 0], sizes = [64, 128], strides = [1, 1]} : vector<128x128xf32> to vector<64x128xf32>
    %slice3A_1560 = vector.extract_strided_slice %select_n3A_1552 {offsets = [64, 0], sizes = [64, 128], strides = [1, 1]} : vector<128x128xf32> to vector<64x128xf32>
    %max3A_1561 = arith.maximumf %slice3A_1559, %slice3A_1560 : vector<64x128xf32>
    %slice3A_1562 = vector.extract_strided_slice %max3A_1561 {offsets = [0, 0], sizes = [32, 128], strides = [1, 1]} : vector<64x128xf32> to vector<32x128xf32>
    %slice3A_1563 = vector.extract_strided_slice %max3A_1561 {offsets = [32, 0], sizes = [32, 128], strides = [1, 1]} : vector<64x128xf32> to vector<32x128xf32>
    %max3A_1564 = arith.maximumf %slice3A_1562, %slice3A_1563 : vector<32x128xf32>
    %reduce_max3A_1565 = arith.constant dense<0xFF800000> : vector<128xf32>
    %reduce_max3A_1566 = vector.multi_reduction <maximumf>, %select_n3A_1552, %reduce_max3A_1565 [1] : vector<128x128xf32> to vector<128xf32>
    %broadcast_in_dim3A_1567 = vector.shape_cast %reduce_max3A_1566 : vector<128xf32> to vector<128x1xf32>
    %max3A_1568 = arith.maximumf %max3A_1478, %max3A_1498 : vector<128x128xf32>
    %max3A_1569 = arith.maximumf %max3A_1458, %max3A_1568 : vector<128x128xf32>
    %ge3A_1570 = arith.cmpf oge, %max3A_1341, %max3A_1569 : vector<128x128xf32>
    %gt3A_1571 = arith.constant 0.000000e+00 : f32
    %gt3A_1572 = vector.broadcast %gt3A_1571 : f32 to vector<128x128xf32>
    %gt3A_1573 = arith.cmpf ogt, %max3A_1341, %gt3A_1572 : vector<128x128xf32>
    %and3A_1574 = arith.andi %ge3A_1570, %gt3A_1573 : vector<128x128xi1>
    %and3A_1575 = arith.andi %and3A_1574, %and3A_1515 : vector<128x128xi1>
    %jit3A_1576 = arith.constant 0.000000e+00 : f32
    %broadcast_in_dim3A_1577 = vector.broadcast %jit3A_1576 : f32 to vector<128x128xf32>
    %select_n3A_1578 = arith.select %and3A_1575, %max3A_1341, %broadcast_in_dim3A_1577 : vector<128x128xi1>, vector<128x128xf32>
    %swap3A_1579 = arith.constant 2 : index
    %swap3A_1580 = arith.constant 0 : index
    %swap3A_1581 = arith.constant 0 : index
    %swap3A_1582 = vector.load %arg20[%swap3A_1579, %swap3A_1580, %swap3A_1581] : memref<3x128x128xf32, #tpu.memory_space<vmem>>, vector<1x128x128xf32>
    %swap3A_1583 = vector.shape_cast %swap3A_1582 : vector<1x128x128xf32> to vector<128x128xf32>
    %swap3A_1584 = vector.shape_cast %select_n3A_1578 : vector<128x128xf32> to vector<1x128x128xf32>
    tpu.vector_store %arg20[%swap3A_1579, %swap3A_1580, %swap3A_1581], %swap3A_1584 {strides = array<i32>} : memref<3x128x128xf32, #tpu.memory_space<vmem>>, vector<1x128x128xf32>,
    %slice3A_1585 = vector.extract_strided_slice %select_n3A_1578 {offsets = [0, 0], sizes = [64, 128], strides = [1, 1]} : vector<128x128xf32> to vector<64x128xf32>
    %slice3A_1586 = vector.extract_strided_slice %select_n3A_1578 {offsets = [64, 0], sizes = [64, 128], strides = [1, 1]} : vector<128x128xf32> to vector<64x128xf32>
    %max3A_1587 = arith.maximumf %slice3A_1585, %slice3A_1586 : vector<64x128xf32>
    %slice3A_1588 = vector.extract_strided_slice %max3A_1587 {offsets = [0, 0], sizes = [32, 128], strides = [1, 1]} : vector<64x128xf32> to vector<32x128xf32>
    %slice3A_1589 = vector.extract_strided_slice %max3A_1587 {offsets = [32, 0], sizes = [32, 128], strides = [1, 1]} : vector<64x128xf32> to vector<32x128xf32>
    %max3A_1590 = arith.maximumf %slice3A_1588, %slice3A_1589 : vector<32x128xf32>
    %reduce_max3A_1591 = arith.constant dense<0xFF800000> : vector<128xf32>
    %reduce_max3A_1592 = vector.multi_reduction <maximumf>, %select_n3A_1578, %reduce_max3A_1591 [1] : vector<128x128xf32> to vector<128xf32>
    %broadcast_in_dim3A_1593 = vector.shape_cast %reduce_max3A_1592 : vector<128xf32> to vector<128x1xf32>
    %concatenate3A_1594 = tpu.concatenate %max3A_498, %max3A_530, %max3A_563, %max3A_1023, %max3A_1052, %max3A_1081, %max3A_1538, %max3A_1564, %max3A_1590 in 0 : vector<128x128xf32>, vector<128x128xf32>, vector<128x128xf32>, vector<64x128xf32>, vector<64x128xf32>, vector<64x128xf32>, vector<32x128xf32>, vector<32x128xf32>, vector<32x128xf32> -> vector<672x128xf32>
    %bitcast_convert_type3A = tpu.bitcast %concatenate3A_1594 : vector<672x128xf32> -> vector<672x128xi32>
    %scan3A = arith.constant 0 : i32
    %scan3A_1595 = arith.constant 2147483646 : i32
    %scan3A_1596 = arith.constant 0 : i32
    %scan3A_1597 = arith.constant 31 : i32
    %scan3A_1598 = arith.addi %scan3A_1596, %scan3A_1597 : i32
    %scan3A_1599 = arith.constant 1 : i32
    %scan3A_1600:2 = scf.for %scan3A_1620 = %scan3A_1596 to %scan3A_1598 step %scan3A_1599 iter_args(%scan3A_1621 = %scan3A, %scan3A_1622 = %scan3A_1595) -> (i32, i32)  : i32 {
      %sub3A_1623 = arith.subi %scan3A_1622, %scan3A_1621 : i32
      %add3A_1624 = arith.constant 1 : i32
      %add3A_1625 = arith.addi %sub3A_1623, %add3A_1624 : i32
      %jit3A_1626 = arith.constant 2 : i32
      %div3A = arith.divsi %add3A_1625, %jit3A_1626 : i32
      %sign3A = arith.constant 0 : i32
      %sign3A_1627 = arith.cmpi sgt, %add3A_1625, %sign3A : i32
      %sign3A_1628 = arith.extui %sign3A_1627 : i1 to i32
      %sign3A_1629 = arith.constant 0 : i32
      %sign3A_1630 = arith.cmpi slt, %add3A_1625, %sign3A_1629 : i32
      %sign3A_1631 = arith.extui %sign3A_1630 : i1 to i32
      %sign3A_1632 = arith.subi %sign3A_1628, %sign3A_1631 : i32
      %sign3A_1633 = arith.constant 0 : i32
      %sign3A_1634 = arith.cmpi sgt, %jit3A_1626, %sign3A_1633 : i32
      %sign3A_1635 = arith.extui %sign3A_1634 : i1 to i32
      %sign3A_1636 = arith.constant 0 : i32
      %sign3A_1637 = arith.cmpi slt, %jit3A_1626, %sign3A_1636 : i32
      %sign3A_1638 = arith.extui %sign3A_1637 : i1 to i32
      %sign3A_1639 = arith.subi %sign3A_1635, %sign3A_1638 : i32
      %ne3A = arith.cmpi ne, %sign3A_1632, %sign3A_1639 : i32
      %rem3A = arith.remsi %add3A_1625, %jit3A_1626 : i32
      %ne3A_1640 = arith.constant 0 : i32
      %ne3A_1641 = arith.cmpi ne, %rem3A, %ne3A_1640 : i32
      %and3A_1642 = arith.andi %ne3A, %ne3A_1641 : i1
      %sub3A_1643 = arith.constant 1 : i32
      %sub3A_1644 = arith.subi %div3A, %sub3A_1643 : i32
      %select_n3A_1645 = arith.select %and3A_1642, %sub3A_1644, %div3A : i32
      %add3A_1646 = arith.addi %scan3A_1621, %select_n3A_1645 : i32
      %ge3A_1647 = vector.broadcast %add3A_1646 : i32 to vector<672x128xi32>
      %ge3A_1648 = arith.cmpi sge, %bitcast_convert_type3A, %ge3A_1647 : vector<672x128xi32>
      %convert_element_type3A_1649 = arith.extui %ge3A_1648 : vector<672x128xi1> to vector<672x128xi32>
      %reduce_sum3A = vector.shape_cast %convert_element_type3A_1649 : vector<672x128xi32> to vector<1x672x128xi32>
      %reduce_sum3A_1650 = arith.constant dense<0> : vector<1xi32>
      %reduce_sum3A_1651 = vector.multi_reduction <add>, %reduce_sum3A, %reduce_sum3A_1650 [1, 2] : vector<1x672x128xi32> to vector<1xi32>
      %reduce_sum3A_1652 = vector.shape_cast %reduce_sum3A_1651 : vector<1xi32> to vector<1x1x1xi32>
      %reduce_sum3A_1653 = vector.extract %reduce_sum3A_1652[0, 0, 0] : i32 from vector<1x1x1xi32>
      %ge3A_1654 = arith.constant 500 : i32
      %ge3A_1655 = arith.cmpi sge, %reduce_sum3A_1653, %ge3A_1654 : i32
      %select_n3A_1656 = arith.select %ge3A_1655, %add3A_1646, %scan3A_1621 : i32
      %sub3A_1657 = arith.constant 1 : i32
      %sub3A_1658 = arith.subi %add3A_1646, %sub3A_1657 : i32
      %select_n3A_1659 = arith.select %ge3A_1655, %scan3A_1622, %sub3A_1658 : i32
      scf.yield %select_n3A_1656, %select_n3A_1659 : i32, i32
    }
    %bitcast_convert_type3A_1601 = arith.bitcast %scan3A_1600#0 : i32 to f32
    %broadcast_in_dim3A_1602 = arith.constant 1.000000e+00 : f32
    %broadcast_in_dim3A_1603 = vector.broadcast %broadcast_in_dim3A_1602 : f32 to vector<8x128xf32>
    %mul3A_1604 = vector.broadcast %bitcast_convert_type3A_1601 : f32 to vector<8x128xf32>
    %mul3A_1605 = arith.mulf %broadcast_in_dim3A_1603, %mul3A_1604 : vector<8x128xf32>
    %swap3A_1606 = arith.constant 0 : index
    %swap3A_1607 = arith.constant 0 : index
    %swap3A_1608 = vector.load %arg21[%swap3A_1606, %swap3A_1607] : memref<8x128xf32, #tpu.memory_space<vmem>>, vector<8x128xf32>
    tpu.vector_store %arg21[%swap3A_1606, %swap3A_1607], %mul3A_1605 {strides = array<i32>} : memref<8x128xf32, #tpu.memory_space<vmem>>, vector<8x128xf32>,
    %concatenate3A_1609 = tpu.concatenate %broadcast_in_dim3A_500, %broadcast_in_dim3A_533, %broadcast_in_dim3A_566, %broadcast_in_dim3A_1026, %broadcast_in_dim3A_1055, %broadcast_in_dim3A_1084, %broadcast_in_dim3A_1541, %broadcast_in_dim3A_1567, %broadcast_in_dim3A_1593 in 0 : vector<512x1xf32>, vector<512x1xf32>, vector<512x1xf32>, vector<256x1xf32>, vector<256x1xf32>, vector<256x1xf32>, vector<128x1xf32>, vector<128x1xf32>, vector<128x1xf32> -> vector<2688x1xf32>
    %ge3A_1610 = vector.broadcast %bitcast_convert_type3A_1601 : f32 to vector<2688x1xf32>
    %ge3A_1611 = arith.cmpf oge, %concatenate3A_1609, %ge3A_1610 : vector<2688x1xf32>
    %gt3A_1612 = arith.constant 0.000000e+00 : f32
    %gt3A_1613 = vector.broadcast %gt3A_1612 : f32 to vector<2688x1xf32>
    %gt3A_1614 = arith.cmpf ogt, %concatenate3A_1609, %gt3A_1613 : vector<2688x1xf32>
    %and3A_1615 = arith.andi %ge3A_1611, %gt3A_1614 : vector<2688x1xi1>
    %convert_element_type3A_1616 = arith.extui %and3A_1615 : vector<2688x1xi1> to vector<2688x1xi32>
    %swap3A_1617 = arith.constant 0 : index
    %swap3A_1618 = arith.constant 0 : index
    %swap3A_1619 = vector.load %arg22[%swap3A_1617, %swap3A_1618] : memref<2688x1xi32, #tpu.memory_space<vmem>>, vector<2688x1xi32>
    tpu.vector_store %arg22[%swap3A_1617, %swap3A_1618], %convert_element_type3A_1616 {strides = array<i32>} : memref<2688x1xi32, #tpu.memory_space<vmem>>, vector<2688x1xi32>,
    return
  }
}

module attributes {stable_mosaic.version = 14 : i64} {
  func.func @_k3_body(%arg0: memref<2048x1xf32, #tpu.memory_space<vmem>>, %arg1: memref<2048x1xi32, #tpu.memory_space<vmem>>, %arg2: memref<1x2048xf32, #tpu.memory_space<vmem>>, %arg3: memref<1x2048xi32, #tpu.memory_space<vmem>>, %arg4: memref<512xf32, #tpu.memory_space<vmem>>, %arg5: memref<512xf32, #tpu.memory_space<vmem>>, %arg6: memref<512xf32, #tpu.memory_space<vmem>>, %arg7: memref<512xf32, #tpu.memory_space<vmem>>) attributes {dimension_semantics = [], scalar_prefetch = 0 : i64, scratch_operands = 0 : i64, tpu.core_type = #tpu.core_type<tc>} {
    %get3A = arith.constant 0 : index
    %get3A_0 = arith.constant 0 : index
    %get3A_1 = vector.load %arg0[%get3A, %get3A_0] : memref<2048x1xf32, #tpu.memory_space<vmem>>, vector<2048x1xf32>
    %get3A_2 = arith.constant 0 : index
    %get3A_3 = arith.constant 0 : index
    %get3A_4 = vector.load %arg1[%get3A_2, %get3A_3] : memref<2048x1xi32, #tpu.memory_space<vmem>>, vector<2048x1xi32>
    %get3A_5 = arith.constant 0 : index
    %get3A_6 = arith.constant 0 : index
    %get3A_7 = vector.load %arg2[%get3A_5, %get3A_6] : memref<1x2048xf32, #tpu.memory_space<vmem>>, vector<1x128xf32>
    %get3A_8 = arith.constant 0 : index
    %get3A_9 = arith.constant 0 : index
    %get3A_10 = vector.load %arg3[%get3A_8, %get3A_9] : memref<1x2048xi32, #tpu.memory_space<vmem>>, vector<1x128xi32>
    %gt3A = vector.broadcast %get3A_1 : vector<2048x1xf32> to vector<2048x128xf32>
    %gt3A_11 = vector.broadcast %get3A_7 : vector<1x128xf32> to vector<2048x128xf32>
    %gt3A_12 = arith.cmpf ogt, %gt3A, %gt3A_11 : vector<2048x128xf32>
    %eq3A = vector.broadcast %get3A_1 : vector<2048x1xf32> to vector<2048x128xf32>
    %eq3A_13 = vector.broadcast %get3A_7 : vector<1x128xf32> to vector<2048x128xf32>
    %eq3A_14 = arith.cmpf oeq, %eq3A, %eq3A_13 : vector<2048x128xf32>
    %lt3A = vector.broadcast %get3A_4 : vector<2048x1xi32> to vector<2048x128xi32>
    %lt3A_15 = vector.broadcast %get3A_10 : vector<1x128xi32> to vector<2048x128xi32>
    %lt3A_16 = arith.cmpi slt, %lt3A, %lt3A_15 : vector<2048x128xi32>
    %and3A = arith.andi %eq3A_14, %lt3A_16 : vector<2048x128xi1>
    %or3A = arith.ori %gt3A_12, %and3A : vector<2048x128xi1>
    %convert_element_type3A = arith.extui %or3A : vector<2048x128xi1> to vector<2048x128xi32>
    %reduce_sum3A = arith.constant dense<0> : vector<128xi32>
    %reduce_sum3A_17 = vector.multi_reduction <add>, %convert_element_type3A, %reduce_sum3A [0] : vector<2048x128xi32> to vector<128xi32>
    %broadcast_in_dim3A = vector.shape_cast %reduce_sum3A_17 : vector<128xi32> to vector<1x128xi32>
    %get3A_18 = arith.constant 0 : index
    %get3A_19 = arith.constant 128 : index
    %get3A_20 = vector.load %arg2[%get3A_18, %get3A_19] : memref<1x2048xf32, #tpu.memory_space<vmem>>, vector<1x128xf32>
    %get3A_21 = arith.constant 0 : index
    %get3A_22 = arith.constant 128 : index
    %get3A_23 = vector.load %arg3[%get3A_21, %get3A_22] : memref<1x2048xi32, #tpu.memory_space<vmem>>, vector<1x128xi32>
    %gt3A_24 = vector.broadcast %get3A_1 : vector<2048x1xf32> to vector<2048x128xf32>
    %gt3A_25 = vector.broadcast %get3A_20 : vector<1x128xf32> to vector<2048x128xf32>
    %gt3A_26 = arith.cmpf ogt, %gt3A_24, %gt3A_25 : vector<2048x128xf32>
    %eq3A_27 = vector.broadcast %get3A_1 : vector<2048x1xf32> to vector<2048x128xf32>
    %eq3A_28 = vector.broadcast %get3A_20 : vector<1x128xf32> to vector<2048x128xf32>
    %eq3A_29 = arith.cmpf oeq, %eq3A_27, %eq3A_28 : vector<2048x128xf32>
    %lt3A_30 = vector.broadcast %get3A_4 : vector<2048x1xi32> to vector<2048x128xi32>
    %lt3A_31 = vector.broadcast %get3A_23 : vector<1x128xi32> to vector<2048x128xi32>
    %lt3A_32 = arith.cmpi slt, %lt3A_30, %lt3A_31 : vector<2048x128xi32>
    %and3A_33 = arith.andi %eq3A_29, %lt3A_32 : vector<2048x128xi1>
    %or3A_34 = arith.ori %gt3A_26, %and3A_33 : vector<2048x128xi1>
    %convert_element_type3A_35 = arith.extui %or3A_34 : vector<2048x128xi1> to vector<2048x128xi32>
    %reduce_sum3A_36 = arith.constant dense<0> : vector<128xi32>
    %reduce_sum3A_37 = vector.multi_reduction <add>, %convert_element_type3A_35, %reduce_sum3A_36 [0] : vector<2048x128xi32> to vector<128xi32>
    %broadcast_in_dim3A_38 = vector.shape_cast %reduce_sum3A_37 : vector<128xi32> to vector<1x128xi32>
    %get3A_39 = arith.constant 0 : index
    %get3A_40 = arith.constant 256 : index
    %get3A_41 = vector.load %arg2[%get3A_39, %get3A_40] : memref<1x2048xf32, #tpu.memory_space<vmem>>, vector<1x128xf32>
    %get3A_42 = arith.constant 0 : index
    %get3A_43 = arith.constant 256 : index
    %get3A_44 = vector.load %arg3[%get3A_42, %get3A_43] : memref<1x2048xi32, #tpu.memory_space<vmem>>, vector<1x128xi32>
    %gt3A_45 = vector.broadcast %get3A_1 : vector<2048x1xf32> to vector<2048x128xf32>
    %gt3A_46 = vector.broadcast %get3A_41 : vector<1x128xf32> to vector<2048x128xf32>
    %gt3A_47 = arith.cmpf ogt, %gt3A_45, %gt3A_46 : vector<2048x128xf32>
    %eq3A_48 = vector.broadcast %get3A_1 : vector<2048x1xf32> to vector<2048x128xf32>
    %eq3A_49 = vector.broadcast %get3A_41 : vector<1x128xf32> to vector<2048x128xf32>
    %eq3A_50 = arith.cmpf oeq, %eq3A_48, %eq3A_49 : vector<2048x128xf32>
    %lt3A_51 = vector.broadcast %get3A_4 : vector<2048x1xi32> to vector<2048x128xi32>
    %lt3A_52 = vector.broadcast %get3A_44 : vector<1x128xi32> to vector<2048x128xi32>
    %lt3A_53 = arith.cmpi slt, %lt3A_51, %lt3A_52 : vector<2048x128xi32>
    %and3A_54 = arith.andi %eq3A_50, %lt3A_53 : vector<2048x128xi1>
    %or3A_55 = arith.ori %gt3A_47, %and3A_54 : vector<2048x128xi1>
    %convert_element_type3A_56 = arith.extui %or3A_55 : vector<2048x128xi1> to vector<2048x128xi32>
    %reduce_sum3A_57 = arith.constant dense<0> : vector<128xi32>
    %reduce_sum3A_58 = vector.multi_reduction <add>, %convert_element_type3A_56, %reduce_sum3A_57 [0] : vector<2048x128xi32> to vector<128xi32>
    %broadcast_in_dim3A_59 = vector.shape_cast %reduce_sum3A_58 : vector<128xi32> to vector<1x128xi32>
    %get3A_60 = arith.constant 0 : index
    %get3A_61 = arith.constant 384 : index
    %get3A_62 = vector.load %arg2[%get3A_60, %get3A_61] : memref<1x2048xf32, #tpu.memory_space<vmem>>, vector<1x128xf32>
    %get3A_63 = arith.constant 0 : index
    %get3A_64 = arith.constant 384 : index
    %get3A_65 = vector.load %arg3[%get3A_63, %get3A_64] : memref<1x2048xi32, #tpu.memory_space<vmem>>, vector<1x128xi32>
    %gt3A_66 = vector.broadcast %get3A_1 : vector<2048x1xf32> to vector<2048x128xf32>
    %gt3A_67 = vector.broadcast %get3A_62 : vector<1x128xf32> to vector<2048x128xf32>
    %gt3A_68 = arith.cmpf ogt, %gt3A_66, %gt3A_67 : vector<2048x128xf32>
    %eq3A_69 = vector.broadcast %get3A_1 : vector<2048x1xf32> to vector<2048x128xf32>
    %eq3A_70 = vector.broadcast %get3A_62 : vector<1x128xf32> to vector<2048x128xf32>
    %eq3A_71 = arith.cmpf oeq, %eq3A_69, %eq3A_70 : vector<2048x128xf32>
    %lt3A_72 = vector.broadcast %get3A_4 : vector<2048x1xi32> to vector<2048x128xi32>
    %lt3A_73 = vector.broadcast %get3A_65 : vector<1x128xi32> to vector<2048x128xi32>
    %lt3A_74 = arith.cmpi slt, %lt3A_72, %lt3A_73 : vector<2048x128xi32>
    %and3A_75 = arith.andi %eq3A_71, %lt3A_74 : vector<2048x128xi1>
    %or3A_76 = arith.ori %gt3A_68, %and3A_75 : vector<2048x128xi1>
    %convert_element_type3A_77 = arith.extui %or3A_76 : vector<2048x128xi1> to vector<2048x128xi32>
    %reduce_sum3A_78 = arith.constant dense<0> : vector<128xi32>
    %reduce_sum3A_79 = vector.multi_reduction <add>, %convert_element_type3A_77, %reduce_sum3A_78 [0] : vector<2048x128xi32> to vector<128xi32>
    %broadcast_in_dim3A_80 = vector.shape_cast %reduce_sum3A_79 : vector<128xi32> to vector<1x128xi32>
    %get3A_81 = arith.constant 0 : index
    %get3A_82 = arith.constant 512 : index
    %get3A_83 = vector.load %arg2[%get3A_81, %get3A_82] : memref<1x2048xf32, #tpu.memory_space<vmem>>, vector<1x128xf32>
    %get3A_84 = arith.constant 0 : index
    %get3A_85 = arith.constant 512 : index
    %get3A_86 = vector.load %arg3[%get3A_84, %get3A_85] : memref<1x2048xi32, #tpu.memory_space<vmem>>, vector<1x128xi32>
    %gt3A_87 = vector.broadcast %get3A_1 : vector<2048x1xf32> to vector<2048x128xf32>
    %gt3A_88 = vector.broadcast %get3A_83 : vector<1x128xf32> to vector<2048x128xf32>
    %gt3A_89 = arith.cmpf ogt, %gt3A_87, %gt3A_88 : vector<2048x128xf32>
    %eq3A_90 = vector.broadcast %get3A_1 : vector<2048x1xf32> to vector<2048x128xf32>
    %eq3A_91 = vector.broadcast %get3A_83 : vector<1x128xf32> to vector<2048x128xf32>
    %eq3A_92 = arith.cmpf oeq, %eq3A_90, %eq3A_91 : vector<2048x128xf32>
    %lt3A_93 = vector.broadcast %get3A_4 : vector<2048x1xi32> to vector<2048x128xi32>
    %lt3A_94 = vector.broadcast %get3A_86 : vector<1x128xi32> to vector<2048x128xi32>
    %lt3A_95 = arith.cmpi slt, %lt3A_93, %lt3A_94 : vector<2048x128xi32>
    %and3A_96 = arith.andi %eq3A_92, %lt3A_95 : vector<2048x128xi1>
    %or3A_97 = arith.ori %gt3A_89, %and3A_96 : vector<2048x128xi1>
    %convert_element_type3A_98 = arith.extui %or3A_97 : vector<2048x128xi1> to vector<2048x128xi32>
    %reduce_sum3A_99 = arith.constant dense<0> : vector<128xi32>
    %reduce_sum3A_100 = vector.multi_reduction <add>, %convert_element_type3A_98, %reduce_sum3A_99 [0] : vector<2048x128xi32> to vector<128xi32>
    %broadcast_in_dim3A_101 = vector.shape_cast %reduce_sum3A_100 : vector<128xi32> to vector<1x128xi32>
    %get3A_102 = arith.constant 0 : index
    %get3A_103 = arith.constant 640 : index
    %get3A_104 = vector.load %arg2[%get3A_102, %get3A_103] : memref<1x2048xf32, #tpu.memory_space<vmem>>, vector<1x128xf32>
    %get3A_105 = arith.constant 0 : index
    %get3A_106 = arith.constant 640 : index
    %get3A_107 = vector.load %arg3[%get3A_105, %get3A_106] : memref<1x2048xi32, #tpu.memory_space<vmem>>, vector<1x128xi32>
    %gt3A_108 = vector.broadcast %get3A_1 : vector<2048x1xf32> to vector<2048x128xf32>
    %gt3A_109 = vector.broadcast %get3A_104 : vector<1x128xf32> to vector<2048x128xf32>
    %gt3A_110 = arith.cmpf ogt, %gt3A_108, %gt3A_109 : vector<2048x128xf32>
    %eq3A_111 = vector.broadcast %get3A_1 : vector<2048x1xf32> to vector<2048x128xf32>
    %eq3A_112 = vector.broadcast %get3A_104 : vector<1x128xf32> to vector<2048x128xf32>
    %eq3A_113 = arith.cmpf oeq, %eq3A_111, %eq3A_112 : vector<2048x128xf32>
    %lt3A_114 = vector.broadcast %get3A_4 : vector<2048x1xi32> to vector<2048x128xi32>
    %lt3A_115 = vector.broadcast %get3A_107 : vector<1x128xi32> to vector<2048x128xi32>
    %lt3A_116 = arith.cmpi slt, %lt3A_114, %lt3A_115 : vector<2048x128xi32>
    %and3A_117 = arith.andi %eq3A_113, %lt3A_116 : vector<2048x128xi1>
    %or3A_118 = arith.ori %gt3A_110, %and3A_117 : vector<2048x128xi1>
    %convert_element_type3A_119 = arith.extui %or3A_118 : vector<2048x128xi1> to vector<2048x128xi32>
    %reduce_sum3A_120 = arith.constant dense<0> : vector<128xi32>
    %reduce_sum3A_121 = vector.multi_reduction <add>, %convert_element_type3A_119, %reduce_sum3A_120 [0] : vector<2048x128xi32> to vector<128xi32>
    %broadcast_in_dim3A_122 = vector.shape_cast %reduce_sum3A_121 : vector<128xi32> to vector<1x128xi32>
    %get3A_123 = arith.constant 0 : index
    %get3A_124 = arith.constant 768 : index
    %get3A_125 = vector.load %arg2[%get3A_123, %get3A_124] : memref<1x2048xf32, #tpu.memory_space<vmem>>, vector<1x128xf32>
    %get3A_126 = arith.constant 0 : index
    %get3A_127 = arith.constant 768 : index
    %get3A_128 = vector.load %arg3[%get3A_126, %get3A_127] : memref<1x2048xi32, #tpu.memory_space<vmem>>, vector<1x128xi32>
    %gt3A_129 = vector.broadcast %get3A_1 : vector<2048x1xf32> to vector<2048x128xf32>
    %gt3A_130 = vector.broadcast %get3A_125 : vector<1x128xf32> to vector<2048x128xf32>
    %gt3A_131 = arith.cmpf ogt, %gt3A_129, %gt3A_130 : vector<2048x128xf32>
    %eq3A_132 = vector.broadcast %get3A_1 : vector<2048x1xf32> to vector<2048x128xf32>
    %eq3A_133 = vector.broadcast %get3A_125 : vector<1x128xf32> to vector<2048x128xf32>
    %eq3A_134 = arith.cmpf oeq, %eq3A_132, %eq3A_133 : vector<2048x128xf32>
    %lt3A_135 = vector.broadcast %get3A_4 : vector<2048x1xi32> to vector<2048x128xi32>
    %lt3A_136 = vector.broadcast %get3A_128 : vector<1x128xi32> to vector<2048x128xi32>
    %lt3A_137 = arith.cmpi slt, %lt3A_135, %lt3A_136 : vector<2048x128xi32>
    %and3A_138 = arith.andi %eq3A_134, %lt3A_137 : vector<2048x128xi1>
    %or3A_139 = arith.ori %gt3A_131, %and3A_138 : vector<2048x128xi1>
    %convert_element_type3A_140 = arith.extui %or3A_139 : vector<2048x128xi1> to vector<2048x128xi32>
    %reduce_sum3A_141 = arith.constant dense<0> : vector<128xi32>
    %reduce_sum3A_142 = vector.multi_reduction <add>, %convert_element_type3A_140, %reduce_sum3A_141 [0] : vector<2048x128xi32> to vector<128xi32>
    %broadcast_in_dim3A_143 = vector.shape_cast %reduce_sum3A_142 : vector<128xi32> to vector<1x128xi32>
    %get3A_144 = arith.constant 0 : index
    %get3A_145 = arith.constant 896 : index
    %get3A_146 = vector.load %arg2[%get3A_144, %get3A_145] : memref<1x2048xf32, #tpu.memory_space<vmem>>, vector<1x128xf32>
    %get3A_147 = arith.constant 0 : index
    %get3A_148 = arith.constant 896 : index
    %get3A_149 = vector.load %arg3[%get3A_147, %get3A_148] : memref<1x2048xi32, #tpu.memory_space<vmem>>, vector<1x128xi32>
    %gt3A_150 = vector.broadcast %get3A_1 : vector<2048x1xf32> to vector<2048x128xf32>
    %gt3A_151 = vector.broadcast %get3A_146 : vector<1x128xf32> to vector<2048x128xf32>
    %gt3A_152 = arith.cmpf ogt, %gt3A_150, %gt3A_151 : vector<2048x128xf32>
    %eq3A_153 = vector.broadcast %get3A_1 : vector<2048x1xf32> to vector<2048x128xf32>
    %eq3A_154 = vector.broadcast %get3A_146 : vector<1x128xf32> to vector<2048x128xf32>
    %eq3A_155 = arith.cmpf oeq, %eq3A_153, %eq3A_154 : vector<2048x128xf32>
    %lt3A_156 = vector.broadcast %get3A_4 : vector<2048x1xi32> to vector<2048x128xi32>
    %lt3A_157 = vector.broadcast %get3A_149 : vector<1x128xi32> to vector<2048x128xi32>
    %lt3A_158 = arith.cmpi slt, %lt3A_156, %lt3A_157 : vector<2048x128xi32>
    %and3A_159 = arith.andi %eq3A_155, %lt3A_158 : vector<2048x128xi1>
    %or3A_160 = arith.ori %gt3A_152, %and3A_159 : vector<2048x128xi1>
    %convert_element_type3A_161 = arith.extui %or3A_160 : vector<2048x128xi1> to vector<2048x128xi32>
    %reduce_sum3A_162 = arith.constant dense<0> : vector<128xi32>
    %reduce_sum3A_163 = vector.multi_reduction <add>, %convert_element_type3A_161, %reduce_sum3A_162 [0] : vector<2048x128xi32> to vector<128xi32>
    %broadcast_in_dim3A_164 = vector.shape_cast %reduce_sum3A_163 : vector<128xi32> to vector<1x128xi32>
    %get3A_165 = arith.constant 0 : index
    %get3A_166 = arith.constant 1024 : index
    %get3A_167 = vector.load %arg2[%get3A_165, %get3A_166] : memref<1x2048xf32, #tpu.memory_space<vmem>>, vector<1x128xf32>
    %get3A_168 = arith.constant 0 : index
    %get3A_169 = arith.constant 1024 : index
    %get3A_170 = vector.load %arg3[%get3A_168, %get3A_169] : memref<1x2048xi32, #tpu.memory_space<vmem>>, vector<1x128xi32>
    %gt3A_171 = vector.broadcast %get3A_1 : vector<2048x1xf32> to vector<2048x128xf32>
    %gt3A_172 = vector.broadcast %get3A_167 : vector<1x128xf32> to vector<2048x128xf32>
    %gt3A_173 = arith.cmpf ogt, %gt3A_171, %gt3A_172 : vector<2048x128xf32>
    %eq3A_174 = vector.broadcast %get3A_1 : vector<2048x1xf32> to vector<2048x128xf32>
    %eq3A_175 = vector.broadcast %get3A_167 : vector<1x128xf32> to vector<2048x128xf32>
    %eq3A_176 = arith.cmpf oeq, %eq3A_174, %eq3A_175 : vector<2048x128xf32>
    %lt3A_177 = vector.broadcast %get3A_4 : vector<2048x1xi32> to vector<2048x128xi32>
    %lt3A_178 = vector.broadcast %get3A_170 : vector<1x128xi32> to vector<2048x128xi32>
    %lt3A_179 = arith.cmpi slt, %lt3A_177, %lt3A_178 : vector<2048x128xi32>
    %and3A_180 = arith.andi %eq3A_176, %lt3A_179 : vector<2048x128xi1>
    %or3A_181 = arith.ori %gt3A_173, %and3A_180 : vector<2048x128xi1>
    %convert_element_type3A_182 = arith.extui %or3A_181 : vector<2048x128xi1> to vector<2048x128xi32>
    %reduce_sum3A_183 = arith.constant dense<0> : vector<128xi32>
    %reduce_sum3A_184 = vector.multi_reduction <add>, %convert_element_type3A_182, %reduce_sum3A_183 [0] : vector<2048x128xi32> to vector<128xi32>
    %broadcast_in_dim3A_185 = vector.shape_cast %reduce_sum3A_184 : vector<128xi32> to vector<1x128xi32>
    %get3A_186 = arith.constant 0 : index
    %get3A_187 = arith.constant 1152 : index
    %get3A_188 = vector.load %arg2[%get3A_186, %get3A_187] : memref<1x2048xf32, #tpu.memory_space<vmem>>, vector<1x128xf32>
    %get3A_189 = arith.constant 0 : index
    %get3A_190 = arith.constant 1152 : index
    %get3A_191 = vector.load %arg3[%get3A_189, %get3A_190] : memref<1x2048xi32, #tpu.memory_space<vmem>>, vector<1x128xi32>
    %gt3A_192 = vector.broadcast %get3A_1 : vector<2048x1xf32> to vector<2048x128xf32>
    %gt3A_193 = vector.broadcast %get3A_188 : vector<1x128xf32> to vector<2048x128xf32>
    %gt3A_194 = arith.cmpf ogt, %gt3A_192, %gt3A_193 : vector<2048x128xf32>
    %eq3A_195 = vector.broadcast %get3A_1 : vector<2048x1xf32> to vector<2048x128xf32>
    %eq3A_196 = vector.broadcast %get3A_188 : vector<1x128xf32> to vector<2048x128xf32>
    %eq3A_197 = arith.cmpf oeq, %eq3A_195, %eq3A_196 : vector<2048x128xf32>
    %lt3A_198 = vector.broadcast %get3A_4 : vector<2048x1xi32> to vector<2048x128xi32>
    %lt3A_199 = vector.broadcast %get3A_191 : vector<1x128xi32> to vector<2048x128xi32>
    %lt3A_200 = arith.cmpi slt, %lt3A_198, %lt3A_199 : vector<2048x128xi32>
    %and3A_201 = arith.andi %eq3A_197, %lt3A_200 : vector<2048x128xi1>
    %or3A_202 = arith.ori %gt3A_194, %and3A_201 : vector<2048x128xi1>
    %convert_element_type3A_203 = arith.extui %or3A_202 : vector<2048x128xi1> to vector<2048x128xi32>
    %reduce_sum3A_204 = arith.constant dense<0> : vector<128xi32>
    %reduce_sum3A_205 = vector.multi_reduction <add>, %convert_element_type3A_203, %reduce_sum3A_204 [0] : vector<2048x128xi32> to vector<128xi32>
    %broadcast_in_dim3A_206 = vector.shape_cast %reduce_sum3A_205 : vector<128xi32> to vector<1x128xi32>
    %get3A_207 = arith.constant 0 : index
    %get3A_208 = arith.constant 1280 : index
    %get3A_209 = vector.load %arg2[%get3A_207, %get3A_208] : memref<1x2048xf32, #tpu.memory_space<vmem>>, vector<1x128xf32>
    %get3A_210 = arith.constant 0 : index
    %get3A_211 = arith.constant 1280 : index
    %get3A_212 = vector.load %arg3[%get3A_210, %get3A_211] : memref<1x2048xi32, #tpu.memory_space<vmem>>, vector<1x128xi32>
    %gt3A_213 = vector.broadcast %get3A_1 : vector<2048x1xf32> to vector<2048x128xf32>
    %gt3A_214 = vector.broadcast %get3A_209 : vector<1x128xf32> to vector<2048x128xf32>
    %gt3A_215 = arith.cmpf ogt, %gt3A_213, %gt3A_214 : vector<2048x128xf32>
    %eq3A_216 = vector.broadcast %get3A_1 : vector<2048x1xf32> to vector<2048x128xf32>
    %eq3A_217 = vector.broadcast %get3A_209 : vector<1x128xf32> to vector<2048x128xf32>
    %eq3A_218 = arith.cmpf oeq, %eq3A_216, %eq3A_217 : vector<2048x128xf32>
    %lt3A_219 = vector.broadcast %get3A_4 : vector<2048x1xi32> to vector<2048x128xi32>
    %lt3A_220 = vector.broadcast %get3A_212 : vector<1x128xi32> to vector<2048x128xi32>
    %lt3A_221 = arith.cmpi slt, %lt3A_219, %lt3A_220 : vector<2048x128xi32>
    %and3A_222 = arith.andi %eq3A_218, %lt3A_221 : vector<2048x128xi1>
    %or3A_223 = arith.ori %gt3A_215, %and3A_222 : vector<2048x128xi1>
    %convert_element_type3A_224 = arith.extui %or3A_223 : vector<2048x128xi1> to vector<2048x128xi32>
    %reduce_sum3A_225 = arith.constant dense<0> : vector<128xi32>
    %reduce_sum3A_226 = vector.multi_reduction <add>, %convert_element_type3A_224, %reduce_sum3A_225 [0] : vector<2048x128xi32> to vector<128xi32>
    %broadcast_in_dim3A_227 = vector.shape_cast %reduce_sum3A_226 : vector<128xi32> to vector<1x128xi32>
    %get3A_228 = arith.constant 0 : index
    %get3A_229 = arith.constant 1408 : index
    %get3A_230 = vector.load %arg2[%get3A_228, %get3A_229] : memref<1x2048xf32, #tpu.memory_space<vmem>>, vector<1x128xf32>
    %get3A_231 = arith.constant 0 : index
    %get3A_232 = arith.constant 1408 : index
    %get3A_233 = vector.load %arg3[%get3A_231, %get3A_232] : memref<1x2048xi32, #tpu.memory_space<vmem>>, vector<1x128xi32>
    %gt3A_234 = vector.broadcast %get3A_1 : vector<2048x1xf32> to vector<2048x128xf32>
    %gt3A_235 = vector.broadcast %get3A_230 : vector<1x128xf32> to vector<2048x128xf32>
    %gt3A_236 = arith.cmpf ogt, %gt3A_234, %gt3A_235 : vector<2048x128xf32>
    %eq3A_237 = vector.broadcast %get3A_1 : vector<2048x1xf32> to vector<2048x128xf32>
    %eq3A_238 = vector.broadcast %get3A_230 : vector<1x128xf32> to vector<2048x128xf32>
    %eq3A_239 = arith.cmpf oeq, %eq3A_237, %eq3A_238 : vector<2048x128xf32>
    %lt3A_240 = vector.broadcast %get3A_4 : vector<2048x1xi32> to vector<2048x128xi32>
    %lt3A_241 = vector.broadcast %get3A_233 : vector<1x128xi32> to vector<2048x128xi32>
    %lt3A_242 = arith.cmpi slt, %lt3A_240, %lt3A_241 : vector<2048x128xi32>
    %and3A_243 = arith.andi %eq3A_239, %lt3A_242 : vector<2048x128xi1>
    %or3A_244 = arith.ori %gt3A_236, %and3A_243 : vector<2048x128xi1>
    %convert_element_type3A_245 = arith.extui %or3A_244 : vector<2048x128xi1> to vector<2048x128xi32>
    %reduce_sum3A_246 = arith.constant dense<0> : vector<128xi32>
    %reduce_sum3A_247 = vector.multi_reduction <add>, %convert_element_type3A_245, %reduce_sum3A_246 [0] : vector<2048x128xi32> to vector<128xi32>
    %broadcast_in_dim3A_248 = vector.shape_cast %reduce_sum3A_247 : vector<128xi32> to vector<1x128xi32>
    %get3A_249 = arith.constant 0 : index
    %get3A_250 = arith.constant 1536 : index
    %get3A_251 = vector.load %arg2[%get3A_249, %get3A_250] : memref<1x2048xf32, #tpu.memory_space<vmem>>, vector<1x128xf32>
    %get3A_252 = arith.constant 0 : index
    %get3A_253 = arith.constant 1536 : index
    %get3A_254 = vector.load %arg3[%get3A_252, %get3A_253] : memref<1x2048xi32, #tpu.memory_space<vmem>>, vector<1x128xi32>
    %gt3A_255 = vector.broadcast %get3A_1 : vector<2048x1xf32> to vector<2048x128xf32>
    %gt3A_256 = vector.broadcast %get3A_251 : vector<1x128xf32> to vector<2048x128xf32>
    %gt3A_257 = arith.cmpf ogt, %gt3A_255, %gt3A_256 : vector<2048x128xf32>
    %eq3A_258 = vector.broadcast %get3A_1 : vector<2048x1xf32> to vector<2048x128xf32>
    %eq3A_259 = vector.broadcast %get3A_251 : vector<1x128xf32> to vector<2048x128xf32>
    %eq3A_260 = arith.cmpf oeq, %eq3A_258, %eq3A_259 : vector<2048x128xf32>
    %lt3A_261 = vector.broadcast %get3A_4 : vector<2048x1xi32> to vector<2048x128xi32>
    %lt3A_262 = vector.broadcast %get3A_254 : vector<1x128xi32> to vector<2048x128xi32>
    %lt3A_263 = arith.cmpi slt, %lt3A_261, %lt3A_262 : vector<2048x128xi32>
    %and3A_264 = arith.andi %eq3A_260, %lt3A_263 : vector<2048x128xi1>
    %or3A_265 = arith.ori %gt3A_257, %and3A_264 : vector<2048x128xi1>
    %convert_element_type3A_266 = arith.extui %or3A_265 : vector<2048x128xi1> to vector<2048x128xi32>
    %reduce_sum3A_267 = arith.constant dense<0> : vector<128xi32>
    %reduce_sum3A_268 = vector.multi_reduction <add>, %convert_element_type3A_266, %reduce_sum3A_267 [0] : vector<2048x128xi32> to vector<128xi32>
    %broadcast_in_dim3A_269 = vector.shape_cast %reduce_sum3A_268 : vector<128xi32> to vector<1x128xi32>
    %get3A_270 = arith.constant 0 : index
    %get3A_271 = arith.constant 1664 : index
    %get3A_272 = vector.load %arg2[%get3A_270, %get3A_271] : memref<1x2048xf32, #tpu.memory_space<vmem>>, vector<1x128xf32>
    %get3A_273 = arith.constant 0 : index
    %get3A_274 = arith.constant 1664 : index
    %get3A_275 = vector.load %arg3[%get3A_273, %get3A_274] : memref<1x2048xi32, #tpu.memory_space<vmem>>, vector<1x128xi32>
    %gt3A_276 = vector.broadcast %get3A_1 : vector<2048x1xf32> to vector<2048x128xf32>
    %gt3A_277 = vector.broadcast %get3A_272 : vector<1x128xf32> to vector<2048x128xf32>
    %gt3A_278 = arith.cmpf ogt, %gt3A_276, %gt3A_277 : vector<2048x128xf32>
    %eq3A_279 = vector.broadcast %get3A_1 : vector<2048x1xf32> to vector<2048x128xf32>
    %eq3A_280 = vector.broadcast %get3A_272 : vector<1x128xf32> to vector<2048x128xf32>
    %eq3A_281 = arith.cmpf oeq, %eq3A_279, %eq3A_280 : vector<2048x128xf32>
    %lt3A_282 = vector.broadcast %get3A_4 : vector<2048x1xi32> to vector<2048x128xi32>
    %lt3A_283 = vector.broadcast %get3A_275 : vector<1x128xi32> to vector<2048x128xi32>
    %lt3A_284 = arith.cmpi slt, %lt3A_282, %lt3A_283 : vector<2048x128xi32>
    %and3A_285 = arith.andi %eq3A_281, %lt3A_284 : vector<2048x128xi1>
    %or3A_286 = arith.ori %gt3A_278, %and3A_285 : vector<2048x128xi1>
    %convert_element_type3A_287 = arith.extui %or3A_286 : vector<2048x128xi1> to vector<2048x128xi32>
    %reduce_sum3A_288 = arith.constant dense<0> : vector<128xi32>
    %reduce_sum3A_289 = vector.multi_reduction <add>, %convert_element_type3A_287, %reduce_sum3A_288 [0] : vector<2048x128xi32> to vector<128xi32>
    %broadcast_in_dim3A_290 = vector.shape_cast %reduce_sum3A_289 : vector<128xi32> to vector<1x128xi32>
    %get3A_291 = arith.constant 0 : index
    %get3A_292 = arith.constant 1792 : index
    %get3A_293 = vector.load %arg2[%get3A_291, %get3A_292] : memref<1x2048xf32, #tpu.memory_space<vmem>>, vector<1x128xf32>
    %get3A_294 = arith.constant 0 : index
    %get3A_295 = arith.constant 1792 : index
    %get3A_296 = vector.load %arg3[%get3A_294, %get3A_295] : memref<1x2048xi32, #tpu.memory_space<vmem>>, vector<1x128xi32>
    %gt3A_297 = vector.broadcast %get3A_1 : vector<2048x1xf32> to vector<2048x128xf32>
    %gt3A_298 = vector.broadcast %get3A_293 : vector<1x128xf32> to vector<2048x128xf32>
    %gt3A_299 = arith.cmpf ogt, %gt3A_297, %gt3A_298 : vector<2048x128xf32>
    %eq3A_300 = vector.broadcast %get3A_1 : vector<2048x1xf32> to vector<2048x128xf32>
    %eq3A_301 = vector.broadcast %get3A_293 : vector<1x128xf32> to vector<2048x128xf32>
    %eq3A_302 = arith.cmpf oeq, %eq3A_300, %eq3A_301 : vector<2048x128xf32>
    %lt3A_303 = vector.broadcast %get3A_4 : vector<2048x1xi32> to vector<2048x128xi32>
    %lt3A_304 = vector.broadcast %get3A_296 : vector<1x128xi32> to vector<2048x128xi32>
    %lt3A_305 = arith.cmpi slt, %lt3A_303, %lt3A_304 : vector<2048x128xi32>
    %and3A_306 = arith.andi %eq3A_302, %lt3A_305 : vector<2048x128xi1>
    %or3A_307 = arith.ori %gt3A_299, %and3A_306 : vector<2048x128xi1>
    %convert_element_type3A_308 = arith.extui %or3A_307 : vector<2048x128xi1> to vector<2048x128xi32>
    %reduce_sum3A_309 = arith.constant dense<0> : vector<128xi32>
    %reduce_sum3A_310 = vector.multi_reduction <add>, %convert_element_type3A_308, %reduce_sum3A_309 [0] : vector<2048x128xi32> to vector<128xi32>
    %broadcast_in_dim3A_311 = vector.shape_cast %reduce_sum3A_310 : vector<128xi32> to vector<1x128xi32>
    %get3A_312 = arith.constant 0 : index
    %get3A_313 = arith.constant 1920 : index
    %get3A_314 = vector.load %arg2[%get3A_312, %get3A_313] : memref<1x2048xf32, #tpu.memory_space<vmem>>, vector<1x128xf32>
    %get3A_315 = arith.constant 0 : index
    %get3A_316 = arith.constant 1920 : index
    %get3A_317 = vector.load %arg3[%get3A_315, %get3A_316] : memref<1x2048xi32, #tpu.memory_space<vmem>>, vector<1x128xi32>
    %gt3A_318 = vector.broadcast %get3A_1 : vector<2048x1xf32> to vector<2048x128xf32>
    %gt3A_319 = vector.broadcast %get3A_314 : vector<1x128xf32> to vector<2048x128xf32>
    %gt3A_320 = arith.cmpf ogt, %gt3A_318, %gt3A_319 : vector<2048x128xf32>
    %eq3A_321 = vector.broadcast %get3A_1 : vector<2048x1xf32> to vector<2048x128xf32>
    %eq3A_322 = vector.broadcast %get3A_314 : vector<1x128xf32> to vector<2048x128xf32>
    %eq3A_323 = arith.cmpf oeq, %eq3A_321, %eq3A_322 : vector<2048x128xf32>
    %lt3A_324 = vector.broadcast %get3A_4 : vector<2048x1xi32> to vector<2048x128xi32>
    %lt3A_325 = vector.broadcast %get3A_317 : vector<1x128xi32> to vector<2048x128xi32>
    %lt3A_326 = arith.cmpi slt, %lt3A_324, %lt3A_325 : vector<2048x128xi32>
    %and3A_327 = arith.andi %eq3A_323, %lt3A_326 : vector<2048x128xi1>
    %or3A_328 = arith.ori %gt3A_320, %and3A_327 : vector<2048x128xi1>
    %convert_element_type3A_329 = arith.extui %or3A_328 : vector<2048x128xi1> to vector<2048x128xi32>
    %reduce_sum3A_330 = arith.constant dense<0> : vector<128xi32>
    %reduce_sum3A_331 = vector.multi_reduction <add>, %convert_element_type3A_329, %reduce_sum3A_330 [0] : vector<2048x128xi32> to vector<128xi32>
    %broadcast_in_dim3A_332 = vector.shape_cast %reduce_sum3A_331 : vector<128xi32> to vector<1x128xi32>
    %concatenate3A = tpu.concatenate %broadcast_in_dim3A, %broadcast_in_dim3A_38, %broadcast_in_dim3A_59, %broadcast_in_dim3A_80, %broadcast_in_dim3A_101, %broadcast_in_dim3A_122, %broadcast_in_dim3A_143, %broadcast_in_dim3A_164, %broadcast_in_dim3A_185, %broadcast_in_dim3A_206, %broadcast_in_dim3A_227, %broadcast_in_dim3A_248, %broadcast_in_dim3A_269, %broadcast_in_dim3A_290, %broadcast_in_dim3A_311, %broadcast_in_dim3A_332 in 1 : vector<1x128xi32>, vector<1x128xi32>, vector<1x128xi32>, vector<1x128xi32>, vector<1x128xi32>, vector<1x128xi32>, vector<1x128xi32>, vector<1x128xi32>, vector<1x128xi32>, vector<1x128xi32>, vector<1x128xi32>, vector<1x128xi32>, vector<1x128xi32>, vector<1x128xi32>, vector<1x128xi32>, vector<1x128xi32> -> vector<1x2048xi32>
    %get3A_333 = arith.constant 0 : index
    %get3A_334 = arith.constant 0 : index
    %get3A_335 = vector.load %arg2[%get3A_333, %get3A_334] : memref<1x2048xf32, #tpu.memory_space<vmem>>, vector<1x2048xf32>
    %get3A_336 = arith.constant 0 : index
    %get3A_337 = arith.constant 0 : index
    %get3A_338 = vector.load %arg3[%get3A_336, %get3A_337] : memref<1x2048xi32, #tpu.memory_space<vmem>>, vector<1x2048xi32>
    %iota3A = tpu.iota {dimensions = array<i32: 0>} : vector<512x2048xi32>
    %eq3A_339 = vector.broadcast %concatenate3A : vector<1x2048xi32> to vector<512x2048xi32>
    %eq3A_340 = arith.cmpi eq, %eq3A_339, %iota3A : vector<512x2048xi32>
    %jit3A = arith.constant 0.000000e+00 : f32
    %broadcast_in_dim3A_341 = vector.shape_cast %get3A_335 : vector<1x2048xf32> to vector<1x2048xf32>
    %broadcast_in_dim3A_342 = vector.broadcast %broadcast_in_dim3A_341 : vector<1x2048xf32> to vector<512x2048xf32>
    %broadcast_in_dim3A_343 = vector.broadcast %jit3A : f32 to vector<512x2048xf32>
    %select_n3A = arith.select %eq3A_340, %broadcast_in_dim3A_342, %broadcast_in_dim3A_343 : vector<512x2048xi1>, vector<512x2048xf32>
    %reduce_sum3A_344 = arith.constant dense<0.000000e+00> : vector<512xf32>
    %reduce_sum3A_345 = vector.multi_reduction <add>, %select_n3A, %reduce_sum3A_344 [1] : vector<512x2048xf32> to vector<512xf32>
    %jit3A_346 = arith.constant 0 : i32
    %broadcast_in_dim3A_347 = vector.shape_cast %get3A_338 : vector<1x2048xi32> to vector<1x2048xi32>
    %broadcast_in_dim3A_348 = vector.broadcast %broadcast_in_dim3A_347 : vector<1x2048xi32> to vector<512x2048xi32>
    %broadcast_in_dim3A_349 = vector.broadcast %jit3A_346 : i32 to vector<512x2048xi32>
    %select_n3A_350 = arith.select %eq3A_340, %broadcast_in_dim3A_348, %broadcast_in_dim3A_349 : vector<512x2048xi1>, vector<512x2048xi32>
    %reduce_sum3A_351 = arith.constant dense<0> : vector<512xi32>
    %reduce_sum3A_352 = vector.multi_reduction <add>, %select_n3A_350, %reduce_sum3A_351 [1] : vector<512x2048xi32> to vector<512xi32>
    %ge3A = arith.constant 983040 : i32
    %ge3A_353 = vector.broadcast %ge3A : i32 to vector<512xi32>
    %ge3A_354 = arith.cmpi sge, %reduce_sum3A_352, %ge3A_353 : vector<512xi32>
    %ge3A_355 = arith.constant 786432 : i32
    %ge3A_356 = vector.broadcast %ge3A_355 : i32 to vector<512xi32>
    %ge3A_357 = arith.cmpi sge, %reduce_sum3A_352, %ge3A_356 : vector<512xi32>
    %not3A = arith.constant dense<true> : vector<512xi1>
    %not3A_358 = arith.xori %ge3A_354, %not3A : vector<512xi1>
    %and3A_359 = arith.andi %ge3A_357, %not3A_358 : vector<512xi1>
    %jit3A_360 = arith.constant 786432 : i32
    %jit3A_361 = arith.constant 0 : i32
    %broadcast_in_dim3A_362 = vector.broadcast %jit3A_360 : i32 to vector<512xi32>
    %broadcast_in_dim3A_363 = vector.broadcast %jit3A_361 : i32 to vector<512xi32>
    %select_n3A_364 = arith.select %and3A_359, %broadcast_in_dim3A_362, %broadcast_in_dim3A_363 : vector<512xi1>, vector<512xi32>
    %jit3A_365 = arith.constant 983040 : i32
    %broadcast_in_dim3A_366 = vector.broadcast %jit3A_365 : i32 to vector<512xi32>
    %select_n3A_367 = arith.select %ge3A_354, %broadcast_in_dim3A_366, %select_n3A_364 : vector<512xi1>, vector<512xi32>
    %sub3A = arith.subi %reduce_sum3A_352, %select_n3A_367 : vector<512xi32>
    %jit3A_368 = arith.constant 16 : i32
    %jit3A_369 = arith.constant 18 : i32
    %broadcast_in_dim3A_370 = vector.broadcast %jit3A_368 : i32 to vector<512xi32>
    %broadcast_in_dim3A_371 = vector.broadcast %jit3A_369 : i32 to vector<512xi32>
    %select_n3A_372 = arith.select %and3A_359, %broadcast_in_dim3A_370, %broadcast_in_dim3A_371 : vector<512xi1>, vector<512xi32>
    %jit3A_373 = arith.constant 14 : i32
    %broadcast_in_dim3A_374 = vector.broadcast %jit3A_373 : i32 to vector<512xi32>
    %select_n3A_375 = arith.select %ge3A_354, %broadcast_in_dim3A_374, %select_n3A_372 : vector<512xi1>, vector<512xi32>
    %shift_right_logical3A = arith.shrui %sub3A, %select_n3A_375 : vector<512xi32>
    %broadcast_in_dim3A_376 = arith.constant 1 : i32
    %broadcast_in_dim3A_377 = vector.broadcast %broadcast_in_dim3A_376 : i32 to vector<512xi32>
    %shift_left3A = arith.shli %broadcast_in_dim3A_377, %select_n3A_375 : vector<512xi32>
    %sub3A_378 = arith.constant 1 : i32
    %sub3A_379 = vector.broadcast %sub3A_378 : i32 to vector<512xi32>
    %sub3A_380 = arith.subi %shift_left3A, %sub3A_379 : vector<512xi32>
    %and3A_381 = arith.andi %sub3A, %sub3A_380 : vector<512xi32>
    %jit3A_382 = arith.constant 8 : i32
    %jit3A_383 = arith.constant 9 : i32
    %broadcast_in_dim3A_384 = vector.broadcast %jit3A_382 : i32 to vector<512xi32>
    %broadcast_in_dim3A_385 = vector.broadcast %jit3A_383 : i32 to vector<512xi32>
    %select_n3A_386 = arith.select %and3A_359, %broadcast_in_dim3A_384, %broadcast_in_dim3A_385 : vector<512xi1>, vector<512xi32>
    %jit3A_387 = arith.constant 7 : i32
    %broadcast_in_dim3A_388 = vector.broadcast %jit3A_387 : i32 to vector<512xi32>
    %select_n3A_389 = arith.select %ge3A_354, %broadcast_in_dim3A_388, %select_n3A_386 : vector<512xi1>, vector<512xi32>
    %shift_right_logical3A_390 = arith.shrui %and3A_381, %select_n3A_389 : vector<512xi32>
    %broadcast_in_dim3A_391 = arith.constant 1 : i32
    %broadcast_in_dim3A_392 = vector.broadcast %broadcast_in_dim3A_391 : i32 to vector<512xi32>
    %shift_left3A_393 = arith.shli %broadcast_in_dim3A_392, %select_n3A_389 : vector<512xi32>
    %sub3A_394 = arith.constant 1 : i32
    %sub3A_395 = vector.broadcast %sub3A_394 : i32 to vector<512xi32>
    %sub3A_396 = arith.subi %shift_left3A_393, %sub3A_395 : vector<512xi32>
    %and3A_397 = arith.andi %and3A_381, %sub3A_396 : vector<512xi32>
    %jit3A_398 = arith.constant 2.000000e+00 : f32
    %jit3A_399 = arith.constant 1.000000e+00 : f32
    %broadcast_in_dim3A_400 = vector.broadcast %jit3A_398 : f32 to vector<512xf32>
    %broadcast_in_dim3A_401 = vector.broadcast %jit3A_399 : f32 to vector<512xf32>
    %select_n3A_402 = arith.select %and3A_359, %broadcast_in_dim3A_400, %broadcast_in_dim3A_401 : vector<512xi1>, vector<512xf32>
    %jit3A_403 = arith.constant 4.000000e+00 : f32
    %broadcast_in_dim3A_404 = vector.broadcast %jit3A_403 : f32 to vector<512xf32>
    %select_n3A_405 = arith.select %ge3A_354, %broadcast_in_dim3A_404, %select_n3A_402 : vector<512xi1>, vector<512xf32>
    %eq3A_406 = arith.constant 0 : i32
    %eq3A_407 = vector.broadcast %eq3A_406 : i32 to vector<512xi32>
    %eq3A_408 = arith.cmpi eq, %shift_right_logical3A, %eq3A_407 : vector<512xi32>
    %eq3A_409 = arith.constant 1 : i32
    %eq3A_410 = vector.broadcast %eq3A_409 : i32 to vector<512xi32>
    %eq3A_411 = arith.cmpi eq, %shift_right_logical3A, %eq3A_410 : vector<512xi32>
    %jit3A_412 = arith.constant 3.047810e+01 : f32
    %jit3A_413 = arith.constant 3.840000e+01 : f32
    %broadcast_in_dim3A_414 = vector.broadcast %jit3A_412 : f32 to vector<512xf32>
    %broadcast_in_dim3A_415 = vector.broadcast %jit3A_413 : f32 to vector<512xf32>
    %select_n3A_416 = arith.select %eq3A_411, %broadcast_in_dim3A_414, %broadcast_in_dim3A_415 : vector<512xi1>, vector<512xf32>
    %jit3A_417 = arith.constant 24.190485 : f32
    %broadcast_in_dim3A_418 = vector.broadcast %jit3A_417 : f32 to vector<512xf32>
    %select_n3A_419 = arith.select %eq3A_408, %broadcast_in_dim3A_418, %select_n3A_416 : vector<512xi1>, vector<512xf32>
    %eq3A_420 = arith.constant 0 : i32
    %eq3A_421 = vector.broadcast %eq3A_420 : i32 to vector<512xi32>
    %eq3A_422 = arith.cmpi eq, %shift_right_logical3A, %eq3A_421 : vector<512xi32>
    %eq3A_423 = arith.constant 1 : i32
    %eq3A_424 = vector.broadcast %eq3A_423 : i32 to vector<512xi32>
    %eq3A_425 = arith.cmpi eq, %shift_right_logical3A, %eq3A_424 : vector<512xi32>
    %jit3A_426 = arith.constant 15.2390499 : f32
    %jit3A_427 = arith.constant 1.920000e+01 : f32
    %broadcast_in_dim3A_428 = vector.broadcast %jit3A_426 : f32 to vector<512xf32>
    %broadcast_in_dim3A_429 = vector.broadcast %jit3A_427 : f32 to vector<512xf32>
    %select_n3A_430 = arith.select %eq3A_425, %broadcast_in_dim3A_428, %broadcast_in_dim3A_429 : vector<512xi1>, vector<512xf32>
    %jit3A_431 = arith.constant 12.0952425 : f32
    %broadcast_in_dim3A_432 = vector.broadcast %jit3A_431 : f32 to vector<512xf32>
    %select_n3A_433 = arith.select %eq3A_422, %broadcast_in_dim3A_432, %select_n3A_430 : vector<512xi1>, vector<512xf32>
    %eq3A_434 = arith.constant 0 : i32
    %eq3A_435 = vector.broadcast %eq3A_434 : i32 to vector<512xi32>
    %eq3A_436 = arith.cmpi eq, %shift_right_logical3A, %eq3A_435 : vector<512xi32>
    %eq3A_437 = arith.constant 1 : i32
    %eq3A_438 = vector.broadcast %eq3A_437 : i32 to vector<512xi32>
    %eq3A_439 = arith.cmpi eq, %shift_right_logical3A, %eq3A_438 : vector<512xi32>
    %jit3A_440 = arith.constant 7.61952495 : f32
    %jit3A_441 = arith.constant 9.600000e+00 : f32
    %broadcast_in_dim3A_442 = vector.broadcast %jit3A_440 : f32 to vector<512xf32>
    %broadcast_in_dim3A_443 = vector.broadcast %jit3A_441 : f32 to vector<512xf32>
    %select_n3A_444 = arith.select %eq3A_439, %broadcast_in_dim3A_442, %broadcast_in_dim3A_443 : vector<512xi1>, vector<512xf32>
    %jit3A_445 = arith.constant 6.04762125 : f32
    %broadcast_in_dim3A_446 = vector.broadcast %jit3A_445 : f32 to vector<512xf32>
    %select_n3A_447 = arith.select %eq3A_436, %broadcast_in_dim3A_446, %select_n3A_444 : vector<512xi1>, vector<512xf32>
    %select_n3A_448 = arith.select %and3A_359, %select_n3A_433, %select_n3A_447 : vector<512xi1>, vector<512xf32>
    %select_n3A_449 = arith.select %ge3A_354, %select_n3A_419, %select_n3A_448 : vector<512xi1>, vector<512xf32>
    %swap3A = arith.constant 0 : index
    %swap3A_450 = vector.load %arg4[%swap3A] : memref<512xf32, #tpu.memory_space<vmem>>, vector<512xf32>
    tpu.vector_store %arg4[%swap3A], %reduce_sum3A_345 {strides = array<i32>} : memref<512xf32, #tpu.memory_space<vmem>>, vector<512xf32>,
    %swap3A_451 = arith.constant 0 : index
    %swap3A_452 = vector.load %arg5[%swap3A_451] : memref<512xf32, #tpu.memory_space<vmem>>, vector<512xf32>
    tpu.vector_store %arg5[%swap3A_451], %select_n3A_449 {strides = array<i32>} : memref<512xf32, #tpu.memory_space<vmem>>, vector<512xf32>,
    %convert_element_type3A_453 = arith.sitofp %and3A_397 : vector<512xi32> to vector<512xf32>
    %mul3A = arith.mulf %convert_element_type3A_453, %select_n3A_405 : vector<512xf32>
    %swap3A_454 = arith.constant 0 : index
    %swap3A_455 = vector.load %arg6[%swap3A_454] : memref<512xf32, #tpu.memory_space<vmem>>, vector<512xf32>
    tpu.vector_store %arg6[%swap3A_454], %mul3A {strides = array<i32>} : memref<512xf32, #tpu.memory_space<vmem>>, vector<512xf32>,
    %convert_element_type3A_456 = arith.sitofp %shift_right_logical3A_390 : vector<512xi32> to vector<512xf32>
    %mul3A_457 = arith.mulf %convert_element_type3A_456, %select_n3A_405 : vector<512xf32>
    %swap3A_458 = arith.constant 0 : index
    %swap3A_459 = vector.load %arg7[%swap3A_458] : memref<512xf32, #tpu.memory_space<vmem>>, vector<512xf32>
    tpu.vector_store %arg7[%swap3A_458], %mul3A_457 {strides = array<i32>} : memref<512xf32, #tpu.memory_space<vmem>>, vector<512xf32>,
    return
  }
}

</mosaic_0001>

<sc_bundles>
// kernel: kernel.5.cloned.1.call-start
scs
__scs_entry_jumppad:
0x0: {  	(pc) =	sbr.rel $0x88, $3  }
0x1: {  	(tag) =	ssettag $0x0;
	lr =	simm.s32 $0x1  }
0x2: {  	[smem:$0x3FA0] =	sst lr;
	_ =	strace $0xD0000000  }
0x3: {  	_ = 	snop  }
0x4: {  	_ = 	snop  }
0x5: {  	_ = 	snop  }
0x6: {  	_ = 	snop  }
0x7: {  	_ = 	snop  }
__scs_overlays_trampoline_lowered:
0x8: {  	[smem:$0x3FAF] =	sst s0  }
0x9: {  	[smem:$0x3FB0] =	sst s1  }
0xa: {  	[smem:$0x3FB1] =	sst s2  }
0xb: {  	[smem:$0x3FB2] =	sst s3  }
0xc: {  	[smem:$0x3FB3] =	sst s4  }
0xd: {  	[smem:$0x3FB4] =	sst s5  }
0xe: {  	[smem:$0x3FB5] =	sst s6  }
0xf: {  	[smem:$0x3FB6] =	sst s7  }
0x10: {  	[smem:$0x3FB7] =	sst s8  }
0x11: {  	[smem:$0x3FB8] =	sst s9;
	s0 =	simm.s32 @!p0 $0x0  }
0x12: {  	s1 =	sld [smem:$0x3F9E];
	s0 =	simm.s32 @p0 $0x1  }
0x13: {  	[smem:$0x3FB9] =	sst s0;
	s0 =	simm.s32 @!p1 $0x0  }
0x14: {  	s2 =	sld [smem:$0x3F9D];
	s0 =	simm.s32 @p1 $0x1  }
0x15: {  	[smem:$0x3FBA] =	sst s0;
	s0 =	simm.s32 @!p2 $0x0  }
0x16: {  	s3 =	sld [smem:$0x3FDB];
	s0 =	simm.s32 @p2 $0x1  }
0x17: {  	s4 =	simm.s32 $0x1BF5;
	[smem:$0x3FBC] =	sst s0  }
0x18: {  	s0 =	sld [smem:$0x3F9F];
	_ =	swait.ge [sflag:s4], $0x0  }
0x19: {  	s7 =	sld [smem:$0x3FA0]  }
0x1a: {  	s8 =	sadd.s32 $0xFFFFE003, lr  }
0x1b: {  	s9 =	sadd.s32 $0xFFFFFEF7, lr;
	s5 =	simm.s32 $0xFFFFFFFF;
	p2 =	slt.u32 s8, $0xFFFFF086  }
0x1c: {  	p1 =	slt.u32 s9, $0xF7A;
	s5 =	simm.s32 @!p2 $0x0  }
0x1d: {  	s5 =	simm.s32 @p1 $0x1;
	p0 =	seq.s32 s7, s2  }
0x1e: {  	s7 =	smul.u32 @!p0 $0xF7A, s2;
	p2 =	seq.s32 @!p0 s5, $0x0  }
0x1f: {  	s9 =	smul.u32 $0xF7A, s1;
	s8 =	simm.s32 @!p0 $0x1BF5;
	p2 =	por !p2, p0  }
0x20: {  	[sflag:s8] =	ssyncset.s32 @!p0 $0xFFFFF086;
	s6 =	sadd.s32 @!p0 s3, s7;
	s7 =	simm.s32 @!p0 $0x108  }
0x21: {  	s3 =	sadd.s32 s3, s9;
	s6 =	sadd.s32 @!p0 $0x88, s6;
	s7 =	simm.s32 @p2 $0x1082  }
0x22: {  	[simem:s7], [sflag:s8] =	dma.local @!p0 [hbm:s6], $0xF7A  }
0x23: {  	s9 =	sor.u32 $0xD0000000, s2;
	s6 =	simm.s32 $0x108;
	_ =	swait.ge @!p0 [sflag:s8], $0x0  }
0x24: {  	s3 =	sadd.s32 $0x88, s3;
	s6 =	simm.s32 @!p1 $0x1082;
	[sflag:s4] =	ssyncset.s32 $0xFFFFF086  }
0x25: {  	[simem:s6], [sflag:s4] =	dma.local [hbm:s3], $0xF7A  }
0x26: {  	[smem:$0x3FA0] =	sst s1;
	(tag) =	ssettag s2;
	_ =	strace s9  }
0x27: {  	s1 =	sld [smem:$0x3FB0]  }
0x28: {  	s2 =	sld [smem:$0x3FB1]  }
0x29: {  	s4 =	sld [smem:$0x3FB3]  }
0x2a: {  	p0 =	seq.s32 s5, $0x0;
	s5 =	sld [smem:$0x3FB4]  }
0x2b: {  	s6 =	sld [smem:$0x3FB5]  }
0x2c: {  	s7 =	sld [smem:$0x3FB6]  }
0x2d: {  	s3 =	simm.s32 $0x108;
	s8 =	sld [smem:$0x3FB7]  }
0x2e: {  	s3 =	simm.s32 @!p0 $0x1082;
	s9 =	sld [smem:$0x3FB8]  }
0x2f: {  	lr =	sadd.s32 s0, s3;
	s0 =	sld [smem:$0x3FAF]  }
0x30: {  	s3 =	sld [smem:$0x3FB2]  }
0x31: {  	[smem:$0x3FBB] =	sst s10  }
0x32: {  	s10 =	sld [smem:$0x3FB9];
	_ =	sdelay $0x3  }
0x33: {  	p0 =	seq.s32 s10, $0x1;
	s10 =	sld [smem:$0x3FBB];
	_ =	sdelay $0x3  }
0x34: {  	[smem:$0x3FBB] =	sst s10  }
0x35: {  	s10 =	sld [smem:$0x3FBA];
	_ =	sdelay $0x3  }
0x36: {  	p1 =	seq.s32 s10, $0x1;
	s10 =	sld [smem:$0x3FBB];
	_ =	sdelay $0x3  }
0x37: {  	[smem:$0x3FBB] =	sst s10  }
0x38: {  	s10 =	sld [smem:$0x3FBC]  }
0x39: {  	_ = 	snop;
	(pc) =	sbr.ind lr, $3  }
0x3a: {  	_ = 	snop  }
0x3b: {  	_ = 	snop  }
0x3c: {  	p2 =	seq.s32 s10, $0x1;
	s10 =	sld [smem:$0x3FBB]  }
0x3d: {  	_ =	shalt  }
0x3e: {  	_ =	shalt  }
0x3f: {  	_ =	shalt  }
0x40: {  	_ =	shalt  }
0x41: {  	_ =	shalt  }
0x42: {  	_ =	shalt  }
0x43: {  	_ =	shalt  }
0x44: {  	_ =	shalt  }
0x45: {  	_ =	shalt  }
0x46: {  	_ =	shalt  }
0x47: {  	_ =	shalt  }
0x48: {  	_ =	shalt  }
0x49: {  	_ =	shalt  }
0x4a: {  	_ =	shalt  }
0x4b: {  	_ =	shalt  }
0x4c: {  	_ =	shalt  }
0x4d: {  	_ =	shalt  }
0x4e: {  	_ =	shalt  }
0x4f: {  	_ =	shalt  }
0x50: {  	_ =	shalt  }
0x51: {  	_ =	shalt  }
0x52: {  	_ =	shalt  }
0x53: {  	_ =	shalt  }
0x54: {  	_ =	shalt  }
0x55: {  	_ =	shalt  }
0x56: {  	_ =	shalt  }
0x57: {  	_ =	shalt  }
0x58: {  	_ =	shalt  }
0x59: {  	_ =	shalt  }
0x5a: {  	_ =	shalt  }
0x5b: {  	_ =	shalt  }
0x5c: {  	_ =	shalt  }
0x5d: {  	_ =	shalt  }
0x5e: {  	_ =	shalt  }
0x5f: {  	_ =	shalt  }
0x60: {  	_ =	shalt  }
0x61: {  	_ =	shalt  }
0x62: {  	_ =	shalt  }
0x63: {  	_ =	shalt  }
0x64: {  	_ =	shalt  }
0x65: {  	_ =	shalt  }
0x66: {  	_ =	shalt  }
0x67: {  	_ =	shalt  }
0x68: {  	_ =	shalt  }
0x69: {  	_ =	shalt  }
0x6a: {  	_ =	shalt  }
0x6b: {  	_ =	shalt  }
0x6c: {  	_ =	shalt  }
0x6d: {  	_ =	shalt  }
0x6e: {  	_ =	shalt  }
0x6f: {  	_ =	shalt  }
0x70: {  	_ =	shalt  }
0x71: {  	_ =	shalt  }
0x72: {  	_ =	shalt  }
0x73: {  	_ =	shalt  }
0x74: {  	_ =	shalt  }
0x75: {  	_ =	shalt  }
0x76: {  	_ =	shalt  }
0x77: {  	_ =	shalt  }
0x78: {  	_ =	shalt  }
0x79: {  	_ =	shalt  }
0x7a: {  	_ =	shalt  }
0x7b: {  	_ =	shalt  }
0x7c: {  	_ =	shalt  }
0x7d: {  	_ =	shalt  }
0x7e: {  	_ =	shalt  }
0x7f: {  	_ =	shalt  }
0x80: {  	_ =	shalt  }
0x81: {  	_ =	shalt  }
0x82: {  	_ =	shalt  }
0x83: {  	_ =	shalt  }
0x84: {  	_ =	shalt  }
0x85: {  	_ =	shalt  }
0x86: {  	_ =	shalt  }
0x87: {  	_ =	shalt  }
.Lfunc_end0:
.L_simem_size_0:
called_computation_lowered:
.L_overlay_start_0:
0x88: {  	s2 =	sld [smem:$0x3FD9]  }
0x89: {  	s3 =	sld [smem:$0x3FFE];
	_ =	sdelay $0x1  }
0x8a: {  	s1 =	srdreg.scid  }
0x8b: {  	s0 =	sand.u32 $0x1, s1  }
0x8c: {  	s14 =	sshll.u32 s0, $0xA;
	s2 =	sadd.s32 s3, s2  }
0x8d: {  	s2 =	sadd.s32 s2, s14  }
0x8e: {  	[smem:$0x3FC7] =	sst s2  }
0x8f: {  	_ = 	snop  }
0x90: {  	s2 =	sld [smem:$0x3FD0];
	_ =	sdelay $0x2  }
0x91: {  	s15 =	simm.s32 $0xA;
	s4 =	simm.s32 $0x10  }
0x92: {  	[smem:s4], [sflag:s15] =	dma.local [hbm:s2], $0x1  }
0x93: {  	_ =	swait.eq [sflag:s15], $0x1  }
0x94: {  	[sflag:s15] =	ssyncset.done $0x0  }
0x95: {  	[sflag:s15] =	ssyncadd.s32 $0xFFFFFFFF  }
0x96: {  	s16 =	sld [smem:$0x11];
	(tm) =	ssettm $0x1  }
0x97: {  	s17 =	sld [smem:$0x3FFB];
	_ =	sdelay $0x3  }
0x98: {  	_ =	strace s17  }
0x99: {  	s3 =	sld [smem:$0x3FFC];
	_ =	sdelay $0x3  }
0x9a: {  	_ =	strace s3  }
0x9b: {  	s3 =	sld [smem:$0x3FFD];
	_ =	sdelay $0x3  }
0x9c: {  	_ =	strace s3  }
0x9d: {  	_ =	strace $0x8FFFFFFF  }
0x9e: {  	s18 =	sld [smem:$0x3FDB];
	_ =	sdelay $0x1  }
0x9f: {  	s19 =	simm.s32 $_scs_section_size  }
0xa0: {  	s5 =	simm.s32 $_size__tile_overlayer_lowered;
	s6 =	simm.s32 $_tile_overlayer_lowered  }
0xa1: {  	s22 =	simm.s32 $0x1BFF;
	s21 =	sshll.u32 s6, $0x1;
	s3 =	sadd.s32 s19, s18  }
0xa2: {  	s7 =	simm.s32 $0x0;
	s20 =	sshll.u32 s5, $0x1;
	s5 =	sadd.s32 s21, s3  }
0xa3: {  	[timem:s7], [sflag:s22] =	dma.local [hbm:s5], s20  }
0xa4: {  	_ =	swait.ge [sflag:s22], s20  }
0xa5: {  	s4 =	ssub.s32 $0x0, s20;
	[sflag:s22] =	ssyncset.done $0x0  }
0xa6: {  	[sflag:s22] =	ssyncadd.s32 s4;
	_ =	sdelay $0x1  }
0xa7: {  	s23 =	simm.s32 $0x1B8B  }
0xa8: {  	_ =	swait.ge [sflag:s23], $0x1  }
0xa9: {  	[sflag:s23] =	ssyncset.done $0x0  }
0xaa: {  	s25 =	simm.s32 $0x1B8E;
	s24 =	sld [smem:$0x3FFE];
	[sflag:s23] =	ssyncadd.s32 $0xFFFFFFFF  }
0xab: {  	s26 =	simm.s32 $execute0_lowered;
	[smem:$0x3FD2] =	sst s25  }
0xac: {  	s5 =	sshll.u32 s26, $0x1;
	_ =	strace $0x80000046;
	[dreg:$0x1] =	wrdreg $0xFFFFFFFF  }
0xad: {  	s28 =	simm.s32 $_size_execute0_lowered;
	s3 =	sadd.s32 s3, s5;
	[dreg:$0x0] =	wrdreg $0x0  }
0xae: {  	s5 =	sshll.u32 s28, $0x1;
	[dreg:$0x2] =	wrdreg s3  }
0xaf: {  	[dreg:$0x3] =	wrdreg s5  }
0xb0: {  	[dreg:$0x4] =	wrdreg $0xC0  }
0xb1: {  	_ =	task [dreg:s7], $0x5FFFF  }
0xb2: {  	[dreg:$0x1] =	wrdreg $0xFFFFFFFF  }
0xb3: {  	[dreg:$0x0] =	wrdreg $0x60  }
0xb4: {  	[dreg:$0x2] =	wrdreg s24  }
0xb5: {  	[dreg:$0x3] =	wrdreg s16  }
0xb6: {  	[dreg:$0x4] =	wrdreg $0x6C800  }
0xb7: {  	[dreg:$0x5] =	wrdreg $0x6D000  }
0xb8: {  	[dreg:$0x6] =	wrdreg $0x9  }
0xb9: {  	_ =	task.clear_ibuf [dreg:s7], $0x7FFFF;
	_ =	strace $0x90000046  }
0xba: {  	s29 =	simm.s32 $0x9;
	_ =	strace $0x80000048  }
0xbb: {  	_ =	swait.ge [sflag:s29], $0x1  }
0xbc: {  	[sflag:s29] =	ssyncadd.s32 $0xFFFFFFFF  }
0xbd: {  	_ =	strace $0x90000048  }
0xbe: {  	_ =	sfence  }
0xbf: {  	s30 =	sld [smem:$0x0];
	_ =	sdelay $0x2  }
0xc0: {  	s31 =	sshll.u32 s1, $0xD;
	s1 =	sshrl.u32 s1, $0x2  }
0xc1: {  	s3 =	sand.u32 $0x4000, s31;
	s1 =	sadd.s32 s1, s30  }
0xc2: {  	s0 =	sor.u32 s3, s0;
	s1 =	sshll.u32 s1, $0x11  }
0xc3: {  	s0 =	sor.u32 s1, s0  }
0xc4: {  	s0 =	sadd.s32 $0x8F2B, s0  }
0xc5: {  	[sflag:s0] =	ssyncadd.remote.s32 $0x1  }
0xc6: {  	_ =	sfence.sel $0xFFFF  }
0xc7: {  	[dreg:$0x0] =	wrdreg $0xFFFFFFFF;
	(pc) =	sbr.abs _section_cstart, $3  }
0xc8: {  	[dreg:$0x1] =	wrdreg $0xFFFFFFFF  }
0xc9: {  	_ =	task.clear_ibuf [dreg:s7], $0x2FFFF;
	_ =	strace $0x9FFFFFFF  }
0xca: {  	(tm) =	ssettm $0x7FFFFFFF  }
0xcb: {  	_ =	shalt  }
tec
execute0_lowered:
.L_overlay_start_1:
0x0: {  	(tag) =	ssettag $0x1  }
0x1: {  	s3 =	stileid.u32  }
0x2: {  	s15 =	smul.u32 $0xC000, s3  }
0x3: {  	s2 =	srdreg.scid;
	s16 =	smul.u32 $0x3000, s3  }
0x4: {  	s2 =	sand.u32 $0x1, s2;
	s18 =	smul.u32 $0xC00, s3  }
0x5: {  	s1 =	rddreg [dreg:$0x0];
	s4 =	sshll.u32 s3, $0x1;
	s26 =	smul.u32 $0x6000, s2  }
0x6: {  	s0 =	rddreg [dreg:$0x1];
	s6 =	sor.u32 s2, s4;
	s17 =	smul.u32 $0x1800, s2  }
0x7: {  	s10 =	ssub.s32 $0x2, s2;
	s12 =	sshll.u32 s2, $0x4;
	s2 =	smul.u32 $0x600, s2  }
0x8: {  	s19 =	rddreg [dreg:$0x2];
	s5 =	smul.u32 $0x6000, s6  }
0x9: {  	s20 =	rddreg [dreg:$0x3];
	s7 =	smul.u32 $0x1800, s6  }
0xa: {  	s29 =	simm.s32 $0x0;
	s30 =	sshll.u32 s3, $0x7;
	s8 =	smul.u32 $0x600, s6  }
0xb: {  	p0 =	sne.s32 s3, $0x0;
	s4 =	simm.s32 $0x0;
	s11 =	smul.u32 $0xC0, s6  }
0xc: {  	[smem:$0x7FF] =	sst s4;
	s13 =	sshrl.u32 s10, $0x1;
	s14 =	smul.u32 $0x60, s6  }
0xd: {  	s21 =	smul.u32 $0x30, s6;
	_ =	strace $0x80000047;
	s13 =	ssub.s32 s10, s13  }
0xe: {  	s10 =	sadd.s32 s30, s20;
	s31 =	sadd.s32 s17, s16;
	s2 =	sadd.s32 s2, s18  }
0xf: {  	s17 =	simm.s32 $0x6100;
	s18 =	simm.s32 $0x1;
	s20 =	simm.s32 $0x6000  }
0x10: {  	s5 =	sshrl.u32 s5, $0x3;
	s7 =	sshrl.u32 s7, $0x3;
	s8 =	sshrl.u32 s8, $0x3  }
0x11: {  	s24 =	sshrl.u32 s11, $0x2;
	s25 =	sshrl.u32 s14, $0x2;
	s28 =	sshrl.u32 s21, $0x2  }
0x12: {  	s13 =	smax.u32 s13, $0x1;
	s14 =	sadd.s32 s26, s15;
	s15 =	sadd.s32 $0xC0000, s31  }
0x13: {  	s16 =	sadd.s32 $0xF0000, s2;
	s21 =	simm.s32 $0x6080;
	s9 =	sadd.s32 s5, s1  }
.Ltmp0:
0x14: {  	s7 =	sadd.s32 s7, s1;
	s8 =	sadd.s32 s8, s1;
	(pc) =	sbr.rel .LBB2_1-.Ltmp0, $4  }
0x15: {  	s5 =	sadd.s32 $0x4400, s1;
	s1 =	sadd.s32 s12, s1;
	s22 =	sadd.s32 $0x6180, s24  }
0x16: {  	s23 =	sadd.s32 $0x6780, s25;
	s24 =	sadd.s32 $0x6A80, s28;
	s6 =	sadd.s32 $0x4600, s9  }
0x17: {  	v3 =	vimm.f32 $-1.000000000e+00;
	v4 =	vimm.s32 $0x20000000;
	s7 =	sadd.s32 $0x1C600, s7;
	s8 =	sadd.s32 $0x2C00, s8;
	s9 =	sadd.s32 s30, s19  }
0x18: {  	s11 =	sadd.s32 $0x22800, s1;
	s12 =	sadd.s32 $0x22600, s1;
	s19 =	simm.s32 $0x6180;
	v0 =	vmov s22;
	v1 =	vmov s23;
	v2 =	vmov s24  }
.LBB2_19:
0x19: {  	[spmem:s9] =	stream.linear.scatter [tilespmem:s20], [sflag:$0x1], $0x80, $0x38;
	[tilespmem:$0x8380] =	vst v63  }
0x1a: {  	_ =	swait.ge [sflag:s18], $0x80  }
0x1b: {  	[sflag:s18] =	ssyncset.done $0x0  }
0x1c: {  	[sflag:s18] =	ssyncadd.s32 $0xFFFFFF80  }
0x1d: {  	[spmem:s10] =	stream.linear.scatter [tilespmem:s21], [sflag:$0x1], $0x80, $0x38;
	[tilespmem:$0x8380] =	vst v63  }
.Ltmp1:
0x1e: {  	_ =	swait.ge [sflag:s18], $0x80;
	(pc) =	sbr.rel @!p0 .LBB2_20-.Ltmp1, $3  }
0x1f: {  	[sflag:s18] =	ssyncset.done $0x0  }
0x20: {  	[sflag:s18] =	ssyncadd.s32 $0xFFFFFF80  }
0x21: {  	[bflag:$0x0] =	sbarrier.arrive $0xFFFF;
	_ =	sdelay $0x1  }
.LBB2_23:
0x22: {  	s29 =	sadd.s32 $0x1, s29  }
0x23: {  	p1 =	sne.s32 s29, s13  }
.Ltmp2:
0x24: {  	_ = 	snop;
	(pc) =	sbr.rel @!p1 .LBB2_24-.Ltmp2, $1  }
0x25: {  	_ =	sdelay $0x3  }
.LBB2_1:
0x26: {  	[tilespmem:s17], [sflag:$0x1] =	stream.linear.gather [hbm4b:s5+s4], $0x10, $0x38;
	[tilespmem:$0x8380] =	vst v63  }
0x27: {  	_ =	swait.ge [sflag:s18], $0x10  }
0x28: {  	[sflag:s18] =	ssyncset.done $0x0  }
0x29: {  	[sflag:s18] =	ssyncadd.s32 $0xFFFFFFF0  }
0x2a: {  	[tilespmem:s19], [sflag:$0x1] =	stream.linear.gather [hbm4b:s0+s4], $0xA80, $0x38;
	[tilespmem:$0x8380] =	vst v63  }
0x2b: {  	_ =	swait.ge [sflag:s18], $0xA80  }
0x2c: {  	[sflag:s18] =	ssyncset.done $0x0  }
0x2d: {  	[sflag:s18] =	ssyncadd.s32 $0xFFFFF580  }
0x2e: {  	[tilespmem:$0x6000] =	vst v3  }
0x2f: {  	[tilespmem:$0x6080] =	vst v4  }
0x30: {  	[tilespmem:$0x6010] =	vst v3  }
0x31: {  	[tilespmem:$0x6090] =	vst v4  }
0x32: {  	[tilespmem:$0x6020] =	vst v3  }
0x33: {  	[tilespmem:$0x60A0] =	vst v4  }
0x34: {  	[tilespmem:$0x6030] =	vst v3  }
0x35: {  	[tilespmem:$0x60B0] =	vst v4  }
0x36: {  	[tilespmem:$0x6040] =	vst v3  }
0x37: {  	[tilespmem:$0x60C0] =	vst v4  }
0x38: {  	[tilespmem:$0x6050] =	vst v3  }
0x39: {  	[tilespmem:$0x60D0] =	vst v4  }
0x3a: {  	[tilespmem:$0x6060] =	vst v3  }
0x3b: {  	[tilespmem:$0x60E0] =	vst v4  }
0x3c: {  	[tilespmem:$0x6070] =	vst v3  }
.Ltmp3:
0x3d: {  	[tilespmem:$0x60F0] =	vst v4;
	(pc) =	sbr.rel .LBB2_2-.Ltmp3, $4  }
0x3e: {  	v5 =	vld [tilespmem:$0x6100];
	[tilespmem:s4], [sflag:$0x1] =	stream.linear.gather [hbm4b:s6+s4], $0x6000, $0x38  }
0x3f: {  	_ =	swait.ge [sflag:s18], $0x6000  }
0x40: {  	s31 =	simm.s32 $0x0;
	[sflag:s18] =	ssyncset.done $0x0  }
0x41: {  	s30 =	simm.s32 $0x0;
	s1 =	simm.s32 $0x0;
	[sflag:s18] =	ssyncadd.s32 $0xFFFFA000  }
.LBB2_6:
0x42: {  	s1 =	sadd.s32 $0x1, s1  }
0x43: {  	p1 =	sne.s32 s1, $0x30  }
.Ltmp4:
0x44: {  	_ = 	snop;
	(pc) =	sbr.rel @!p1 .LBB2_7-.Ltmp4, $2  }
0x45: {  	_ =	sdelay $0x2  }
0x46: {  	s31 =	sadd.s32 $0x200, s31  }
.LBB2_2:
0x47: {  	_ =	sdelay $0x3  }
0x48: {  	v6 =	vld.idx.msk [tilespmem:v0+s1+$0x0 ss:$0x1], $0xffff;
	_ =	sdelay $0x4  }
0x49: {  	(v2sf) =	vpush v6, $0x0;
	_ =	sdelay $0xe  }
0x4a: {  	s2 =	spop (v2sf)  }
0x4b: {  	p1 =	slt.s32 s2, $0x1  }
.Ltmp5:
0x4c: {  	_ = 	snop;
	(pc) =	sbr.rel @p1 .LBB2_6-.Ltmp5, $1  }
0x4d: {  	_ =	sdelay $0x3  }
0x4e: {  	s2 =	simm.s32 $0x0;
	s3 =	sadd.s32 $0x0, s31  }
0x4f: {  	s3 =	sand.u32 $0x7F80, s3;
	s2 =	sand.u32 $0x70, s2  }
0x50: {  	s2 =	sor.u32 s2, s3  }
0x51: {  	v7 =	vld [tilespmem:s2+$0x0];
	_ =	sdelay $0x4  }
0x52: {  	vm0 =	vge.f32 v7, v5;
	vm1 =	vgt.f32 v7, $0.0e+00  }
0x53: {  	vm0 =	vmand vm0, vm1  }
0x54: {  	v6 =	vmpcnt.ones.xlane vm0;
	_ =	sdelay $0x1  }
0x55: {  	(v2sf) =	vpush v6, $0x0;
	_ =	sdelay $0xe  }
0x56: {  	s3 =	spop (v2sf)  }
0x57: {  	s26 =	sadd.s32 $0x10, s31;
	p2 =	slt.s32 s3, $0x1  }
0x58: {  	s23 =	simm.s32 $0x20;
	s2 =	sadd.s32 s31, s14;
	p1 =	slt.s32 @!p2 s30, $0x70  }
0x59: {  	s22 =	sadd.s32 @!p2 s30, s3;
	s3 =	simm.s32 $0x10;
	p1 =	por !p1, p2  }
0x5a: {  	s24 =	sadd.s32 @!p2 $0x0, s2;
	v6 =	vlaneseq.u32 @!p2;
	s22 =	smov.u32 @p2 s30;
	s30 =	simm.s32 @p1 $0x70  }
0x5b: {  	s28 =	sand.u32 $0x7F80, s26;
	v6 =	vor.u32 @!p2 s24, v6;
	s24 =	sand.u32 $0x70, s3;
	s26 =	smov.u32 s22;
	[tilespmem:s30+$0x6000] =	vst.msk @!p2 vm0, v7  }
.LBB2_4:
0x5c: {  	s25 =	smov.u32 s22  }
0x5d: {  	s22 =	sor.u32 s24, s28;
	s24 =	smov.u32 s23;
	s23 =	sadd.s32 $0x10, s23;
	[tilespmem:s30+$0x6080] =	vst.msk @!p2 vm0, v6  }
0x5e: {  	p1 =	sne.s32 s23, $0x200;
	v7 =	vld [tilespmem:s22+$0x0];
	_ =	sdelay $0x4  }
0x5f: {  	vm0 =	vge.f32 v7, v5;
	vm1 =	vgt.f32 v7, $0.0e+00  }
0x60: {  	vm0 =	vmand vm0, vm1  }
0x61: {  	v6 =	vmpcnt.ones.xlane vm0;
	_ =	sdelay $0x1  }
0x62: {  	(v2sf) =	vpush v6, $0x0;
	_ =	sdelay $0xe  }
0x63: {  	s22 =	spop (v2sf)  }
.Ltmp6:
0x64: {  	s30 =	smov.u32 s26;
	p2 =	slt.s32 s22, $0x1;
	(pc) =	sbr.rel @p1 .LBB2_4-.Ltmp6, $4  }
0x65: {  	p3 =	slt.s32 @!p2 s25, $0x70;
	s3 =	sadd.s32 @!p2 s3, s2;
	v6 =	vlaneseq.u32 @!p2;
	s22 =	sadd.s32 @!p2 s25, s22  }
0x66: {  	p3 =	por !p3, p2;
	v6 =	vor.u32 @!p2 s3, v6;
	s22 =	smov.u32 @p2 s25;
	s3 =	smov.u32 s24  }
0x67: {  	s24 =	sadd.s32 s3, s31;
	s30 =	simm.s32 @p3 $0x70;
	s26 =	smov.u32 s22  }
0x68: {  	s28 =	sand.u32 $0x7F80, s24;
	s24 =	sand.u32 $0x70, s3;
	[tilespmem:s30+$0x6000] =	vst.msk @!p2 vm0, v7  }
0x69: {  	s23 =	sor.u32 s24, s28;
	[tilespmem:s30+$0x6080] =	vst.msk @!p2 vm0, v6  }
0x6a: {  	v6 =	vld [tilespmem:s23+$0x0];
	_ =	sdelay $0x4  }
0x6b: {  	vm15 =	vge.f32 v6, v5;
	vm1 =	vgt.f32 v6, $0.0e+00  }
0x6c: {  	vm0 =	vmand vm15, vm1  }
0x6d: {  	v7 =	vmpcnt.ones.xlane vm0;
	_ =	sdelay $0x1  }
0x6e: {  	(v2sf) =	vpush v7, $0x0;
	_ =	sdelay $0xe  }
0x6f: {  	s23 =	spop (v2sf)  }
0x70: {  	p1 =	slt.s32 s23, $0x1  }
.Ltmp7:
0x71: {  	p2 =	slt.s32 @!p1 s22, $0x70;
	(pc) =	sbr.rel .LBB2_6-.Ltmp7, $4  }
0x72: {  	p2 =	por !p2, p1  }
0x73: {  	s2 =	sadd.s32 @!p1 s3, s2;
	v7 =	vlaneseq.u32 @!p1;
	s26 =	simm.s32 @p2 $0x70  }
0x74: {  	s30 =	sadd.s32 @!p1 s22, s23;
	v7 =	vor.u32 @!p1 s2, v7;
	[tilespmem:s26+$0x6000] =	vst.msk @!p1 vm0, v6  }
0x75: {  	s30 =	smov.u32 @p1 s22;
	[tilespmem:s26+$0x6080] =	vst.msk @!p1 vm0, v7  }
.LBB2_7:
.Ltmp8:
0x76: {  	s31 =	simm.s32 $0x0;
	(pc) =	sbr.rel .LBB2_8-.Ltmp8, $4  }
0x77: {  	[tilespmem:s31], [sflag:$0x1] =	stream.linear.gather [hbm4b:s7+s31], $0x1800, $0x38;
	[tilespmem:$0x8380] =	vst v63  }
0x78: {  	_ =	swait.ge [sflag:s18], $0x1800  }
0x79: {  	[sflag:s18] =	ssyncset.done $0x0  }
0x7a: {  	s1 =	simm.s32 $0x0;
	[sflag:s18] =	ssyncadd.s32 $0xFFFFE800  }
.LBB2_12:
0x7b: {  	s1 =	sadd.s32 $0x1, s1  }
0x7c: {  	p1 =	sne.s32 s1, $0x18  }
.Ltmp9:
0x7d: {  	_ = 	snop;
	(pc) =	sbr.rel @!p1 .LBB2_13-.Ltmp9, $2  }
0x7e: {  	_ =	sdelay $0x2  }
0x7f: {  	s31 =	sadd.s32 $0x100, s31  }
.LBB2_8:
0x80: {  	_ =	sdelay $0x3  }
0x81: {  	v6 =	vld.idx.msk [tilespmem:v1+s1+$0x0 ss:$0x1], $0xffff;
	_ =	sdelay $0x4  }
0x82: {  	(v2sf) =	vpush v6, $0x0;
	_ =	sdelay $0xe  }
0x83: {  	s2 =	spop (v2sf)  }
0x84: {  	p1 =	slt.s32 s2, $0x1  }
.Ltmp10:
0x85: {  	_ = 	snop;
	(pc) =	sbr.rel @p1 .LBB2_12-.Ltmp10, $1  }
0x86: {  	_ =	sdelay $0x3  }
0x87: {  	s2 =	simm.s32 $0x0;
	s3 =	sadd.s32 $0x0, s31  }
0x88: {  	s3 =	sand.u32 $0x1F80, s3;
	s2 =	sand.u32 $0x70, s2  }
0x89: {  	s2 =	sor.u32 s2, s3  }
0x8a: {  	v7 =	vld [tilespmem:s2+$0x0];
	_ =	sdelay $0x4  }
0x8b: {  	vm0 =	vge.f32 v7, v5;
	vm1 =	vgt.f32 v7, $0.0e+00  }
0x8c: {  	vm0 =	vmand vm0, vm1  }
0x8d: {  	v6 =	vmpcnt.ones.xlane vm0;
	_ =	sdelay $0x1  }
0x8e: {  	(v2sf) =	vpush v6, $0x0;
	_ =	sdelay $0xe  }
0x8f: {  	s3 =	spop (v2sf)  }
0x90: {  	s24 =	sadd.s32 $0x10, s31;
	p2 =	slt.s32 s3, $0x1  }
0x91: {  	s23 =	simm.s32 $0x20;
	s2 =	sadd.s32 s31, s15;
	p1 =	slt.s32 @!p2 s30, $0x70  }
0x92: {  	s26 =	sadd.s32 @!p2 s30, s3;
	s3 =	simm.s32 $0x10;
	p1 =	por !p1, p2  }
0x93: {  	s22 =	sadd.s32 @!p2 $0x0, s2;
	v6 =	vlaneseq.u32 @!p2;
	s26 =	smov.u32 @p2 s30;
	s30 =	simm.s32 @p1 $0x70  }
0x94: {  	s28 =	sand.u32 $0x1F80, s24;
	v6 =	vor.u32 @!p2 s22, v6;
	s24 =	sand.u32 $0x70, s3;
	s22 =	smov.u32 s26;
	[tilespmem:s30+$0x6000] =	vst.msk @!p2 vm0, v7  }
.LBB2_10:
0x95: {  	s25 =	smov.u32 s26  }
0x96: {  	s24 =	sor.u32 s24, s28;
	s28 =	smov.u32 s23;
	s23 =	sadd.s32 $0x10, s23;
	[tilespmem:s30+$0x6080] =	vst.msk @!p2 vm0, v6  }
0x97: {  	p1 =	sne.s32 s23, $0x100;
	v7 =	vld [tilespmem:s24+$0x0];
	_ =	sdelay $0x4  }
0x98: {  	vm0 =	vge.f32 v7, v5;
	vm1 =	vgt.f32 v7, $0.0e+00  }
0x99: {  	vm0 =	vmand vm0, vm1  }
0x9a: {  	v6 =	vmpcnt.ones.xlane vm0;
	_ =	sdelay $0x1  }
0x9b: {  	(v2sf) =	vpush v6, $0x0;
	_ =	sdelay $0xe  }
0x9c: {  	s24 =	spop (v2sf)  }
.Ltmp11:
0x9d: {  	s30 =	smov.u32 s22;
	p2 =	slt.s32 s24, $0x1;
	(pc) =	sbr.rel @p1 .LBB2_10-.Ltmp11, $4  }
0x9e: {  	p3 =	slt.s32 @!p2 s26, $0x70;
	s3 =	sadd.s32 @!p2 s3, s2;
	v6 =	vlaneseq.u32 @!p2;
	s26 =	sadd.s32 @!p2 s26, s24  }
0x9f: {  	p3 =	por !p3, p2;
	v6 =	vor.u32 @!p2 s3, v6;
	s26 =	smov.u32 @p2 s25;
	s3 =	smov.u32 s28  }
0xa0: {  	s24 =	sadd.s32 s3, s31;
	s30 =	simm.s32 @p3 $0x70;
	s22 =	smov.u32 s26  }
0xa1: {  	s28 =	sand.u32 $0x1F80, s24;
	s24 =	sand.u32 $0x70, s3;
	[tilespmem:s30+$0x6000] =	vst.msk @!p2 vm0, v7  }
0xa2: {  	s23 =	sor.u32 s24, s28;
	[tilespmem:s30+$0x6080] =	vst.msk @!p2 vm0, v6  }
0xa3: {  	v6 =	vld [tilespmem:s23+$0x0];
	_ =	sdelay $0x4  }
0xa4: {  	vm15 =	vge.f32 v6, v5;
	vm1 =	vgt.f32 v6, $0.0e+00  }
0xa5: {  	vm0 =	vmand vm15, vm1  }
0xa6: {  	v7 =	vmpcnt.ones.xlane vm0;
	_ =	sdelay $0x1  }
0xa7: {  	(v2sf) =	vpush v7, $0x0;
	_ =	sdelay $0xe  }
0xa8: {  	s23 =	spop (v2sf)  }
0xa9: {  	p1 =	slt.s32 s23, $0x1  }
.Ltmp12:
0xaa: {  	p2 =	slt.s32 @!p1 s26, $0x70;
	(pc) =	sbr.rel .LBB2_12-.Ltmp12, $4  }
0xab: {  	p2 =	por !p2, p1  }
0xac: {  	s2 =	sadd.s32 @!p1 s3, s2;
	v7 =	vlaneseq.u32 @!p1;
	s22 =	simm.s32 @p2 $0x70  }
0xad: {  	s30 =	sadd.s32 @!p1 s26, s23;
	v7 =	vor.u32 @!p1 s2, v7;
	[tilespmem:s22+$0x6000] =	vst.msk @!p1 vm0, v6  }
0xae: {  	s30 =	smov.u32 @p1 s26;
	[tilespmem:s22+$0x6080] =	vst.msk @!p1 vm0, v7  }
.LBB2_13:
.Ltmp13:
0xaf: {  	s1 =	simm.s32 $0x0;
	(pc) =	sbr.rel .LBB2_14-.Ltmp13, $4  }
0xb0: {  	[tilespmem:s1], [sflag:$0x1] =	stream.linear.gather [hbm4b:s8+s1], $0x600, $0x38;
	[tilespmem:$0x8380] =	vst v63  }
0xb1: {  	_ =	swait.ge [sflag:s18], $0x600  }
0xb2: {  	[sflag:s18] =	ssyncset.done $0x0  }
0xb3: {  	s31 =	smov.u32 s16;
	s2 =	simm.s32 $0x0;
	[sflag:s18] =	ssyncadd.s32 $0xFFFFFA00  }
.LBB2_18:
0xb4: {  	s2 =	sadd.s32 $0x1, s2  }
0xb5: {  	p1 =	sne.s32 s2, $0xC  }
.Ltmp14:
0xb6: {  	_ = 	snop;
	(pc) =	sbr.rel @!p1 .LBB2_19-.Ltmp14, $2  }
0xb7: {  	_ =	sdelay $0x2  }
0xb8: {  	s31 =	sadd.s32 $0x80, s31;
	s1 =	sadd.s32 $0x80, s1  }
.LBB2_14:
0xb9: {  	_ =	sdelay $0x3  }
0xba: {  	v6 =	vld.idx.msk [tilespmem:v2+s2+$0x0 ss:$0x1], $0xffff;
	_ =	sdelay $0x4  }
0xbb: {  	(v2sf) =	vpush v6, $0x0;
	_ =	sdelay $0xe  }
0xbc: {  	s3 =	spop (v2sf)  }
0xbd: {  	p1 =	slt.s32 s3, $0x1  }
.Ltmp15:
0xbe: {  	_ = 	snop;
	(pc) =	sbr.rel @p1 .LBB2_18-.Ltmp15, $1  }
0xbf: {  	_ =	sdelay $0x3  }
0xc0: {  	s3 =	sadd.s32 $0x0, s1  }
0xc1: {  	v7 =	vld [tilespmem:s3+$0x0];
	_ =	sdelay $0x4  }
0xc2: {  	vm0 =	vge.f32 v7, v5;
	vm1 =	vgt.f32 v7, $0.0e+00  }
0xc3: {  	vm0 =	vmand vm0, vm1  }
0xc4: {  	v6 =	vmpcnt.ones.xlane vm0;
	_ =	sdelay $0x1  }
0xc5: {  	(v2sf) =	vpush v6, $0x0;
	_ =	sdelay $0xe  }
0xc6: {  	s3 =	spop (v2sf)  }
0xc7: {  	p2 =	slt.s32 s3, $0x1  }
0xc8: {  	p1 =	slt.s32 @!p2 s30, $0x70  }
0xc9: {  	s26 =	sadd.s32 @!p2 s30, s3;
	p1 =	por !p1, p2  }
0xca: {  	s23 =	simm.s32 $0x80;
	v6 =	vlaneseq.u32 @!p2;
	s26 =	smov.u32 @p2 s30;
	s30 =	simm.s32 @p1 $0x70  }
0xcb: {  	s28 =	simm.s32 $0x10;
	s22 =	smov.u32 s31;
	v6 =	vor.u32 @!p2 s31, v6;
	s3 =	smov.u32 s26;
	[tilespmem:s30+$0x6000] =	vst.msk @!p2 vm0, v7  }
.LBB2_16:
0xcc: {  	s24 =	smov.u32 s26;
	s25 =	sadd.s32 s28, s1  }
0xcd: {  	s22 =	sadd.s32 $0x10, s22;
	s28 =	smov.u32 s23;
	s23 =	sadd.s32 $0x40, s23;
	[tilespmem:s30+$0x6080] =	vst.msk @!p2 vm0, v6  }
0xce: {  	p1 =	sne.s32 s23, $0x200;
	v7 =	vld [tilespmem:s25+$0x0];
	_ =	sdelay $0x4  }
0xcf: {  	vm0 =	vge.f32 v7, v5;
	vm1 =	vgt.f32 v7, $0.0e+00  }
0xd0: {  	vm0 =	vmand vm0, vm1  }
0xd1: {  	v6 =	vmpcnt.ones.xlane vm0;
	_ =	sdelay $0x1  }
0xd2: {  	(v2sf) =	vpush v6, $0x0;
	_ =	sdelay $0xe  }
0xd3: {  	s25 =	spop (v2sf)  }
.Ltmp16:
0xd4: {  	p2 =	slt.s32 s25, $0x1;
	(pc) =	sbr.rel @p1 .LBB2_16-.Ltmp16, $4  }
0xd5: {  	p3 =	slt.s32 @!p2 s26, $0x70;
	v6 =	vlaneseq.u32 @!p2;
	s26 =	sadd.s32 @!p2 s26, s25  }
0xd6: {  	s30 =	smov.u32 s3;
	p3 =	por !p3, p2;
	v6 =	vor.u32 @!p2 s22, v6;
	s26 =	smov.u32 @p2 s24  }
0xd7: {  	s30 =	simm.s32 @p3 $0x70;
	s3 =	smov.u32 s26  }
0xd8: {  	s28 =	sshra.s32 s28, $0x2;
	[tilespmem:s30+$0x6000] =	vst.msk @!p2 vm0, v7  }
0xd9: {  	s23 =	sadd.s32 s28, s1;
	[tilespmem:s30+$0x6080] =	vst.msk @!p2 vm0, v6  }
0xda: {  	v6 =	vld [tilespmem:s23+$0x0];
	_ =	sdelay $0x4  }
0xdb: {  	vm15 =	vge.f32 v6, v5;
	vm1 =	vgt.f32 v6, $0.0e+00  }
0xdc: {  	vm0 =	vmand vm15, vm1  }
0xdd: {  	v7 =	vmpcnt.ones.xlane vm0;
	_ =	sdelay $0x1  }
0xde: {  	(v2sf) =	vpush v7, $0x0;
	_ =	sdelay $0xe  }
0xdf: {  	s23 =	spop (v2sf)  }
0xe0: {  	p1 =	slt.s32 s23, $0x1  }
.Ltmp17:
0xe1: {  	p2 =	slt.s32 @!p1 s26, $0x70;
	(pc) =	sbr.rel .LBB2_18-.Ltmp17, $4  }
0xe2: {  	p2 =	por !p2, p1  }
0xe3: {  	s22 =	sadd.s32 $0x10, s22;
	v7 =	vlaneseq.u32 @!p1;
	s3 =	simm.s32 @p2 $0x70  }
0xe4: {  	s30 =	sadd.s32 @!p1 s26, s23;
	v7 =	vor.u32 @!p1 s22, v7;
	[tilespmem:s3+$0x6000] =	vst.msk @!p1 vm0, v6  }
0xe5: {  	s30 =	smov.u32 @p1 s26;
	[tilespmem:s3+$0x6080] =	vst.msk @!p1 vm0, v7  }
.LBB2_20:
0xe6: {  	s1 =	rddreg [dreg:$0x2];
	s2 =	simm.s32 $0x6D80  }
0xe7: {  	[tilespmem:s2], [sflag:$0x1] =	stream.linear.gather [spmem:s1], $0x800, $0x38;
	[tilespmem:$0x8380] =	vst v63  }
0xe8: {  	_ =	swait.ge [sflag:s18], $0x800  }
0xe9: {  	[sflag:s18] =	ssyncset.done $0x0  }
0xea: {  	[sflag:s18] =	ssyncadd.s32 $0xFFFFF800  }
0xeb: {  	s30 =	simm.s32 $0x7580;
	s28 =	rddreg [dreg:$0x3]  }
0xec: {  	[tilespmem:s30], [sflag:$0x1] =	stream.linear.gather [spmem:s28], $0x800, $0x38;
	[tilespmem:$0x8380] =	vst v63  }
0xed: {  	_ =	swait.ge [sflag:s18], $0x800  }
0xee: {  	[sflag:s18] =	ssyncset.done $0x0  }
0xef: {  	[sflag:s18] =	ssyncadd.s32 $0xFFFFF800  }
0xf0: {  	[tilespmem:$0x7D80] =	vst v3  }
0xf1: {  	[tilespmem:$0x8080] =	vst v4  }
0xf2: {  	[tilespmem:$0x7D90] =	vst v3  }
0xf3: {  	[tilespmem:$0x8090] =	vst v4  }
0xf4: {  	[tilespmem:$0x7DA0] =	vst v3  }
0xf5: {  	[tilespmem:$0x80A0] =	vst v4  }
0xf6: {  	[tilespmem:$0x7DB0] =	vst v3  }
0xf7: {  	[tilespmem:$0x80B0] =	vst v4  }
0xf8: {  	[tilespmem:$0x7DC0] =	vst v3  }
0xf9: {  	[tilespmem:$0x80C0] =	vst v4  }
0xfa: {  	[tilespmem:$0x7DD0] =	vst v3  }
0xfb: {  	[tilespmem:$0x80D0] =	vst v4  }
0xfc: {  	[tilespmem:$0x7DE0] =	vst v3  }
0xfd: {  	[tilespmem:$0x80E0] =	vst v4  }
0xfe: {  	[tilespmem:$0x7DF0] =	vst v3  }
0xff: {  	[tilespmem:$0x80F0] =	vst v4  }
0x100: {  	[tilespmem:$0x7E00] =	vst v3  }
0x101: {  	[tilespmem:$0x8100] =	vst v4  }
0x102: {  	[tilespmem:$0x7E10] =	vst v3  }
0x103: {  	[tilespmem:$0x8110] =	vst v4  }
0x104: {  	[tilespmem:$0x7E20] =	vst v3  }
0x105: {  	[tilespmem:$0x8120] =	vst v4  }
0x106: {  	[tilespmem:$0x7E30] =	vst v3  }
0x107: {  	[tilespmem:$0x8130] =	vst v4  }
0x108: {  	[tilespmem:$0x7E40] =	vst v3  }
0x109: {  	[tilespmem:$0x8140] =	vst v4  }
0x10a: {  	[tilespmem:$0x7E50] =	vst v3  }
0x10b: {  	[tilespmem:$0x8150] =	vst v4  }
0x10c: {  	[tilespmem:$0x7E60] =	vst v3  }
0x10d: {  	[tilespmem:$0x8160] =	vst v4  }
0x10e: {  	[tilespmem:$0x7E70] =	vst v3  }
0x10f: {  	[tilespmem:$0x8170] =	vst v4  }
0x110: {  	[tilespmem:$0x7E80] =	vst v3  }
0x111: {  	[tilespmem:$0x8180] =	vst v4  }
0x112: {  	[tilespmem:$0x7E90] =	vst v3  }
0x113: {  	[tilespmem:$0x8190] =	vst v4  }
0x114: {  	[tilespmem:$0x7EA0] =	vst v3  }
0x115: {  	[tilespmem:$0x81A0] =	vst v4  }
0x116: {  	[tilespmem:$0x7EB0] =	vst v3  }
0x117: {  	[tilespmem:$0x81B0] =	vst v4  }
0x118: {  	[tilespmem:$0x7EC0] =	vst v3  }
0x119: {  	[tilespmem:$0x81C0] =	vst v4  }
0x11a: {  	[tilespmem:$0x7ED0] =	vst v3  }
0x11b: {  	[tilespmem:$0x81D0] =	vst v4  }
0x11c: {  	[tilespmem:$0x7EE0] =	vst v3  }
0x11d: {  	[tilespmem:$0x81E0] =	vst v4  }
0x11e: {  	[tilespmem:$0x7EF0] =	vst v3  }
0x11f: {  	[tilespmem:$0x81F0] =	vst v4  }
0x120: {  	[tilespmem:$0x7F00] =	vst v3  }
0x121: {  	[tilespmem:$0x8200] =	vst v4  }
0x122: {  	[tilespmem:$0x7F10] =	vst v3  }
0x123: {  	[tilespmem:$0x8210] =	vst v4  }
0x124: {  	[tilespmem:$0x7F20] =	vst v3  }
0x125: {  	[tilespmem:$0x8220] =	vst v4  }
0x126: {  	[tilespmem:$0x7F30] =	vst v3  }
0x127: {  	[tilespmem:$0x8230] =	vst v4  }
0x128: {  	[tilespmem:$0x7F40] =	vst v3  }
0x129: {  	[tilespmem:$0x8240] =	vst v4  }
0x12a: {  	[tilespmem:$0x7F50] =	vst v3  }
0x12b: {  	[tilespmem:$0x8250] =	vst v4  }
0x12c: {  	[tilespmem:$0x7F60] =	vst v3  }
0x12d: {  	[tilespmem:$0x8260] =	vst v4  }
0x12e: {  	[tilespmem:$0x7F70] =	vst v3  }
0x12f: {  	[tilespmem:$0x8270] =	vst v4  }
0x130: {  	[tilespmem:$0x7F80] =	vst v3  }
0x131: {  	[tilespmem:$0x8280] =	vst v4  }
0x132: {  	[tilespmem:$0x7F90] =	vst v3  }
0x133: {  	[tilespmem:$0x8290] =	vst v4  }
0x134: {  	[tilespmem:$0x7FA0] =	vst v3  }
0x135: {  	[tilespmem:$0x82A0] =	vst v4  }
0x136: {  	[tilespmem:$0x7FB0] =	vst v3  }
0x137: {  	[tilespmem:$0x82B0] =	vst v4  }
0x138: {  	[tilespmem:$0x7FC0] =	vst v3  }
0x139: {  	[tilespmem:$0x82C0] =	vst v4  }
0x13a: {  	[tilespmem:$0x7FD0] =	vst v3  }
0x13b: {  	[tilespmem:$0x82D0] =	vst v4  }
0x13c: {  	[tilespmem:$0x7FE0] =	vst v3  }
0x13d: {  	[tilespmem:$0x82E0] =	vst v4  }
0x13e: {  	[tilespmem:$0x7FF0] =	vst v3  }
0x13f: {  	[tilespmem:$0x82F0] =	vst v4  }
0x140: {  	[tilespmem:$0x8000] =	vst v3  }
0x141: {  	[tilespmem:$0x8300] =	vst v4  }
0x142: {  	[tilespmem:$0x8010] =	vst v3  }
0x143: {  	[tilespmem:$0x8310] =	vst v4  }
0x144: {  	[tilespmem:$0x8020] =	vst v3  }
0x145: {  	[tilespmem:$0x8320] =	vst v4  }
0x146: {  	[tilespmem:$0x8030] =	vst v3  }
0x147: {  	[tilespmem:$0x8330] =	vst v4  }
0x148: {  	[tilespmem:$0x8040] =	vst v3  }
0x149: {  	[tilespmem:$0x8340] =	vst v4  }
0x14a: {  	[tilespmem:$0x8050] =	vst v3  }
0x14b: {  	[tilespmem:$0x8350] =	vst v4  }
0x14c: {  	[tilespmem:$0x8060] =	vst v3  }
0x14d: {  	[tilespmem:$0x8360] =	vst v4  }
0x14e: {  	[tilespmem:$0x8070] =	vst v3  }
0x14f: {  	s31 =	simm.s32 $0x0;
	[tilespmem:$0x8370] =	vst v4  }
0x150: {  	v5 =	vld [tilespmem:s31+$0x6D80];
	_ =	sdelay $0x4  }
0x151: {  	vm0 =	vgt.f32 v5, $0.0e+00  }
0x152: {  	v6 =	vmpcnt.ones.xlane vm0;
	_ =	sdelay $0x1  }
0x153: {  	(v2sf) =	vpush v6, $0x0;
	_ =	sdelay $0xe  }
0x154: {  	s2 =	spop (v2sf)  }
0x155: {  	p2 =	slt.s32 s2, $0x1  }
0x156: {  	p1 =	por @!p2 $0x1, $0x1  }
0x157: {  	s1 =	simm.s32 $0x0;
	s3 =	sadd.s32 @!p2 $0x0, s2;
	p1 =	por !p1, p2  }
0x158: {  	vm0 =	vgt.f32 @!p2 v5, $0.0e+00;
	s3 =	smov.u32 @p2 s1;
	s1 =	simm.s32 @p1 $0x2F0  }
0x159: {  	s22 =	simm.s32 @!p2 $0x0;
	[tilespmem:s1+$0x7D80] =	vst.msk @!p2 vm0, v5  }
0x15a: {  	s2 =	simm.s32 $0x40;
	v5 =	vld @!p2 [tilespmem:s22+$0x7580]  }
.LBB2_21:
0x15b: {  	_ =	sdelay $0x2  }
0x15c: {  	s22 =	smov.u32 s3  }
0x15d: {  	s3 =	sshra.s32 s2, $0x2;
	s23 =	smov.u32 s2;
	s2 =	sadd.s32 $0x40, s2;
	[tilespmem:s1+$0x8080] =	vst.msk @!p2 vm0, v5  }
0x15e: {  	p1 =	sne.s32 s2, $0x2000;
	s1 =	smov.u32 s22;
	v5 =	vld [tilespmem:s3+$0x6D80];
	_ =	sdelay $0x4  }
0x15f: {  	vm0 =	vgt.f32 v5, $0.0e+00  }
0x160: {  	v6 =	vmpcnt.ones.xlane vm0;
	_ =	sdelay $0x1  }
0x161: {  	(v2sf) =	vpush v6, $0x0;
	_ =	sdelay $0xe  }
0x162: {  	s3 =	spop (v2sf)  }
0x163: {  	p2 =	slt.s32 s3, $0x1  }
0x164: {  	p3 =	slt.s32 @!p2 s22, $0x2F0  }
.Ltmp18:
0x165: {  	vm0 =	vgt.f32 @!p2 v5, $0.0e+00;
	s23 =	sshra.s32 @!p2 s23, $0x2;
	s3 =	sadd.s32 @!p2 s22, s3;
	(pc) =	sbr.rel @p1 .LBB2_21-.Ltmp18, $4  }
0x166: {  	p3 =	por !p3, p2;
	s3 =	smov.u32 @p2 s22  }
0x167: {  	s1 =	simm.s32 @p3 $0x2F0  }
0x168: {  	[tilespmem:s1+$0x7D80] =	vst.msk @!p2 vm0, v5  }
0x169: {  	v5 =	vld @!p2 [tilespmem:s23+$0x7580]  }
0x16a: {  	_ =	sdelay $0x3  }
0x16b: {  	s30 =	simm.s32 $0x80;
	s2 =	simm.s32 $0x100;
	s3 =	simm.s32 $0x7D80;
	[tilespmem:s1+$0x8080] =	vst.msk @!p2 vm0, v5  }
0x16c: {  	[hbm4b:s11+s30] =	stream.strided.scatter [tilespmem:s3], [sflag:$0x1], $0x300, s2, s30, $0x38;
	[tilespmem:$0x8380] =	vst v63  }
0x16d: {  	_ =	swait.ge [sflag:s18], $0x300  }
0x16e: {  	[sflag:s18] =	ssyncset.done $0x0  }
.Ltmp19:
0x16f: {  	s31 =	simm.s32 $0x8080;
	[sflag:s18] =	ssyncadd.s32 $0xFFFFFD00;
	(pc) =	sbr.rel .LBB2_23-.Ltmp19, $4  }
0x170: {  	[hbm4b:s12+s30] =	stream.strided.scatter [tilespmem:s31], [sflag:$0x1], $0x300, s2, s30, $0x38;
	[tilespmem:$0x8380] =	vst v63  }
0x171: {  	_ =	swait.ge [sflag:s18], $0x300  }
0x172: {  	[sflag:s18] =	ssyncset.done $0x0  }
0x173: {  	[sflag:s18] =	ssyncadd.s32 $0xFFFFFD00  }
.LBB2_24:
0x174: {  	_ =	sfence.sel $0x180000  }
0x175: {  	[bflag:$0x0] =	sbarrier.arrive $0xFFFF  }
0x176: {  	_ =	strace $0x90000047  }
0x177: {  	[bflag:$0x2] =	sbarrier.arrive $0xFFFF  }
0x178: {  	s0 =	rddreg [dreg:$0x4]  }
0x179: {  	s0 =	sadd.s32 @!p0 $0x100000, s0  }
0x17a: {  	[sflag:s0] =	ssyncadd.tile.s32 @!p0 $0x1;
	_ =	shalt  }
.Lfunc_end2:
_tile_overlayer_lowered:
.L_overlay_start_2:
0x17b: {  	(tag) =	ssettag $0x2  }
0x17c: {  	s0 =	rddreg [dreg:$0x0];
	s2 =	stileid.u32  }
0x17d: {  	s1 =	rddreg [dreg:$0x1];
	p0 =	sne.s32 s2, $0x0  }
0x17e: {  	s3 =	rddreg [dreg:$0x2];
	[bflag:$0x3] =	sbarrier.arrive $0xFFFF;
	s2 =	simm.s32 @!p0 $0x1C01  }
0x17f: {  	[timem:s3], [sflag:s2] =	dma.local @!p0 [hbm:s0], s1  }
0x180: {  	s0 =	simm.s32 @!p0 $0x1  }
0x181: {  	_ =	swait.ge @!p0 [sflag:s0], s1  }
0x182: {  	s1 =	ssub.s32 @!p0 $0x0, s1;
	[sflag:s0] =	ssyncset.done @!p0 $0x0  }
0x183: {  	[sflag:s0] =	ssyncadd.s32 @!p0 s1  }
0x184: {  	[bflag:$0x3] =	sbarrier.arrive $0xFFFF  }
0x185: {  	_ =	shalt  }

</sc_bundles>
